<compile_context>
chip_gen: v7x
topology: tpu7x:2x2x1
jax: 0.10.2.dev20260603
libtpu: 0.0.44.dev20260713+nightly
codegen_flags: <defaults>
</compile_context>

<pallas_src>
import functools

import jax
import jax.numpy as jnp
from jax import lax
from jax.experimental import pallas as pl
from jax.experimental.pallas import tpu as pltpu
from jax.experimental.pallas import tpu_sc as plsc

B, N = 8, 65536
H, W = 512, 512
NC, NS, L = 2, 16, 16
NW = NC * NS
P = B * N
PPT = P // NW
CHUNK = 4096
K = PPT // CHUNK
GSZ = 2048
NSTREAM = CHUNK // GSZ
GROUPS = CHUNK // 128


def _mask_body(coords_hbm, terrain_hbm, out_hbm,
               cbuf0, cbuf1, cbuf2, ibuf0, ibuf1, gbuf0, gbuf1,
               obuf0, obuf1,
               csem0, csem1, gsem0, gsem1, osem0, osem1):
    c = lax.axis_index("c")
    s = lax.axis_index("s")
    wid = s * NC + c
    base = wid * PPT
    batch = wid // (NW // B)
    bofs = batch * (H * W)

    cbufs, ibufs = (cbuf0, cbuf1, cbuf2), (ibuf0, ibuf1)
    gbufs, obufs = (gbuf0, gbuf1), (obuf0, obuf1)
    csems, gsems, osems = (csem0, csem1), (gsem0, gsem1), (osem0, osem1)

    def coords_dma(k):
        cb = base + k * CHUNK
        return pltpu.make_async_copy(
            coords_hbm.at[pl.ds(cb * 4, CHUNK * 4)], cbufs[k % 3],
            csems[k % 2])

    def out_dma(k):
        cb = base + k * CHUNK
        return pltpu.make_async_copy(
            obufs[k % 2], out_hbm.at[pl.ds(cb, CHUNK)], osems[k % 2])

    def gather(k, j):
        return pltpu.make_async_copy(
            terrain_hbm.at[ibufs[k % 2].at[pl.ds(j * GSZ, GSZ)]],
            gbufs[k % 2].at[pl.ds(j * GSZ, GSZ)], gsems[j])

    def compute_idx(k):
        cbuf, ibuf = cbufs[k % 3], ibufs[k % 2]

        def body(g, carry):
            for r in range(8):
                off = g * 512 + r * 16
                xv = cbuf[pl.ds(off, L)]
                yv = cbuf[pl.ds(off + 128, L)]
                xq = (xv * 511.0).astype(jnp.int32)
                yq = (yv * 511.0).astype(jnp.int32)
                pidx = (bofs + (yq >> 3) * 3072 + (yq << 7)
                        + (xq >> 7) * 896 + xq)
                ibuf[pl.ds(g * 128 + r * 16, L)] = pidx
            return carry

        lax.fori_loop(0, GROUPS, body, 0)

    def compare(k, half):
        cbuf, gbuf, obuf = cbufs[k % 3], gbufs[k % 2], obufs[k % 2]

        def body(g, carry):
            for r in range(8):
                zv = cbuf[pl.ds(g * 512 + 256 + r * 16, L)]
                tv = gbuf[pl.ds(g * 128 + r * 16, L)]
                obuf[pl.ds(g * 128 + r * 16, L)] = jnp.where(
                    zv <= tv, 1.0, 0.0)
            return carry

        lax.fori_loop(half * (GROUPS // 2), (half + 1) * (GROUPS // 2),
                      body, 0)

    coords_dma(0).start()
    coords_dma(0).wait()
    coords_dma(1).start()
    compute_idx(0)
    for j in range(NSTREAM):
        gather(0, j).start()

    for k in range(K):
        if k + 1 < K:
            coords_dma(k + 1).wait()
            if k + 2 < K:
                coords_dma(k + 2).start()
            compute_idx(k + 1)
        gather(k, 0).wait()
        if k + 1 < K:
            for j in range(NSTREAM):
                gather(k + 1, j).start()
        if k >= 2:
            out_dma(k - 2).wait()
        compare(k, 0)
        gather(k, 1).wait()
        compare(k, 1)
        out_dma(k).start()

    out_dma(K - 2).wait()
    out_dma(K - 1).wait()


@jax.jit
def _launch(coords_phys, terrain_phys):
    mesh = plsc.VectorSubcoreMesh(core_axis_name="c", subcore_axis_name="s")
    kern = functools.partial(
        pl.kernel,
        mesh=mesh,
        out_type=jax.ShapeDtypeStruct((P,), jnp.float32),
        scratch_types=[
            pltpu.VMEM((CHUNK * 4,), jnp.float32),
            pltpu.VMEM((CHUNK * 4,), jnp.float32),
            pltpu.VMEM((CHUNK * 4,), jnp.float32),
            pltpu.VMEM((CHUNK,), jnp.int32),
            pltpu.VMEM((CHUNK,), jnp.int32),
            pltpu.VMEM((CHUNK,), jnp.float32),
            pltpu.VMEM((CHUNK,), jnp.float32),
            pltpu.VMEM((CHUNK,), jnp.float32),
            pltpu.VMEM((CHUNK,), jnp.float32),
            pltpu.SemaphoreType.DMA,
            pltpu.SemaphoreType.DMA,
            pltpu.SemaphoreType.DMA,
            pltpu.SemaphoreType.DMA,
            pltpu.SemaphoreType.DMA,
            pltpu.SemaphoreType.DMA,
        ],
        compiler_params=pltpu.CompilerParams(needs_layout_passes=False),
    )(_mask_body)
    return kern(coords_phys, terrain_phys)


def kernel(coords, terrain_height):
    coords_phys = (
        coords.reshape(B, N // 128, 128, 4)
        .transpose(0, 1, 3, 2)
        .reshape(-1)
    )
    terrain_phys = (
        terrain_height.reshape(B, H // 8, 8, W // 128, 128)
        .transpose(0, 1, 3, 2, 4)
        .reshape(-1)
    )
    out = _launch(coords_phys, terrain_phys)
    return out.reshape(B, N, 1)

# --- scband reference (transcript-rebuilt; emitter-appended) ---
"""Pipeline reference for scband-terrain-mask-generator-70540542869718 (READ-ONLY COPY).

The authoritative reference and input builder live on the scoring server;
editing this copy changes nothing except your own understanding.
"""

import jax, jax.numpy as jnp
import numpy as np


def setup_inputs(seed: int = 0) -> dict:
    key = jax.random.key(seed)
    k1, k2 = jax.random.split(key)
    coords = jax.random.uniform(k1, (8, 65536, 4), dtype=jnp.float32)
    terrain_height = jax.random.uniform(k2, (8, 512, 512), dtype=jnp.float32)
    return {"coords": coords, "terrain_height": terrain_height}


def reference(coords, terrain_height):
    B, N, _ = coords.shape
    _, H, W = terrain_height.shape
    x_norm = coords[..., 0]
    y_norm = coords[..., 1]
    z_norm = coords[..., 2]
    x_idx = jnp.clip((x_norm * (W - 1)).astype(jnp.int64), 0, W - 1)
    y_idx = jnp.clip((y_norm * (H - 1)).astype(jnp.int64), 0, H - 1)
    # batched gather: terrain_height[b, y_idx[b], x_idx[b]]
    flat = terrain_height.reshape(B, H * W)
    lin_idx = y_idx * W + x_idx
    terrain_at_coords = jnp.take_along_axis(flat, lin_idx, axis=1)
    mask = (z_norm <= terrain_at_coords).astype(jnp.float32)[..., None]
    return mask

if __name__ == "__main__":
    import jax
    _d = setup_inputs()
    print(jax.jit(kernel)(*tuple(_d.values())))

</pallas_src>

<mosaic_0001>
#map = affine_map<(d0, d1) -> (0)>
module attributes {stable_mosaic.version = 14 : i64} {
  func.func @_mask_body(%arg0: i32, %arg1: i32, %arg2: memref<2097152xf32, #tpu.memory_space<hbm>>, %arg3: memref<2097152xf32, #tpu.memory_space<hbm>>, %arg4: memref<524288xf32, #tpu.memory_space<hbm>>, %arg5: memref<16384xf32, #tpu.memory_space<vmem>>, %arg6: memref<16384xf32, #tpu.memory_space<vmem>>, %arg7: memref<16384xf32, #tpu.memory_space<vmem>>, %arg8: memref<4096xi32, #tpu.memory_space<vmem>>, %arg9: memref<4096xi32, #tpu.memory_space<vmem>>, %arg10: memref<4096xf32, #tpu.memory_space<vmem>>, %arg11: memref<4096xf32, #tpu.memory_space<vmem>>, %arg12: memref<4096xf32, #tpu.memory_space<vmem>>, %arg13: memref<4096xf32, #tpu.memory_space<vmem>>, %arg14: memref<!tpu.dma_semaphore, #tpu.memory_space<semaphore_mem>>, %arg15: memref<!tpu.dma_semaphore, #tpu.memory_space<semaphore_mem>>, %arg16: memref<!tpu.dma_semaphore, #tpu.memory_space<semaphore_mem>>, %arg17: memref<!tpu.dma_semaphore, #tpu.memory_space<semaphore_mem>>, %arg18: memref<!tpu.dma_semaphore, #tpu.memory_space<semaphore_mem>>, %arg19: memref<!tpu.dma_semaphore, #tpu.memory_space<semaphore_mem>>) attributes {dimension_semantics = [#tpu.dimension_semantics<core_parallel>, #tpu.dimension_semantics<subcore_parallel>], iteration_bounds = array<i64: 2, 16>, scalar_prefetch = 0 : i64, scratch_operands = 15 : i64, tpu.core_type = #tpu.core_type<sc_vector_subcore>, window_params = [{transform_indices = #map}, {transform_indices = #map}, {transform_indices = #map}]} {
    %mul3A = arith.constant 2 : i32
    %mul3A_0 = arith.muli %arg1, %mul3A : i32
    %add3A = arith.addi %mul3A_0, %arg0 : i32
    %mul3A_1 = arith.constant 16384 : i32
    %mul3A_2 = arith.muli %add3A, %mul3A_1 : i32
    %jit3A = arith.constant 4 : i32
    %div3A = arith.divsi %add3A, %jit3A : i32
    %sign3A = arith.constant 0 : i32
    %sign3A_3 = arith.cmpi sgt, %add3A, %sign3A : i32
    %sign3A_4 = arith.extui %sign3A_3 : i1 to i32
    %sign3A_5 = arith.constant 0 : i32
    %sign3A_6 = arith.cmpi slt, %add3A, %sign3A_5 : i32
    %sign3A_7 = arith.extui %sign3A_6 : i1 to i32
    %sign3A_8 = arith.subi %sign3A_4, %sign3A_7 : i32
    %sign3A_9 = arith.constant 0 : i32
    %sign3A_10 = arith.cmpi sgt, %jit3A, %sign3A_9 : i32
    %sign3A_11 = arith.extui %sign3A_10 : i1 to i32
    %sign3A_12 = arith.constant 0 : i32
    %sign3A_13 = arith.cmpi slt, %jit3A, %sign3A_12 : i32
    %sign3A_14 = arith.extui %sign3A_13 : i1 to i32
    %sign3A_15 = arith.subi %sign3A_11, %sign3A_14 : i32
    %ne3A = arith.cmpi ne, %sign3A_8, %sign3A_15 : i32
    %rem3A = arith.remsi %add3A, %jit3A : i32
    %ne3A_16 = arith.constant 0 : i32
    %ne3A_17 = arith.cmpi ne, %rem3A, %ne3A_16 : i32
    %and3A = arith.andi %ne3A, %ne3A_17 : i1
    %sub3A = arith.constant 1 : i32
    %sub3A_18 = arith.subi %div3A, %sub3A : i32
    %select_n3A = arith.select %and3A, %sub3A_18, %div3A : i32
    %mul3A_19 = arith.constant 262144 : i32
    %mul3A_20 = arith.muli %select_n3A, %mul3A_19 : i32
    %add3A_21 = arith.constant 0 : i32
    %add3A_22 = arith.addi %mul3A_2, %add3A_21 : i32
    %mul3A_23 = arith.constant 4 : i32
    %mul3A_24 = arith.muli %add3A_22, %mul3A_23 : i32
    %dma_start3A = tpu.memref_slice %arg2[%mul3A_24] : memref<2097152xf32, #tpu.memory_space<hbm>> -> memref<16384xf32, #tpu.memory_space<hbm>>
    %dma_start3A_25 = tpu.memref_slice %arg2[%mul3A_24] : memref<2097152xf32, #tpu.memory_space<hbm>> -> memref<16384xf32, #tpu.memory_space<hbm>>
    tpu.enqueue_dma source(%dma_start3A_25 : memref<16384xf32, #tpu.memory_space<hbm>>) target(%arg5 : memref<16384xf32, #tpu.memory_space<vmem>>) target_semaphore(%arg14 : memref<!tpu.dma_semaphore, #tpu.memory_space<semaphore_mem>>)
    %add3A_26 = arith.constant 0 : i32
    %add3A_27 = arith.addi %mul3A_2, %add3A_26 : i32
    %mul3A_28 = arith.constant 4 : i32
    %mul3A_29 = arith.muli %add3A_27, %mul3A_28 : i32
    %dma_wait3A = tpu.memref_slice %arg2[%mul3A_29] : memref<2097152xf32, #tpu.memory_space<hbm>> -> memref<16384xf32, #tpu.memory_space<hbm>>
    %dma_wait3A_30 = tpu.memref_slice %arg2[%mul3A_29] : memref<2097152xf32, #tpu.memory_space<hbm>> -> memref<16384xf32, #tpu.memory_space<hbm>>
    tpu.wait_dma2 semaphore(%arg14 : memref<!tpu.dma_semaphore, #tpu.memory_space<semaphore_mem>>) src(%dma_wait3A_30 : memref<16384xf32, #tpu.memory_space<hbm>>) dst(%arg5 : memref<16384xf32, #tpu.memory_space<vmem>>)
    %add3A_31 = arith.constant 4096 : i32
    %add3A_32 = arith.addi %mul3A_2, %add3A_31 : i32
    %mul3A_33 = arith.constant 4 : i32
    %mul3A_34 = arith.muli %add3A_32, %mul3A_33 : i32
    %dma_start3A_35 = tpu.memref_slice %arg2[%mul3A_34] : memref<2097152xf32, #tpu.memory_space<hbm>> -> memref<16384xf32, #tpu.memory_space<hbm>>
    %dma_start3A_36 = tpu.memref_slice %arg2[%mul3A_34] : memref<2097152xf32, #tpu.memory_space<hbm>> -> memref<16384xf32, #tpu.memory_space<hbm>>
    tpu.enqueue_dma source(%dma_start3A_36 : memref<16384xf32, #tpu.memory_space<hbm>>) target(%arg6 : memref<16384xf32, #tpu.memory_space<vmem>>) target_semaphore(%arg15 : memref<!tpu.dma_semaphore, #tpu.memory_space<semaphore_mem>>)
    %scan3A = arith.constant 0 : i32
    %scan3A_37 = arith.constant 0 : i32
    %scan3A_38 = arith.constant 32 : i32
    %scan3A_39 = arith.addi %scan3A_37, %scan3A_38 : i32
    %scan3A_40 = arith.constant 1 : i32
    scf.for %scan3A_266 = %scan3A_37 to %scan3A_39 step %scan3A_40  : i32 {
      %mul3A_267 = arith.constant 512 : i32
      %mul3A_268 = arith.muli %scan3A_266, %mul3A_267 : i32
      %add3A_269 = arith.constant 0 : i32
      %add3A_270 = arith.addi %mul3A_268, %add3A_269 : i32
      %get3A = arith.index_cast %add3A_270 : i32 to index
      %get3A_271 = tpu.vector_load %arg5[%get3A] {strides = array<i32>} : memref<16384xf32, #tpu.memory_space<vmem>>, vector<16xf32>,
      %add3A_272 = arith.constant 128 : i32
      %add3A_273 = arith.addi %add3A_270, %add3A_272 : i32
      %get3A_274 = arith.index_cast %add3A_273 : i32 to index
      %get3A_275 = tpu.vector_load %arg5[%get3A_274] {strides = array<i32>} : memref<16384xf32, #tpu.memory_space<vmem>>, vector<16xf32>,
      %mul3A_276 = arith.constant 5.110000e+02 : f32
      %mul3A_277 = vector.broadcast %mul3A_276 : f32 to vector<16xf32>
      %mul3A_278 = arith.mulf %get3A_271, %mul3A_277 : vector<16xf32>
      %convert_element_type3A = arith.fptosi %mul3A_278 : vector<16xf32> to vector<16xi32>
      %mul3A_279 = arith.constant 5.110000e+02 : f32
      %mul3A_280 = vector.broadcast %mul3A_279 : f32 to vector<16xf32>
      %mul3A_281 = arith.mulf %get3A_275, %mul3A_280 : vector<16xf32>
      %convert_element_type3A_282 = arith.fptosi %mul3A_281 : vector<16xf32> to vector<16xi32>
      %shift_right_arithmetic3A = arith.constant 3 : i32
      %shift_right_arithmetic3A_283 = vector.broadcast %shift_right_arithmetic3A : i32 to vector<16xi32>
      %shift_right_arithmetic3A_284 = arith.shrsi %convert_element_type3A_282, %shift_right_arithmetic3A_283 : vector<16xi32>
      %mul3A_285 = arith.constant 3072 : i32
      %mul3A_286 = vector.broadcast %mul3A_285 : i32 to vector<16xi32>
      %mul3A_287 = arith.muli %shift_right_arithmetic3A_284, %mul3A_286 : vector<16xi32>
      %add3A_288 = vector.broadcast %mul3A_20 : i32 to vector<16xi32>
      %add3A_289 = arith.addi %add3A_288, %mul3A_287 : vector<16xi32>
      %shift_left3A = arith.constant 7 : i32
      %shift_left3A_290 = vector.broadcast %shift_left3A : i32 to vector<16xi32>
      %shift_left3A_291 = arith.shli %convert_element_type3A_282, %shift_left3A_290 : vector<16xi32>
      %add3A_292 = arith.addi %add3A_289, %shift_left3A_291 : vector<16xi32>
      %shift_right_arithmetic3A_293 = arith.constant 7 : i32
      %shift_right_arithmetic3A_294 = vector.broadcast %shift_right_arithmetic3A_293 : i32 to vector<16xi32>
      %shift_right_arithmetic3A_295 = arith.shrsi %convert_element_type3A, %shift_right_arithmetic3A_294 : vector<16xi32>
      %mul3A_296 = arith.constant 896 : i32
      %mul3A_297 = vector.broadcast %mul3A_296 : i32 to vector<16xi32>
      %mul3A_298 = arith.muli %shift_right_arithmetic3A_295, %mul3A_297 : vector<16xi32>
      %add3A_299 = arith.addi %add3A_292, %mul3A_298 : vector<16xi32>
      %add3A_300 = arith.addi %add3A_299, %convert_element_type3A : vector<16xi32>
      %mul3A_301 = arith.constant 128 : i32
      %mul3A_302 = arith.muli %scan3A_266, %mul3A_301 : i32
      %add3A_303 = arith.constant 0 : i32
      %add3A_304 = arith.addi %mul3A_302, %add3A_303 : i32
      %swap3A = arith.index_cast %add3A_304 : i32 to index
      %swap3A_305 = tpu.vector_load %arg8[%swap3A] {strides = array<i32>} : memref<4096xi32, #tpu.memory_space<vmem>>, vector<16xi32>,
      tpu.vector_store %arg8[%swap3A], %add3A_300 {strides = array<i32>} : memref<4096xi32, #tpu.memory_space<vmem>>, vector<16xi32>,
      %mul3A_306 = arith.constant 512 : i32
      %mul3A_307 = arith.muli %scan3A_266, %mul3A_306 : i32
      %add3A_308 = arith.constant 16 : i32
      %add3A_309 = arith.addi %mul3A_307, %add3A_308 : i32
      %get3A_310 = arith.index_cast %add3A_309 : i32 to index
      %get3A_311 = tpu.vector_load %arg5[%get3A_310] {strides = array<i32>} : memref<16384xf32, #tpu.memory_space<vmem>>, vector<16xf32>,
      %add3A_312 = arith.constant 128 : i32
      %add3A_313 = arith.addi %add3A_309, %add3A_312 : i32
      %get3A_314 = arith.index_cast %add3A_313 : i32 to index
      %get3A_315 = tpu.vector_load %arg5[%get3A_314] {strides = array<i32>} : memref<16384xf32, #tpu.memory_space<vmem>>, vector<16xf32>,
      %mul3A_316 = arith.constant 5.110000e+02 : f32
      %mul3A_317 = vector.broadcast %mul3A_316 : f32 to vector<16xf32>
      %mul3A_318 = arith.mulf %get3A_311, %mul3A_317 : vector<16xf32>
      %convert_element_type3A_319 = arith.fptosi %mul3A_318 : vector<16xf32> to vector<16xi32>
      %mul3A_320 = arith.constant 5.110000e+02 : f32
      %mul3A_321 = vector.broadcast %mul3A_320 : f32 to vector<16xf32>
      %mul3A_322 = arith.mulf %get3A_315, %mul3A_321 : vector<16xf32>
      %convert_element_type3A_323 = arith.fptosi %mul3A_322 : vector<16xf32> to vector<16xi32>
      %shift_right_arithmetic3A_324 = arith.constant 3 : i32
      %shift_right_arithmetic3A_325 = vector.broadcast %shift_right_arithmetic3A_324 : i32 to vector<16xi32>
      %shift_right_arithmetic3A_326 = arith.shrsi %convert_element_type3A_323, %shift_right_arithmetic3A_325 : vector<16xi32>
      %mul3A_327 = arith.constant 3072 : i32
      %mul3A_328 = vector.broadcast %mul3A_327 : i32 to vector<16xi32>
      %mul3A_329 = arith.muli %shift_right_arithmetic3A_326, %mul3A_328 : vector<16xi32>
      %add3A_330 = vector.broadcast %mul3A_20 : i32 to vector<16xi32>
      %add3A_331 = arith.addi %add3A_330, %mul3A_329 : vector<16xi32>
      %shift_left3A_332 = arith.constant 7 : i32
      %shift_left3A_333 = vector.broadcast %shift_left3A_332 : i32 to vector<16xi32>
      %shift_left3A_334 = arith.shli %convert_element_type3A_323, %shift_left3A_333 : vector<16xi32>
      %add3A_335 = arith.addi %add3A_331, %shift_left3A_334 : vector<16xi32>
      %shift_right_arithmetic3A_336 = arith.constant 7 : i32
      %shift_right_arithmetic3A_337 = vector.broadcast %shift_right_arithmetic3A_336 : i32 to vector<16xi32>
      %shift_right_arithmetic3A_338 = arith.shrsi %convert_element_type3A_319, %shift_right_arithmetic3A_337 : vector<16xi32>
      %mul3A_339 = arith.constant 896 : i32
      %mul3A_340 = vector.broadcast %mul3A_339 : i32 to vector<16xi32>
      %mul3A_341 = arith.muli %shift_right_arithmetic3A_338, %mul3A_340 : vector<16xi32>
      %add3A_342 = arith.addi %add3A_335, %mul3A_341 : vector<16xi32>
      %add3A_343 = arith.addi %add3A_342, %convert_element_type3A_319 : vector<16xi32>
      %mul3A_344 = arith.constant 128 : i32
      %mul3A_345 = arith.muli %scan3A_266, %mul3A_344 : i32
      %add3A_346 = arith.constant 16 : i32
      %add3A_347 = arith.addi %mul3A_345, %add3A_346 : i32
      %swap3A_348 = arith.index_cast %add3A_347 : i32 to index
      %swap3A_349 = tpu.vector_load %arg8[%swap3A_348] {strides = array<i32>} : memref<4096xi32, #tpu.memory_space<vmem>>, vector<16xi32>,
      tpu.vector_store %arg8[%swap3A_348], %add3A_343 {strides = array<i32>} : memref<4096xi32, #tpu.memory_space<vmem>>, vector<16xi32>,
      %mul3A_350 = arith.constant 512 : i32
      %mul3A_351 = arith.muli %scan3A_266, %mul3A_350 : i32
      %add3A_352 = arith.constant 32 : i32
      %add3A_353 = arith.addi %mul3A_351, %add3A_352 : i32
      %get3A_354 = arith.index_cast %add3A_353 : i32 to index
      %get3A_355 = tpu.vector_load %arg5[%get3A_354] {strides = array<i32>} : memref<16384xf32, #tpu.memory_space<vmem>>, vector<16xf32>,
      %add3A_356 = arith.constant 128 : i32
      %add3A_357 = arith.addi %add3A_353, %add3A_356 : i32
      %get3A_358 = arith.index_cast %add3A_357 : i32 to index
      %get3A_359 = tpu.vector_load %arg5[%get3A_358] {strides = array<i32>} : memref<16384xf32, #tpu.memory_space<vmem>>, vector<16xf32>,
      %mul3A_360 = arith.constant 5.110000e+02 : f32
      %mul3A_361 = vector.broadcast %mul3A_360 : f32 to vector<16xf32>
      %mul3A_362 = arith.mulf %get3A_355, %mul3A_361 : vector<16xf32>
      %convert_element_type3A_363 = arith.fptosi %mul3A_362 : vector<16xf32> to vector<16xi32>
      %mul3A_364 = arith.constant 5.110000e+02 : f32
      %mul3A_365 = vector.broadcast %mul3A_364 : f32 to vector<16xf32>
      %mul3A_366 = arith.mulf %get3A_359, %mul3A_365 : vector<16xf32>
      %convert_element_type3A_367 = arith.fptosi %mul3A_366 : vector<16xf32> to vector<16xi32>
      %shift_right_arithmetic3A_368 = arith.constant 3 : i32
      %shift_right_arithmetic3A_369 = vector.broadcast %shift_right_arithmetic3A_368 : i32 to vector<16xi32>
      %shift_right_arithmetic3A_370 = arith.shrsi %convert_element_type3A_367, %shift_right_arithmetic3A_369 : vector<16xi32>
      %mul3A_371 = arith.constant 3072 : i32
      %mul3A_372 = vector.broadcast %mul3A_371 : i32 to vector<16xi32>
      %mul3A_373 = arith.muli %shift_right_arithmetic3A_370, %mul3A_372 : vector<16xi32>
      %add3A_374 = vector.broadcast %mul3A_20 : i32 to vector<16xi32>
      %add3A_375 = arith.addi %add3A_374, %mul3A_373 : vector<16xi32>
      %shift_left3A_376 = arith.constant 7 : i32
      %shift_left3A_377 = vector.broadcast %shift_left3A_376 : i32 to vector<16xi32>
      %shift_left3A_378 = arith.shli %convert_element_type3A_367, %shift_left3A_377 : vector<16xi32>
      %add3A_379 = arith.addi %add3A_375, %shift_left3A_378 : vector<16xi32>
      %shift_right_arithmetic3A_380 = arith.constant 7 : i32
      %shift_right_arithmetic3A_381 = vector.broadcast %shift_right_arithmetic3A_380 : i32 to vector<16xi32>
      %shift_right_arithmetic3A_382 = arith.shrsi %convert_element_type3A_363, %shift_right_arithmetic3A_381 : vector<16xi32>
      %mul3A_383 = arith.constant 896 : i32
      %mul3A_384 = vector.broadcast %mul3A_383 : i32 to vector<16xi32>
      %mul3A_385 = arith.muli %shift_right_arithmetic3A_382, %mul3A_384 : vector<16xi32>
      %add3A_386 = arith.addi %add3A_379, %mul3A_385 : vector<16xi32>
      %add3A_387 = arith.addi %add3A_386, %convert_element_type3A_363 : vector<16xi32>
      %mul3A_388 = arith.constant 128 : i32
      %mul3A_389 = arith.muli %scan3A_266, %mul3A_388 : i32
      %add3A_390 = arith.constant 32 : i32
      %add3A_391 = arith.addi %mul3A_389, %add3A_390 : i32
      %swap3A_392 = arith.index_cast %add3A_391 : i32 to index
      %swap3A_393 = tpu.vector_load %arg8[%swap3A_392] {strides = array<i32>} : memref<4096xi32, #tpu.memory_space<vmem>>, vector<16xi32>,
      tpu.vector_store %arg8[%swap3A_392], %add3A_387 {strides = array<i32>} : memref<4096xi32, #tpu.memory_space<vmem>>, vector<16xi32>,
      %mul3A_394 = arith.constant 512 : i32
      %mul3A_395 = arith.muli %scan3A_266, %mul3A_394 : i32
      %add3A_396 = arith.constant 48 : i32
      %add3A_397 = arith.addi %mul3A_395, %add3A_396 : i32
      %get3A_398 = arith.index_cast %add3A_397 : i32 to index
      %get3A_399 = tpu.vector_load %arg5[%get3A_398] {strides = array<i32>} : memref<16384xf32, #tpu.memory_space<vmem>>, vector<16xf32>,
      %add3A_400 = arith.constant 128 : i32
      %add3A_401 = arith.addi %add3A_397, %add3A_400 : i32
      %get3A_402 = arith.index_cast %add3A_401 : i32 to index
      %get3A_403 = tpu.vector_load %arg5[%get3A_402] {strides = array<i32>} : memref<16384xf32, #tpu.memory_space<vmem>>, vector<16xf32>,
      %mul3A_404 = arith.constant 5.110000e+02 : f32
      %mul3A_405 = vector.broadcast %mul3A_404 : f32 to vector<16xf32>
      %mul3A_406 = arith.mulf %get3A_399, %mul3A_405 : vector<16xf32>
      %convert_element_type3A_407 = arith.fptosi %mul3A_406 : vector<16xf32> to vector<16xi32>
      %mul3A_408 = arith.constant 5.110000e+02 : f32
      %mul3A_409 = vector.broadcast %mul3A_408 : f32 to vector<16xf32>
      %mul3A_410 = arith.mulf %get3A_403, %mul3A_409 : vector<16xf32>
      %convert_element_type3A_411 = arith.fptosi %mul3A_410 : vector<16xf32> to vector<16xi32>
      %shift_right_arithmetic3A_412 = arith.constant 3 : i32
      %shift_right_arithmetic3A_413 = vector.broadcast %shift_right_arithmetic3A_412 : i32 to vector<16xi32>
      %shift_right_arithmetic3A_414 = arith.shrsi %convert_element_type3A_411, %shift_right_arithmetic3A_413 : vector<16xi32>
      %mul3A_415 = arith.constant 3072 : i32
      %mul3A_416 = vector.broadcast %mul3A_415 : i32 to vector<16xi32>
      %mul3A_417 = arith.muli %shift_right_arithmetic3A_414, %mul3A_416 : vector<16xi32>
      %add3A_418 = vector.broadcast %mul3A_20 : i32 to vector<16xi32>
      %add3A_419 = arith.addi %add3A_418, %mul3A_417 : vector<16xi32>
      %shift_left3A_420 = arith.constant 7 : i32
      %shift_left3A_421 = vector.broadcast %shift_left3A_420 : i32 to vector<16xi32>
      %shift_left3A_422 = arith.shli %convert_element_type3A_411, %shift_left3A_421 : vector<16xi32>
      %add3A_423 = arith.addi %add3A_419, %shift_left3A_422 : vector<16xi32>
      %shift_right_arithmetic3A_424 = arith.constant 7 : i32
      %shift_right_arithmetic3A_425 = vector.broadcast %shift_right_arithmetic3A_424 : i32 to vector<16xi32>
      %shift_right_arithmetic3A_426 = arith.shrsi %convert_element_type3A_407, %shift_right_arithmetic3A_425 : vector<16xi32>
      %mul3A_427 = arith.constant 896 : i32
      %mul3A_428 = vector.broadcast %mul3A_427 : i32 to vector<16xi32>
      %mul3A_429 = arith.muli %shift_right_arithmetic3A_426, %mul3A_428 : vector<16xi32>
      %add3A_430 = arith.addi %add3A_423, %mul3A_429 : vector<16xi32>
      %add3A_431 = arith.addi %add3A_430, %convert_element_type3A_407 : vector<16xi32>
      %mul3A_432 = arith.constant 128 : i32
      %mul3A_433 = arith.muli %scan3A_266, %mul3A_432 : i32
      %add3A_434 = arith.constant 48 : i32
      %add3A_435 = arith.addi %mul3A_433, %add3A_434 : i32
      %swap3A_436 = arith.index_cast %add3A_435 : i32 to index
      %swap3A_437 = tpu.vector_load %arg8[%swap3A_436] {strides = array<i32>} : memref<4096xi32, #tpu.memory_space<vmem>>, vector<16xi32>,
      tpu.vector_store %arg8[%swap3A_436], %add3A_431 {strides = array<i32>} : memref<4096xi32, #tpu.memory_space<vmem>>, vector<16xi32>,
      %mul3A_438 = arith.constant 512 : i32
      %mul3A_439 = arith.muli %scan3A_266, %mul3A_438 : i32
      %add3A_440 = arith.constant 64 : i32
      %add3A_441 = arith.addi %mul3A_439, %add3A_440 : i32
      %get3A_442 = arith.index_cast %add3A_441 : i32 to index
      %get3A_443 = tpu.vector_load %arg5[%get3A_442] {strides = array<i32>} : memref<16384xf32, #tpu.memory_space<vmem>>, vector<16xf32>,
      %add3A_444 = arith.constant 128 : i32
      %add3A_445 = arith.addi %add3A_441, %add3A_444 : i32
      %get3A_446 = arith.index_cast %add3A_445 : i32 to index
      %get3A_447 = tpu.vector_load %arg5[%get3A_446] {strides = array<i32>} : memref<16384xf32, #tpu.memory_space<vmem>>, vector<16xf32>,
      %mul3A_448 = arith.constant 5.110000e+02 : f32
      %mul3A_449 = vector.broadcast %mul3A_448 : f32 to vector<16xf32>
      %mul3A_450 = arith.mulf %get3A_443, %mul3A_449 : vector<16xf32>
      %convert_element_type3A_451 = arith.fptosi %mul3A_450 : vector<16xf32> to vector<16xi32>
      %mul3A_452 = arith.constant 5.110000e+02 : f32
      %mul3A_453 = vector.broadcast %mul3A_452 : f32 to vector<16xf32>
      %mul3A_454 = arith.mulf %get3A_447, %mul3A_453 : vector<16xf32>
      %convert_element_type3A_455 = arith.fptosi %mul3A_454 : vector<16xf32> to vector<16xi32>
      %shift_right_arithmetic3A_456 = arith.constant 3 : i32
      %shift_right_arithmetic3A_457 = vector.broadcast %shift_right_arithmetic3A_456 : i32 to vector<16xi32>
      %shift_right_arithmetic3A_458 = arith.shrsi %convert_element_type3A_455, %shift_right_arithmetic3A_457 : vector<16xi32>
      %mul3A_459 = arith.constant 3072 : i32
      %mul3A_460 = vector.broadcast %mul3A_459 : i32 to vector<16xi32>
      %mul3A_461 = arith.muli %shift_right_arithmetic3A_458, %mul3A_460 : vector<16xi32>
      %add3A_462 = vector.broadcast %mul3A_20 : i32 to vector<16xi32>
      %add3A_463 = arith.addi %add3A_462, %mul3A_461 : vector<16xi32>
      %shift_left3A_464 = arith.constant 7 : i32
      %shift_left3A_465 = vector.broadcast %shift_left3A_464 : i32 to vector<16xi32>
      %shift_left3A_466 = arith.shli %convert_element_type3A_455, %shift_left3A_465 : vector<16xi32>
      %add3A_467 = arith.addi %add3A_463, %shift_left3A_466 : vector<16xi32>
      %shift_right_arithmetic3A_468 = arith.constant 7 : i32
      %shift_right_arithmetic3A_469 = vector.broadcast %shift_right_arithmetic3A_468 : i32 to vector<16xi32>
      %shift_right_arithmetic3A_470 = arith.shrsi %convert_element_type3A_451, %shift_right_arithmetic3A_469 : vector<16xi32>
      %mul3A_471 = arith.constant 896 : i32
      %mul3A_472 = vector.broadcast %mul3A_471 : i32 to vector<16xi32>
      %mul3A_473 = arith.muli %shift_right_arithmetic3A_470, %mul3A_472 : vector<16xi32>
      %add3A_474 = arith.addi %add3A_467, %mul3A_473 : vector<16xi32>
      %add3A_475 = arith.addi %add3A_474, %convert_element_type3A_451 : vector<16xi32>
      %mul3A_476 = arith.constant 128 : i32
      %mul3A_477 = arith.muli %scan3A_266, %mul3A_476 : i32
      %add3A_478 = arith.constant 64 : i32
      %add3A_479 = arith.addi %mul3A_477, %add3A_478 : i32
      %swap3A_480 = arith.index_cast %add3A_479 : i32 to index
      %swap3A_481 = tpu.vector_load %arg8[%swap3A_480] {strides = array<i32>} : memref<4096xi32, #tpu.memory_space<vmem>>, vector<16xi32>,
      tpu.vector_store %arg8[%swap3A_480], %add3A_475 {strides = array<i32>} : memref<4096xi32, #tpu.memory_space<vmem>>, vector<16xi32>,
      %mul3A_482 = arith.constant 512 : i32
      %mul3A_483 = arith.muli %scan3A_266, %mul3A_482 : i32
      %add3A_484 = arith.constant 80 : i32
      %add3A_485 = arith.addi %mul3A_483, %add3A_484 : i32
      %get3A_486 = arith.index_cast %add3A_485 : i32 to index
      %get3A_487 = tpu.vector_load %arg5[%get3A_486] {strides = array<i32>} : memref<16384xf32, #tpu.memory_space<vmem>>, vector<16xf32>,
      %add3A_488 = arith.constant 128 : i32
      %add3A_489 = arith.addi %add3A_485, %add3A_488 : i32
      %get3A_490 = arith.index_cast %add3A_489 : i32 to index
      %get3A_491 = tpu.vector_load %arg5[%get3A_490] {strides = array<i32>} : memref<16384xf32, #tpu.memory_space<vmem>>, vector<16xf32>,
      %mul3A_492 = arith.constant 5.110000e+02 : f32
      %mul3A_493 = vector.broadcast %mul3A_492 : f32 to vector<16xf32>
      %mul3A_494 = arith.mulf %get3A_487, %mul3A_493 : vector<16xf32>
      %convert_element_type3A_495 = arith.fptosi %mul3A_494 : vector<16xf32> to vector<16xi32>
      %mul3A_496 = arith.constant 5.110000e+02 : f32
      %mul3A_497 = vector.broadcast %mul3A_496 : f32 to vector<16xf32>
      %mul3A_498 = arith.mulf %get3A_491, %mul3A_497 : vector<16xf32>
      %convert_element_type3A_499 = arith.fptosi %mul3A_498 : vector<16xf32> to vector<16xi32>
      %shift_right_arithmetic3A_500 = arith.constant 3 : i32
      %shift_right_arithmetic3A_501 = vector.broadcast %shift_right_arithmetic3A_500 : i32 to vector<16xi32>
      %shift_right_arithmetic3A_502 = arith.shrsi %convert_element_type3A_499, %shift_right_arithmetic3A_501 : vector<16xi32>
      %mul3A_503 = arith.constant 3072 : i32
      %mul3A_504 = vector.broadcast %mul3A_503 : i32 to vector<16xi32>
      %mul3A_505 = arith.muli %shift_right_arithmetic3A_502, %mul3A_504 : vector<16xi32>
      %add3A_506 = vector.broadcast %mul3A_20 : i32 to vector<16xi32>
      %add3A_507 = arith.addi %add3A_506, %mul3A_505 : vector<16xi32>
      %shift_left3A_508 = arith.constant 7 : i32
      %shift_left3A_509 = vector.broadcast %shift_left3A_508 : i32 to vector<16xi32>
      %shift_left3A_510 = arith.shli %convert_element_type3A_499, %shift_left3A_509 : vector<16xi32>
      %add3A_511 = arith.addi %add3A_507, %shift_left3A_510 : vector<16xi32>
      %shift_right_arithmetic3A_512 = arith.constant 7 : i32
      %shift_right_arithmetic3A_513 = vector.broadcast %shift_right_arithmetic3A_512 : i32 to vector<16xi32>
      %shift_right_arithmetic3A_514 = arith.shrsi %convert_element_type3A_495, %shift_right_arithmetic3A_513 : vector<16xi32>
      %mul3A_515 = arith.constant 896 : i32
      %mul3A_516 = vector.broadcast %mul3A_515 : i32 to vector<16xi32>
      %mul3A_517 = arith.muli %shift_right_arithmetic3A_514, %mul3A_516 : vector<16xi32>
      %add3A_518 = arith.addi %add3A_511, %mul3A_517 : vector<16xi32>
      %add3A_519 = arith.addi %add3A_518, %convert_element_type3A_495 : vector<16xi32>
      %mul3A_520 = arith.constant 128 : i32
      %mul3A_521 = arith.muli %scan3A_266, %mul3A_520 : i32
      %add3A_522 = arith.constant 80 : i32
      %add3A_523 = arith.addi %mul3A_521, %add3A_522 : i32
      %swap3A_524 = arith.index_cast %add3A_523 : i32 to index
      %swap3A_525 = tpu.vector_load %arg8[%swap3A_524] {strides = array<i32>} : memref<4096xi32, #tpu.memory_space<vmem>>, vector<16xi32>,
      tpu.vector_store %arg8[%swap3A_524], %add3A_519 {strides = array<i32>} : memref<4096xi32, #tpu.memory_space<vmem>>, vector<16xi32>,
      %mul3A_526 = arith.constant 512 : i32
      %mul3A_527 = arith.muli %scan3A_266, %mul3A_526 : i32
      %add3A_528 = arith.constant 96 : i32
      %add3A_529 = arith.addi %mul3A_527, %add3A_528 : i32
      %get3A_530 = arith.index_cast %add3A_529 : i32 to index
      %get3A_531 = tpu.vector_load %arg5[%get3A_530] {strides = array<i32>} : memref<16384xf32, #tpu.memory_space<vmem>>, vector<16xf32>,
      %add3A_532 = arith.constant 128 : i32
      %add3A_533 = arith.addi %add3A_529, %add3A_532 : i32
      %get3A_534 = arith.index_cast %add3A_533 : i32 to index
      %get3A_535 = tpu.vector_load %arg5[%get3A_534] {strides = array<i32>} : memref<16384xf32, #tpu.memory_space<vmem>>, vector<16xf32>,
      %mul3A_536 = arith.constant 5.110000e+02 : f32
      %mul3A_537 = vector.broadcast %mul3A_536 : f32 to vector<16xf32>
      %mul3A_538 = arith.mulf %get3A_531, %mul3A_537 : vector<16xf32>
      %convert_element_type3A_539 = arith.fptosi %mul3A_538 : vector<16xf32> to vector<16xi32>
      %mul3A_540 = arith.constant 5.110000e+02 : f32
      %mul3A_541 = vector.broadcast %mul3A_540 : f32 to vector<16xf32>
      %mul3A_542 = arith.mulf %get3A_535, %mul3A_541 : vector<16xf32>
      %convert_element_type3A_543 = arith.fptosi %mul3A_542 : vector<16xf32> to vector<16xi32>
      %shift_right_arithmetic3A_544 = arith.constant 3 : i32
      %shift_right_arithmetic3A_545 = vector.broadcast %shift_right_arithmetic3A_544 : i32 to vector<16xi32>
      %shift_right_arithmetic3A_546 = arith.shrsi %convert_element_type3A_543, %shift_right_arithmetic3A_545 : vector<16xi32>
      %mul3A_547 = arith.constant 3072 : i32
      %mul3A_548 = vector.broadcast %mul3A_547 : i32 to vector<16xi32>
      %mul3A_549 = arith.muli %shift_right_arithmetic3A_546, %mul3A_548 : vector<16xi32>
      %add3A_550 = vector.broadcast %mul3A_20 : i32 to vector<16xi32>
      %add3A_551 = arith.addi %add3A_550, %mul3A_549 : vector<16xi32>
      %shift_left3A_552 = arith.constant 7 : i32
      %shift_left3A_553 = vector.broadcast %shift_left3A_552 : i32 to vector<16xi32>
      %shift_left3A_554 = arith.shli %convert_element_type3A_543, %shift_left3A_553 : vector<16xi32>
      %add3A_555 = arith.addi %add3A_551, %shift_left3A_554 : vector<16xi32>
      %shift_right_arithmetic3A_556 = arith.constant 7 : i32
      %shift_right_arithmetic3A_557 = vector.broadcast %shift_right_arithmetic3A_556 : i32 to vector<16xi32>
      %shift_right_arithmetic3A_558 = arith.shrsi %convert_element_type3A_539, %shift_right_arithmetic3A_557 : vector<16xi32>
      %mul3A_559 = arith.constant 896 : i32
      %mul3A_560 = vector.broadcast %mul3A_559 : i32 to vector<16xi32>
      %mul3A_561 = arith.muli %shift_right_arithmetic3A_558, %mul3A_560 : vector<16xi32>
      %add3A_562 = arith.addi %add3A_555, %mul3A_561 : vector<16xi32>
      %add3A_563 = arith.addi %add3A_562, %convert_element_type3A_539 : vector<16xi32>
      %mul3A_564 = arith.constant 128 : i32
      %mul3A_565 = arith.muli %scan3A_266, %mul3A_564 : i32
      %add3A_566 = arith.constant 96 : i32
      %add3A_567 = arith.addi %mul3A_565, %add3A_566 : i32
      %swap3A_568 = arith.index_cast %add3A_567 : i32 to index
      %swap3A_569 = tpu.vector_load %arg8[%swap3A_568] {strides = array<i32>} : memref<4096xi32, #tpu.memory_space<vmem>>, vector<16xi32>,
      tpu.vector_store %arg8[%swap3A_568], %add3A_563 {strides = array<i32>} : memref<4096xi32, #tpu.memory_space<vmem>>, vector<16xi32>,
      %mul3A_570 = arith.constant 512 : i32
      %mul3A_571 = arith.muli %scan3A_266, %mul3A_570 : i32
      %add3A_572 = arith.constant 112 : i32
      %add3A_573 = arith.addi %mul3A_571, %add3A_572 : i32
      %get3A_574 = arith.index_cast %add3A_573 : i32 to index
      %get3A_575 = tpu.vector_load %arg5[%get3A_574] {strides = array<i32>} : memref<16384xf32, #tpu.memory_space<vmem>>, vector<16xf32>,
      %add3A_576 = arith.constant 128 : i32
      %add3A_577 = arith.addi %add3A_573, %add3A_576 : i32
      %get3A_578 = arith.index_cast %add3A_577 : i32 to index
      %get3A_579 = tpu.vector_load %arg5[%get3A_578] {strides = array<i32>} : memref<16384xf32, #tpu.memory_space<vmem>>, vector<16xf32>,
      %mul3A_580 = arith.constant 5.110000e+02 : f32
      %mul3A_581 = vector.broadcast %mul3A_580 : f32 to vector<16xf32>
      %mul3A_582 = arith.mulf %get3A_575, %mul3A_581 : vector<16xf32>
      %convert_element_type3A_583 = arith.fptosi %mul3A_582 : vector<16xf32> to vector<16xi32>
      %mul3A_584 = arith.constant 5.110000e+02 : f32
      %mul3A_585 = vector.broadcast %mul3A_584 : f32 to vector<16xf32>
      %mul3A_586 = arith.mulf %get3A_579, %mul3A_585 : vector<16xf32>
      %convert_element_type3A_587 = arith.fptosi %mul3A_586 : vector<16xf32> to vector<16xi32>
      %shift_right_arithmetic3A_588 = arith.constant 3 : i32
      %shift_right_arithmetic3A_589 = vector.broadcast %shift_right_arithmetic3A_588 : i32 to vector<16xi32>
      %shift_right_arithmetic3A_590 = arith.shrsi %convert_element_type3A_587, %shift_right_arithmetic3A_589 : vector<16xi32>
      %mul3A_591 = arith.constant 3072 : i32
      %mul3A_592 = vector.broadcast %mul3A_591 : i32 to vector<16xi32>
      %mul3A_593 = arith.muli %shift_right_arithmetic3A_590, %mul3A_592 : vector<16xi32>
      %add3A_594 = vector.broadcast %mul3A_20 : i32 to vector<16xi32>
      %add3A_595 = arith.addi %add3A_594, %mul3A_593 : vector<16xi32>
      %shift_left3A_596 = arith.constant 7 : i32
      %shift_left3A_597 = vector.broadcast %shift_left3A_596 : i32 to vector<16xi32>
      %shift_left3A_598 = arith.shli %convert_element_type3A_587, %shift_left3A_597 : vector<16xi32>
      %add3A_599 = arith.addi %add3A_595, %shift_left3A_598 : vector<16xi32>
      %shift_right_arithmetic3A_600 = arith.constant 7 : i32
      %shift_right_arithmetic3A_601 = vector.broadcast %shift_right_arithmetic3A_600 : i32 to vector<16xi32>
      %shift_right_arithmetic3A_602 = arith.shrsi %convert_element_type3A_583, %shift_right_arithmetic3A_601 : vector<16xi32>
      %mul3A_603 = arith.constant 896 : i32
      %mul3A_604 = vector.broadcast %mul3A_603 : i32 to vector<16xi32>
      %mul3A_605 = arith.muli %shift_right_arithmetic3A_602, %mul3A_604 : vector<16xi32>
      %add3A_606 = arith.addi %add3A_599, %mul3A_605 : vector<16xi32>
      %add3A_607 = arith.addi %add3A_606, %convert_element_type3A_583 : vector<16xi32>
      %mul3A_608 = arith.constant 128 : i32
      %mul3A_609 = arith.muli %scan3A_266, %mul3A_608 : i32
      %add3A_610 = arith.constant 112 : i32
      %add3A_611 = arith.addi %mul3A_609, %add3A_610 : i32
      %swap3A_612 = arith.index_cast %add3A_611 : i32 to index
      %swap3A_613 = tpu.vector_load %arg8[%swap3A_612] {strides = array<i32>} : memref<4096xi32, #tpu.memory_space<vmem>>, vector<16xi32>,
      tpu.vector_store %arg8[%swap3A_612], %add3A_607 {strides = array<i32>} : memref<4096xi32, #tpu.memory_space<vmem>>, vector<16xi32>,
    }
    %scan3A_41 = arith.constant 32 : i32
    %dma_start3A_42 = arith.constant 0 : i32
    %dma_start3A_43 = tpu.memref_slice %arg10[%dma_start3A_42] : memref<4096xf32, #tpu.memory_space<vmem>> -> memref<2048xf32, #tpu.memory_space<vmem>>
    %dma_start3A_44 = arith.constant 0 : i32
    %dma_start3A_45 = tpu.memref_slice %arg8[%dma_start3A_44] : memref<4096xi32, #tpu.memory_space<vmem>> -> memref<2048xi32, #tpu.memory_space<vmem>>
    %dma_start3A_46 = arith.constant 0 : i32
    %dma_start3A_47 = tpu.memref_slice %arg3[%dma_start3A_46] : memref<2097152xf32, #tpu.memory_space<hbm>> -> memref<2097152xf32, #tpu.memory_space<hbm>>
    tpu.enqueue_indirect_dma source(%dma_start3A_47 : memref<2097152xf32, #tpu.memory_space<hbm>>) target(%dma_start3A_43 : memref<2048xf32, #tpu.memory_space<vmem>>) offsets(%dma_start3A_45 : memref<2048xi32, #tpu.memory_space<vmem>>) semaphore(%arg16 : memref<!tpu.dma_semaphore, #tpu.memory_space<semaphore_mem>>)
    %dma_start3A_48 = arith.constant 2048 : i32
    %dma_start3A_49 = tpu.memref_slice %arg10[%dma_start3A_48] : memref<4096xf32, #tpu.memory_space<vmem>> -> memref<2048xf32, #tpu.memory_space<vmem>>
    %dma_start3A_50 = arith.constant 2048 : i32
    %dma_start3A_51 = tpu.memref_slice %arg8[%dma_start3A_50] : memref<4096xi32, #tpu.memory_space<vmem>> -> memref<2048xi32, #tpu.memory_space<vmem>>
    %dma_start3A_52 = arith.constant 0 : i32
    %dma_start3A_53 = tpu.memref_slice %arg3[%dma_start3A_52] : memref<2097152xf32, #tpu.memory_space<hbm>> -> memref<2097152xf32, #tpu.memory_space<hbm>>
    tpu.enqueue_indirect_dma source(%dma_start3A_53 : memref<2097152xf32, #tpu.memory_space<hbm>>) target(%dma_start3A_49 : memref<2048xf32, #tpu.memory_space<vmem>>) offsets(%dma_start3A_51 : memref<2048xi32, #tpu.memory_space<vmem>>) semaphore(%arg17 : memref<!tpu.dma_semaphore, #tpu.memory_space<semaphore_mem>>)
    %add3A_54 = arith.constant 4096 : i32
    %add3A_55 = arith.addi %mul3A_2, %add3A_54 : i32
    %mul3A_56 = arith.constant 4 : i32
    %mul3A_57 = arith.muli %add3A_55, %mul3A_56 : i32
    %dma_wait3A_58 = tpu.memref_slice %arg2[%mul3A_57] : memref<2097152xf32, #tpu.memory_space<hbm>> -> memref<16384xf32, #tpu.memory_space<hbm>>
    %dma_wait3A_59 = tpu.memref_slice %arg2[%mul3A_57] : memref<2097152xf32, #tpu.memory_space<hbm>> -> memref<16384xf32, #tpu.memory_space<hbm>>
    tpu.wait_dma2 semaphore(%arg15 : memref<!tpu.dma_semaphore, #tpu.memory_space<semaphore_mem>>) src(%dma_wait3A_59 : memref<16384xf32, #tpu.memory_space<hbm>>) dst(%arg6 : memref<16384xf32, #tpu.memory_space<vmem>>)
    %add3A_60 = arith.constant 8192 : i32
    %add3A_61 = arith.addi %mul3A_2, %add3A_60 : i32
    %mul3A_62 = arith.constant 4 : i32
    %mul3A_63 = arith.muli %add3A_61, %mul3A_62 : i32
    %dma_start3A_64 = tpu.memref_slice %arg2[%mul3A_63] : memref<2097152xf32, #tpu.memory_space<hbm>> -> memref<16384xf32, #tpu.memory_space<hbm>>
    %dma_start3A_65 = tpu.memref_slice %arg2[%mul3A_63] : memref<2097152xf32, #tpu.memory_space<hbm>> -> memref<16384xf32, #tpu.memory_space<hbm>>
    tpu.enqueue_dma source(%dma_start3A_65 : memref<16384xf32, #tpu.memory_space<hbm>>) target(%arg7 : memref<16384xf32, #tpu.memory_space<vmem>>) target_semaphore(%arg14 : memref<!tpu.dma_semaphore, #tpu.memory_space<semaphore_mem>>)
    %scan3A_66 = arith.constant 0 : i32
    %scan3A_67 = arith.constant 0 : i32
    %scan3A_68 = arith.constant 32 : i32
    %scan3A_69 = arith.addi %scan3A_67, %scan3A_68 : i32
    %scan3A_70 = arith.constant 1 : i32
    scf.for %scan3A_266 = %scan3A_67 to %scan3A_69 step %scan3A_70  : i32 {
      %mul3A_267 = arith.constant 512 : i32
      %mul3A_268 = arith.muli %scan3A_266, %mul3A_267 : i32
      %add3A_269 = arith.constant 0 : i32
      %add3A_270 = arith.addi %mul3A_268, %add3A_269 : i32
      %get3A = arith.index_cast %add3A_270 : i32 to index
      %get3A_271 = tpu.vector_load %arg6[%get3A] {strides = array<i32>} : memref<16384xf32, #tpu.memory_space<vmem>>, vector<16xf32>,
      %add3A_272 = arith.constant 128 : i32
      %add3A_273 = arith.addi %add3A_270, %add3A_272 : i32
      %get3A_274 = arith.index_cast %add3A_273 : i32 to index
      %get3A_275 = tpu.vector_load %arg6[%get3A_274] {strides = array<i32>} : memref<16384xf32, #tpu.memory_space<vmem>>, vector<16xf32>,
      %mul3A_276 = arith.constant 5.110000e+02 : f32
      %mul3A_277 = vector.broadcast %mul3A_276 : f32 to vector<16xf32>
      %mul3A_278 = arith.mulf %get3A_271, %mul3A_277 : vector<16xf32>
      %convert_element_type3A = arith.fptosi %mul3A_278 : vector<16xf32> to vector<16xi32>
      %mul3A_279 = arith.constant 5.110000e+02 : f32
      %mul3A_280 = vector.broadcast %mul3A_279 : f32 to vector<16xf32>
      %mul3A_281 = arith.mulf %get3A_275, %mul3A_280 : vector<16xf32>
      %convert_element_type3A_282 = arith.fptosi %mul3A_281 : vector<16xf32> to vector<16xi32>
      %shift_right_arithmetic3A = arith.constant 3 : i32
      %shift_right_arithmetic3A_283 = vector.broadcast %shift_right_arithmetic3A : i32 to vector<16xi32>
      %shift_right_arithmetic3A_284 = arith.shrsi %convert_element_type3A_282, %shift_right_arithmetic3A_283 : vector<16xi32>
      %mul3A_285 = arith.constant 3072 : i32
      %mul3A_286 = vector.broadcast %mul3A_285 : i32 to vector<16xi32>
      %mul3A_287 = arith.muli %shift_right_arithmetic3A_284, %mul3A_286 : vector<16xi32>
      %add3A_288 = vector.broadcast %mul3A_20 : i32 to vector<16xi32>
      %add3A_289 = arith.addi %add3A_288, %mul3A_287 : vector<16xi32>
      %shift_left3A = arith.constant 7 : i32
      %shift_left3A_290 = vector.broadcast %shift_left3A : i32 to vector<16xi32>
      %shift_left3A_291 = arith.shli %convert_element_type3A_282, %shift_left3A_290 : vector<16xi32>
      %add3A_292 = arith.addi %add3A_289, %shift_left3A_291 : vector<16xi32>
      %shift_right_arithmetic3A_293 = arith.constant 7 : i32
      %shift_right_arithmetic3A_294 = vector.broadcast %shift_right_arithmetic3A_293 : i32 to vector<16xi32>
      %shift_right_arithmetic3A_295 = arith.shrsi %convert_element_type3A, %shift_right_arithmetic3A_294 : vector<16xi32>
      %mul3A_296 = arith.constant 896 : i32
      %mul3A_297 = vector.broadcast %mul3A_296 : i32 to vector<16xi32>
      %mul3A_298 = arith.muli %shift_right_arithmetic3A_295, %mul3A_297 : vector<16xi32>
      %add3A_299 = arith.addi %add3A_292, %mul3A_298 : vector<16xi32>
      %add3A_300 = arith.addi %add3A_299, %convert_element_type3A : vector<16xi32>
      %mul3A_301 = arith.constant 128 : i32
      %mul3A_302 = arith.muli %scan3A_266, %mul3A_301 : i32
      %add3A_303 = arith.constant 0 : i32
      %add3A_304 = arith.addi %mul3A_302, %add3A_303 : i32
      %swap3A = arith.index_cast %add3A_304 : i32 to index
      %swap3A_305 = tpu.vector_load %arg9[%swap3A] {strides = array<i32>} : memref<4096xi32, #tpu.memory_space<vmem>>, vector<16xi32>,
      tpu.vector_store %arg9[%swap3A], %add3A_300 {strides = array<i32>} : memref<4096xi32, #tpu.memory_space<vmem>>, vector<16xi32>,
      %mul3A_306 = arith.constant 512 : i32
      %mul3A_307 = arith.muli %scan3A_266, %mul3A_306 : i32
      %add3A_308 = arith.constant 16 : i32
      %add3A_309 = arith.addi %mul3A_307, %add3A_308 : i32
      %get3A_310 = arith.index_cast %add3A_309 : i32 to index
      %get3A_311 = tpu.vector_load %arg6[%get3A_310] {strides = array<i32>} : memref<16384xf32, #tpu.memory_space<vmem>>, vector<16xf32>,
      %add3A_312 = arith.constant 128 : i32
      %add3A_313 = arith.addi %add3A_309, %add3A_312 : i32
      %get3A_314 = arith.index_cast %add3A_313 : i32 to index
      %get3A_315 = tpu.vector_load %arg6[%get3A_314] {strides = array<i32>} : memref<16384xf32, #tpu.memory_space<vmem>>, vector<16xf32>,
      %mul3A_316 = arith.constant 5.110000e+02 : f32
      %mul3A_317 = vector.broadcast %mul3A_316 : f32 to vector<16xf32>
      %mul3A_318 = arith.mulf %get3A_311, %mul3A_317 : vector<16xf32>
      %convert_element_type3A_319 = arith.fptosi %mul3A_318 : vector<16xf32> to vector<16xi32>
      %mul3A_320 = arith.constant 5.110000e+02 : f32
      %mul3A_321 = vector.broadcast %mul3A_320 : f32 to vector<16xf32>
      %mul3A_322 = arith.mulf %get3A_315, %mul3A_321 : vector<16xf32>
      %convert_element_type3A_323 = arith.fptosi %mul3A_322 : vector<16xf32> to vector<16xi32>
      %shift_right_arithmetic3A_324 = arith.constant 3 : i32
      %shift_right_arithmetic3A_325 = vector.broadcast %shift_right_arithmetic3A_324 : i32 to vector<16xi32>
      %shift_right_arithmetic3A_326 = arith.shrsi %convert_element_type3A_323, %shift_right_arithmetic3A_325 : vector<16xi32>
      %mul3A_327 = arith.constant 3072 : i32
      %mul3A_328 = vector.broadcast %mul3A_327 : i32 to vector<16xi32>
      %mul3A_329 = arith.muli %shift_right_arithmetic3A_326, %mul3A_328 : vector<16xi32>
      %add3A_330 = vector.broadcast %mul3A_20 : i32 to vector<16xi32>
      %add3A_331 = arith.addi %add3A_330, %mul3A_329 : vector<16xi32>
      %shift_left3A_332 = arith.constant 7 : i32
      %shift_left3A_333 = vector.broadcast %shift_left3A_332 : i32 to vector<16xi32>
      %shift_left3A_334 = arith.shli %convert_element_type3A_323, %shift_left3A_333 : vector<16xi32>
      %add3A_335 = arith.addi %add3A_331, %shift_left3A_334 : vector<16xi32>
      %shift_right_arithmetic3A_336 = arith.constant 7 : i32
      %shift_right_arithmetic3A_337 = vector.broadcast %shift_right_arithmetic3A_336 : i32 to vector<16xi32>
      %shift_right_arithmetic3A_338 = arith.shrsi %convert_element_type3A_319, %shift_right_arithmetic3A_337 : vector<16xi32>
      %mul3A_339 = arith.constant 896 : i32
      %mul3A_340 = vector.broadcast %mul3A_339 : i32 to vector<16xi32>
      %mul3A_341 = arith.muli %shift_right_arithmetic3A_338, %mul3A_340 : vector<16xi32>
      %add3A_342 = arith.addi %add3A_335, %mul3A_341 : vector<16xi32>
      %add3A_343 = arith.addi %add3A_342, %convert_element_type3A_319 : vector<16xi32>
      %mul3A_344 = arith.constant 128 : i32
      %mul3A_345 = arith.muli %scan3A_266, %mul3A_344 : i32
      %add3A_346 = arith.constant 16 : i32
      %add3A_347 = arith.addi %mul3A_345, %add3A_346 : i32
      %swap3A_348 = arith.index_cast %add3A_347 : i32 to index
      %swap3A_349 = tpu.vector_load %arg9[%swap3A_348] {strides = array<i32>} : memref<4096xi32, #tpu.memory_space<vmem>>, vector<16xi32>,
      tpu.vector_store %arg9[%swap3A_348], %add3A_343 {strides = array<i32>} : memref<4096xi32, #tpu.memory_space<vmem>>, vector<16xi32>,
      %mul3A_350 = arith.constant 512 : i32
      %mul3A_351 = arith.muli %scan3A_266, %mul3A_350 : i32
      %add3A_352 = arith.constant 32 : i32
      %add3A_353 = arith.addi %mul3A_351, %add3A_352 : i32
      %get3A_354 = arith.index_cast %add3A_353 : i32 to index
      %get3A_355 = tpu.vector_load %arg6[%get3A_354] {strides = array<i32>} : memref<16384xf32, #tpu.memory_space<vmem>>, vector<16xf32>,
      %add3A_356 = arith.constant 128 : i32
      %add3A_357 = arith.addi %add3A_353, %add3A_356 : i32
      %get3A_358 = arith.index_cast %add3A_357 : i32 to index
      %get3A_359 = tpu.vector_load %arg6[%get3A_358] {strides = array<i32>} : memref<16384xf32, #tpu.memory_space<vmem>>, vector<16xf32>,
      %mul3A_360 = arith.constant 5.110000e+02 : f32
      %mul3A_361 = vector.broadcast %mul3A_360 : f32 to vector<16xf32>
      %mul3A_362 = arith.mulf %get3A_355, %mul3A_361 : vector<16xf32>
      %convert_element_type3A_363 = arith.fptosi %mul3A_362 : vector<16xf32> to vector<16xi32>
      %mul3A_364 = arith.constant 5.110000e+02 : f32
      %mul3A_365 = vector.broadcast %mul3A_364 : f32 to vector<16xf32>
      %mul3A_366 = arith.mulf %get3A_359, %mul3A_365 : vector<16xf32>
      %convert_element_type3A_367 = arith.fptosi %mul3A_366 : vector<16xf32> to vector<16xi32>
      %shift_right_arithmetic3A_368 = arith.constant 3 : i32
      %shift_right_arithmetic3A_369 = vector.broadcast %shift_right_arithmetic3A_368 : i32 to vector<16xi32>
      %shift_right_arithmetic3A_370 = arith.shrsi %convert_element_type3A_367, %shift_right_arithmetic3A_369 : vector<16xi32>
      %mul3A_371 = arith.constant 3072 : i32
      %mul3A_372 = vector.broadcast %mul3A_371 : i32 to vector<16xi32>
      %mul3A_373 = arith.muli %shift_right_arithmetic3A_370, %mul3A_372 : vector<16xi32>
      %add3A_374 = vector.broadcast %mul3A_20 : i32 to vector<16xi32>
      %add3A_375 = arith.addi %add3A_374, %mul3A_373 : vector<16xi32>
      %shift_left3A_376 = arith.constant 7 : i32
      %shift_left3A_377 = vector.broadcast %shift_left3A_376 : i32 to vector<16xi32>
      %shift_left3A_378 = arith.shli %convert_element_type3A_367, %shift_left3A_377 : vector<16xi32>
      %add3A_379 = arith.addi %add3A_375, %shift_left3A_378 : vector<16xi32>
      %shift_right_arithmetic3A_380 = arith.constant 7 : i32
      %shift_right_arithmetic3A_381 = vector.broadcast %shift_right_arithmetic3A_380 : i32 to vector<16xi32>
      %shift_right_arithmetic3A_382 = arith.shrsi %convert_element_type3A_363, %shift_right_arithmetic3A_381 : vector<16xi32>
      %mul3A_383 = arith.constant 896 : i32
      %mul3A_384 = vector.broadcast %mul3A_383 : i32 to vector<16xi32>
      %mul3A_385 = arith.muli %shift_right_arithmetic3A_382, %mul3A_384 : vector<16xi32>
      %add3A_386 = arith.addi %add3A_379, %mul3A_385 : vector<16xi32>
      %add3A_387 = arith.addi %add3A_386, %convert_element_type3A_363 : vector<16xi32>
      %mul3A_388 = arith.constant 128 : i32
      %mul3A_389 = arith.muli %scan3A_266, %mul3A_388 : i32
      %add3A_390 = arith.constant 32 : i32
      %add3A_391 = arith.addi %mul3A_389, %add3A_390 : i32
      %swap3A_392 = arith.index_cast %add3A_391 : i32 to index
      %swap3A_393 = tpu.vector_load %arg9[%swap3A_392] {strides = array<i32>} : memref<4096xi32, #tpu.memory_space<vmem>>, vector<16xi32>,
      tpu.vector_store %arg9[%swap3A_392], %add3A_387 {strides = array<i32>} : memref<4096xi32, #tpu.memory_space<vmem>>, vector<16xi32>,
      %mul3A_394 = arith.constant 512 : i32
      %mul3A_395 = arith.muli %scan3A_266, %mul3A_394 : i32
      %add3A_396 = arith.constant 48 : i32
      %add3A_397 = arith.addi %mul3A_395, %add3A_396 : i32
      %get3A_398 = arith.index_cast %add3A_397 : i32 to index
      %get3A_399 = tpu.vector_load %arg6[%get3A_398] {strides = array<i32>} : memref<16384xf32, #tpu.memory_space<vmem>>, vector<16xf32>,
      %add3A_400 = arith.constant 128 : i32
      %add3A_401 = arith.addi %add3A_397, %add3A_400 : i32
      %get3A_402 = arith.index_cast %add3A_401 : i32 to index
      %get3A_403 = tpu.vector_load %arg6[%get3A_402] {strides = array<i32>} : memref<16384xf32, #tpu.memory_space<vmem>>, vector<16xf32>,
      %mul3A_404 = arith.constant 5.110000e+02 : f32
      %mul3A_405 = vector.broadcast %mul3A_404 : f32 to vector<16xf32>
      %mul3A_406 = arith.mulf %get3A_399, %mul3A_405 : vector<16xf32>
      %convert_element_type3A_407 = arith.fptosi %mul3A_406 : vector<16xf32> to vector<16xi32>
      %mul3A_408 = arith.constant 5.110000e+02 : f32
      %mul3A_409 = vector.broadcast %mul3A_408 : f32 to vector<16xf32>
      %mul3A_410 = arith.mulf %get3A_403, %mul3A_409 : vector<16xf32>
      %convert_element_type3A_411 = arith.fptosi %mul3A_410 : vector<16xf32> to vector<16xi32>
      %shift_right_arithmetic3A_412 = arith.constant 3 : i32
      %shift_right_arithmetic3A_413 = vector.broadcast %shift_right_arithmetic3A_412 : i32 to vector<16xi32>
      %shift_right_arithmetic3A_414 = arith.shrsi %convert_element_type3A_411, %shift_right_arithmetic3A_413 : vector<16xi32>
      %mul3A_415 = arith.constant 3072 : i32
      %mul3A_416 = vector.broadcast %mul3A_415 : i32 to vector<16xi32>
      %mul3A_417 = arith.muli %shift_right_arithmetic3A_414, %mul3A_416 : vector<16xi32>
      %add3A_418 = vector.broadcast %mul3A_20 : i32 to vector<16xi32>
      %add3A_419 = arith.addi %add3A_418, %mul3A_417 : vector<16xi32>
      %shift_left3A_420 = arith.constant 7 : i32
      %shift_left3A_421 = vector.broadcast %shift_left3A_420 : i32 to vector<16xi32>
      %shift_left3A_422 = arith.shli %convert_element_type3A_411, %shift_left3A_421 : vector<16xi32>
      %add3A_423 = arith.addi %add3A_419, %shift_left3A_422 : vector<16xi32>
      %shift_right_arithmetic3A_424 = arith.constant 7 : i32
      %shift_right_arithmetic3A_425 = vector.broadcast %shift_right_arithmetic3A_424 : i32 to vector<16xi32>
      %shift_right_arithmetic3A_426 = arith.shrsi %convert_element_type3A_407, %shift_right_arithmetic3A_425 : vector<16xi32>
      %mul3A_427 = arith.constant 896 : i32
      %mul3A_428 = vector.broadcast %mul3A_427 : i32 to vector<16xi32>
      %mul3A_429 = arith.muli %shift_right_arithmetic3A_426, %mul3A_428 : vector<16xi32>
      %add3A_430 = arith.addi %add3A_423, %mul3A_429 : vector<16xi32>
      %add3A_431 = arith.addi %add3A_430, %convert_element_type3A_407 : vector<16xi32>
      %mul3A_432 = arith.constant 128 : i32
      %mul3A_433 = arith.muli %scan3A_266, %mul3A_432 : i32
      %add3A_434 = arith.constant 48 : i32
      %add3A_435 = arith.addi %mul3A_433, %add3A_434 : i32
      %swap3A_436 = arith.index_cast %add3A_435 : i32 to index
      %swap3A_437 = tpu.vector_load %arg9[%swap3A_436] {strides = array<i32>} : memref<4096xi32, #tpu.memory_space<vmem>>, vector<16xi32>,
      tpu.vector_store %arg9[%swap3A_436], %add3A_431 {strides = array<i32>} : memref<4096xi32, #tpu.memory_space<vmem>>, vector<16xi32>,
      %mul3A_438 = arith.constant 512 : i32
      %mul3A_439 = arith.muli %scan3A_266, %mul3A_438 : i32
      %add3A_440 = arith.constant 64 : i32
      %add3A_441 = arith.addi %mul3A_439, %add3A_440 : i32
      %get3A_442 = arith.index_cast %add3A_441 : i32 to index
      %get3A_443 = tpu.vector_load %arg6[%get3A_442] {strides = array<i32>} : memref<16384xf32, #tpu.memory_space<vmem>>, vector<16xf32>,
      %add3A_444 = arith.constant 128 : i32
      %add3A_445 = arith.addi %add3A_441, %add3A_444 : i32
      %get3A_446 = arith.index_cast %add3A_445 : i32 to index
      %get3A_447 = tpu.vector_load %arg6[%get3A_446] {strides = array<i32>} : memref<16384xf32, #tpu.memory_space<vmem>>, vector<16xf32>,
      %mul3A_448 = arith.constant 5.110000e+02 : f32
      %mul3A_449 = vector.broadcast %mul3A_448 : f32 to vector<16xf32>
      %mul3A_450 = arith.mulf %get3A_443, %mul3A_449 : vector<16xf32>
      %convert_element_type3A_451 = arith.fptosi %mul3A_450 : vector<16xf32> to vector<16xi32>
      %mul3A_452 = arith.constant 5.110000e+02 : f32
      %mul3A_453 = vector.broadcast %mul3A_452 : f32 to vector<16xf32>
      %mul3A_454 = arith.mulf %get3A_447, %mul3A_453 : vector<16xf32>
      %convert_element_type3A_455 = arith.fptosi %mul3A_454 : vector<16xf32> to vector<16xi32>
      %shift_right_arithmetic3A_456 = arith.constant 3 : i32
      %shift_right_arithmetic3A_457 = vector.broadcast %shift_right_arithmetic3A_456 : i32 to vector<16xi32>
      %shift_right_arithmetic3A_458 = arith.shrsi %convert_element_type3A_455, %shift_right_arithmetic3A_457 : vector<16xi32>
      %mul3A_459 = arith.constant 3072 : i32
      %mul3A_460 = vector.broadcast %mul3A_459 : i32 to vector<16xi32>
      %mul3A_461 = arith.muli %shift_right_arithmetic3A_458, %mul3A_460 : vector<16xi32>
      %add3A_462 = vector.broadcast %mul3A_20 : i32 to vector<16xi32>
      %add3A_463 = arith.addi %add3A_462, %mul3A_461 : vector<16xi32>
      %shift_left3A_464 = arith.constant 7 : i32
      %shift_left3A_465 = vector.broadcast %shift_left3A_464 : i32 to vector<16xi32>
      %shift_left3A_466 = arith.shli %convert_element_type3A_455, %shift_left3A_465 : vector<16xi32>
      %add3A_467 = arith.addi %add3A_463, %shift_left3A_466 : vector<16xi32>
      %shift_right_arithmetic3A_468 = arith.constant 7 : i32
      %shift_right_arithmetic3A_469 = vector.broadcast %shift_right_arithmetic3A_468 : i32 to vector<16xi32>
      %shift_right_arithmetic3A_470 = arith.shrsi %convert_element_type3A_451, %shift_right_arithmetic3A_469 : vector<16xi32>
      %mul3A_471 = arith.constant 896 : i32
      %mul3A_472 = vector.broadcast %mul3A_471 : i32 to vector<16xi32>
      %mul3A_473 = arith.muli %shift_right_arithmetic3A_470, %mul3A_472 : vector<16xi32>
      %add3A_474 = arith.addi %add3A_467, %mul3A_473 : vector<16xi32>
      %add3A_475 = arith.addi %add3A_474, %convert_element_type3A_451 : vector<16xi32>
      %mul3A_476 = arith.constant 128 : i32
      %mul3A_477 = arith.muli %scan3A_266, %mul3A_476 : i32
      %add3A_478 = arith.constant 64 : i32
      %add3A_479 = arith.addi %mul3A_477, %add3A_478 : i32
      %swap3A_480 = arith.index_cast %add3A_479 : i32 to index
      %swap3A_481 = tpu.vector_load %arg9[%swap3A_480] {strides = array<i32>} : memref<4096xi32, #tpu.memory_space<vmem>>, vector<16xi32>,
      tpu.vector_store %arg9[%swap3A_480], %add3A_475 {strides = array<i32>} : memref<4096xi32, #tpu.memory_space<vmem>>, vector<16xi32>,
      %mul3A_482 = arith.constant 512 : i32
      %mul3A_483 = arith.muli %scan3A_266, %mul3A_482 : i32
      %add3A_484 = arith.constant 80 : i32
      %add3A_485 = arith.addi %mul3A_483, %add3A_484 : i32
      %get3A_486 = arith.index_cast %add3A_485 : i32 to index
      %get3A_487 = tpu.vector_load %arg6[%get3A_486] {strides = array<i32>} : memref<16384xf32, #tpu.memory_space<vmem>>, vector<16xf32>,
      %add3A_488 = arith.constant 128 : i32
      %add3A_489 = arith.addi %add3A_485, %add3A_488 : i32
      %get3A_490 = arith.index_cast %add3A_489 : i32 to index
      %get3A_491 = tpu.vector_load %arg6[%get3A_490] {strides = array<i32>} : memref<16384xf32, #tpu.memory_space<vmem>>, vector<16xf32>,
      %mul3A_492 = arith.constant 5.110000e+02 : f32
      %mul3A_493 = vector.broadcast %mul3A_492 : f32 to vector<16xf32>
      %mul3A_494 = arith.mulf %get3A_487, %mul3A_493 : vector<16xf32>
      %convert_element_type3A_495 = arith.fptosi %mul3A_494 : vector<16xf32> to vector<16xi32>
      %mul3A_496 = arith.constant 5.110000e+02 : f32
      %mul3A_497 = vector.broadcast %mul3A_496 : f32 to vector<16xf32>
      %mul3A_498 = arith.mulf %get3A_491, %mul3A_497 : vector<16xf32>
      %convert_element_type3A_499 = arith.fptosi %mul3A_498 : vector<16xf32> to vector<16xi32>
      %shift_right_arithmetic3A_500 = arith.constant 3 : i32
      %shift_right_arithmetic3A_501 = vector.broadcast %shift_right_arithmetic3A_500 : i32 to vector<16xi32>
      %shift_right_arithmetic3A_502 = arith.shrsi %convert_element_type3A_499, %shift_right_arithmetic3A_501 : vector<16xi32>
      %mul3A_503 = arith.constant 3072 : i32
      %mul3A_504 = vector.broadcast %mul3A_503 : i32 to vector<16xi32>
      %mul3A_505 = arith.muli %shift_right_arithmetic3A_502, %mul3A_504 : vector<16xi32>
      %add3A_506 = vector.broadcast %mul3A_20 : i32 to vector<16xi32>
      %add3A_507 = arith.addi %add3A_506, %mul3A_505 : vector<16xi32>
      %shift_left3A_508 = arith.constant 7 : i32
      %shift_left3A_509 = vector.broadcast %shift_left3A_508 : i32 to vector<16xi32>
      %shift_left3A_510 = arith.shli %convert_element_type3A_499, %shift_left3A_509 : vector<16xi32>
      %add3A_511 = arith.addi %add3A_507, %shift_left3A_510 : vector<16xi32>
      %shift_right_arithmetic3A_512 = arith.constant 7 : i32
      %shift_right_arithmetic3A_513 = vector.broadcast %shift_right_arithmetic3A_512 : i32 to vector<16xi32>
      %shift_right_arithmetic3A_514 = arith.shrsi %convert_element_type3A_495, %shift_right_arithmetic3A_513 : vector<16xi32>
      %mul3A_515 = arith.constant 896 : i32
      %mul3A_516 = vector.broadcast %mul3A_515 : i32 to vector<16xi32>
      %mul3A_517 = arith.muli %shift_right_arithmetic3A_514, %mul3A_516 : vector<16xi32>
      %add3A_518 = arith.addi %add3A_511, %mul3A_517 : vector<16xi32>
      %add3A_519 = arith.addi %add3A_518, %convert_element_type3A_495 : vector<16xi32>
      %mul3A_520 = arith.constant 128 : i32
      %mul3A_521 = arith.muli %scan3A_266, %mul3A_520 : i32
      %add3A_522 = arith.constant 80 : i32
      %add3A_523 = arith.addi %mul3A_521, %add3A_522 : i32
      %swap3A_524 = arith.index_cast %add3A_523 : i32 to index
      %swap3A_525 = tpu.vector_load %arg9[%swap3A_524] {strides = array<i32>} : memref<4096xi32, #tpu.memory_space<vmem>>, vector<16xi32>,
      tpu.vector_store %arg9[%swap3A_524], %add3A_519 {strides = array<i32>} : memref<4096xi32, #tpu.memory_space<vmem>>, vector<16xi32>,
      %mul3A_526 = arith.constant 512 : i32
      %mul3A_527 = arith.muli %scan3A_266, %mul3A_526 : i32
      %add3A_528 = arith.constant 96 : i32
      %add3A_529 = arith.addi %mul3A_527, %add3A_528 : i32
      %get3A_530 = arith.index_cast %add3A_529 : i32 to index
      %get3A_531 = tpu.vector_load %arg6[%get3A_530] {strides = array<i32>} : memref<16384xf32, #tpu.memory_space<vmem>>, vector<16xf32>,
      %add3A_532 = arith.constant 128 : i32
      %add3A_533 = arith.addi %add3A_529, %add3A_532 : i32
      %get3A_534 = arith.index_cast %add3A_533 : i32 to index
      %get3A_535 = tpu.vector_load %arg6[%get3A_534] {strides = array<i32>} : memref<16384xf32, #tpu.memory_space<vmem>>, vector<16xf32>,
      %mul3A_536 = arith.constant 5.110000e+02 : f32
      %mul3A_537 = vector.broadcast %mul3A_536 : f32 to vector<16xf32>
      %mul3A_538 = arith.mulf %get3A_531, %mul3A_537 : vector<16xf32>
      %convert_element_type3A_539 = arith.fptosi %mul3A_538 : vector<16xf32> to vector<16xi32>
      %mul3A_540 = arith.constant 5.110000e+02 : f32
      %mul3A_541 = vector.broadcast %mul3A_540 : f32 to vector<16xf32>
      %mul3A_542 = arith.mulf %get3A_535, %mul3A_541 : vector<16xf32>
      %convert_element_type3A_543 = arith.fptosi %mul3A_542 : vector<16xf32> to vector<16xi32>
      %shift_right_arithmetic3A_544 = arith.constant 3 : i32
      %shift_right_arithmetic3A_545 = vector.broadcast %shift_right_arithmetic3A_544 : i32 to vector<16xi32>
      %shift_right_arithmetic3A_546 = arith.shrsi %convert_element_type3A_543, %shift_right_arithmetic3A_545 : vector<16xi32>
      %mul3A_547 = arith.constant 3072 : i32
      %mul3A_548 = vector.broadcast %mul3A_547 : i32 to vector<16xi32>
      %mul3A_549 = arith.muli %shift_right_arithmetic3A_546, %mul3A_548 : vector<16xi32>
      %add3A_550 = vector.broadcast %mul3A_20 : i32 to vector<16xi32>
      %add3A_551 = arith.addi %add3A_550, %mul3A_549 : vector<16xi32>
      %shift_left3A_552 = arith.constant 7 : i32
      %shift_left3A_553 = vector.broadcast %shift_left3A_552 : i32 to vector<16xi32>
      %shift_left3A_554 = arith.shli %convert_element_type3A_543, %shift_left3A_553 : vector<16xi32>
      %add3A_555 = arith.addi %add3A_551, %shift_left3A_554 : vector<16xi32>
      %shift_right_arithmetic3A_556 = arith.constant 7 : i32
      %shift_right_arithmetic3A_557 = vector.broadcast %shift_right_arithmetic3A_556 : i32 to vector<16xi32>
      %shift_right_arithmetic3A_558 = arith.shrsi %convert_element_type3A_539, %shift_right_arithmetic3A_557 : vector<16xi32>
      %mul3A_559 = arith.constant 896 : i32
      %mul3A_560 = vector.broadcast %mul3A_559 : i32 to vector<16xi32>
      %mul3A_561 = arith.muli %shift_right_arithmetic3A_558, %mul3A_560 : vector<16xi32>
      %add3A_562 = arith.addi %add3A_555, %mul3A_561 : vector<16xi32>
      %add3A_563 = arith.addi %add3A_562, %convert_element_type3A_539 : vector<16xi32>
      %mul3A_564 = arith.constant 128 : i32
      %mul3A_565 = arith.muli %scan3A_266, %mul3A_564 : i32
      %add3A_566 = arith.constant 96 : i32
      %add3A_567 = arith.addi %mul3A_565, %add3A_566 : i32
      %swap3A_568 = arith.index_cast %add3A_567 : i32 to index
      %swap3A_569 = tpu.vector_load %arg9[%swap3A_568] {strides = array<i32>} : memref<4096xi32, #tpu.memory_space<vmem>>, vector<16xi32>,
      tpu.vector_store %arg9[%swap3A_568], %add3A_563 {strides = array<i32>} : memref<4096xi32, #tpu.memory_space<vmem>>, vector<16xi32>,
      %mul3A_570 = arith.constant 512 : i32
      %mul3A_571 = arith.muli %scan3A_266, %mul3A_570 : i32
      %add3A_572 = arith.constant 112 : i32
      %add3A_573 = arith.addi %mul3A_571, %add3A_572 : i32
      %get3A_574 = arith.index_cast %add3A_573 : i32 to index
      %get3A_575 = tpu.vector_load %arg6[%get3A_574] {strides = array<i32>} : memref<16384xf32, #tpu.memory_space<vmem>>, vector<16xf32>,
      %add3A_576 = arith.constant 128 : i32
      %add3A_577 = arith.addi %add3A_573, %add3A_576 : i32
      %get3A_578 = arith.index_cast %add3A_577 : i32 to index
      %get3A_579 = tpu.vector_load %arg6[%get3A_578] {strides = array<i32>} : memref<16384xf32, #tpu.memory_space<vmem>>, vector<16xf32>,
      %mul3A_580 = arith.constant 5.110000e+02 : f32
      %mul3A_581 = vector.broadcast %mul3A_580 : f32 to vector<16xf32>
      %mul3A_582 = arith.mulf %get3A_575, %mul3A_581 : vector<16xf32>
      %convert_element_type3A_583 = arith.fptosi %mul3A_582 : vector<16xf32> to vector<16xi32>
      %mul3A_584 = arith.constant 5.110000e+02 : f32
      %mul3A_585 = vector.broadcast %mul3A_584 : f32 to vector<16xf32>
      %mul3A_586 = arith.mulf %get3A_579, %mul3A_585 : vector<16xf32>
      %convert_element_type3A_587 = arith.fptosi %mul3A_586 : vector<16xf32> to vector<16xi32>
      %shift_right_arithmetic3A_588 = arith.constant 3 : i32
      %shift_right_arithmetic3A_589 = vector.broadcast %shift_right_arithmetic3A_588 : i32 to vector<16xi32>
      %shift_right_arithmetic3A_590 = arith.shrsi %convert_element_type3A_587, %shift_right_arithmetic3A_589 : vector<16xi32>
      %mul3A_591 = arith.constant 3072 : i32
      %mul3A_592 = vector.broadcast %mul3A_591 : i32 to vector<16xi32>
      %mul3A_593 = arith.muli %shift_right_arithmetic3A_590, %mul3A_592 : vector<16xi32>
      %add3A_594 = vector.broadcast %mul3A_20 : i32 to vector<16xi32>
      %add3A_595 = arith.addi %add3A_594, %mul3A_593 : vector<16xi32>
      %shift_left3A_596 = arith.constant 7 : i32
      %shift_left3A_597 = vector.broadcast %shift_left3A_596 : i32 to vector<16xi32>
      %shift_left3A_598 = arith.shli %convert_element_type3A_587, %shift_left3A_597 : vector<16xi32>
      %add3A_599 = arith.addi %add3A_595, %shift_left3A_598 : vector<16xi32>
      %shift_right_arithmetic3A_600 = arith.constant 7 : i32
      %shift_right_arithmetic3A_601 = vector.broadcast %shift_right_arithmetic3A_600 : i32 to vector<16xi32>
      %shift_right_arithmetic3A_602 = arith.shrsi %convert_element_type3A_583, %shift_right_arithmetic3A_601 : vector<16xi32>
      %mul3A_603 = arith.constant 896 : i32
      %mul3A_604 = vector.broadcast %mul3A_603 : i32 to vector<16xi32>
      %mul3A_605 = arith.muli %shift_right_arithmetic3A_602, %mul3A_604 : vector<16xi32>
      %add3A_606 = arith.addi %add3A_599, %mul3A_605 : vector<16xi32>
      %add3A_607 = arith.addi %add3A_606, %convert_element_type3A_583 : vector<16xi32>
      %mul3A_608 = arith.constant 128 : i32
      %mul3A_609 = arith.muli %scan3A_266, %mul3A_608 : i32
      %add3A_610 = arith.constant 112 : i32
      %add3A_611 = arith.addi %mul3A_609, %add3A_610 : i32
      %swap3A_612 = arith.index_cast %add3A_611 : i32 to index
      %swap3A_613 = tpu.vector_load %arg9[%swap3A_612] {strides = array<i32>} : memref<4096xi32, #tpu.memory_space<vmem>>, vector<16xi32>,
      tpu.vector_store %arg9[%swap3A_612], %add3A_607 {strides = array<i32>} : memref<4096xi32, #tpu.memory_space<vmem>>, vector<16xi32>,
    }
    %scan3A_71 = arith.constant 32 : i32
    %dma_wait3A_72 = arith.constant 0 : i32
    %dma_wait3A_73 = tpu.memref_slice %arg10[%dma_wait3A_72] : memref<4096xf32, #tpu.memory_space<vmem>> -> memref<2048xf32, #tpu.memory_space<vmem>>
    %dma_wait3A_74 = arith.constant 0 : i32
    %dma_wait3A_75 = tpu.memref_slice %arg8[%dma_wait3A_74] : memref<4096xi32, #tpu.memory_space<vmem>> -> memref<2048xi32, #tpu.memory_space<vmem>>
    %dma_wait3A_76 = arith.constant 0 : i32
    %dma_wait3A_77 = tpu.memref_slice %arg3[%dma_wait3A_76] : memref<2097152xf32, #tpu.memory_space<hbm>> -> memref<2097152xf32, #tpu.memory_space<hbm>>
    tpu.wait_indirect_dma semaphore(%arg16 : memref<!tpu.dma_semaphore, #tpu.memory_space<semaphore_mem>>) src(%dma_wait3A_77 : memref<2097152xf32, #tpu.memory_space<hbm>>) dst(%dma_wait3A_73 : memref<2048xf32, #tpu.memory_space<vmem>>)
    %dma_start3A_78 = arith.constant 0 : i32
    %dma_start3A_79 = tpu.memref_slice %arg11[%dma_start3A_78] : memref<4096xf32, #tpu.memory_space<vmem>> -> memref<2048xf32, #tpu.memory_space<vmem>>
    %dma_start3A_80 = arith.constant 0 : i32
    %dma_start3A_81 = tpu.memref_slice %arg9[%dma_start3A_80] : memref<4096xi32, #tpu.memory_space<vmem>> -> memref<2048xi32, #tpu.memory_space<vmem>>
    %dma_start3A_82 = arith.constant 0 : i32
    %dma_start3A_83 = tpu.memref_slice %arg3[%dma_start3A_82] : memref<2097152xf32, #tpu.memory_space<hbm>> -> memref<2097152xf32, #tpu.memory_space<hbm>>
    tpu.enqueue_indirect_dma source(%dma_start3A_83 : memref<2097152xf32, #tpu.memory_space<hbm>>) target(%dma_start3A_79 : memref<2048xf32, #tpu.memory_space<vmem>>) offsets(%dma_start3A_81 : memref<2048xi32, #tpu.memory_space<vmem>>) semaphore(%arg16 : memref<!tpu.dma_semaphore, #tpu.memory_space<semaphore_mem>>)
    %dma_start3A_84 = arith.constant 2048 : i32
    %dma_start3A_85 = tpu.memref_slice %arg11[%dma_start3A_84] : memref<4096xf32, #tpu.memory_space<vmem>> -> memref<2048xf32, #tpu.memory_space<vmem>>
    %dma_start3A_86 = arith.constant 2048 : i32
    %dma_start3A_87 = tpu.memref_slice %arg9[%dma_start3A_86] : memref<4096xi32, #tpu.memory_space<vmem>> -> memref<2048xi32, #tpu.memory_space<vmem>>
    %dma_start3A_88 = arith.constant 0 : i32
    %dma_start3A_89 = tpu.memref_slice %arg3[%dma_start3A_88] : memref<2097152xf32, #tpu.memory_space<hbm>> -> memref<2097152xf32, #tpu.memory_space<hbm>>
    tpu.enqueue_indirect_dma source(%dma_start3A_89 : memref<2097152xf32, #tpu.memory_space<hbm>>) target(%dma_start3A_85 : memref<2048xf32, #tpu.memory_space<vmem>>) offsets(%dma_start3A_87 : memref<2048xi32, #tpu.memory_space<vmem>>) semaphore(%arg17 : memref<!tpu.dma_semaphore, #tpu.memory_space<semaphore_mem>>)
    %scan3A_90 = arith.constant 0 : i32
    %scan3A_91 = arith.constant 0 : i32
    %scan3A_92 = arith.constant 16 : i32
    %scan3A_93 = arith.addi %scan3A_91, %scan3A_92 : i32
    %scan3A_94 = arith.constant 1 : i32
    scf.for %scan3A_266 = %scan3A_91 to %scan3A_93 step %scan3A_94  : i32 {
      %mul3A_267 = arith.constant 512 : i32
      %mul3A_268 = arith.muli %scan3A_266, %mul3A_267 : i32
      %add3A_269 = arith.constant 256 : i32
      %add3A_270 = arith.addi %mul3A_268, %add3A_269 : i32
      %add3A_271 = arith.constant 0 : i32
      %add3A_272 = arith.addi %add3A_270, %add3A_271 : i32
      %get3A = arith.index_cast %add3A_272 : i32 to index
      %get3A_273 = tpu.vector_load %arg5[%get3A] {strides = array<i32>} : memref<16384xf32, #tpu.memory_space<vmem>>, vector<16xf32>,
      %mul3A_274 = arith.constant 128 : i32
      %mul3A_275 = arith.muli %scan3A_266, %mul3A_274 : i32
      %add3A_276 = arith.constant 0 : i32
      %add3A_277 = arith.addi %mul3A_275, %add3A_276 : i32
      %get3A_278 = arith.index_cast %add3A_277 : i32 to index
      %get3A_279 = tpu.vector_load %arg10[%get3A_278] {strides = array<i32>} : memref<4096xf32, #tpu.memory_space<vmem>>, vector<16xf32>,
      %le3A = arith.cmpf ole, %get3A_273, %get3A_279 : vector<16xf32>
      %jit3A_280 = arith.constant 1.000000e+00 : f32
      %jit3A_281 = arith.constant 0.000000e+00 : f32
      %broadcast_in_dim3A = vector.broadcast %jit3A_280 : f32 to vector<16xf32>
      %broadcast_in_dim3A_282 = vector.broadcast %jit3A_281 : f32 to vector<16xf32>
      %select_n3A_283 = arith.select %le3A, %broadcast_in_dim3A, %broadcast_in_dim3A_282 : vector<16xi1>, vector<16xf32>
      %mul3A_284 = arith.constant 128 : i32
      %mul3A_285 = arith.muli %scan3A_266, %mul3A_284 : i32
      %add3A_286 = arith.constant 0 : i32
      %add3A_287 = arith.addi %mul3A_285, %add3A_286 : i32
      %swap3A = arith.index_cast %add3A_287 : i32 to index
      %swap3A_288 = tpu.vector_load %arg12[%swap3A] {strides = array<i32>} : memref<4096xf32, #tpu.memory_space<vmem>>, vector<16xf32>,
      tpu.vector_store %arg12[%swap3A], %select_n3A_283 {strides = array<i32>} : memref<4096xf32, #tpu.memory_space<vmem>>, vector<16xf32>,
      %mul3A_289 = arith.constant 512 : i32
      %mul3A_290 = arith.muli %scan3A_266, %mul3A_289 : i32
      %add3A_291 = arith.constant 256 : i32
      %add3A_292 = arith.addi %mul3A_290, %add3A_291 : i32
      %add3A_293 = arith.constant 16 : i32
      %add3A_294 = arith.addi %add3A_292, %add3A_293 : i32
      %get3A_295 = arith.index_cast %add3A_294 : i32 to index
      %get3A_296 = tpu.vector_load %arg5[%get3A_295] {strides = array<i32>} : memref<16384xf32, #tpu.memory_space<vmem>>, vector<16xf32>,
      %mul3A_297 = arith.constant 128 : i32
      %mul3A_298 = arith.muli %scan3A_266, %mul3A_297 : i32
      %add3A_299 = arith.constant 16 : i32
      %add3A_300 = arith.addi %mul3A_298, %add3A_299 : i32
      %get3A_301 = arith.index_cast %add3A_300 : i32 to index
      %get3A_302 = tpu.vector_load %arg10[%get3A_301] {strides = array<i32>} : memref<4096xf32, #tpu.memory_space<vmem>>, vector<16xf32>,
      %le3A_303 = arith.cmpf ole, %get3A_296, %get3A_302 : vector<16xf32>
      %jit3A_304 = arith.constant 1.000000e+00 : f32
      %jit3A_305 = arith.constant 0.000000e+00 : f32
      %broadcast_in_dim3A_306 = vector.broadcast %jit3A_304 : f32 to vector<16xf32>
      %broadcast_in_dim3A_307 = vector.broadcast %jit3A_305 : f32 to vector<16xf32>
      %select_n3A_308 = arith.select %le3A_303, %broadcast_in_dim3A_306, %broadcast_in_dim3A_307 : vector<16xi1>, vector<16xf32>
      %mul3A_309 = arith.constant 128 : i32
      %mul3A_310 = arith.muli %scan3A_266, %mul3A_309 : i32
      %add3A_311 = arith.constant 16 : i32
      %add3A_312 = arith.addi %mul3A_310, %add3A_311 : i32
      %swap3A_313 = arith.index_cast %add3A_312 : i32 to index
      %swap3A_314 = tpu.vector_load %arg12[%swap3A_313] {strides = array<i32>} : memref<4096xf32, #tpu.memory_space<vmem>>, vector<16xf32>,
      tpu.vector_store %arg12[%swap3A_313], %select_n3A_308 {strides = array<i32>} : memref<4096xf32, #tpu.memory_space<vmem>>, vector<16xf32>,
      %mul3A_315 = arith.constant 512 : i32
      %mul3A_316 = arith.muli %scan3A_266, %mul3A_315 : i32
      %add3A_317 = arith.constant 256 : i32
      %add3A_318 = arith.addi %mul3A_316, %add3A_317 : i32
      %add3A_319 = arith.constant 32 : i32
      %add3A_320 = arith.addi %add3A_318, %add3A_319 : i32
      %get3A_321 = arith.index_cast %add3A_320 : i32 to index
      %get3A_322 = tpu.vector_load %arg5[%get3A_321] {strides = array<i32>} : memref<16384xf32, #tpu.memory_space<vmem>>, vector<16xf32>,
      %mul3A_323 = arith.constant 128 : i32
      %mul3A_324 = arith.muli %scan3A_266, %mul3A_323 : i32
      %add3A_325 = arith.constant 32 : i32
      %add3A_326 = arith.addi %mul3A_324, %add3A_325 : i32
      %get3A_327 = arith.index_cast %add3A_326 : i32 to index
      %get3A_328 = tpu.vector_load %arg10[%get3A_327] {strides = array<i32>} : memref<4096xf32, #tpu.memory_space<vmem>>, vector<16xf32>,
      %le3A_329 = arith.cmpf ole, %get3A_322, %get3A_328 : vector<16xf32>
      %jit3A_330 = arith.constant 1.000000e+00 : f32
      %jit3A_331 = arith.constant 0.000000e+00 : f32
      %broadcast_in_dim3A_332 = vector.broadcast %jit3A_330 : f32 to vector<16xf32>
      %broadcast_in_dim3A_333 = vector.broadcast %jit3A_331 : f32 to vector<16xf32>
      %select_n3A_334 = arith.select %le3A_329, %broadcast_in_dim3A_332, %broadcast_in_dim3A_333 : vector<16xi1>, vector<16xf32>
      %mul3A_335 = arith.constant 128 : i32
      %mul3A_336 = arith.muli %scan3A_266, %mul3A_335 : i32
      %add3A_337 = arith.constant 32 : i32
      %add3A_338 = arith.addi %mul3A_336, %add3A_337 : i32
      %swap3A_339 = arith.index_cast %add3A_338 : i32 to index
      %swap3A_340 = tpu.vector_load %arg12[%swap3A_339] {strides = array<i32>} : memref<4096xf32, #tpu.memory_space<vmem>>, vector<16xf32>,
      tpu.vector_store %arg12[%swap3A_339], %select_n3A_334 {strides = array<i32>} : memref<4096xf32, #tpu.memory_space<vmem>>, vector<16xf32>,
      %mul3A_341 = arith.constant 512 : i32
      %mul3A_342 = arith.muli %scan3A_266, %mul3A_341 : i32
      %add3A_343 = arith.constant 256 : i32
      %add3A_344 = arith.addi %mul3A_342, %add3A_343 : i32
      %add3A_345 = arith.constant 48 : i32
      %add3A_346 = arith.addi %add3A_344, %add3A_345 : i32
      %get3A_347 = arith.index_cast %add3A_346 : i32 to index
      %get3A_348 = tpu.vector_load %arg5[%get3A_347] {strides = array<i32>} : memref<16384xf32, #tpu.memory_space<vmem>>, vector<16xf32>,
      %mul3A_349 = arith.constant 128 : i32
      %mul3A_350 = arith.muli %scan3A_266, %mul3A_349 : i32
      %add3A_351 = arith.constant 48 : i32
      %add3A_352 = arith.addi %mul3A_350, %add3A_351 : i32
      %get3A_353 = arith.index_cast %add3A_352 : i32 to index
      %get3A_354 = tpu.vector_load %arg10[%get3A_353] {strides = array<i32>} : memref<4096xf32, #tpu.memory_space<vmem>>, vector<16xf32>,
      %le3A_355 = arith.cmpf ole, %get3A_348, %get3A_354 : vector<16xf32>
      %jit3A_356 = arith.constant 1.000000e+00 : f32
      %jit3A_357 = arith.constant 0.000000e+00 : f32
      %broadcast_in_dim3A_358 = vector.broadcast %jit3A_356 : f32 to vector<16xf32>
      %broadcast_in_dim3A_359 = vector.broadcast %jit3A_357 : f32 to vector<16xf32>
      %select_n3A_360 = arith.select %le3A_355, %broadcast_in_dim3A_358, %broadcast_in_dim3A_359 : vector<16xi1>, vector<16xf32>
      %mul3A_361 = arith.constant 128 : i32
      %mul3A_362 = arith.muli %scan3A_266, %mul3A_361 : i32
      %add3A_363 = arith.constant 48 : i32
      %add3A_364 = arith.addi %mul3A_362, %add3A_363 : i32
      %swap3A_365 = arith.index_cast %add3A_364 : i32 to index
      %swap3A_366 = tpu.vector_load %arg12[%swap3A_365] {strides = array<i32>} : memref<4096xf32, #tpu.memory_space<vmem>>, vector<16xf32>,
      tpu.vector_store %arg12[%swap3A_365], %select_n3A_360 {strides = array<i32>} : memref<4096xf32, #tpu.memory_space<vmem>>, vector<16xf32>,
      %mul3A_367 = arith.constant 512 : i32
      %mul3A_368 = arith.muli %scan3A_266, %mul3A_367 : i32
      %add3A_369 = arith.constant 256 : i32
      %add3A_370 = arith.addi %mul3A_368, %add3A_369 : i32
      %add3A_371 = arith.constant 64 : i32
      %add3A_372 = arith.addi %add3A_370, %add3A_371 : i32
      %get3A_373 = arith.index_cast %add3A_372 : i32 to index
      %get3A_374 = tpu.vector_load %arg5[%get3A_373] {strides = array<i32>} : memref<16384xf32, #tpu.memory_space<vmem>>, vector<16xf32>,
      %mul3A_375 = arith.constant 128 : i32
      %mul3A_376 = arith.muli %scan3A_266, %mul3A_375 : i32
      %add3A_377 = arith.constant 64 : i32
      %add3A_378 = arith.addi %mul3A_376, %add3A_377 : i32
      %get3A_379 = arith.index_cast %add3A_378 : i32 to index
      %get3A_380 = tpu.vector_load %arg10[%get3A_379] {strides = array<i32>} : memref<4096xf32, #tpu.memory_space<vmem>>, vector<16xf32>,
      %le3A_381 = arith.cmpf ole, %get3A_374, %get3A_380 : vector<16xf32>
      %jit3A_382 = arith.constant 1.000000e+00 : f32
      %jit3A_383 = arith.constant 0.000000e+00 : f32
      %broadcast_in_dim3A_384 = vector.broadcast %jit3A_382 : f32 to vector<16xf32>
      %broadcast_in_dim3A_385 = vector.broadcast %jit3A_383 : f32 to vector<16xf32>
      %select_n3A_386 = arith.select %le3A_381, %broadcast_in_dim3A_384, %broadcast_in_dim3A_385 : vector<16xi1>, vector<16xf32>
      %mul3A_387 = arith.constant 128 : i32
      %mul3A_388 = arith.muli %scan3A_266, %mul3A_387 : i32
      %add3A_389 = arith.constant 64 : i32
      %add3A_390 = arith.addi %mul3A_388, %add3A_389 : i32
      %swap3A_391 = arith.index_cast %add3A_390 : i32 to index
      %swap3A_392 = tpu.vector_load %arg12[%swap3A_391] {strides = array<i32>} : memref<4096xf32, #tpu.memory_space<vmem>>, vector<16xf32>,
      tpu.vector_store %arg12[%swap3A_391], %select_n3A_386 {strides = array<i32>} : memref<4096xf32, #tpu.memory_space<vmem>>, vector<16xf32>,
      %mul3A_393 = arith.constant 512 : i32
      %mul3A_394 = arith.muli %scan3A_266, %mul3A_393 : i32
      %add3A_395 = arith.constant 256 : i32
      %add3A_396 = arith.addi %mul3A_394, %add3A_395 : i32
      %add3A_397 = arith.constant 80 : i32
      %add3A_398 = arith.addi %add3A_396, %add3A_397 : i32
      %get3A_399 = arith.index_cast %add3A_398 : i32 to index
      %get3A_400 = tpu.vector_load %arg5[%get3A_399] {strides = array<i32>} : memref<16384xf32, #tpu.memory_space<vmem>>, vector<16xf32>,
      %mul3A_401 = arith.constant 128 : i32
      %mul3A_402 = arith.muli %scan3A_266, %mul3A_401 : i32
      %add3A_403 = arith.constant 80 : i32
      %add3A_404 = arith.addi %mul3A_402, %add3A_403 : i32
      %get3A_405 = arith.index_cast %add3A_404 : i32 to index
      %get3A_406 = tpu.vector_load %arg10[%get3A_405] {strides = array<i32>} : memref<4096xf32, #tpu.memory_space<vmem>>, vector<16xf32>,
      %le3A_407 = arith.cmpf ole, %get3A_400, %get3A_406 : vector<16xf32>
      %jit3A_408 = arith.constant 1.000000e+00 : f32
      %jit3A_409 = arith.constant 0.000000e+00 : f32
      %broadcast_in_dim3A_410 = vector.broadcast %jit3A_408 : f32 to vector<16xf32>
      %broadcast_in_dim3A_411 = vector.broadcast %jit3A_409 : f32 to vector<16xf32>
      %select_n3A_412 = arith.select %le3A_407, %broadcast_in_dim3A_410, %broadcast_in_dim3A_411 : vector<16xi1>, vector<16xf32>
      %mul3A_413 = arith.constant 128 : i32
      %mul3A_414 = arith.muli %scan3A_266, %mul3A_413 : i32
      %add3A_415 = arith.constant 80 : i32
      %add3A_416 = arith.addi %mul3A_414, %add3A_415 : i32
      %swap3A_417 = arith.index_cast %add3A_416 : i32 to index
      %swap3A_418 = tpu.vector_load %arg12[%swap3A_417] {strides = array<i32>} : memref<4096xf32, #tpu.memory_space<vmem>>, vector<16xf32>,
      tpu.vector_store %arg12[%swap3A_417], %select_n3A_412 {strides = array<i32>} : memref<4096xf32, #tpu.memory_space<vmem>>, vector<16xf32>,
      %mul3A_419 = arith.constant 512 : i32
      %mul3A_420 = arith.muli %scan3A_266, %mul3A_419 : i32
      %add3A_421 = arith.constant 256 : i32
      %add3A_422 = arith.addi %mul3A_420, %add3A_421 : i32
      %add3A_423 = arith.constant 96 : i32
      %add3A_424 = arith.addi %add3A_422, %add3A_423 : i32
      %get3A_425 = arith.index_cast %add3A_424 : i32 to index
      %get3A_426 = tpu.vector_load %arg5[%get3A_425] {strides = array<i32>} : memref<16384xf32, #tpu.memory_space<vmem>>, vector<16xf32>,
      %mul3A_427 = arith.constant 128 : i32
      %mul3A_428 = arith.muli %scan3A_266, %mul3A_427 : i32
      %add3A_429 = arith.constant 96 : i32
      %add3A_430 = arith.addi %mul3A_428, %add3A_429 : i32
      %get3A_431 = arith.index_cast %add3A_430 : i32 to index
      %get3A_432 = tpu.vector_load %arg10[%get3A_431] {strides = array<i32>} : memref<4096xf32, #tpu.memory_space<vmem>>, vector<16xf32>,
      %le3A_433 = arith.cmpf ole, %get3A_426, %get3A_432 : vector<16xf32>
      %jit3A_434 = arith.constant 1.000000e+00 : f32
      %jit3A_435 = arith.constant 0.000000e+00 : f32
      %broadcast_in_dim3A_436 = vector.broadcast %jit3A_434 : f32 to vector<16xf32>
      %broadcast_in_dim3A_437 = vector.broadcast %jit3A_435 : f32 to vector<16xf32>
      %select_n3A_438 = arith.select %le3A_433, %broadcast_in_dim3A_436, %broadcast_in_dim3A_437 : vector<16xi1>, vector<16xf32>
      %mul3A_439 = arith.constant 128 : i32
      %mul3A_440 = arith.muli %scan3A_266, %mul3A_439 : i32
      %add3A_441 = arith.constant 96 : i32
      %add3A_442 = arith.addi %mul3A_440, %add3A_441 : i32
      %swap3A_443 = arith.index_cast %add3A_442 : i32 to index
      %swap3A_444 = tpu.vector_load %arg12[%swap3A_443] {strides = array<i32>} : memref<4096xf32, #tpu.memory_space<vmem>>, vector<16xf32>,
      tpu.vector_store %arg12[%swap3A_443], %select_n3A_438 {strides = array<i32>} : memref<4096xf32, #tpu.memory_space<vmem>>, vector<16xf32>,
      %mul3A_445 = arith.constant 512 : i32
      %mul3A_446 = arith.muli %scan3A_266, %mul3A_445 : i32
      %add3A_447 = arith.constant 256 : i32
      %add3A_448 = arith.addi %mul3A_446, %add3A_447 : i32
      %add3A_449 = arith.constant 112 : i32
      %add3A_450 = arith.addi %add3A_448, %add3A_449 : i32
      %get3A_451 = arith.index_cast %add3A_450 : i32 to index
      %get3A_452 = tpu.vector_load %arg5[%get3A_451] {strides = array<i32>} : memref<16384xf32, #tpu.memory_space<vmem>>, vector<16xf32>,
      %mul3A_453 = arith.constant 128 : i32
      %mul3A_454 = arith.muli %scan3A_266, %mul3A_453 : i32
      %add3A_455 = arith.constant 112 : i32
      %add3A_456 = arith.addi %mul3A_454, %add3A_455 : i32
      %get3A_457 = arith.index_cast %add3A_456 : i32 to index
      %get3A_458 = tpu.vector_load %arg10[%get3A_457] {strides = array<i32>} : memref<4096xf32, #tpu.memory_space<vmem>>, vector<16xf32>,
      %le3A_459 = arith.cmpf ole, %get3A_452, %get3A_458 : vector<16xf32>
      %jit3A_460 = arith.constant 1.000000e+00 : f32
      %jit3A_461 = arith.constant 0.000000e+00 : f32
      %broadcast_in_dim3A_462 = vector.broadcast %jit3A_460 : f32 to vector<16xf32>
      %broadcast_in_dim3A_463 = vector.broadcast %jit3A_461 : f32 to vector<16xf32>
      %select_n3A_464 = arith.select %le3A_459, %broadcast_in_dim3A_462, %broadcast_in_dim3A_463 : vector<16xi1>, vector<16xf32>
      %mul3A_465 = arith.constant 128 : i32
      %mul3A_466 = arith.muli %scan3A_266, %mul3A_465 : i32
      %add3A_467 = arith.constant 112 : i32
      %add3A_468 = arith.addi %mul3A_466, %add3A_467 : i32
      %swap3A_469 = arith.index_cast %add3A_468 : i32 to index
      %swap3A_470 = tpu.vector_load %arg12[%swap3A_469] {strides = array<i32>} : memref<4096xf32, #tpu.memory_space<vmem>>, vector<16xf32>,
      tpu.vector_store %arg12[%swap3A_469], %select_n3A_464 {strides = array<i32>} : memref<4096xf32, #tpu.memory_space<vmem>>, vector<16xf32>,
    }
    %scan3A_95 = arith.constant 16 : i32
    %dma_wait3A_96 = arith.constant 2048 : i32
    %dma_wait3A_97 = tpu.memref_slice %arg10[%dma_wait3A_96] : memref<4096xf32, #tpu.memory_space<vmem>> -> memref<2048xf32, #tpu.memory_space<vmem>>
    %dma_wait3A_98 = arith.constant 2048 : i32
    %dma_wait3A_99 = tpu.memref_slice %arg8[%dma_wait3A_98] : memref<4096xi32, #tpu.memory_space<vmem>> -> memref<2048xi32, #tpu.memory_space<vmem>>
    %dma_wait3A_100 = arith.constant 0 : i32
    %dma_wait3A_101 = tpu.memref_slice %arg3[%dma_wait3A_100] : memref<2097152xf32, #tpu.memory_space<hbm>> -> memref<2097152xf32, #tpu.memory_space<hbm>>
    tpu.wait_indirect_dma semaphore(%arg17 : memref<!tpu.dma_semaphore, #tpu.memory_space<semaphore_mem>>) src(%dma_wait3A_101 : memref<2097152xf32, #tpu.memory_space<hbm>>) dst(%dma_wait3A_97 : memref<2048xf32, #tpu.memory_space<vmem>>)
    %scan3A_102 = arith.constant 0 : i32
    %scan3A_103 = arith.constant 16 : i32
    %scan3A_104 = arith.constant 16 : i32
    %scan3A_105 = arith.addi %scan3A_103, %scan3A_104 : i32
    %scan3A_106 = arith.constant 1 : i32
    scf.for %scan3A_266 = %scan3A_103 to %scan3A_105 step %scan3A_106  : i32 {
      %mul3A_267 = arith.constant 512 : i32
      %mul3A_268 = arith.muli %scan3A_266, %mul3A_267 : i32
      %add3A_269 = arith.constant 256 : i32
      %add3A_270 = arith.addi %mul3A_268, %add3A_269 : i32
      %add3A_271 = arith.constant 0 : i32
      %add3A_272 = arith.addi %add3A_270, %add3A_271 : i32
      %get3A = arith.index_cast %add3A_272 : i32 to index
      %get3A_273 = tpu.vector_load %arg5[%get3A] {strides = array<i32>} : memref<16384xf32, #tpu.memory_space<vmem>>, vector<16xf32>,
      %mul3A_274 = arith.constant 128 : i32
      %mul3A_275 = arith.muli %scan3A_266, %mul3A_274 : i32
      %add3A_276 = arith.constant 0 : i32
      %add3A_277 = arith.addi %mul3A_275, %add3A_276 : i32
      %get3A_278 = arith.index_cast %add3A_277 : i32 to index
      %get3A_279 = tpu.vector_load %arg10[%get3A_278] {strides = array<i32>} : memref<4096xf32, #tpu.memory_space<vmem>>, vector<16xf32>,
      %le3A = arith.cmpf ole, %get3A_273, %get3A_279 : vector<16xf32>
      %jit3A_280 = arith.constant 1.000000e+00 : f32
      %jit3A_281 = arith.constant 0.000000e+00 : f32
      %broadcast_in_dim3A = vector.broadcast %jit3A_280 : f32 to vector<16xf32>
      %broadcast_in_dim3A_282 = vector.broadcast %jit3A_281 : f32 to vector<16xf32>
      %select_n3A_283 = arith.select %le3A, %broadcast_in_dim3A, %broadcast_in_dim3A_282 : vector<16xi1>, vector<16xf32>
      %mul3A_284 = arith.constant 128 : i32
      %mul3A_285 = arith.muli %scan3A_266, %mul3A_284 : i32
      %add3A_286 = arith.constant 0 : i32
      %add3A_287 = arith.addi %mul3A_285, %add3A_286 : i32
      %swap3A = arith.index_cast %add3A_287 : i32 to index
      %swap3A_288 = tpu.vector_load %arg12[%swap3A] {strides = array<i32>} : memref<4096xf32, #tpu.memory_space<vmem>>, vector<16xf32>,
      tpu.vector_store %arg12[%swap3A], %select_n3A_283 {strides = array<i32>} : memref<4096xf32, #tpu.memory_space<vmem>>, vector<16xf32>,
      %mul3A_289 = arith.constant 512 : i32
      %mul3A_290 = arith.muli %scan3A_266, %mul3A_289 : i32
      %add3A_291 = arith.constant 256 : i32
      %add3A_292 = arith.addi %mul3A_290, %add3A_291 : i32
      %add3A_293 = arith.constant 16 : i32
      %add3A_294 = arith.addi %add3A_292, %add3A_293 : i32
      %get3A_295 = arith.index_cast %add3A_294 : i32 to index
      %get3A_296 = tpu.vector_load %arg5[%get3A_295] {strides = array<i32>} : memref<16384xf32, #tpu.memory_space<vmem>>, vector<16xf32>,
      %mul3A_297 = arith.constant 128 : i32
      %mul3A_298 = arith.muli %scan3A_266, %mul3A_297 : i32
      %add3A_299 = arith.constant 16 : i32
      %add3A_300 = arith.addi %mul3A_298, %add3A_299 : i32
      %get3A_301 = arith.index_cast %add3A_300 : i32 to index
      %get3A_302 = tpu.vector_load %arg10[%get3A_301] {strides = array<i32>} : memref<4096xf32, #tpu.memory_space<vmem>>, vector<16xf32>,
      %le3A_303 = arith.cmpf ole, %get3A_296, %get3A_302 : vector<16xf32>
      %jit3A_304 = arith.constant 1.000000e+00 : f32
      %jit3A_305 = arith.constant 0.000000e+00 : f32
      %broadcast_in_dim3A_306 = vector.broadcast %jit3A_304 : f32 to vector<16xf32>
      %broadcast_in_dim3A_307 = vector.broadcast %jit3A_305 : f32 to vector<16xf32>
      %select_n3A_308 = arith.select %le3A_303, %broadcast_in_dim3A_306, %broadcast_in_dim3A_307 : vector<16xi1>, vector<16xf32>
      %mul3A_309 = arith.constant 128 : i32
      %mul3A_310 = arith.muli %scan3A_266, %mul3A_309 : i32
      %add3A_311 = arith.constant 16 : i32
      %add3A_312 = arith.addi %mul3A_310, %add3A_311 : i32
      %swap3A_313 = arith.index_cast %add3A_312 : i32 to index
      %swap3A_314 = tpu.vector_load %arg12[%swap3A_313] {strides = array<i32>} : memref<4096xf32, #tpu.memory_space<vmem>>, vector<16xf32>,
      tpu.vector_store %arg12[%swap3A_313], %select_n3A_308 {strides = array<i32>} : memref<4096xf32, #tpu.memory_space<vmem>>, vector<16xf32>,
      %mul3A_315 = arith.constant 512 : i32
      %mul3A_316 = arith.muli %scan3A_266, %mul3A_315 : i32
      %add3A_317 = arith.constant 256 : i32
      %add3A_318 = arith.addi %mul3A_316, %add3A_317 : i32
      %add3A_319 = arith.constant 32 : i32
      %add3A_320 = arith.addi %add3A_318, %add3A_319 : i32
      %get3A_321 = arith.index_cast %add3A_320 : i32 to index
      %get3A_322 = tpu.vector_load %arg5[%get3A_321] {strides = array<i32>} : memref<16384xf32, #tpu.memory_space<vmem>>, vector<16xf32>,
      %mul3A_323 = arith.constant 128 : i32
      %mul3A_324 = arith.muli %scan3A_266, %mul3A_323 : i32
      %add3A_325 = arith.constant 32 : i32
      %add3A_326 = arith.addi %mul3A_324, %add3A_325 : i32
      %get3A_327 = arith.index_cast %add3A_326 : i32 to index
      %get3A_328 = tpu.vector_load %arg10[%get3A_327] {strides = array<i32>} : memref<4096xf32, #tpu.memory_space<vmem>>, vector<16xf32>,
      %le3A_329 = arith.cmpf ole, %get3A_322, %get3A_328 : vector<16xf32>
      %jit3A_330 = arith.constant 1.000000e+00 : f32
      %jit3A_331 = arith.constant 0.000000e+00 : f32
      %broadcast_in_dim3A_332 = vector.broadcast %jit3A_330 : f32 to vector<16xf32>
      %broadcast_in_dim3A_333 = vector.broadcast %jit3A_331 : f32 to vector<16xf32>
      %select_n3A_334 = arith.select %le3A_329, %broadcast_in_dim3A_332, %broadcast_in_dim3A_333 : vector<16xi1>, vector<16xf32>
      %mul3A_335 = arith.constant 128 : i32
      %mul3A_336 = arith.muli %scan3A_266, %mul3A_335 : i32
      %add3A_337 = arith.constant 32 : i32
      %add3A_338 = arith.addi %mul3A_336, %add3A_337 : i32
      %swap3A_339 = arith.index_cast %add3A_338 : i32 to index
      %swap3A_340 = tpu.vector_load %arg12[%swap3A_339] {strides = array<i32>} : memref<4096xf32, #tpu.memory_space<vmem>>, vector<16xf32>,
      tpu.vector_store %arg12[%swap3A_339], %select_n3A_334 {strides = array<i32>} : memref<4096xf32, #tpu.memory_space<vmem>>, vector<16xf32>,
      %mul3A_341 = arith.constant 512 : i32
      %mul3A_342 = arith.muli %scan3A_266, %mul3A_341 : i32
      %add3A_343 = arith.constant 256 : i32
      %add3A_344 = arith.addi %mul3A_342, %add3A_343 : i32
      %add3A_345 = arith.constant 48 : i32
      %add3A_346 = arith.addi %add3A_344, %add3A_345 : i32
      %get3A_347 = arith.index_cast %add3A_346 : i32 to index
      %get3A_348 = tpu.vector_load %arg5[%get3A_347] {strides = array<i32>} : memref<16384xf32, #tpu.memory_space<vmem>>, vector<16xf32>,
      %mul3A_349 = arith.constant 128 : i32
      %mul3A_350 = arith.muli %scan3A_266, %mul3A_349 : i32
      %add3A_351 = arith.constant 48 : i32
      %add3A_352 = arith.addi %mul3A_350, %add3A_351 : i32
      %get3A_353 = arith.index_cast %add3A_352 : i32 to index
      %get3A_354 = tpu.vector_load %arg10[%get3A_353] {strides = array<i32>} : memref<4096xf32, #tpu.memory_space<vmem>>, vector<16xf32>,
      %le3A_355 = arith.cmpf ole, %get3A_348, %get3A_354 : vector<16xf32>
      %jit3A_356 = arith.constant 1.000000e+00 : f32
      %jit3A_357 = arith.constant 0.000000e+00 : f32
      %broadcast_in_dim3A_358 = vector.broadcast %jit3A_356 : f32 to vector<16xf32>
      %broadcast_in_dim3A_359 = vector.broadcast %jit3A_357 : f32 to vector<16xf32>
      %select_n3A_360 = arith.select %le3A_355, %broadcast_in_dim3A_358, %broadcast_in_dim3A_359 : vector<16xi1>, vector<16xf32>
      %mul3A_361 = arith.constant 128 : i32
      %mul3A_362 = arith.muli %scan3A_266, %mul3A_361 : i32
      %add3A_363 = arith.constant 48 : i32
      %add3A_364 = arith.addi %mul3A_362, %add3A_363 : i32
      %swap3A_365 = arith.index_cast %add3A_364 : i32 to index
      %swap3A_366 = tpu.vector_load %arg12[%swap3A_365] {strides = array<i32>} : memref<4096xf32, #tpu.memory_space<vmem>>, vector<16xf32>,
      tpu.vector_store %arg12[%swap3A_365], %select_n3A_360 {strides = array<i32>} : memref<4096xf32, #tpu.memory_space<vmem>>, vector<16xf32>,
      %mul3A_367 = arith.constant 512 : i32
      %mul3A_368 = arith.muli %scan3A_266, %mul3A_367 : i32
      %add3A_369 = arith.constant 256 : i32
      %add3A_370 = arith.addi %mul3A_368, %add3A_369 : i32
      %add3A_371 = arith.constant 64 : i32
      %add3A_372 = arith.addi %add3A_370, %add3A_371 : i32
      %get3A_373 = arith.index_cast %add3A_372 : i32 to index
      %get3A_374 = tpu.vector_load %arg5[%get3A_373] {strides = array<i32>} : memref<16384xf32, #tpu.memory_space<vmem>>, vector<16xf32>,
      %mul3A_375 = arith.constant 128 : i32
      %mul3A_376 = arith.muli %scan3A_266, %mul3A_375 : i32
      %add3A_377 = arith.constant 64 : i32
      %add3A_378 = arith.addi %mul3A_376, %add3A_377 : i32
      %get3A_379 = arith.index_cast %add3A_378 : i32 to index
      %get3A_380 = tpu.vector_load %arg10[%get3A_379] {strides = array<i32>} : memref<4096xf32, #tpu.memory_space<vmem>>, vector<16xf32>,
      %le3A_381 = arith.cmpf ole, %get3A_374, %get3A_380 : vector<16xf32>
      %jit3A_382 = arith.constant 1.000000e+00 : f32
      %jit3A_383 = arith.constant 0.000000e+00 : f32
      %broadcast_in_dim3A_384 = vector.broadcast %jit3A_382 : f32 to vector<16xf32>
      %broadcast_in_dim3A_385 = vector.broadcast %jit3A_383 : f32 to vector<16xf32>
      %select_n3A_386 = arith.select %le3A_381, %broadcast_in_dim3A_384, %broadcast_in_dim3A_385 : vector<16xi1>, vector<16xf32>
      %mul3A_387 = arith.constant 128 : i32
      %mul3A_388 = arith.muli %scan3A_266, %mul3A_387 : i32
      %add3A_389 = arith.constant 64 : i32
      %add3A_390 = arith.addi %mul3A_388, %add3A_389 : i32
      %swap3A_391 = arith.index_cast %add3A_390 : i32 to index
      %swap3A_392 = tpu.vector_load %arg12[%swap3A_391] {strides = array<i32>} : memref<4096xf32, #tpu.memory_space<vmem>>, vector<16xf32>,
      tpu.vector_store %arg12[%swap3A_391], %select_n3A_386 {strides = array<i32>} : memref<4096xf32, #tpu.memory_space<vmem>>, vector<16xf32>,
      %mul3A_393 = arith.constant 512 : i32
      %mul3A_394 = arith.muli %scan3A_266, %mul3A_393 : i32
      %add3A_395 = arith.constant 256 : i32
      %add3A_396 = arith.addi %mul3A_394, %add3A_395 : i32
      %add3A_397 = arith.constant 80 : i32
      %add3A_398 = arith.addi %add3A_396, %add3A_397 : i32
      %get3A_399 = arith.index_cast %add3A_398 : i32 to index
      %get3A_400 = tpu.vector_load %arg5[%get3A_399] {strides = array<i32>} : memref<16384xf32, #tpu.memory_space<vmem>>, vector<16xf32>,
      %mul3A_401 = arith.constant 128 : i32
      %mul3A_402 = arith.muli %scan3A_266, %mul3A_401 : i32
      %add3A_403 = arith.constant 80 : i32
      %add3A_404 = arith.addi %mul3A_402, %add3A_403 : i32
      %get3A_405 = arith.index_cast %add3A_404 : i32 to index
      %get3A_406 = tpu.vector_load %arg10[%get3A_405] {strides = array<i32>} : memref<4096xf32, #tpu.memory_space<vmem>>, vector<16xf32>,
      %le3A_407 = arith.cmpf ole, %get3A_400, %get3A_406 : vector<16xf32>
      %jit3A_408 = arith.constant 1.000000e+00 : f32
      %jit3A_409 = arith.constant 0.000000e+00 : f32
      %broadcast_in_dim3A_410 = vector.broadcast %jit3A_408 : f32 to vector<16xf32>
      %broadcast_in_dim3A_411 = vector.broadcast %jit3A_409 : f32 to vector<16xf32>
      %select_n3A_412 = arith.select %le3A_407, %broadcast_in_dim3A_410, %broadcast_in_dim3A_411 : vector<16xi1>, vector<16xf32>
      %mul3A_413 = arith.constant 128 : i32
      %mul3A_414 = arith.muli %scan3A_266, %mul3A_413 : i32
      %add3A_415 = arith.constant 80 : i32
      %add3A_416 = arith.addi %mul3A_414, %add3A_415 : i32
      %swap3A_417 = arith.index_cast %add3A_416 : i32 to index
      %swap3A_418 = tpu.vector_load %arg12[%swap3A_417] {strides = array<i32>} : memref<4096xf32, #tpu.memory_space<vmem>>, vector<16xf32>,
      tpu.vector_store %arg12[%swap3A_417], %select_n3A_412 {strides = array<i32>} : memref<4096xf32, #tpu.memory_space<vmem>>, vector<16xf32>,
      %mul3A_419 = arith.constant 512 : i32
      %mul3A_420 = arith.muli %scan3A_266, %mul3A_419 : i32
      %add3A_421 = arith.constant 256 : i32
      %add3A_422 = arith.addi %mul3A_420, %add3A_421 : i32
      %add3A_423 = arith.constant 96 : i32
      %add3A_424 = arith.addi %add3A_422, %add3A_423 : i32
      %get3A_425 = arith.index_cast %add3A_424 : i32 to index
      %get3A_426 = tpu.vector_load %arg5[%get3A_425] {strides = array<i32>} : memref<16384xf32, #tpu.memory_space<vmem>>, vector<16xf32>,
      %mul3A_427 = arith.constant 128 : i32
      %mul3A_428 = arith.muli %scan3A_266, %mul3A_427 : i32
      %add3A_429 = arith.constant 96 : i32
      %add3A_430 = arith.addi %mul3A_428, %add3A_429 : i32
      %get3A_431 = arith.index_cast %add3A_430 : i32 to index
      %get3A_432 = tpu.vector_load %arg10[%get3A_431] {strides = array<i32>} : memref<4096xf32, #tpu.memory_space<vmem>>, vector<16xf32>,
      %le3A_433 = arith.cmpf ole, %get3A_426, %get3A_432 : vector<16xf32>
      %jit3A_434 = arith.constant 1.000000e+00 : f32
      %jit3A_435 = arith.constant 0.000000e+00 : f32
      %broadcast_in_dim3A_436 = vector.broadcast %jit3A_434 : f32 to vector<16xf32>
      %broadcast_in_dim3A_437 = vector.broadcast %jit3A_435 : f32 to vector<16xf32>
      %select_n3A_438 = arith.select %le3A_433, %broadcast_in_dim3A_436, %broadcast_in_dim3A_437 : vector<16xi1>, vector<16xf32>
      %mul3A_439 = arith.constant 128 : i32
      %mul3A_440 = arith.muli %scan3A_266, %mul3A_439 : i32
      %add3A_441 = arith.constant 96 : i32
      %add3A_442 = arith.addi %mul3A_440, %add3A_441 : i32
      %swap3A_443 = arith.index_cast %add3A_442 : i32 to index
      %swap3A_444 = tpu.vector_load %arg12[%swap3A_443] {strides = array<i32>} : memref<4096xf32, #tpu.memory_space<vmem>>, vector<16xf32>,
      tpu.vector_store %arg12[%swap3A_443], %select_n3A_438 {strides = array<i32>} : memref<4096xf32, #tpu.memory_space<vmem>>, vector<16xf32>,
      %mul3A_445 = arith.constant 512 : i32
      %mul3A_446 = arith.muli %scan3A_266, %mul3A_445 : i32
      %add3A_447 = arith.constant 256 : i32
      %add3A_448 = arith.addi %mul3A_446, %add3A_447 : i32
      %add3A_449 = arith.constant 112 : i32
      %add3A_450 = arith.addi %add3A_448, %add3A_449 : i32
      %get3A_451 = arith.index_cast %add3A_450 : i32 to index
      %get3A_452 = tpu.vector_load %arg5[%get3A_451] {strides = array<i32>} : memref<16384xf32, #tpu.memory_space<vmem>>, vector<16xf32>,
      %mul3A_453 = arith.constant 128 : i32
      %mul3A_454 = arith.muli %scan3A_266, %mul3A_453 : i32
      %add3A_455 = arith.constant 112 : i32
      %add3A_456 = arith.addi %mul3A_454, %add3A_455 : i32
      %get3A_457 = arith.index_cast %add3A_456 : i32 to index
      %get3A_458 = tpu.vector_load %arg10[%get3A_457] {strides = array<i32>} : memref<4096xf32, #tpu.memory_space<vmem>>, vector<16xf32>,
      %le3A_459 = arith.cmpf ole, %get3A_452, %get3A_458 : vector<16xf32>
      %jit3A_460 = arith.constant 1.000000e+00 : f32
      %jit3A_461 = arith.constant 0.000000e+00 : f32
      %broadcast_in_dim3A_462 = vector.broadcast %jit3A_460 : f32 to vector<16xf32>
      %broadcast_in_dim3A_463 = vector.broadcast %jit3A_461 : f32 to vector<16xf32>
      %select_n3A_464 = arith.select %le3A_459, %broadcast_in_dim3A_462, %broadcast_in_dim3A_463 : vector<16xi1>, vector<16xf32>
      %mul3A_465 = arith.constant 128 : i32
      %mul3A_466 = arith.muli %scan3A_266, %mul3A_465 : i32
      %add3A_467 = arith.constant 112 : i32
      %add3A_468 = arith.addi %mul3A_466, %add3A_467 : i32
      %swap3A_469 = arith.index_cast %add3A_468 : i32 to index
      %swap3A_470 = tpu.vector_load %arg12[%swap3A_469] {strides = array<i32>} : memref<4096xf32, #tpu.memory_space<vmem>>, vector<16xf32>,
      tpu.vector_store %arg12[%swap3A_469], %select_n3A_464 {strides = array<i32>} : memref<4096xf32, #tpu.memory_space<vmem>>, vector<16xf32>,
    }
    %scan3A_107 = arith.constant 16 : i32
    %add3A_108 = arith.constant 0 : i32
    %add3A_109 = arith.addi %mul3A_2, %add3A_108 : i32
    %dma_start3A_110 = tpu.memref_slice %arg4[%add3A_109] : memref<524288xf32, #tpu.memory_space<hbm>> -> memref<4096xf32, #tpu.memory_space<hbm>>
    %dma_start3A_111 = tpu.memref_slice %arg4[%add3A_109] : memref<524288xf32, #tpu.memory_space<hbm>> -> memref<4096xf32, #tpu.memory_space<hbm>>
    tpu.enqueue_dma source(%arg12 : memref<4096xf32, #tpu.memory_space<vmem>>) target(%dma_start3A_111 : memref<4096xf32, #tpu.memory_space<hbm>>) target_semaphore(%arg18 : memref<!tpu.dma_semaphore, #tpu.memory_space<semaphore_mem>>)
    %add3A_112 = arith.constant 8192 : i32
    %add3A_113 = arith.addi %mul3A_2, %add3A_112 : i32
    %mul3A_114 = arith.constant 4 : i32
    %mul3A_115 = arith.muli %add3A_113, %mul3A_114 : i32
    %dma_wait3A_116 = tpu.memref_slice %arg2[%mul3A_115] : memref<2097152xf32, #tpu.memory_space<hbm>> -> memref<16384xf32, #tpu.memory_space<hbm>>
    %dma_wait3A_117 = tpu.memref_slice %arg2[%mul3A_115] : memref<2097152xf32, #tpu.memory_space<hbm>> -> memref<16384xf32, #tpu.memory_space<hbm>>
    tpu.wait_dma2 semaphore(%arg14 : memref<!tpu.dma_semaphore, #tpu.memory_space<semaphore_mem>>) src(%dma_wait3A_117 : memref<16384xf32, #tpu.memory_space<hbm>>) dst(%arg7 : memref<16384xf32, #tpu.memory_space<vmem>>)
    %add3A_118 = arith.constant 12288 : i32
    %add3A_119 = arith.addi %mul3A_2, %add3A_118 : i32
    %mul3A_120 = arith.constant 4 : i32
    %mul3A_121 = arith.muli %add3A_119, %mul3A_120 : i32
    %dma_start3A_122 = tpu.memref_slice %arg2[%mul3A_121] : memref<2097152xf32, #tpu.memory_space<hbm>> -> memref<16384xf32, #tpu.memory_space<hbm>>
    %dma_start3A_123 = tpu.memref_slice %arg2[%mul3A_121] : memref<2097152xf32, #tpu.memory_space<hbm>> -> memref<16384xf32, #tpu.memory_space<hbm>>
    tpu.enqueue_dma source(%dma_start3A_123 : memref<16384xf32, #tpu.memory_space<hbm>>) target(%arg5 : memref<16384xf32, #tpu.memory_space<vmem>>) target_semaphore(%arg15 : memref<!tpu.dma_semaphore, #tpu.memory_space<semaphore_mem>>)
    %scan3A_124 = arith.constant 0 : i32
    %scan3A_125 = arith.constant 0 : i32
    %scan3A_126 = arith.constant 32 : i32
    %scan3A_127 = arith.addi %scan3A_125, %scan3A_126 : i32
    %scan3A_128 = arith.constant 1 : i32
    scf.for %scan3A_266 = %scan3A_125 to %scan3A_127 step %scan3A_128  : i32 {
      %mul3A_267 = arith.constant 512 : i32
      %mul3A_268 = arith.muli %scan3A_266, %mul3A_267 : i32
      %add3A_269 = arith.constant 0 : i32
      %add3A_270 = arith.addi %mul3A_268, %add3A_269 : i32
      %get3A = arith.index_cast %add3A_270 : i32 to index
      %get3A_271 = tpu.vector_load %arg7[%get3A] {strides = array<i32>} : memref<16384xf32, #tpu.memory_space<vmem>>, vector<16xf32>,
      %add3A_272 = arith.constant 128 : i32
      %add3A_273 = arith.addi %add3A_270, %add3A_272 : i32
      %get3A_274 = arith.index_cast %add3A_273 : i32 to index
      %get3A_275 = tpu.vector_load %arg7[%get3A_274] {strides = array<i32>} : memref<16384xf32, #tpu.memory_space<vmem>>, vector<16xf32>,
      %mul3A_276 = arith.constant 5.110000e+02 : f32
      %mul3A_277 = vector.broadcast %mul3A_276 : f32 to vector<16xf32>
      %mul3A_278 = arith.mulf %get3A_271, %mul3A_277 : vector<16xf32>
      %convert_element_type3A = arith.fptosi %mul3A_278 : vector<16xf32> to vector<16xi32>
      %mul3A_279 = arith.constant 5.110000e+02 : f32
      %mul3A_280 = vector.broadcast %mul3A_279 : f32 to vector<16xf32>
      %mul3A_281 = arith.mulf %get3A_275, %mul3A_280 : vector<16xf32>
      %convert_element_type3A_282 = arith.fptosi %mul3A_281 : vector<16xf32> to vector<16xi32>
      %shift_right_arithmetic3A = arith.constant 3 : i32
      %shift_right_arithmetic3A_283 = vector.broadcast %shift_right_arithmetic3A : i32 to vector<16xi32>
      %shift_right_arithmetic3A_284 = arith.shrsi %convert_element_type3A_282, %shift_right_arithmetic3A_283 : vector<16xi32>
      %mul3A_285 = arith.constant 3072 : i32
      %mul3A_286 = vector.broadcast %mul3A_285 : i32 to vector<16xi32>
      %mul3A_287 = arith.muli %shift_right_arithmetic3A_284, %mul3A_286 : vector<16xi32>
      %add3A_288 = vector.broadcast %mul3A_20 : i32 to vector<16xi32>
      %add3A_289 = arith.addi %add3A_288, %mul3A_287 : vector<16xi32>
      %shift_left3A = arith.constant 7 : i32
      %shift_left3A_290 = vector.broadcast %shift_left3A : i32 to vector<16xi32>
      %shift_left3A_291 = arith.shli %convert_element_type3A_282, %shift_left3A_290 : vector<16xi32>
      %add3A_292 = arith.addi %add3A_289, %shift_left3A_291 : vector<16xi32>
      %shift_right_arithmetic3A_293 = arith.constant 7 : i32
      %shift_right_arithmetic3A_294 = vector.broadcast %shift_right_arithmetic3A_293 : i32 to vector<16xi32>
      %shift_right_arithmetic3A_295 = arith.shrsi %convert_element_type3A, %shift_right_arithmetic3A_294 : vector<16xi32>
      %mul3A_296 = arith.constant 896 : i32
      %mul3A_297 = vector.broadcast %mul3A_296 : i32 to vector<16xi32>
      %mul3A_298 = arith.muli %shift_right_arithmetic3A_295, %mul3A_297 : vector<16xi32>
      %add3A_299 = arith.addi %add3A_292, %mul3A_298 : vector<16xi32>
      %add3A_300 = arith.addi %add3A_299, %convert_element_type3A : vector<16xi32>
      %mul3A_301 = arith.constant 128 : i32
      %mul3A_302 = arith.muli %scan3A_266, %mul3A_301 : i32
      %add3A_303 = arith.constant 0 : i32
      %add3A_304 = arith.addi %mul3A_302, %add3A_303 : i32
      %swap3A = arith.index_cast %add3A_304 : i32 to index
      %swap3A_305 = tpu.vector_load %arg8[%swap3A] {strides = array<i32>} : memref<4096xi32, #tpu.memory_space<vmem>>, vector<16xi32>,
      tpu.vector_store %arg8[%swap3A], %add3A_300 {strides = array<i32>} : memref<4096xi32, #tpu.memory_space<vmem>>, vector<16xi32>,
      %mul3A_306 = arith.constant 512 : i32
      %mul3A_307 = arith.muli %scan3A_266, %mul3A_306 : i32
      %add3A_308 = arith.constant 16 : i32
      %add3A_309 = arith.addi %mul3A_307, %add3A_308 : i32
      %get3A_310 = arith.index_cast %add3A_309 : i32 to index
      %get3A_311 = tpu.vector_load %arg7[%get3A_310] {strides = array<i32>} : memref<16384xf32, #tpu.memory_space<vmem>>, vector<16xf32>,
      %add3A_312 = arith.constant 128 : i32
      %add3A_313 = arith.addi %add3A_309, %add3A_312 : i32
      %get3A_314 = arith.index_cast %add3A_313 : i32 to index
      %get3A_315 = tpu.vector_load %arg7[%get3A_314] {strides = array<i32>} : memref<16384xf32, #tpu.memory_space<vmem>>, vector<16xf32>,
      %mul3A_316 = arith.constant 5.110000e+02 : f32
      %mul3A_317 = vector.broadcast %mul3A_316 : f32 to vector<16xf32>
      %mul3A_318 = arith.mulf %get3A_311, %mul3A_317 : vector<16xf32>
      %convert_element_type3A_319 = arith.fptosi %mul3A_318 : vector<16xf32> to vector<16xi32>
      %mul3A_320 = arith.constant 5.110000e+02 : f32
      %mul3A_321 = vector.broadcast %mul3A_320 : f32 to vector<16xf32>
      %mul3A_322 = arith.mulf %get3A_315, %mul3A_321 : vector<16xf32>
      %convert_element_type3A_323 = arith.fptosi %mul3A_322 : vector<16xf32> to vector<16xi32>
      %shift_right_arithmetic3A_324 = arith.constant 3 : i32
      %shift_right_arithmetic3A_325 = vector.broadcast %shift_right_arithmetic3A_324 : i32 to vector<16xi32>
      %shift_right_arithmetic3A_326 = arith.shrsi %convert_element_type3A_323, %shift_right_arithmetic3A_325 : vector<16xi32>
      %mul3A_327 = arith.constant 3072 : i32
      %mul3A_328 = vector.broadcast %mul3A_327 : i32 to vector<16xi32>
      %mul3A_329 = arith.muli %shift_right_arithmetic3A_326, %mul3A_328 : vector<16xi32>
      %add3A_330 = vector.broadcast %mul3A_20 : i32 to vector<16xi32>
      %add3A_331 = arith.addi %add3A_330, %mul3A_329 : vector<16xi32>
      %shift_left3A_332 = arith.constant 7 : i32
      %shift_left3A_333 = vector.broadcast %shift_left3A_332 : i32 to vector<16xi32>
      %shift_left3A_334 = arith.shli %convert_element_type3A_323, %shift_left3A_333 : vector<16xi32>
      %add3A_335 = arith.addi %add3A_331, %shift_left3A_334 : vector<16xi32>
      %shift_right_arithmetic3A_336 = arith.constant 7 : i32
      %shift_right_arithmetic3A_337 = vector.broadcast %shift_right_arithmetic3A_336 : i32 to vector<16xi32>
      %shift_right_arithmetic3A_338 = arith.shrsi %convert_element_type3A_319, %shift_right_arithmetic3A_337 : vector<16xi32>
      %mul3A_339 = arith.constant 896 : i32
      %mul3A_340 = vector.broadcast %mul3A_339 : i32 to vector<16xi32>
      %mul3A_341 = arith.muli %shift_right_arithmetic3A_338, %mul3A_340 : vector<16xi32>
      %add3A_342 = arith.addi %add3A_335, %mul3A_341 : vector<16xi32>
      %add3A_343 = arith.addi %add3A_342, %convert_element_type3A_319 : vector<16xi32>
      %mul3A_344 = arith.constant 128 : i32
      %mul3A_345 = arith.muli %scan3A_266, %mul3A_344 : i32
      %add3A_346 = arith.constant 16 : i32
      %add3A_347 = arith.addi %mul3A_345, %add3A_346 : i32
      %swap3A_348 = arith.index_cast %add3A_347 : i32 to index
      %swap3A_349 = tpu.vector_load %arg8[%swap3A_348] {strides = array<i32>} : memref<4096xi32, #tpu.memory_space<vmem>>, vector<16xi32>,
      tpu.vector_store %arg8[%swap3A_348], %add3A_343 {strides = array<i32>} : memref<4096xi32, #tpu.memory_space<vmem>>, vector<16xi32>,
      %mul3A_350 = arith.constant 512 : i32
      %mul3A_351 = arith.muli %scan3A_266, %mul3A_350 : i32
      %add3A_352 = arith.constant 32 : i32
      %add3A_353 = arith.addi %mul3A_351, %add3A_352 : i32
      %get3A_354 = arith.index_cast %add3A_353 : i32 to index
      %get3A_355 = tpu.vector_load %arg7[%get3A_354] {strides = array<i32>} : memref<16384xf32, #tpu.memory_space<vmem>>, vector<16xf32>,
      %add3A_356 = arith.constant 128 : i32
      %add3A_357 = arith.addi %add3A_353, %add3A_356 : i32
      %get3A_358 = arith.index_cast %add3A_357 : i32 to index
      %get3A_359 = tpu.vector_load %arg7[%get3A_358] {strides = array<i32>} : memref<16384xf32, #tpu.memory_space<vmem>>, vector<16xf32>,
      %mul3A_360 = arith.constant 5.110000e+02 : f32
      %mul3A_361 = vector.broadcast %mul3A_360 : f32 to vector<16xf32>
      %mul3A_362 = arith.mulf %get3A_355, %mul3A_361 : vector<16xf32>
      %convert_element_type3A_363 = arith.fptosi %mul3A_362 : vector<16xf32> to vector<16xi32>
      %mul3A_364 = arith.constant 5.110000e+02 : f32
      %mul3A_365 = vector.broadcast %mul3A_364 : f32 to vector<16xf32>
      %mul3A_366 = arith.mulf %get3A_359, %mul3A_365 : vector<16xf32>
      %convert_element_type3A_367 = arith.fptosi %mul3A_366 : vector<16xf32> to vector<16xi32>
      %shift_right_arithmetic3A_368 = arith.constant 3 : i32
      %shift_right_arithmetic3A_369 = vector.broadcast %shift_right_arithmetic3A_368 : i32 to vector<16xi32>
      %shift_right_arithmetic3A_370 = arith.shrsi %convert_element_type3A_367, %shift_right_arithmetic3A_369 : vector<16xi32>
      %mul3A_371 = arith.constant 3072 : i32
      %mul3A_372 = vector.broadcast %mul3A_371 : i32 to vector<16xi32>
      %mul3A_373 = arith.muli %shift_right_arithmetic3A_370, %mul3A_372 : vector<16xi32>
      %add3A_374 = vector.broadcast %mul3A_20 : i32 to vector<16xi32>
      %add3A_375 = arith.addi %add3A_374, %mul3A_373 : vector<16xi32>
      %shift_left3A_376 = arith.constant 7 : i32
      %shift_left3A_377 = vector.broadcast %shift_left3A_376 : i32 to vector<16xi32>
      %shift_left3A_378 = arith.shli %convert_element_type3A_367, %shift_left3A_377 : vector<16xi32>
      %add3A_379 = arith.addi %add3A_375, %shift_left3A_378 : vector<16xi32>
      %shift_right_arithmetic3A_380 = arith.constant 7 : i32
      %shift_right_arithmetic3A_381 = vector.broadcast %shift_right_arithmetic3A_380 : i32 to vector<16xi32>
      %shift_right_arithmetic3A_382 = arith.shrsi %convert_element_type3A_363, %shift_right_arithmetic3A_381 : vector<16xi32>
      %mul3A_383 = arith.constant 896 : i32
      %mul3A_384 = vector.broadcast %mul3A_383 : i32 to vector<16xi32>
      %mul3A_385 = arith.muli %shift_right_arithmetic3A_382, %mul3A_384 : vector<16xi32>
      %add3A_386 = arith.addi %add3A_379, %mul3A_385 : vector<16xi32>
      %add3A_387 = arith.addi %add3A_386, %convert_element_type3A_363 : vector<16xi32>
      %mul3A_388 = arith.constant 128 : i32
      %mul3A_389 = arith.muli %scan3A_266, %mul3A_388 : i32
      %add3A_390 = arith.constant 32 : i32
      %add3A_391 = arith.addi %mul3A_389, %add3A_390 : i32
      %swap3A_392 = arith.index_cast %add3A_391 : i32 to index
      %swap3A_393 = tpu.vector_load %arg8[%swap3A_392] {strides = array<i32>} : memref<4096xi32, #tpu.memory_space<vmem>>, vector<16xi32>,
      tpu.vector_store %arg8[%swap3A_392], %add3A_387 {strides = array<i32>} : memref<4096xi32, #tpu.memory_space<vmem>>, vector<16xi32>,
      %mul3A_394 = arith.constant 512 : i32
      %mul3A_395 = arith.muli %scan3A_266, %mul3A_394 : i32
      %add3A_396 = arith.constant 48 : i32
      %add3A_397 = arith.addi %mul3A_395, %add3A_396 : i32
      %get3A_398 = arith.index_cast %add3A_397 : i32 to index
      %get3A_399 = tpu.vector_load %arg7[%get3A_398] {strides = array<i32>} : memref<16384xf32, #tpu.memory_space<vmem>>, vector<16xf32>,
      %add3A_400 = arith.constant 128 : i32
      %add3A_401 = arith.addi %add3A_397, %add3A_400 : i32
      %get3A_402 = arith.index_cast %add3A_401 : i32 to index
      %get3A_403 = tpu.vector_load %arg7[%get3A_402] {strides = array<i32>} : memref<16384xf32, #tpu.memory_space<vmem>>, vector<16xf32>,
      %mul3A_404 = arith.constant 5.110000e+02 : f32
      %mul3A_405 = vector.broadcast %mul3A_404 : f32 to vector<16xf32>
      %mul3A_406 = arith.mulf %get3A_399, %mul3A_405 : vector<16xf32>
      %convert_element_type3A_407 = arith.fptosi %mul3A_406 : vector<16xf32> to vector<16xi32>
      %mul3A_408 = arith.constant 5.110000e+02 : f32
      %mul3A_409 = vector.broadcast %mul3A_408 : f32 to vector<16xf32>
      %mul3A_410 = arith.mulf %get3A_403, %mul3A_409 : vector<16xf32>
      %convert_element_type3A_411 = arith.fptosi %mul3A_410 : vector<16xf32> to vector<16xi32>
      %shift_right_arithmetic3A_412 = arith.constant 3 : i32
      %shift_right_arithmetic3A_413 = vector.broadcast %shift_right_arithmetic3A_412 : i32 to vector<16xi32>
      %shift_right_arithmetic3A_414 = arith.shrsi %convert_element_type3A_411, %shift_right_arithmetic3A_413 : vector<16xi32>
      %mul3A_415 = arith.constant 3072 : i32
      %mul3A_416 = vector.broadcast %mul3A_415 : i32 to vector<16xi32>
      %mul3A_417 = arith.muli %shift_right_arithmetic3A_414, %mul3A_416 : vector<16xi32>
      %add3A_418 = vector.broadcast %mul3A_20 : i32 to vector<16xi32>
      %add3A_419 = arith.addi %add3A_418, %mul3A_417 : vector<16xi32>
      %shift_left3A_420 = arith.constant 7 : i32
      %shift_left3A_421 = vector.broadcast %shift_left3A_420 : i32 to vector<16xi32>
      %shift_left3A_422 = arith.shli %convert_element_type3A_411, %shift_left3A_421 : vector<16xi32>
      %add3A_423 = arith.addi %add3A_419, %shift_left3A_422 : vector<16xi32>
      %shift_right_arithmetic3A_424 = arith.constant 7 : i32
      %shift_right_arithmetic3A_425 = vector.broadcast %shift_right_arithmetic3A_424 : i32 to vector<16xi32>
      %shift_right_arithmetic3A_426 = arith.shrsi %convert_element_type3A_407, %shift_right_arithmetic3A_425 : vector<16xi32>
      %mul3A_427 = arith.constant 896 : i32
      %mul3A_428 = vector.broadcast %mul3A_427 : i32 to vector<16xi32>
      %mul3A_429 = arith.muli %shift_right_arithmetic3A_426, %mul3A_428 : vector<16xi32>
      %add3A_430 = arith.addi %add3A_423, %mul3A_429 : vector<16xi32>
      %add3A_431 = arith.addi %add3A_430, %convert_element_type3A_407 : vector<16xi32>
      %mul3A_432 = arith.constant 128 : i32
      %mul3A_433 = arith.muli %scan3A_266, %mul3A_432 : i32
      %add3A_434 = arith.constant 48 : i32
      %add3A_435 = arith.addi %mul3A_433, %add3A_434 : i32
      %swap3A_436 = arith.index_cast %add3A_435 : i32 to index
      %swap3A_437 = tpu.vector_load %arg8[%swap3A_436] {strides = array<i32>} : memref<4096xi32, #tpu.memory_space<vmem>>, vector<16xi32>,
      tpu.vector_store %arg8[%swap3A_436], %add3A_431 {strides = array<i32>} : memref<4096xi32, #tpu.memory_space<vmem>>, vector<16xi32>,
      %mul3A_438 = arith.constant 512 : i32
      %mul3A_439 = arith.muli %scan3A_266, %mul3A_438 : i32
      %add3A_440 = arith.constant 64 : i32
      %add3A_441 = arith.addi %mul3A_439, %add3A_440 : i32
      %get3A_442 = arith.index_cast %add3A_441 : i32 to index
      %get3A_443 = tpu.vector_load %arg7[%get3A_442] {strides = array<i32>} : memref<16384xf32, #tpu.memory_space<vmem>>, vector<16xf32>,
      %add3A_444 = arith.constant 128 : i32
      %add3A_445 = arith.addi %add3A_441, %add3A_444 : i32
      %get3A_446 = arith.index_cast %add3A_445 : i32 to index
      %get3A_447 = tpu.vector_load %arg7[%get3A_446] {strides = array<i32>} : memref<16384xf32, #tpu.memory_space<vmem>>, vector<16xf32>,
      %mul3A_448 = arith.constant 5.110000e+02 : f32
      %mul3A_449 = vector.broadcast %mul3A_448 : f32 to vector<16xf32>
      %mul3A_450 = arith.mulf %get3A_443, %mul3A_449 : vector<16xf32>
      %convert_element_type3A_451 = arith.fptosi %mul3A_450 : vector<16xf32> to vector<16xi32>
      %mul3A_452 = arith.constant 5.110000e+02 : f32
      %mul3A_453 = vector.broadcast %mul3A_452 : f32 to vector<16xf32>
      %mul3A_454 = arith.mulf %get3A_447, %mul3A_453 : vector<16xf32>
      %convert_element_type3A_455 = arith.fptosi %mul3A_454 : vector<16xf32> to vector<16xi32>
      %shift_right_arithmetic3A_456 = arith.constant 3 : i32
      %shift_right_arithmetic3A_457 = vector.broadcast %shift_right_arithmetic3A_456 : i32 to vector<16xi32>
      %shift_right_arithmetic3A_458 = arith.shrsi %convert_element_type3A_455, %shift_right_arithmetic3A_457 : vector<16xi32>
      %mul3A_459 = arith.constant 3072 : i32
      %mul3A_460 = vector.broadcast %mul3A_459 : i32 to vector<16xi32>
      %mul3A_461 = arith.muli %shift_right_arithmetic3A_458, %mul3A_460 : vector<16xi32>
      %add3A_462 = vector.broadcast %mul3A_20 : i32 to vector<16xi32>
      %add3A_463 = arith.addi %add3A_462, %mul3A_461 : vector<16xi32>
      %shift_left3A_464 = arith.constant 7 : i32
      %shift_left3A_465 = vector.broadcast %shift_left3A_464 : i32 to vector<16xi32>
      %shift_left3A_466 = arith.shli %convert_element_type3A_455, %shift_left3A_465 : vector<16xi32>
      %add3A_467 = arith.addi %add3A_463, %shift_left3A_466 : vector<16xi32>
      %shift_right_arithmetic3A_468 = arith.constant 7 : i32
      %shift_right_arithmetic3A_469 = vector.broadcast %shift_right_arithmetic3A_468 : i32 to vector<16xi32>
      %shift_right_arithmetic3A_470 = arith.shrsi %convert_element_type3A_451, %shift_right_arithmetic3A_469 : vector<16xi32>
      %mul3A_471 = arith.constant 896 : i32
      %mul3A_472 = vector.broadcast %mul3A_471 : i32 to vector<16xi32>
      %mul3A_473 = arith.muli %shift_right_arithmetic3A_470, %mul3A_472 : vector<16xi32>
      %add3A_474 = arith.addi %add3A_467, %mul3A_473 : vector<16xi32>
      %add3A_475 = arith.addi %add3A_474, %convert_element_type3A_451 : vector<16xi32>
      %mul3A_476 = arith.constant 128 : i32
      %mul3A_477 = arith.muli %scan3A_266, %mul3A_476 : i32
      %add3A_478 = arith.constant 64 : i32
      %add3A_479 = arith.addi %mul3A_477, %add3A_478 : i32
      %swap3A_480 = arith.index_cast %add3A_479 : i32 to index
      %swap3A_481 = tpu.vector_load %arg8[%swap3A_480] {strides = array<i32>} : memref<4096xi32, #tpu.memory_space<vmem>>, vector<16xi32>,
      tpu.vector_store %arg8[%swap3A_480], %add3A_475 {strides = array<i32>} : memref<4096xi32, #tpu.memory_space<vmem>>, vector<16xi32>,
      %mul3A_482 = arith.constant 512 : i32
      %mul3A_483 = arith.muli %scan3A_266, %mul3A_482 : i32
      %add3A_484 = arith.constant 80 : i32
      %add3A_485 = arith.addi %mul3A_483, %add3A_484 : i32
      %get3A_486 = arith.index_cast %add3A_485 : i32 to index
      %get3A_487 = tpu.vector_load %arg7[%get3A_486] {strides = array<i32>} : memref<16384xf32, #tpu.memory_space<vmem>>, vector<16xf32>,
      %add3A_488 = arith.constant 128 : i32
      %add3A_489 = arith.addi %add3A_485, %add3A_488 : i32
      %get3A_490 = arith.index_cast %add3A_489 : i32 to index
      %get3A_491 = tpu.vector_load %arg7[%get3A_490] {strides = array<i32>} : memref<16384xf32, #tpu.memory_space<vmem>>, vector<16xf32>,
      %mul3A_492 = arith.constant 5.110000e+02 : f32
      %mul3A_493 = vector.broadcast %mul3A_492 : f32 to vector<16xf32>
      %mul3A_494 = arith.mulf %get3A_487, %mul3A_493 : vector<16xf32>
      %convert_element_type3A_495 = arith.fptosi %mul3A_494 : vector<16xf32> to vector<16xi32>
      %mul3A_496 = arith.constant 5.110000e+02 : f32
      %mul3A_497 = vector.broadcast %mul3A_496 : f32 to vector<16xf32>
      %mul3A_498 = arith.mulf %get3A_491, %mul3A_497 : vector<16xf32>
      %convert_element_type3A_499 = arith.fptosi %mul3A_498 : vector<16xf32> to vector<16xi32>
      %shift_right_arithmetic3A_500 = arith.constant 3 : i32
      %shift_right_arithmetic3A_501 = vector.broadcast %shift_right_arithmetic3A_500 : i32 to vector<16xi32>
      %shift_right_arithmetic3A_502 = arith.shrsi %convert_element_type3A_499, %shift_right_arithmetic3A_501 : vector<16xi32>
      %mul3A_503 = arith.constant 3072 : i32
      %mul3A_504 = vector.broadcast %mul3A_503 : i32 to vector<16xi32>
      %mul3A_505 = arith.muli %shift_right_arithmetic3A_502, %mul3A_504 : vector<16xi32>
      %add3A_506 = vector.broadcast %mul3A_20 : i32 to vector<16xi32>
      %add3A_507 = arith.addi %add3A_506, %mul3A_505 : vector<16xi32>
      %shift_left3A_508 = arith.constant 7 : i32
      %shift_left3A_509 = vector.broadcast %shift_left3A_508 : i32 to vector<16xi32>
      %shift_left3A_510 = arith.shli %convert_element_type3A_499, %shift_left3A_509 : vector<16xi32>
      %add3A_511 = arith.addi %add3A_507, %shift_left3A_510 : vector<16xi32>
      %shift_right_arithmetic3A_512 = arith.constant 7 : i32
      %shift_right_arithmetic3A_513 = vector.broadcast %shift_right_arithmetic3A_512 : i32 to vector<16xi32>
      %shift_right_arithmetic3A_514 = arith.shrsi %convert_element_type3A_495, %shift_right_arithmetic3A_513 : vector<16xi32>
      %mul3A_515 = arith.constant 896 : i32
      %mul3A_516 = vector.broadcast %mul3A_515 : i32 to vector<16xi32>
      %mul3A_517 = arith.muli %shift_right_arithmetic3A_514, %mul3A_516 : vector<16xi32>
      %add3A_518 = arith.addi %add3A_511, %mul3A_517 : vector<16xi32>
      %add3A_519 = arith.addi %add3A_518, %convert_element_type3A_495 : vector<16xi32>
      %mul3A_520 = arith.constant 128 : i32
      %mul3A_521 = arith.muli %scan3A_266, %mul3A_520 : i32
      %add3A_522 = arith.constant 80 : i32
      %add3A_523 = arith.addi %mul3A_521, %add3A_522 : i32
      %swap3A_524 = arith.index_cast %add3A_523 : i32 to index
      %swap3A_525 = tpu.vector_load %arg8[%swap3A_524] {strides = array<i32>} : memref<4096xi32, #tpu.memory_space<vmem>>, vector<16xi32>,
      tpu.vector_store %arg8[%swap3A_524], %add3A_519 {strides = array<i32>} : memref<4096xi32, #tpu.memory_space<vmem>>, vector<16xi32>,
      %mul3A_526 = arith.constant 512 : i32
      %mul3A_527 = arith.muli %scan3A_266, %mul3A_526 : i32
      %add3A_528 = arith.constant 96 : i32
      %add3A_529 = arith.addi %mul3A_527, %add3A_528 : i32
      %get3A_530 = arith.index_cast %add3A_529 : i32 to index
      %get3A_531 = tpu.vector_load %arg7[%get3A_530] {strides = array<i32>} : memref<16384xf32, #tpu.memory_space<vmem>>, vector<16xf32>,
      %add3A_532 = arith.constant 128 : i32
      %add3A_533 = arith.addi %add3A_529, %add3A_532 : i32
      %get3A_534 = arith.index_cast %add3A_533 : i32 to index
      %get3A_535 = tpu.vector_load %arg7[%get3A_534] {strides = array<i32>} : memref<16384xf32, #tpu.memory_space<vmem>>, vector<16xf32>,
      %mul3A_536 = arith.constant 5.110000e+02 : f32
      %mul3A_537 = vector.broadcast %mul3A_536 : f32 to vector<16xf32>
      %mul3A_538 = arith.mulf %get3A_531, %mul3A_537 : vector<16xf32>
      %convert_element_type3A_539 = arith.fptosi %mul3A_538 : vector<16xf32> to vector<16xi32>
      %mul3A_540 = arith.constant 5.110000e+02 : f32
      %mul3A_541 = vector.broadcast %mul3A_540 : f32 to vector<16xf32>
      %mul3A_542 = arith.mulf %get3A_535, %mul3A_541 : vector<16xf32>
      %convert_element_type3A_543 = arith.fptosi %mul3A_542 : vector<16xf32> to vector<16xi32>
      %shift_right_arithmetic3A_544 = arith.constant 3 : i32
      %shift_right_arithmetic3A_545 = vector.broadcast %shift_right_arithmetic3A_544 : i32 to vector<16xi32>
      %shift_right_arithmetic3A_546 = arith.shrsi %convert_element_type3A_543, %shift_right_arithmetic3A_545 : vector<16xi32>
      %mul3A_547 = arith.constant 3072 : i32
      %mul3A_548 = vector.broadcast %mul3A_547 : i32 to vector<16xi32>
      %mul3A_549 = arith.muli %shift_right_arithmetic3A_546, %mul3A_548 : vector<16xi32>
      %add3A_550 = vector.broadcast %mul3A_20 : i32 to vector<16xi32>
      %add3A_551 = arith.addi %add3A_550, %mul3A_549 : vector<16xi32>
      %shift_left3A_552 = arith.constant 7 : i32
      %shift_left3A_553 = vector.broadcast %shift_left3A_552 : i32 to vector<16xi32>
      %shift_left3A_554 = arith.shli %convert_element_type3A_543, %shift_left3A_553 : vector<16xi32>
      %add3A_555 = arith.addi %add3A_551, %shift_left3A_554 : vector<16xi32>
      %shift_right_arithmetic3A_556 = arith.constant 7 : i32
      %shift_right_arithmetic3A_557 = vector.broadcast %shift_right_arithmetic3A_556 : i32 to vector<16xi32>
      %shift_right_arithmetic3A_558 = arith.shrsi %convert_element_type3A_539, %shift_right_arithmetic3A_557 : vector<16xi32>
      %mul3A_559 = arith.constant 896 : i32
      %mul3A_560 = vector.broadcast %mul3A_559 : i32 to vector<16xi32>
      %mul3A_561 = arith.muli %shift_right_arithmetic3A_558, %mul3A_560 : vector<16xi32>
      %add3A_562 = arith.addi %add3A_555, %mul3A_561 : vector<16xi32>
      %add3A_563 = arith.addi %add3A_562, %convert_element_type3A_539 : vector<16xi32>
      %mul3A_564 = arith.constant 128 : i32
      %mul3A_565 = arith.muli %scan3A_266, %mul3A_564 : i32
      %add3A_566 = arith.constant 96 : i32
      %add3A_567 = arith.addi %mul3A_565, %add3A_566 : i32
      %swap3A_568 = arith.index_cast %add3A_567 : i32 to index
      %swap3A_569 = tpu.vector_load %arg8[%swap3A_568] {strides = array<i32>} : memref<4096xi32, #tpu.memory_space<vmem>>, vector<16xi32>,
      tpu.vector_store %arg8[%swap3A_568], %add3A_563 {strides = array<i32>} : memref<4096xi32, #tpu.memory_space<vmem>>, vector<16xi32>,
      %mul3A_570 = arith.constant 512 : i32
      %mul3A_571 = arith.muli %scan3A_266, %mul3A_570 : i32
      %add3A_572 = arith.constant 112 : i32
      %add3A_573 = arith.addi %mul3A_571, %add3A_572 : i32
      %get3A_574 = arith.index_cast %add3A_573 : i32 to index
      %get3A_575 = tpu.vector_load %arg7[%get3A_574] {strides = array<i32>} : memref<16384xf32, #tpu.memory_space<vmem>>, vector<16xf32>,
      %add3A_576 = arith.constant 128 : i32
      %add3A_577 = arith.addi %add3A_573, %add3A_576 : i32
      %get3A_578 = arith.index_cast %add3A_577 : i32 to index
      %get3A_579 = tpu.vector_load %arg7[%get3A_578] {strides = array<i32>} : memref<16384xf32, #tpu.memory_space<vmem>>, vector<16xf32>,
      %mul3A_580 = arith.constant 5.110000e+02 : f32
      %mul3A_581 = vector.broadcast %mul3A_580 : f32 to vector<16xf32>
      %mul3A_582 = arith.mulf %get3A_575, %mul3A_581 : vector<16xf32>
      %convert_element_type3A_583 = arith.fptosi %mul3A_582 : vector<16xf32> to vector<16xi32>
      %mul3A_584 = arith.constant 5.110000e+02 : f32
      %mul3A_585 = vector.broadcast %mul3A_584 : f32 to vector<16xf32>
      %mul3A_586 = arith.mulf %get3A_579, %mul3A_585 : vector<16xf32>
      %convert_element_type3A_587 = arith.fptosi %mul3A_586 : vector<16xf32> to vector<16xi32>
      %shift_right_arithmetic3A_588 = arith.constant 3 : i32
      %shift_right_arithmetic3A_589 = vector.broadcast %shift_right_arithmetic3A_588 : i32 to vector<16xi32>
      %shift_right_arithmetic3A_590 = arith.shrsi %convert_element_type3A_587, %shift_right_arithmetic3A_589 : vector<16xi32>
      %mul3A_591 = arith.constant 3072 : i32
      %mul3A_592 = vector.broadcast %mul3A_591 : i32 to vector<16xi32>
      %mul3A_593 = arith.muli %shift_right_arithmetic3A_590, %mul3A_592 : vector<16xi32>
      %add3A_594 = vector.broadcast %mul3A_20 : i32 to vector<16xi32>
      %add3A_595 = arith.addi %add3A_594, %mul3A_593 : vector<16xi32>
      %shift_left3A_596 = arith.constant 7 : i32
      %shift_left3A_597 = vector.broadcast %shift_left3A_596 : i32 to vector<16xi32>
      %shift_left3A_598 = arith.shli %convert_element_type3A_587, %shift_left3A_597 : vector<16xi32>
      %add3A_599 = arith.addi %add3A_595, %shift_left3A_598 : vector<16xi32>
      %shift_right_arithmetic3A_600 = arith.constant 7 : i32
      %shift_right_arithmetic3A_601 = vector.broadcast %shift_right_arithmetic3A_600 : i32 to vector<16xi32>
      %shift_right_arithmetic3A_602 = arith.shrsi %convert_element_type3A_583, %shift_right_arithmetic3A_601 : vector<16xi32>
      %mul3A_603 = arith.constant 896 : i32
      %mul3A_604 = vector.broadcast %mul3A_603 : i32 to vector<16xi32>
      %mul3A_605 = arith.muli %shift_right_arithmetic3A_602, %mul3A_604 : vector<16xi32>
      %add3A_606 = arith.addi %add3A_599, %mul3A_605 : vector<16xi32>
      %add3A_607 = arith.addi %add3A_606, %convert_element_type3A_583 : vector<16xi32>
      %mul3A_608 = arith.constant 128 : i32
      %mul3A_609 = arith.muli %scan3A_266, %mul3A_608 : i32
      %add3A_610 = arith.constant 112 : i32
      %add3A_611 = arith.addi %mul3A_609, %add3A_610 : i32
      %swap3A_612 = arith.index_cast %add3A_611 : i32 to index
      %swap3A_613 = tpu.vector_load %arg8[%swap3A_612] {strides = array<i32>} : memref<4096xi32, #tpu.memory_space<vmem>>, vector<16xi32>,
      tpu.vector_store %arg8[%swap3A_612], %add3A_607 {strides = array<i32>} : memref<4096xi32, #tpu.memory_space<vmem>>, vector<16xi32>,
    }
    %scan3A_129 = arith.constant 32 : i32
    %dma_wait3A_130 = arith.constant 0 : i32
    %dma_wait3A_131 = tpu.memref_slice %arg11[%dma_wait3A_130] : memref<4096xf32, #tpu.memory_space<vmem>> -> memref<2048xf32, #tpu.memory_space<vmem>>
    %dma_wait3A_132 = arith.constant 0 : i32
    %dma_wait3A_133 = tpu.memref_slice %arg9[%dma_wait3A_132] : memref<4096xi32, #tpu.memory_space<vmem>> -> memref<2048xi32, #tpu.memory_space<vmem>>
    %dma_wait3A_134 = arith.constant 0 : i32
    %dma_wait3A_135 = tpu.memref_slice %arg3[%dma_wait3A_134] : memref<2097152xf32, #tpu.memory_space<hbm>> -> memref<2097152xf32, #tpu.memory_space<hbm>>
    tpu.wait_indirect_dma semaphore(%arg16 : memref<!tpu.dma_semaphore, #tpu.memory_space<semaphore_mem>>) src(%dma_wait3A_135 : memref<2097152xf32, #tpu.memory_space<hbm>>) dst(%dma_wait3A_131 : memref<2048xf32, #tpu.memory_space<vmem>>)
    %dma_start3A_136 = arith.constant 0 : i32
    %dma_start3A_137 = tpu.memref_slice %arg10[%dma_start3A_136] : memref<4096xf32, #tpu.memory_space<vmem>> -> memref<2048xf32, #tpu.memory_space<vmem>>
    %dma_start3A_138 = arith.constant 0 : i32
    %dma_start3A_139 = tpu.memref_slice %arg8[%dma_start3A_138] : memref<4096xi32, #tpu.memory_space<vmem>> -> memref<2048xi32, #tpu.memory_space<vmem>>
    %dma_start3A_140 = arith.constant 0 : i32
    %dma_start3A_141 = tpu.memref_slice %arg3[%dma_start3A_140] : memref<2097152xf32, #tpu.memory_space<hbm>> -> memref<2097152xf32, #tpu.memory_space<hbm>>
    tpu.enqueue_indirect_dma source(%dma_start3A_141 : memref<2097152xf32, #tpu.memory_space<hbm>>) target(%dma_start3A_137 : memref<2048xf32, #tpu.memory_space<vmem>>) offsets(%dma_start3A_139 : memref<2048xi32, #tpu.memory_space<vmem>>) semaphore(%arg16 : memref<!tpu.dma_semaphore, #tpu.memory_space<semaphore_mem>>)
    %dma_start3A_142 = arith.constant 2048 : i32
    %dma_start3A_143 = tpu.memref_slice %arg10[%dma_start3A_142] : memref<4096xf32, #tpu.memory_space<vmem>> -> memref<2048xf32, #tpu.memory_space<vmem>>
    %dma_start3A_144 = arith.constant 2048 : i32
    %dma_start3A_145 = tpu.memref_slice %arg8[%dma_start3A_144] : memref<4096xi32, #tpu.memory_space<vmem>> -> memref<2048xi32, #tpu.memory_space<vmem>>
    %dma_start3A_146 = arith.constant 0 : i32
    %dma_start3A_147 = tpu.memref_slice %arg3[%dma_start3A_146] : memref<2097152xf32, #tpu.memory_space<hbm>> -> memref<2097152xf32, #tpu.memory_space<hbm>>
    tpu.enqueue_indirect_dma source(%dma_start3A_147 : memref<2097152xf32, #tpu.memory_space<hbm>>) target(%dma_start3A_143 : memref<2048xf32, #tpu.memory_space<vmem>>) offsets(%dma_start3A_145 : memref<2048xi32, #tpu.memory_space<vmem>>) semaphore(%arg17 : memref<!tpu.dma_semaphore, #tpu.memory_space<semaphore_mem>>)
    %scan3A_148 = arith.constant 0 : i32
    %scan3A_149 = arith.constant 0 : i32
    %scan3A_150 = arith.constant 16 : i32
    %scan3A_151 = arith.addi %scan3A_149, %scan3A_150 : i32
    %scan3A_152 = arith.constant 1 : i32
    scf.for %scan3A_266 = %scan3A_149 to %scan3A_151 step %scan3A_152  : i32 {
      %mul3A_267 = arith.constant 512 : i32
      %mul3A_268 = arith.muli %scan3A_266, %mul3A_267 : i32
      %add3A_269 = arith.constant 256 : i32
      %add3A_270 = arith.addi %mul3A_268, %add3A_269 : i32
      %add3A_271 = arith.constant 0 : i32
      %add3A_272 = arith.addi %add3A_270, %add3A_271 : i32
      %get3A = arith.index_cast %add3A_272 : i32 to index
      %get3A_273 = tpu.vector_load %arg6[%get3A] {strides = array<i32>} : memref<16384xf32, #tpu.memory_space<vmem>>, vector<16xf32>,
      %mul3A_274 = arith.constant 128 : i32
      %mul3A_275 = arith.muli %scan3A_266, %mul3A_274 : i32
      %add3A_276 = arith.constant 0 : i32
      %add3A_277 = arith.addi %mul3A_275, %add3A_276 : i32
      %get3A_278 = arith.index_cast %add3A_277 : i32 to index
      %get3A_279 = tpu.vector_load %arg11[%get3A_278] {strides = array<i32>} : memref<4096xf32, #tpu.memory_space<vmem>>, vector<16xf32>,
      %le3A = arith.cmpf ole, %get3A_273, %get3A_279 : vector<16xf32>
      %jit3A_280 = arith.constant 1.000000e+00 : f32
      %jit3A_281 = arith.constant 0.000000e+00 : f32
      %broadcast_in_dim3A = vector.broadcast %jit3A_280 : f32 to vector<16xf32>
      %broadcast_in_dim3A_282 = vector.broadcast %jit3A_281 : f32 to vector<16xf32>
      %select_n3A_283 = arith.select %le3A, %broadcast_in_dim3A, %broadcast_in_dim3A_282 : vector<16xi1>, vector<16xf32>
      %mul3A_284 = arith.constant 128 : i32
      %mul3A_285 = arith.muli %scan3A_266, %mul3A_284 : i32
      %add3A_286 = arith.constant 0 : i32
      %add3A_287 = arith.addi %mul3A_285, %add3A_286 : i32
      %swap3A = arith.index_cast %add3A_287 : i32 to index
      %swap3A_288 = tpu.vector_load %arg13[%swap3A] {strides = array<i32>} : memref<4096xf32, #tpu.memory_space<vmem>>, vector<16xf32>,
      tpu.vector_store %arg13[%swap3A], %select_n3A_283 {strides = array<i32>} : memref<4096xf32, #tpu.memory_space<vmem>>, vector<16xf32>,
      %mul3A_289 = arith.constant 512 : i32
      %mul3A_290 = arith.muli %scan3A_266, %mul3A_289 : i32
      %add3A_291 = arith.constant 256 : i32
      %add3A_292 = arith.addi %mul3A_290, %add3A_291 : i32
      %add3A_293 = arith.constant 16 : i32
      %add3A_294 = arith.addi %add3A_292, %add3A_293 : i32
      %get3A_295 = arith.index_cast %add3A_294 : i32 to index
      %get3A_296 = tpu.vector_load %arg6[%get3A_295] {strides = array<i32>} : memref<16384xf32, #tpu.memory_space<vmem>>, vector<16xf32>,
      %mul3A_297 = arith.constant 128 : i32
      %mul3A_298 = arith.muli %scan3A_266, %mul3A_297 : i32
      %add3A_299 = arith.constant 16 : i32
      %add3A_300 = arith.addi %mul3A_298, %add3A_299 : i32
      %get3A_301 = arith.index_cast %add3A_300 : i32 to index
      %get3A_302 = tpu.vector_load %arg11[%get3A_301] {strides = array<i32>} : memref<4096xf32, #tpu.memory_space<vmem>>, vector<16xf32>,
      %le3A_303 = arith.cmpf ole, %get3A_296, %get3A_302 : vector<16xf32>
      %jit3A_304 = arith.constant 1.000000e+00 : f32
      %jit3A_305 = arith.constant 0.000000e+00 : f32
      %broadcast_in_dim3A_306 = vector.broadcast %jit3A_304 : f32 to vector<16xf32>
      %broadcast_in_dim3A_307 = vector.broadcast %jit3A_305 : f32 to vector<16xf32>
      %select_n3A_308 = arith.select %le3A_303, %broadcast_in_dim3A_306, %broadcast_in_dim3A_307 : vector<16xi1>, vector<16xf32>
      %mul3A_309 = arith.constant 128 : i32
      %mul3A_310 = arith.muli %scan3A_266, %mul3A_309 : i32
      %add3A_311 = arith.constant 16 : i32
      %add3A_312 = arith.addi %mul3A_310, %add3A_311 : i32
      %swap3A_313 = arith.index_cast %add3A_312 : i32 to index
      %swap3A_314 = tpu.vector_load %arg13[%swap3A_313] {strides = array<i32>} : memref<4096xf32, #tpu.memory_space<vmem>>, vector<16xf32>,
      tpu.vector_store %arg13[%swap3A_313], %select_n3A_308 {strides = array<i32>} : memref<4096xf32, #tpu.memory_space<vmem>>, vector<16xf32>,
      %mul3A_315 = arith.constant 512 : i32
      %mul3A_316 = arith.muli %scan3A_266, %mul3A_315 : i32
      %add3A_317 = arith.constant 256 : i32
      %add3A_318 = arith.addi %mul3A_316, %add3A_317 : i32
      %add3A_319 = arith.constant 32 : i32
      %add3A_320 = arith.addi %add3A_318, %add3A_319 : i32
      %get3A_321 = arith.index_cast %add3A_320 : i32 to index
      %get3A_322 = tpu.vector_load %arg6[%get3A_321] {strides = array<i32>} : memref<16384xf32, #tpu.memory_space<vmem>>, vector<16xf32>,
      %mul3A_323 = arith.constant 128 : i32
      %mul3A_324 = arith.muli %scan3A_266, %mul3A_323 : i32
      %add3A_325 = arith.constant 32 : i32
      %add3A_326 = arith.addi %mul3A_324, %add3A_325 : i32
      %get3A_327 = arith.index_cast %add3A_326 : i32 to index
      %get3A_328 = tpu.vector_load %arg11[%get3A_327] {strides = array<i32>} : memref<4096xf32, #tpu.memory_space<vmem>>, vector<16xf32>,
      %le3A_329 = arith.cmpf ole, %get3A_322, %get3A_328 : vector<16xf32>
      %jit3A_330 = arith.constant 1.000000e+00 : f32
      %jit3A_331 = arith.constant 0.000000e+00 : f32
      %broadcast_in_dim3A_332 = vector.broadcast %jit3A_330 : f32 to vector<16xf32>
      %broadcast_in_dim3A_333 = vector.broadcast %jit3A_331 : f32 to vector<16xf32>
      %select_n3A_334 = arith.select %le3A_329, %broadcast_in_dim3A_332, %broadcast_in_dim3A_333 : vector<16xi1>, vector<16xf32>
      %mul3A_335 = arith.constant 128 : i32
      %mul3A_336 = arith.muli %scan3A_266, %mul3A_335 : i32
      %add3A_337 = arith.constant 32 : i32
      %add3A_338 = arith.addi %mul3A_336, %add3A_337 : i32
      %swap3A_339 = arith.index_cast %add3A_338 : i32 to index
      %swap3A_340 = tpu.vector_load %arg13[%swap3A_339] {strides = array<i32>} : memref<4096xf32, #tpu.memory_space<vmem>>, vector<16xf32>,
      tpu.vector_store %arg13[%swap3A_339], %select_n3A_334 {strides = array<i32>} : memref<4096xf32, #tpu.memory_space<vmem>>, vector<16xf32>,
      %mul3A_341 = arith.constant 512 : i32
      %mul3A_342 = arith.muli %scan3A_266, %mul3A_341 : i32
      %add3A_343 = arith.constant 256 : i32
      %add3A_344 = arith.addi %mul3A_342, %add3A_343 : i32
      %add3A_345 = arith.constant 48 : i32
      %add3A_346 = arith.addi %add3A_344, %add3A_345 : i32
      %get3A_347 = arith.index_cast %add3A_346 : i32 to index
      %get3A_348 = tpu.vector_load %arg6[%get3A_347] {strides = array<i32>} : memref<16384xf32, #tpu.memory_space<vmem>>, vector<16xf32>,
      %mul3A_349 = arith.constant 128 : i32
      %mul3A_350 = arith.muli %scan3A_266, %mul3A_349 : i32
      %add3A_351 = arith.constant 48 : i32
      %add3A_352 = arith.addi %mul3A_350, %add3A_351 : i32
      %get3A_353 = arith.index_cast %add3A_352 : i32 to index
      %get3A_354 = tpu.vector_load %arg11[%get3A_353] {strides = array<i32>} : memref<4096xf32, #tpu.memory_space<vmem>>, vector<16xf32>,
      %le3A_355 = arith.cmpf ole, %get3A_348, %get3A_354 : vector<16xf32>
      %jit3A_356 = arith.constant 1.000000e+00 : f32
      %jit3A_357 = arith.constant 0.000000e+00 : f32
      %broadcast_in_dim3A_358 = vector.broadcast %jit3A_356 : f32 to vector<16xf32>
      %broadcast_in_dim3A_359 = vector.broadcast %jit3A_357 : f32 to vector<16xf32>
      %select_n3A_360 = arith.select %le3A_355, %broadcast_in_dim3A_358, %broadcast_in_dim3A_359 : vector<16xi1>, vector<16xf32>
      %mul3A_361 = arith.constant 128 : i32
      %mul3A_362 = arith.muli %scan3A_266, %mul3A_361 : i32
      %add3A_363 = arith.constant 48 : i32
      %add3A_364 = arith.addi %mul3A_362, %add3A_363 : i32
      %swap3A_365 = arith.index_cast %add3A_364 : i32 to index
      %swap3A_366 = tpu.vector_load %arg13[%swap3A_365] {strides = array<i32>} : memref<4096xf32, #tpu.memory_space<vmem>>, vector<16xf32>,
      tpu.vector_store %arg13[%swap3A_365], %select_n3A_360 {strides = array<i32>} : memref<4096xf32, #tpu.memory_space<vmem>>, vector<16xf32>,
      %mul3A_367 = arith.constant 512 : i32
      %mul3A_368 = arith.muli %scan3A_266, %mul3A_367 : i32
      %add3A_369 = arith.constant 256 : i32
      %add3A_370 = arith.addi %mul3A_368, %add3A_369 : i32
      %add3A_371 = arith.constant 64 : i32
      %add3A_372 = arith.addi %add3A_370, %add3A_371 : i32
      %get3A_373 = arith.index_cast %add3A_372 : i32 to index
      %get3A_374 = tpu.vector_load %arg6[%get3A_373] {strides = array<i32>} : memref<16384xf32, #tpu.memory_space<vmem>>, vector<16xf32>,
      %mul3A_375 = arith.constant 128 : i32
      %mul3A_376 = arith.muli %scan3A_266, %mul3A_375 : i32
      %add3A_377 = arith.constant 64 : i32
      %add3A_378 = arith.addi %mul3A_376, %add3A_377 : i32
      %get3A_379 = arith.index_cast %add3A_378 : i32 to index
      %get3A_380 = tpu.vector_load %arg11[%get3A_379] {strides = array<i32>} : memref<4096xf32, #tpu.memory_space<vmem>>, vector<16xf32>,
      %le3A_381 = arith.cmpf ole, %get3A_374, %get3A_380 : vector<16xf32>
      %jit3A_382 = arith.constant 1.000000e+00 : f32
      %jit3A_383 = arith.constant 0.000000e+00 : f32
      %broadcast_in_dim3A_384 = vector.broadcast %jit3A_382 : f32 to vector<16xf32>
      %broadcast_in_dim3A_385 = vector.broadcast %jit3A_383 : f32 to vector<16xf32>
      %select_n3A_386 = arith.select %le3A_381, %broadcast_in_dim3A_384, %broadcast_in_dim3A_385 : vector<16xi1>, vector<16xf32>
      %mul3A_387 = arith.constant 128 : i32
      %mul3A_388 = arith.muli %scan3A_266, %mul3A_387 : i32
      %add3A_389 = arith.constant 64 : i32
      %add3A_390 = arith.addi %mul3A_388, %add3A_389 : i32
      %swap3A_391 = arith.index_cast %add3A_390 : i32 to index
      %swap3A_392 = tpu.vector_load %arg13[%swap3A_391] {strides = array<i32>} : memref<4096xf32, #tpu.memory_space<vmem>>, vector<16xf32>,
      tpu.vector_store %arg13[%swap3A_391], %select_n3A_386 {strides = array<i32>} : memref<4096xf32, #tpu.memory_space<vmem>>, vector<16xf32>,
      %mul3A_393 = arith.constant 512 : i32
      %mul3A_394 = arith.muli %scan3A_266, %mul3A_393 : i32
      %add3A_395 = arith.constant 256 : i32
      %add3A_396 = arith.addi %mul3A_394, %add3A_395 : i32
      %add3A_397 = arith.constant 80 : i32
      %add3A_398 = arith.addi %add3A_396, %add3A_397 : i32
      %get3A_399 = arith.index_cast %add3A_398 : i32 to index
      %get3A_400 = tpu.vector_load %arg6[%get3A_399] {strides = array<i32>} : memref<16384xf32, #tpu.memory_space<vmem>>, vector<16xf32>,
      %mul3A_401 = arith.constant 128 : i32
      %mul3A_402 = arith.muli %scan3A_266, %mul3A_401 : i32
      %add3A_403 = arith.constant 80 : i32
      %add3A_404 = arith.addi %mul3A_402, %add3A_403 : i32
      %get3A_405 = arith.index_cast %add3A_404 : i32 to index
      %get3A_406 = tpu.vector_load %arg11[%get3A_405] {strides = array<i32>} : memref<4096xf32, #tpu.memory_space<vmem>>, vector<16xf32>,
      %le3A_407 = arith.cmpf ole, %get3A_400, %get3A_406 : vector<16xf32>
      %jit3A_408 = arith.constant 1.000000e+00 : f32
      %jit3A_409 = arith.constant 0.000000e+00 : f32
      %broadcast_in_dim3A_410 = vector.broadcast %jit3A_408 : f32 to vector<16xf32>
      %broadcast_in_dim3A_411 = vector.broadcast %jit3A_409 : f32 to vector<16xf32>
      %select_n3A_412 = arith.select %le3A_407, %broadcast_in_dim3A_410, %broadcast_in_dim3A_411 : vector<16xi1>, vector<16xf32>
      %mul3A_413 = arith.constant 128 : i32
      %mul3A_414 = arith.muli %scan3A_266, %mul3A_413 : i32
      %add3A_415 = arith.constant 80 : i32
      %add3A_416 = arith.addi %mul3A_414, %add3A_415 : i32
      %swap3A_417 = arith.index_cast %add3A_416 : i32 to index
      %swap3A_418 = tpu.vector_load %arg13[%swap3A_417] {strides = array<i32>} : memref<4096xf32, #tpu.memory_space<vmem>>, vector<16xf32>,
      tpu.vector_store %arg13[%swap3A_417], %select_n3A_412 {strides = array<i32>} : memref<4096xf32, #tpu.memory_space<vmem>>, vector<16xf32>,
      %mul3A_419 = arith.constant 512 : i32
      %mul3A_420 = arith.muli %scan3A_266, %mul3A_419 : i32
      %add3A_421 = arith.constant 256 : i32
      %add3A_422 = arith.addi %mul3A_420, %add3A_421 : i32
      %add3A_423 = arith.constant 96 : i32
      %add3A_424 = arith.addi %add3A_422, %add3A_423 : i32
      %get3A_425 = arith.index_cast %add3A_424 : i32 to index
      %get3A_426 = tpu.vector_load %arg6[%get3A_425] {strides = array<i32>} : memref<16384xf32, #tpu.memory_space<vmem>>, vector<16xf32>,
      %mul3A_427 = arith.constant 128 : i32
      %mul3A_428 = arith.muli %scan3A_266, %mul3A_427 : i32
      %add3A_429 = arith.constant 96 : i32
      %add3A_430 = arith.addi %mul3A_428, %add3A_429 : i32
      %get3A_431 = arith.index_cast %add3A_430 : i32 to index
      %get3A_432 = tpu.vector_load %arg11[%get3A_431] {strides = array<i32>} : memref<4096xf32, #tpu.memory_space<vmem>>, vector<16xf32>,
      %le3A_433 = arith.cmpf ole, %get3A_426, %get3A_432 : vector<16xf32>
      %jit3A_434 = arith.constant 1.000000e+00 : f32
      %jit3A_435 = arith.constant 0.000000e+00 : f32
      %broadcast_in_dim3A_436 = vector.broadcast %jit3A_434 : f32 to vector<16xf32>
      %broadcast_in_dim3A_437 = vector.broadcast %jit3A_435 : f32 to vector<16xf32>
      %select_n3A_438 = arith.select %le3A_433, %broadcast_in_dim3A_436, %broadcast_in_dim3A_437 : vector<16xi1>, vector<16xf32>
      %mul3A_439 = arith.constant 128 : i32
      %mul3A_440 = arith.muli %scan3A_266, %mul3A_439 : i32
      %add3A_441 = arith.constant 96 : i32
      %add3A_442 = arith.addi %mul3A_440, %add3A_441 : i32
      %swap3A_443 = arith.index_cast %add3A_442 : i32 to index
      %swap3A_444 = tpu.vector_load %arg13[%swap3A_443] {strides = array<i32>} : memref<4096xf32, #tpu.memory_space<vmem>>, vector<16xf32>,
      tpu.vector_store %arg13[%swap3A_443], %select_n3A_438 {strides = array<i32>} : memref<4096xf32, #tpu.memory_space<vmem>>, vector<16xf32>,
      %mul3A_445 = arith.constant 512 : i32
      %mul3A_446 = arith.muli %scan3A_266, %mul3A_445 : i32
      %add3A_447 = arith.constant 256 : i32
      %add3A_448 = arith.addi %mul3A_446, %add3A_447 : i32
      %add3A_449 = arith.constant 112 : i32
      %add3A_450 = arith.addi %add3A_448, %add3A_449 : i32
      %get3A_451 = arith.index_cast %add3A_450 : i32 to index
      %get3A_452 = tpu.vector_load %arg6[%get3A_451] {strides = array<i32>} : memref<16384xf32, #tpu.memory_space<vmem>>, vector<16xf32>,
      %mul3A_453 = arith.constant 128 : i32
      %mul3A_454 = arith.muli %scan3A_266, %mul3A_453 : i32
      %add3A_455 = arith.constant 112 : i32
      %add3A_456 = arith.addi %mul3A_454, %add3A_455 : i32
      %get3A_457 = arith.index_cast %add3A_456 : i32 to index
      %get3A_458 = tpu.vector_load %arg11[%get3A_457] {strides = array<i32>} : memref<4096xf32, #tpu.memory_space<vmem>>, vector<16xf32>,
      %le3A_459 = arith.cmpf ole, %get3A_452, %get3A_458 : vector<16xf32>
      %jit3A_460 = arith.constant 1.000000e+00 : f32
      %jit3A_461 = arith.constant 0.000000e+00 : f32
      %broadcast_in_dim3A_462 = vector.broadcast %jit3A_460 : f32 to vector<16xf32>
      %broadcast_in_dim3A_463 = vector.broadcast %jit3A_461 : f32 to vector<16xf32>
      %select_n3A_464 = arith.select %le3A_459, %broadcast_in_dim3A_462, %broadcast_in_dim3A_463 : vector<16xi1>, vector<16xf32>
      %mul3A_465 = arith.constant 128 : i32
      %mul3A_466 = arith.muli %scan3A_266, %mul3A_465 : i32
      %add3A_467 = arith.constant 112 : i32
      %add3A_468 = arith.addi %mul3A_466, %add3A_467 : i32
      %swap3A_469 = arith.index_cast %add3A_468 : i32 to index
      %swap3A_470 = tpu.vector_load %arg13[%swap3A_469] {strides = array<i32>} : memref<4096xf32, #tpu.memory_space<vmem>>, vector<16xf32>,
      tpu.vector_store %arg13[%swap3A_469], %select_n3A_464 {strides = array<i32>} : memref<4096xf32, #tpu.memory_space<vmem>>, vector<16xf32>,
    }
    %scan3A_153 = arith.constant 16 : i32
    %dma_wait3A_154 = arith.constant 2048 : i32
    %dma_wait3A_155 = tpu.memref_slice %arg11[%dma_wait3A_154] : memref<4096xf32, #tpu.memory_space<vmem>> -> memref<2048xf32, #tpu.memory_space<vmem>>
    %dma_wait3A_156 = arith.constant 2048 : i32
    %dma_wait3A_157 = tpu.memref_slice %arg9[%dma_wait3A_156] : memref<4096xi32, #tpu.memory_space<vmem>> -> memref<2048xi32, #tpu.memory_space<vmem>>
    %dma_wait3A_158 = arith.constant 0 : i32
    %dma_wait3A_159 = tpu.memref_slice %arg3[%dma_wait3A_158] : memref<2097152xf32, #tpu.memory_space<hbm>> -> memref<2097152xf32, #tpu.memory_space<hbm>>
    tpu.wait_indirect_dma semaphore(%arg17 : memref<!tpu.dma_semaphore, #tpu.memory_space<semaphore_mem>>) src(%dma_wait3A_159 : memref<2097152xf32, #tpu.memory_space<hbm>>) dst(%dma_wait3A_155 : memref<2048xf32, #tpu.memory_space<vmem>>)
    %scan3A_160 = arith.constant 0 : i32
    %scan3A_161 = arith.constant 16 : i32
    %scan3A_162 = arith.constant 16 : i32
    %scan3A_163 = arith.addi %scan3A_161, %scan3A_162 : i32
    %scan3A_164 = arith.constant 1 : i32
    scf.for %scan3A_266 = %scan3A_161 to %scan3A_163 step %scan3A_164  : i32 {
      %mul3A_267 = arith.constant 512 : i32
      %mul3A_268 = arith.muli %scan3A_266, %mul3A_267 : i32
      %add3A_269 = arith.constant 256 : i32
      %add3A_270 = arith.addi %mul3A_268, %add3A_269 : i32
      %add3A_271 = arith.constant 0 : i32
      %add3A_272 = arith.addi %add3A_270, %add3A_271 : i32
      %get3A = arith.index_cast %add3A_272 : i32 to index
      %get3A_273 = tpu.vector_load %arg6[%get3A] {strides = array<i32>} : memref<16384xf32, #tpu.memory_space<vmem>>, vector<16xf32>,
      %mul3A_274 = arith.constant 128 : i32
      %mul3A_275 = arith.muli %scan3A_266, %mul3A_274 : i32
      %add3A_276 = arith.constant 0 : i32
      %add3A_277 = arith.addi %mul3A_275, %add3A_276 : i32
      %get3A_278 = arith.index_cast %add3A_277 : i32 to index
      %get3A_279 = tpu.vector_load %arg11[%get3A_278] {strides = array<i32>} : memref<4096xf32, #tpu.memory_space<vmem>>, vector<16xf32>,
      %le3A = arith.cmpf ole, %get3A_273, %get3A_279 : vector<16xf32>
      %jit3A_280 = arith.constant 1.000000e+00 : f32
      %jit3A_281 = arith.constant 0.000000e+00 : f32
      %broadcast_in_dim3A = vector.broadcast %jit3A_280 : f32 to vector<16xf32>
      %broadcast_in_dim3A_282 = vector.broadcast %jit3A_281 : f32 to vector<16xf32>
      %select_n3A_283 = arith.select %le3A, %broadcast_in_dim3A, %broadcast_in_dim3A_282 : vector<16xi1>, vector<16xf32>
      %mul3A_284 = arith.constant 128 : i32
      %mul3A_285 = arith.muli %scan3A_266, %mul3A_284 : i32
      %add3A_286 = arith.constant 0 : i32
      %add3A_287 = arith.addi %mul3A_285, %add3A_286 : i32
      %swap3A = arith.index_cast %add3A_287 : i32 to index
      %swap3A_288 = tpu.vector_load %arg13[%swap3A] {strides = array<i32>} : memref<4096xf32, #tpu.memory_space<vmem>>, vector<16xf32>,
      tpu.vector_store %arg13[%swap3A], %select_n3A_283 {strides = array<i32>} : memref<4096xf32, #tpu.memory_space<vmem>>, vector<16xf32>,
      %mul3A_289 = arith.constant 512 : i32
      %mul3A_290 = arith.muli %scan3A_266, %mul3A_289 : i32
      %add3A_291 = arith.constant 256 : i32
      %add3A_292 = arith.addi %mul3A_290, %add3A_291 : i32
      %add3A_293 = arith.constant 16 : i32
      %add3A_294 = arith.addi %add3A_292, %add3A_293 : i32
      %get3A_295 = arith.index_cast %add3A_294 : i32 to index
      %get3A_296 = tpu.vector_load %arg6[%get3A_295] {strides = array<i32>} : memref<16384xf32, #tpu.memory_space<vmem>>, vector<16xf32>,
      %mul3A_297 = arith.constant 128 : i32
      %mul3A_298 = arith.muli %scan3A_266, %mul3A_297 : i32
      %add3A_299 = arith.constant 16 : i32
      %add3A_300 = arith.addi %mul3A_298, %add3A_299 : i32
      %get3A_301 = arith.index_cast %add3A_300 : i32 to index
      %get3A_302 = tpu.vector_load %arg11[%get3A_301] {strides = array<i32>} : memref<4096xf32, #tpu.memory_space<vmem>>, vector<16xf32>,
      %le3A_303 = arith.cmpf ole, %get3A_296, %get3A_302 : vector<16xf32>
      %jit3A_304 = arith.constant 1.000000e+00 : f32
      %jit3A_305 = arith.constant 0.000000e+00 : f32
      %broadcast_in_dim3A_306 = vector.broadcast %jit3A_304 : f32 to vector<16xf32>
      %broadcast_in_dim3A_307 = vector.broadcast %jit3A_305 : f32 to vector<16xf32>
      %select_n3A_308 = arith.select %le3A_303, %broadcast_in_dim3A_306, %broadcast_in_dim3A_307 : vector<16xi1>, vector<16xf32>
      %mul3A_309 = arith.constant 128 : i32
      %mul3A_310 = arith.muli %scan3A_266, %mul3A_309 : i32
      %add3A_311 = arith.constant 16 : i32
      %add3A_312 = arith.addi %mul3A_310, %add3A_311 : i32
      %swap3A_313 = arith.index_cast %add3A_312 : i32 to index
      %swap3A_314 = tpu.vector_load %arg13[%swap3A_313] {strides = array<i32>} : memref<4096xf32, #tpu.memory_space<vmem>>, vector<16xf32>,
      tpu.vector_store %arg13[%swap3A_313], %select_n3A_308 {strides = array<i32>} : memref<4096xf32, #tpu.memory_space<vmem>>, vector<16xf32>,
      %mul3A_315 = arith.constant 512 : i32
      %mul3A_316 = arith.muli %scan3A_266, %mul3A_315 : i32
      %add3A_317 = arith.constant 256 : i32
      %add3A_318 = arith.addi %mul3A_316, %add3A_317 : i32
      %add3A_319 = arith.constant 32 : i32
      %add3A_320 = arith.addi %add3A_318, %add3A_319 : i32
      %get3A_321 = arith.index_cast %add3A_320 : i32 to index
      %get3A_322 = tpu.vector_load %arg6[%get3A_321] {strides = array<i32>} : memref<16384xf32, #tpu.memory_space<vmem>>, vector<16xf32>,
      %mul3A_323 = arith.constant 128 : i32
      %mul3A_324 = arith.muli %scan3A_266, %mul3A_323 : i32
      %add3A_325 = arith.constant 32 : i32
      %add3A_326 = arith.addi %mul3A_324, %add3A_325 : i32
      %get3A_327 = arith.index_cast %add3A_326 : i32 to index
      %get3A_328 = tpu.vector_load %arg11[%get3A_327] {strides = array<i32>} : memref<4096xf32, #tpu.memory_space<vmem>>, vector<16xf32>,
      %le3A_329 = arith.cmpf ole, %get3A_322, %get3A_328 : vector<16xf32>
      %jit3A_330 = arith.constant 1.000000e+00 : f32
      %jit3A_331 = arith.constant 0.000000e+00 : f32
      %broadcast_in_dim3A_332 = vector.broadcast %jit3A_330 : f32 to vector<16xf32>
      %broadcast_in_dim3A_333 = vector.broadcast %jit3A_331 : f32 to vector<16xf32>
      %select_n3A_334 = arith.select %le3A_329, %broadcast_in_dim3A_332, %broadcast_in_dim3A_333 : vector<16xi1>, vector<16xf32>
      %mul3A_335 = arith.constant 128 : i32
      %mul3A_336 = arith.muli %scan3A_266, %mul3A_335 : i32
      %add3A_337 = arith.constant 32 : i32
      %add3A_338 = arith.addi %mul3A_336, %add3A_337 : i32
      %swap3A_339 = arith.index_cast %add3A_338 : i32 to index
      %swap3A_340 = tpu.vector_load %arg13[%swap3A_339] {strides = array<i32>} : memref<4096xf32, #tpu.memory_space<vmem>>, vector<16xf32>,
      tpu.vector_store %arg13[%swap3A_339], %select_n3A_334 {strides = array<i32>} : memref<4096xf32, #tpu.memory_space<vmem>>, vector<16xf32>,
      %mul3A_341 = arith.constant 512 : i32
      %mul3A_342 = arith.muli %scan3A_266, %mul3A_341 : i32
      %add3A_343 = arith.constant 256 : i32
      %add3A_344 = arith.addi %mul3A_342, %add3A_343 : i32
      %add3A_345 = arith.constant 48 : i32
      %add3A_346 = arith.addi %add3A_344, %add3A_345 : i32
      %get3A_347 = arith.index_cast %add3A_346 : i32 to index
      %get3A_348 = tpu.vector_load %arg6[%get3A_347] {strides = array<i32>} : memref<16384xf32, #tpu.memory_space<vmem>>, vector<16xf32>,
      %mul3A_349 = arith.constant 128 : i32
      %mul3A_350 = arith.muli %scan3A_266, %mul3A_349 : i32
      %add3A_351 = arith.constant 48 : i32
      %add3A_352 = arith.addi %mul3A_350, %add3A_351 : i32
      %get3A_353 = arith.index_cast %add3A_352 : i32 to index
      %get3A_354 = tpu.vector_load %arg11[%get3A_353] {strides = array<i32>} : memref<4096xf32, #tpu.memory_space<vmem>>, vector<16xf32>,
      %le3A_355 = arith.cmpf ole, %get3A_348, %get3A_354 : vector<16xf32>
      %jit3A_356 = arith.constant 1.000000e+00 : f32
      %jit3A_357 = arith.constant 0.000000e+00 : f32
      %broadcast_in_dim3A_358 = vector.broadcast %jit3A_356 : f32 to vector<16xf32>
      %broadcast_in_dim3A_359 = vector.broadcast %jit3A_357 : f32 to vector<16xf32>
      %select_n3A_360 = arith.select %le3A_355, %broadcast_in_dim3A_358, %broadcast_in_dim3A_359 : vector<16xi1>, vector<16xf32>
      %mul3A_361 = arith.constant 128 : i32
      %mul3A_362 = arith.muli %scan3A_266, %mul3A_361 : i32
      %add3A_363 = arith.constant 48 : i32
      %add3A_364 = arith.addi %mul3A_362, %add3A_363 : i32
      %swap3A_365 = arith.index_cast %add3A_364 : i32 to index
      %swap3A_366 = tpu.vector_load %arg13[%swap3A_365] {strides = array<i32>} : memref<4096xf32, #tpu.memory_space<vmem>>, vector<16xf32>,
      tpu.vector_store %arg13[%swap3A_365], %select_n3A_360 {strides = array<i32>} : memref<4096xf32, #tpu.memory_space<vmem>>, vector<16xf32>,
      %mul3A_367 = arith.constant 512 : i32
      %mul3A_368 = arith.muli %scan3A_266, %mul3A_367 : i32
      %add3A_369 = arith.constant 256 : i32
      %add3A_370 = arith.addi %mul3A_368, %add3A_369 : i32
      %add3A_371 = arith.constant 64 : i32
      %add3A_372 = arith.addi %add3A_370, %add3A_371 : i32
      %get3A_373 = arith.index_cast %add3A_372 : i32 to index
      %get3A_374 = tpu.vector_load %arg6[%get3A_373] {strides = array<i32>} : memref<16384xf32, #tpu.memory_space<vmem>>, vector<16xf32>,
      %mul3A_375 = arith.constant 128 : i32
      %mul3A_376 = arith.muli %scan3A_266, %mul3A_375 : i32
      %add3A_377 = arith.constant 64 : i32
      %add3A_378 = arith.addi %mul3A_376, %add3A_377 : i32
      %get3A_379 = arith.index_cast %add3A_378 : i32 to index
      %get3A_380 = tpu.vector_load %arg11[%get3A_379] {strides = array<i32>} : memref<4096xf32, #tpu.memory_space<vmem>>, vector<16xf32>,
      %le3A_381 = arith.cmpf ole, %get3A_374, %get3A_380 : vector<16xf32>
      %jit3A_382 = arith.constant 1.000000e+00 : f32
      %jit3A_383 = arith.constant 0.000000e+00 : f32
      %broadcast_in_dim3A_384 = vector.broadcast %jit3A_382 : f32 to vector<16xf32>
      %broadcast_in_dim3A_385 = vector.broadcast %jit3A_383 : f32 to vector<16xf32>
      %select_n3A_386 = arith.select %le3A_381, %broadcast_in_dim3A_384, %broadcast_in_dim3A_385 : vector<16xi1>, vector<16xf32>
      %mul3A_387 = arith.constant 128 : i32
      %mul3A_388 = arith.muli %scan3A_266, %mul3A_387 : i32
      %add3A_389 = arith.constant 64 : i32
      %add3A_390 = arith.addi %mul3A_388, %add3A_389 : i32
      %swap3A_391 = arith.index_cast %add3A_390 : i32 to index
      %swap3A_392 = tpu.vector_load %arg13[%swap3A_391] {strides = array<i32>} : memref<4096xf32, #tpu.memory_space<vmem>>, vector<16xf32>,
      tpu.vector_store %arg13[%swap3A_391], %select_n3A_386 {strides = array<i32>} : memref<4096xf32, #tpu.memory_space<vmem>>, vector<16xf32>,
      %mul3A_393 = arith.constant 512 : i32
      %mul3A_394 = arith.muli %scan3A_266, %mul3A_393 : i32
      %add3A_395 = arith.constant 256 : i32
      %add3A_396 = arith.addi %mul3A_394, %add3A_395 : i32
      %add3A_397 = arith.constant 80 : i32
      %add3A_398 = arith.addi %add3A_396, %add3A_397 : i32
      %get3A_399 = arith.index_cast %add3A_398 : i32 to index
      %get3A_400 = tpu.vector_load %arg6[%get3A_399] {strides = array<i32>} : memref<16384xf32, #tpu.memory_space<vmem>>, vector<16xf32>,
      %mul3A_401 = arith.constant 128 : i32
      %mul3A_402 = arith.muli %scan3A_266, %mul3A_401 : i32
      %add3A_403 = arith.constant 80 : i32
      %add3A_404 = arith.addi %mul3A_402, %add3A_403 : i32
      %get3A_405 = arith.index_cast %add3A_404 : i32 to index
      %get3A_406 = tpu.vector_load %arg11[%get3A_405] {strides = array<i32>} : memref<4096xf32, #tpu.memory_space<vmem>>, vector<16xf32>,
      %le3A_407 = arith.cmpf ole, %get3A_400, %get3A_406 : vector<16xf32>
      %jit3A_408 = arith.constant 1.000000e+00 : f32
      %jit3A_409 = arith.constant 0.000000e+00 : f32
      %broadcast_in_dim3A_410 = vector.broadcast %jit3A_408 : f32 to vector<16xf32>
      %broadcast_in_dim3A_411 = vector.broadcast %jit3A_409 : f32 to vector<16xf32>
      %select_n3A_412 = arith.select %le3A_407, %broadcast_in_dim3A_410, %broadcast_in_dim3A_411 : vector<16xi1>, vector<16xf32>
      %mul3A_413 = arith.constant 128 : i32
      %mul3A_414 = arith.muli %scan3A_266, %mul3A_413 : i32
      %add3A_415 = arith.constant 80 : i32
      %add3A_416 = arith.addi %mul3A_414, %add3A_415 : i32
      %swap3A_417 = arith.index_cast %add3A_416 : i32 to index
      %swap3A_418 = tpu.vector_load %arg13[%swap3A_417] {strides = array<i32>} : memref<4096xf32, #tpu.memory_space<vmem>>, vector<16xf32>,
      tpu.vector_store %arg13[%swap3A_417], %select_n3A_412 {strides = array<i32>} : memref<4096xf32, #tpu.memory_space<vmem>>, vector<16xf32>,
      %mul3A_419 = arith.constant 512 : i32
      %mul3A_420 = arith.muli %scan3A_266, %mul3A_419 : i32
      %add3A_421 = arith.constant 256 : i32
      %add3A_422 = arith.addi %mul3A_420, %add3A_421 : i32
      %add3A_423 = arith.constant 96 : i32
      %add3A_424 = arith.addi %add3A_422, %add3A_423 : i32
      %get3A_425 = arith.index_cast %add3A_424 : i32 to index
      %get3A_426 = tpu.vector_load %arg6[%get3A_425] {strides = array<i32>} : memref<16384xf32, #tpu.memory_space<vmem>>, vector<16xf32>,
      %mul3A_427 = arith.constant 128 : i32
      %mul3A_428 = arith.muli %scan3A_266, %mul3A_427 : i32
      %add3A_429 = arith.constant 96 : i32
      %add3A_430 = arith.addi %mul3A_428, %add3A_429 : i32
      %get3A_431 = arith.index_cast %add3A_430 : i32 to index
      %get3A_432 = tpu.vector_load %arg11[%get3A_431] {strides = array<i32>} : memref<4096xf32, #tpu.memory_space<vmem>>, vector<16xf32>,
      %le3A_433 = arith.cmpf ole, %get3A_426, %get3A_432 : vector<16xf32>
      %jit3A_434 = arith.constant 1.000000e+00 : f32
      %jit3A_435 = arith.constant 0.000000e+00 : f32
      %broadcast_in_dim3A_436 = vector.broadcast %jit3A_434 : f32 to vector<16xf32>
      %broadcast_in_dim3A_437 = vector.broadcast %jit3A_435 : f32 to vector<16xf32>
      %select_n3A_438 = arith.select %le3A_433, %broadcast_in_dim3A_436, %broadcast_in_dim3A_437 : vector<16xi1>, vector<16xf32>
      %mul3A_439 = arith.constant 128 : i32
      %mul3A_440 = arith.muli %scan3A_266, %mul3A_439 : i32
      %add3A_441 = arith.constant 96 : i32
      %add3A_442 = arith.addi %mul3A_440, %add3A_441 : i32
      %swap3A_443 = arith.index_cast %add3A_442 : i32 to index
      %swap3A_444 = tpu.vector_load %arg13[%swap3A_443] {strides = array<i32>} : memref<4096xf32, #tpu.memory_space<vmem>>, vector<16xf32>,
      tpu.vector_store %arg13[%swap3A_443], %select_n3A_438 {strides = array<i32>} : memref<4096xf32, #tpu.memory_space<vmem>>, vector<16xf32>,
      %mul3A_445 = arith.constant 512 : i32
      %mul3A_446 = arith.muli %scan3A_266, %mul3A_445 : i32
      %add3A_447 = arith.constant 256 : i32
      %add3A_448 = arith.addi %mul3A_446, %add3A_447 : i32
      %add3A_449 = arith.constant 112 : i32
      %add3A_450 = arith.addi %add3A_448, %add3A_449 : i32
      %get3A_451 = arith.index_cast %add3A_450 : i32 to index
      %get3A_452 = tpu.vector_load %arg6[%get3A_451] {strides = array<i32>} : memref<16384xf32, #tpu.memory_space<vmem>>, vector<16xf32>,
      %mul3A_453 = arith.constant 128 : i32
      %mul3A_454 = arith.muli %scan3A_266, %mul3A_453 : i32
      %add3A_455 = arith.constant 112 : i32
      %add3A_456 = arith.addi %mul3A_454, %add3A_455 : i32
      %get3A_457 = arith.index_cast %add3A_456 : i32 to index
      %get3A_458 = tpu.vector_load %arg11[%get3A_457] {strides = array<i32>} : memref<4096xf32, #tpu.memory_space<vmem>>, vector<16xf32>,
      %le3A_459 = arith.cmpf ole, %get3A_452, %get3A_458 : vector<16xf32>
      %jit3A_460 = arith.constant 1.000000e+00 : f32
      %jit3A_461 = arith.constant 0.000000e+00 : f32
      %broadcast_in_dim3A_462 = vector.broadcast %jit3A_460 : f32 to vector<16xf32>
      %broadcast_in_dim3A_463 = vector.broadcast %jit3A_461 : f32 to vector<16xf32>
      %select_n3A_464 = arith.select %le3A_459, %broadcast_in_dim3A_462, %broadcast_in_dim3A_463 : vector<16xi1>, vector<16xf32>
      %mul3A_465 = arith.constant 128 : i32
      %mul3A_466 = arith.muli %scan3A_266, %mul3A_465 : i32
      %add3A_467 = arith.constant 112 : i32
      %add3A_468 = arith.addi %mul3A_466, %add3A_467 : i32
      %swap3A_469 = arith.index_cast %add3A_468 : i32 to index
      %swap3A_470 = tpu.vector_load %arg13[%swap3A_469] {strides = array<i32>} : memref<4096xf32, #tpu.memory_space<vmem>>, vector<16xf32>,
      tpu.vector_store %arg13[%swap3A_469], %select_n3A_464 {strides = array<i32>} : memref<4096xf32, #tpu.memory_space<vmem>>, vector<16xf32>,
    }
    %scan3A_165 = arith.constant 16 : i32
    %add3A_166 = arith.constant 4096 : i32
    %add3A_167 = arith.addi %mul3A_2, %add3A_166 : i32
    %dma_start3A_168 = tpu.memref_slice %arg4[%add3A_167] : memref<524288xf32, #tpu.memory_space<hbm>> -> memref<4096xf32, #tpu.memory_space<hbm>>
    %dma_start3A_169 = tpu.memref_slice %arg4[%add3A_167] : memref<524288xf32, #tpu.memory_space<hbm>> -> memref<4096xf32, #tpu.memory_space<hbm>>
    tpu.enqueue_dma source(%arg13 : memref<4096xf32, #tpu.memory_space<vmem>>) target(%dma_start3A_169 : memref<4096xf32, #tpu.memory_space<hbm>>) target_semaphore(%arg19 : memref<!tpu.dma_semaphore, #tpu.memory_space<semaphore_mem>>)
    %add3A_170 = arith.constant 12288 : i32
    %add3A_171 = arith.addi %mul3A_2, %add3A_170 : i32
    %mul3A_172 = arith.constant 4 : i32
    %mul3A_173 = arith.muli %add3A_171, %mul3A_172 : i32
    %dma_wait3A_174 = tpu.memref_slice %arg2[%mul3A_173] : memref<2097152xf32, #tpu.memory_space<hbm>> -> memref<16384xf32, #tpu.memory_space<hbm>>
    %dma_wait3A_175 = tpu.memref_slice %arg2[%mul3A_173] : memref<2097152xf32, #tpu.memory_space<hbm>> -> memref<16384xf32, #tpu.memory_space<hbm>>
    tpu.wait_dma2 semaphore(%arg15 : memref<!tpu.dma_semaphore, #tpu.memory_space<semaphore_mem>>) src(%dma_wait3A_175 : memref<16384xf32, #tpu.memory_space<hbm>>) dst(%arg5 : memref<16384xf32, #tpu.memory_space<vmem>>)
    %scan3A_176 = arith.constant 0 : i32
    %scan3A_177 = arith.constant 0 : i32
    %scan3A_178 = arith.constant 32 : i32
    %scan3A_179 = arith.addi %scan3A_177, %scan3A_178 : i32
    %scan3A_180 = arith.constant 1 : i32
    scf.for %scan3A_266 = %scan3A_177 to %scan3A_179 step %scan3A_180  : i32 {
      %mul3A_267 = arith.constant 512 : i32
      %mul3A_268 = arith.muli %scan3A_266, %mul3A_267 : i32
      %add3A_269 = arith.constant 0 : i32
      %add3A_270 = arith.addi %mul3A_268, %add3A_269 : i32
      %get3A = arith.index_cast %add3A_270 : i32 to index
      %get3A_271 = tpu.vector_load %arg5[%get3A] {strides = array<i32>} : memref<16384xf32, #tpu.memory_space<vmem>>, vector<16xf32>,
      %add3A_272 = arith.constant 128 : i32
      %add3A_273 = arith.addi %add3A_270, %add3A_272 : i32
      %get3A_274 = arith.index_cast %add3A_273 : i32 to index
      %get3A_275 = tpu.vector_load %arg5[%get3A_274] {strides = array<i32>} : memref<16384xf32, #tpu.memory_space<vmem>>, vector<16xf32>,
      %mul3A_276 = arith.constant 5.110000e+02 : f32
      %mul3A_277 = vector.broadcast %mul3A_276 : f32 to vector<16xf32>
      %mul3A_278 = arith.mulf %get3A_271, %mul3A_277 : vector<16xf32>
      %convert_element_type3A = arith.fptosi %mul3A_278 : vector<16xf32> to vector<16xi32>
      %mul3A_279 = arith.constant 5.110000e+02 : f32
      %mul3A_280 = vector.broadcast %mul3A_279 : f32 to vector<16xf32>
      %mul3A_281 = arith.mulf %get3A_275, %mul3A_280 : vector<16xf32>
      %convert_element_type3A_282 = arith.fptosi %mul3A_281 : vector<16xf32> to vector<16xi32>
      %shift_right_arithmetic3A = arith.constant 3 : i32
      %shift_right_arithmetic3A_283 = vector.broadcast %shift_right_arithmetic3A : i32 to vector<16xi32>
      %shift_right_arithmetic3A_284 = arith.shrsi %convert_element_type3A_282, %shift_right_arithmetic3A_283 : vector<16xi32>
      %mul3A_285 = arith.constant 3072 : i32
      %mul3A_286 = vector.broadcast %mul3A_285 : i32 to vector<16xi32>
      %mul3A_287 = arith.muli %shift_right_arithmetic3A_284, %mul3A_286 : vector<16xi32>
      %add3A_288 = vector.broadcast %mul3A_20 : i32 to vector<16xi32>
      %add3A_289 = arith.addi %add3A_288, %mul3A_287 : vector<16xi32>
      %shift_left3A = arith.constant 7 : i32
      %shift_left3A_290 = vector.broadcast %shift_left3A : i32 to vector<16xi32>
      %shift_left3A_291 = arith.shli %convert_element_type3A_282, %shift_left3A_290 : vector<16xi32>
      %add3A_292 = arith.addi %add3A_289, %shift_left3A_291 : vector<16xi32>
      %shift_right_arithmetic3A_293 = arith.constant 7 : i32
      %shift_right_arithmetic3A_294 = vector.broadcast %shift_right_arithmetic3A_293 : i32 to vector<16xi32>
      %shift_right_arithmetic3A_295 = arith.shrsi %convert_element_type3A, %shift_right_arithmetic3A_294 : vector<16xi32>
      %mul3A_296 = arith.constant 896 : i32
      %mul3A_297 = vector.broadcast %mul3A_296 : i32 to vector<16xi32>
      %mul3A_298 = arith.muli %shift_right_arithmetic3A_295, %mul3A_297 : vector<16xi32>
      %add3A_299 = arith.addi %add3A_292, %mul3A_298 : vector<16xi32>
      %add3A_300 = arith.addi %add3A_299, %convert_element_type3A : vector<16xi32>
      %mul3A_301 = arith.constant 128 : i32
      %mul3A_302 = arith.muli %scan3A_266, %mul3A_301 : i32
      %add3A_303 = arith.constant 0 : i32
      %add3A_304 = arith.addi %mul3A_302, %add3A_303 : i32
      %swap3A = arith.index_cast %add3A_304 : i32 to index
      %swap3A_305 = tpu.vector_load %arg9[%swap3A] {strides = array<i32>} : memref<4096xi32, #tpu.memory_space<vmem>>, vector<16xi32>,
      tpu.vector_store %arg9[%swap3A], %add3A_300 {strides = array<i32>} : memref<4096xi32, #tpu.memory_space<vmem>>, vector<16xi32>,
      %mul3A_306 = arith.constant 512 : i32
      %mul3A_307 = arith.muli %scan3A_266, %mul3A_306 : i32
      %add3A_308 = arith.constant 16 : i32
      %add3A_309 = arith.addi %mul3A_307, %add3A_308 : i32
      %get3A_310 = arith.index_cast %add3A_309 : i32 to index
      %get3A_311 = tpu.vector_load %arg5[%get3A_310] {strides = array<i32>} : memref<16384xf32, #tpu.memory_space<vmem>>, vector<16xf32>,
      %add3A_312 = arith.constant 128 : i32
      %add3A_313 = arith.addi %add3A_309, %add3A_312 : i32
      %get3A_314 = arith.index_cast %add3A_313 : i32 to index
      %get3A_315 = tpu.vector_load %arg5[%get3A_314] {strides = array<i32>} : memref<16384xf32, #tpu.memory_space<vmem>>, vector<16xf32>,
      %mul3A_316 = arith.constant 5.110000e+02 : f32
      %mul3A_317 = vector.broadcast %mul3A_316 : f32 to vector<16xf32>
      %mul3A_318 = arith.mulf %get3A_311, %mul3A_317 : vector<16xf32>
      %convert_element_type3A_319 = arith.fptosi %mul3A_318 : vector<16xf32> to vector<16xi32>
      %mul3A_320 = arith.constant 5.110000e+02 : f32
      %mul3A_321 = vector.broadcast %mul3A_320 : f32 to vector<16xf32>
      %mul3A_322 = arith.mulf %get3A_315, %mul3A_321 : vector<16xf32>
      %convert_element_type3A_323 = arith.fptosi %mul3A_322 : vector<16xf32> to vector<16xi32>
      %shift_right_arithmetic3A_324 = arith.constant 3 : i32
      %shift_right_arithmetic3A_325 = vector.broadcast %shift_right_arithmetic3A_324 : i32 to vector<16xi32>
      %shift_right_arithmetic3A_326 = arith.shrsi %convert_element_type3A_323, %shift_right_arithmetic3A_325 : vector<16xi32>
      %mul3A_327 = arith.constant 3072 : i32
      %mul3A_328 = vector.broadcast %mul3A_327 : i32 to vector<16xi32>
      %mul3A_329 = arith.muli %shift_right_arithmetic3A_326, %mul3A_328 : vector<16xi32>
      %add3A_330 = vector.broadcast %mul3A_20 : i32 to vector<16xi32>
      %add3A_331 = arith.addi %add3A_330, %mul3A_329 : vector<16xi32>
      %shift_left3A_332 = arith.constant 7 : i32
      %shift_left3A_333 = vector.broadcast %shift_left3A_332 : i32 to vector<16xi32>
      %shift_left3A_334 = arith.shli %convert_element_type3A_323, %shift_left3A_333 : vector<16xi32>
      %add3A_335 = arith.addi %add3A_331, %shift_left3A_334 : vector<16xi32>
      %shift_right_arithmetic3A_336 = arith.constant 7 : i32
      %shift_right_arithmetic3A_337 = vector.broadcast %shift_right_arithmetic3A_336 : i32 to vector<16xi32>
      %shift_right_arithmetic3A_338 = arith.shrsi %convert_element_type3A_319, %shift_right_arithmetic3A_337 : vector<16xi32>
      %mul3A_339 = arith.constant 896 : i32
      %mul3A_340 = vector.broadcast %mul3A_339 : i32 to vector<16xi32>
      %mul3A_341 = arith.muli %shift_right_arithmetic3A_338, %mul3A_340 : vector<16xi32>
      %add3A_342 = arith.addi %add3A_335, %mul3A_341 : vector<16xi32>
      %add3A_343 = arith.addi %add3A_342, %convert_element_type3A_319 : vector<16xi32>
      %mul3A_344 = arith.constant 128 : i32
      %mul3A_345 = arith.muli %scan3A_266, %mul3A_344 : i32
      %add3A_346 = arith.constant 16 : i32
      %add3A_347 = arith.addi %mul3A_345, %add3A_346 : i32
      %swap3A_348 = arith.index_cast %add3A_347 : i32 to index
      %swap3A_349 = tpu.vector_load %arg9[%swap3A_348] {strides = array<i32>} : memref<4096xi32, #tpu.memory_space<vmem>>, vector<16xi32>,
      tpu.vector_store %arg9[%swap3A_348], %add3A_343 {strides = array<i32>} : memref<4096xi32, #tpu.memory_space<vmem>>, vector<16xi32>,
      %mul3A_350 = arith.constant 512 : i32
      %mul3A_351 = arith.muli %scan3A_266, %mul3A_350 : i32
      %add3A_352 = arith.constant 32 : i32
      %add3A_353 = arith.addi %mul3A_351, %add3A_352 : i32
      %get3A_354 = arith.index_cast %add3A_353 : i32 to index
      %get3A_355 = tpu.vector_load %arg5[%get3A_354] {strides = array<i32>} : memref<16384xf32, #tpu.memory_space<vmem>>, vector<16xf32>,
      %add3A_356 = arith.constant 128 : i32
      %add3A_357 = arith.addi %add3A_353, %add3A_356 : i32
      %get3A_358 = arith.index_cast %add3A_357 : i32 to index
      %get3A_359 = tpu.vector_load %arg5[%get3A_358] {strides = array<i32>} : memref<16384xf32, #tpu.memory_space<vmem>>, vector<16xf32>,
      %mul3A_360 = arith.constant 5.110000e+02 : f32
      %mul3A_361 = vector.broadcast %mul3A_360 : f32 to vector<16xf32>
      %mul3A_362 = arith.mulf %get3A_355, %mul3A_361 : vector<16xf32>
      %convert_element_type3A_363 = arith.fptosi %mul3A_362 : vector<16xf32> to vector<16xi32>
      %mul3A_364 = arith.constant 5.110000e+02 : f32
      %mul3A_365 = vector.broadcast %mul3A_364 : f32 to vector<16xf32>
      %mul3A_366 = arith.mulf %get3A_359, %mul3A_365 : vector<16xf32>
      %convert_element_type3A_367 = arith.fptosi %mul3A_366 : vector<16xf32> to vector<16xi32>
      %shift_right_arithmetic3A_368 = arith.constant 3 : i32
      %shift_right_arithmetic3A_369 = vector.broadcast %shift_right_arithmetic3A_368 : i32 to vector<16xi32>
      %shift_right_arithmetic3A_370 = arith.shrsi %convert_element_type3A_367, %shift_right_arithmetic3A_369 : vector<16xi32>
      %mul3A_371 = arith.constant 3072 : i32
      %mul3A_372 = vector.broadcast %mul3A_371 : i32 to vector<16xi32>
      %mul3A_373 = arith.muli %shift_right_arithmetic3A_370, %mul3A_372 : vector<16xi32>
      %add3A_374 = vector.broadcast %mul3A_20 : i32 to vector<16xi32>
      %add3A_375 = arith.addi %add3A_374, %mul3A_373 : vector<16xi32>
      %shift_left3A_376 = arith.constant 7 : i32
      %shift_left3A_377 = vector.broadcast %shift_left3A_376 : i32 to vector<16xi32>
      %shift_left3A_378 = arith.shli %convert_element_type3A_367, %shift_left3A_377 : vector<16xi32>
      %add3A_379 = arith.addi %add3A_375, %shift_left3A_378 : vector<16xi32>
      %shift_right_arithmetic3A_380 = arith.constant 7 : i32
      %shift_right_arithmetic3A_381 = vector.broadcast %shift_right_arithmetic3A_380 : i32 to vector<16xi32>
      %shift_right_arithmetic3A_382 = arith.shrsi %convert_element_type3A_363, %shift_right_arithmetic3A_381 : vector<16xi32>
      %mul3A_383 = arith.constant 896 : i32
      %mul3A_384 = vector.broadcast %mul3A_383 : i32 to vector<16xi32>
      %mul3A_385 = arith.muli %shift_right_arithmetic3A_382, %mul3A_384 : vector<16xi32>
      %add3A_386 = arith.addi %add3A_379, %mul3A_385 : vector<16xi32>
      %add3A_387 = arith.addi %add3A_386, %convert_element_type3A_363 : vector<16xi32>
      %mul3A_388 = arith.constant 128 : i32
      %mul3A_389 = arith.muli %scan3A_266, %mul3A_388 : i32
      %add3A_390 = arith.constant 32 : i32
      %add3A_391 = arith.addi %mul3A_389, %add3A_390 : i32
      %swap3A_392 = arith.index_cast %add3A_391 : i32 to index
      %swap3A_393 = tpu.vector_load %arg9[%swap3A_392] {strides = array<i32>} : memref<4096xi32, #tpu.memory_space<vmem>>, vector<16xi32>,
      tpu.vector_store %arg9[%swap3A_392], %add3A_387 {strides = array<i32>} : memref<4096xi32, #tpu.memory_space<vmem>>, vector<16xi32>,
      %mul3A_394 = arith.constant 512 : i32
      %mul3A_395 = arith.muli %scan3A_266, %mul3A_394 : i32
      %add3A_396 = arith.constant 48 : i32
      %add3A_397 = arith.addi %mul3A_395, %add3A_396 : i32
      %get3A_398 = arith.index_cast %add3A_397 : i32 to index
      %get3A_399 = tpu.vector_load %arg5[%get3A_398] {strides = array<i32>} : memref<16384xf32, #tpu.memory_space<vmem>>, vector<16xf32>,
      %add3A_400 = arith.constant 128 : i32
      %add3A_401 = arith.addi %add3A_397, %add3A_400 : i32
      %get3A_402 = arith.index_cast %add3A_401 : i32 to index
      %get3A_403 = tpu.vector_load %arg5[%get3A_402] {strides = array<i32>} : memref<16384xf32, #tpu.memory_space<vmem>>, vector<16xf32>,
      %mul3A_404 = arith.constant 5.110000e+02 : f32
      %mul3A_405 = vector.broadcast %mul3A_404 : f32 to vector<16xf32>
      %mul3A_406 = arith.mulf %get3A_399, %mul3A_405 : vector<16xf32>
      %convert_element_type3A_407 = arith.fptosi %mul3A_406 : vector<16xf32> to vector<16xi32>
      %mul3A_408 = arith.constant 5.110000e+02 : f32
      %mul3A_409 = vector.broadcast %mul3A_408 : f32 to vector<16xf32>
      %mul3A_410 = arith.mulf %get3A_403, %mul3A_409 : vector<16xf32>
      %convert_element_type3A_411 = arith.fptosi %mul3A_410 : vector<16xf32> to vector<16xi32>
      %shift_right_arithmetic3A_412 = arith.constant 3 : i32
      %shift_right_arithmetic3A_413 = vector.broadcast %shift_right_arithmetic3A_412 : i32 to vector<16xi32>
      %shift_right_arithmetic3A_414 = arith.shrsi %convert_element_type3A_411, %shift_right_arithmetic3A_413 : vector<16xi32>
      %mul3A_415 = arith.constant 3072 : i32
      %mul3A_416 = vector.broadcast %mul3A_415 : i32 to vector<16xi32>
      %mul3A_417 = arith.muli %shift_right_arithmetic3A_414, %mul3A_416 : vector<16xi32>
      %add3A_418 = vector.broadcast %mul3A_20 : i32 to vector<16xi32>
      %add3A_419 = arith.addi %add3A_418, %mul3A_417 : vector<16xi32>
      %shift_left3A_420 = arith.constant 7 : i32
      %shift_left3A_421 = vector.broadcast %shift_left3A_420 : i32 to vector<16xi32>
      %shift_left3A_422 = arith.shli %convert_element_type3A_411, %shift_left3A_421 : vector<16xi32>
      %add3A_423 = arith.addi %add3A_419, %shift_left3A_422 : vector<16xi32>
      %shift_right_arithmetic3A_424 = arith.constant 7 : i32
      %shift_right_arithmetic3A_425 = vector.broadcast %shift_right_arithmetic3A_424 : i32 to vector<16xi32>
      %shift_right_arithmetic3A_426 = arith.shrsi %convert_element_type3A_407, %shift_right_arithmetic3A_425 : vector<16xi32>
      %mul3A_427 = arith.constant 896 : i32
      %mul3A_428 = vector.broadcast %mul3A_427 : i32 to vector<16xi32>
      %mul3A_429 = arith.muli %shift_right_arithmetic3A_426, %mul3A_428 : vector<16xi32>
      %add3A_430 = arith.addi %add3A_423, %mul3A_429 : vector<16xi32>
      %add3A_431 = arith.addi %add3A_430, %convert_element_type3A_407 : vector<16xi32>
      %mul3A_432 = arith.constant 128 : i32
      %mul3A_433 = arith.muli %scan3A_266, %mul3A_432 : i32
      %add3A_434 = arith.constant 48 : i32
      %add3A_435 = arith.addi %mul3A_433, %add3A_434 : i32
      %swap3A_436 = arith.index_cast %add3A_435 : i32 to index
      %swap3A_437 = tpu.vector_load %arg9[%swap3A_436] {strides = array<i32>} : memref<4096xi32, #tpu.memory_space<vmem>>, vector<16xi32>,
      tpu.vector_store %arg9[%swap3A_436], %add3A_431 {strides = array<i32>} : memref<4096xi32, #tpu.memory_space<vmem>>, vector<16xi32>,
      %mul3A_438 = arith.constant 512 : i32
      %mul3A_439 = arith.muli %scan3A_266, %mul3A_438 : i32
      %add3A_440 = arith.constant 64 : i32
      %add3A_441 = arith.addi %mul3A_439, %add3A_440 : i32
      %get3A_442 = arith.index_cast %add3A_441 : i32 to index
      %get3A_443 = tpu.vector_load %arg5[%get3A_442] {strides = array<i32>} : memref<16384xf32, #tpu.memory_space<vmem>>, vector<16xf32>,
      %add3A_444 = arith.constant 128 : i32
      %add3A_445 = arith.addi %add3A_441, %add3A_444 : i32
      %get3A_446 = arith.index_cast %add3A_445 : i32 to index
      %get3A_447 = tpu.vector_load %arg5[%get3A_446] {strides = array<i32>} : memref<16384xf32, #tpu.memory_space<vmem>>, vector<16xf32>,
      %mul3A_448 = arith.constant 5.110000e+02 : f32
      %mul3A_449 = vector.broadcast %mul3A_448 : f32 to vector<16xf32>
      %mul3A_450 = arith.mulf %get3A_443, %mul3A_449 : vector<16xf32>
      %convert_element_type3A_451 = arith.fptosi %mul3A_450 : vector<16xf32> to vector<16xi32>
      %mul3A_452 = arith.constant 5.110000e+02 : f32
      %mul3A_453 = vector.broadcast %mul3A_452 : f32 to vector<16xf32>
      %mul3A_454 = arith.mulf %get3A_447, %mul3A_453 : vector<16xf32>
      %convert_element_type3A_455 = arith.fptosi %mul3A_454 : vector<16xf32> to vector<16xi32>
      %shift_right_arithmetic3A_456 = arith.constant 3 : i32
      %shift_right_arithmetic3A_457 = vector.broadcast %shift_right_arithmetic3A_456 : i32 to vector<16xi32>
      %shift_right_arithmetic3A_458 = arith.shrsi %convert_element_type3A_455, %shift_right_arithmetic3A_457 : vector<16xi32>
      %mul3A_459 = arith.constant 3072 : i32
      %mul3A_460 = vector.broadcast %mul3A_459 : i32 to vector<16xi32>
      %mul3A_461 = arith.muli %shift_right_arithmetic3A_458, %mul3A_460 : vector<16xi32>
      %add3A_462 = vector.broadcast %mul3A_20 : i32 to vector<16xi32>
      %add3A_463 = arith.addi %add3A_462, %mul3A_461 : vector<16xi32>
      %shift_left3A_464 = arith.constant 7 : i32
      %shift_left3A_465 = vector.broadcast %shift_left3A_464 : i32 to vector<16xi32>
      %shift_left3A_466 = arith.shli %convert_element_type3A_455, %shift_left3A_465 : vector<16xi32>
      %add3A_467 = arith.addi %add3A_463, %shift_left3A_466 : vector<16xi32>
      %shift_right_arithmetic3A_468 = arith.constant 7 : i32
      %shift_right_arithmetic3A_469 = vector.broadcast %shift_right_arithmetic3A_468 : i32 to vector<16xi32>
      %shift_right_arithmetic3A_470 = arith.shrsi %convert_element_type3A_451, %shift_right_arithmetic3A_469 : vector<16xi32>
      %mul3A_471 = arith.constant 896 : i32
      %mul3A_472 = vector.broadcast %mul3A_471 : i32 to vector<16xi32>
      %mul3A_473 = arith.muli %shift_right_arithmetic3A_470, %mul3A_472 : vector<16xi32>
      %add3A_474 = arith.addi %add3A_467, %mul3A_473 : vector<16xi32>
      %add3A_475 = arith.addi %add3A_474, %convert_element_type3A_451 : vector<16xi32>
      %mul3A_476 = arith.constant 128 : i32
      %mul3A_477 = arith.muli %scan3A_266, %mul3A_476 : i32
      %add3A_478 = arith.constant 64 : i32
      %add3A_479 = arith.addi %mul3A_477, %add3A_478 : i32
      %swap3A_480 = arith.index_cast %add3A_479 : i32 to index
      %swap3A_481 = tpu.vector_load %arg9[%swap3A_480] {strides = array<i32>} : memref<4096xi32, #tpu.memory_space<vmem>>, vector<16xi32>,
      tpu.vector_store %arg9[%swap3A_480], %add3A_475 {strides = array<i32>} : memref<4096xi32, #tpu.memory_space<vmem>>, vector<16xi32>,
      %mul3A_482 = arith.constant 512 : i32
      %mul3A_483 = arith.muli %scan3A_266, %mul3A_482 : i32
      %add3A_484 = arith.constant 80 : i32
      %add3A_485 = arith.addi %mul3A_483, %add3A_484 : i32
      %get3A_486 = arith.index_cast %add3A_485 : i32 to index
      %get3A_487 = tpu.vector_load %arg5[%get3A_486] {strides = array<i32>} : memref<16384xf32, #tpu.memory_space<vmem>>, vector<16xf32>,
      %add3A_488 = arith.constant 128 : i32
      %add3A_489 = arith.addi %add3A_485, %add3A_488 : i32
      %get3A_490 = arith.index_cast %add3A_489 : i32 to index
      %get3A_491 = tpu.vector_load %arg5[%get3A_490] {strides = array<i32>} : memref<16384xf32, #tpu.memory_space<vmem>>, vector<16xf32>,
      %mul3A_492 = arith.constant 5.110000e+02 : f32
      %mul3A_493 = vector.broadcast %mul3A_492 : f32 to vector<16xf32>
      %mul3A_494 = arith.mulf %get3A_487, %mul3A_493 : vector<16xf32>
      %convert_element_type3A_495 = arith.fptosi %mul3A_494 : vector<16xf32> to vector<16xi32>
      %mul3A_496 = arith.constant 5.110000e+02 : f32
      %mul3A_497 = vector.broadcast %mul3A_496 : f32 to vector<16xf32>
      %mul3A_498 = arith.mulf %get3A_491, %mul3A_497 : vector<16xf32>
      %convert_element_type3A_499 = arith.fptosi %mul3A_498 : vector<16xf32> to vector<16xi32>
      %shift_right_arithmetic3A_500 = arith.constant 3 : i32
      %shift_right_arithmetic3A_501 = vector.broadcast %shift_right_arithmetic3A_500 : i32 to vector<16xi32>
      %shift_right_arithmetic3A_502 = arith.shrsi %convert_element_type3A_499, %shift_right_arithmetic3A_501 : vector<16xi32>
      %mul3A_503 = arith.constant 3072 : i32
      %mul3A_504 = vector.broadcast %mul3A_503 : i32 to vector<16xi32>
      %mul3A_505 = arith.muli %shift_right_arithmetic3A_502, %mul3A_504 : vector<16xi32>
      %add3A_506 = vector.broadcast %mul3A_20 : i32 to vector<16xi32>
      %add3A_507 = arith.addi %add3A_506, %mul3A_505 : vector<16xi32>
      %shift_left3A_508 = arith.constant 7 : i32
      %shift_left3A_509 = vector.broadcast %shift_left3A_508 : i32 to vector<16xi32>
      %shift_left3A_510 = arith.shli %convert_element_type3A_499, %shift_left3A_509 : vector<16xi32>
      %add3A_511 = arith.addi %add3A_507, %shift_left3A_510 : vector<16xi32>
      %shift_right_arithmetic3A_512 = arith.constant 7 : i32
      %shift_right_arithmetic3A_513 = vector.broadcast %shift_right_arithmetic3A_512 : i32 to vector<16xi32>
      %shift_right_arithmetic3A_514 = arith.shrsi %convert_element_type3A_495, %shift_right_arithmetic3A_513 : vector<16xi32>
      %mul3A_515 = arith.constant 896 : i32
      %mul3A_516 = vector.broadcast %mul3A_515 : i32 to vector<16xi32>
      %mul3A_517 = arith.muli %shift_right_arithmetic3A_514, %mul3A_516 : vector<16xi32>
      %add3A_518 = arith.addi %add3A_511, %mul3A_517 : vector<16xi32>
      %add3A_519 = arith.addi %add3A_518, %convert_element_type3A_495 : vector<16xi32>
      %mul3A_520 = arith.constant 128 : i32
      %mul3A_521 = arith.muli %scan3A_266, %mul3A_520 : i32
      %add3A_522 = arith.constant 80 : i32
      %add3A_523 = arith.addi %mul3A_521, %add3A_522 : i32
      %swap3A_524 = arith.index_cast %add3A_523 : i32 to index
      %swap3A_525 = tpu.vector_load %arg9[%swap3A_524] {strides = array<i32>} : memref<4096xi32, #tpu.memory_space<vmem>>, vector<16xi32>,
      tpu.vector_store %arg9[%swap3A_524], %add3A_519 {strides = array<i32>} : memref<4096xi32, #tpu.memory_space<vmem>>, vector<16xi32>,
      %mul3A_526 = arith.constant 512 : i32
      %mul3A_527 = arith.muli %scan3A_266, %mul3A_526 : i32
      %add3A_528 = arith.constant 96 : i32
      %add3A_529 = arith.addi %mul3A_527, %add3A_528 : i32
      %get3A_530 = arith.index_cast %add3A_529 : i32 to index
      %get3A_531 = tpu.vector_load %arg5[%get3A_530] {strides = array<i32>} : memref<16384xf32, #tpu.memory_space<vmem>>, vector<16xf32>,
      %add3A_532 = arith.constant 128 : i32
      %add3A_533 = arith.addi %add3A_529, %add3A_532 : i32
      %get3A_534 = arith.index_cast %add3A_533 : i32 to index
      %get3A_535 = tpu.vector_load %arg5[%get3A_534] {strides = array<i32>} : memref<16384xf32, #tpu.memory_space<vmem>>, vector<16xf32>,
      %mul3A_536 = arith.constant 5.110000e+02 : f32
      %mul3A_537 = vector.broadcast %mul3A_536 : f32 to vector<16xf32>
      %mul3A_538 = arith.mulf %get3A_531, %mul3A_537 : vector<16xf32>
      %convert_element_type3A_539 = arith.fptosi %mul3A_538 : vector<16xf32> to vector<16xi32>
      %mul3A_540 = arith.constant 5.110000e+02 : f32
      %mul3A_541 = vector.broadcast %mul3A_540 : f32 to vector<16xf32>
      %mul3A_542 = arith.mulf %get3A_535, %mul3A_541 : vector<16xf32>
      %convert_element_type3A_543 = arith.fptosi %mul3A_542 : vector<16xf32> to vector<16xi32>
      %shift_right_arithmetic3A_544 = arith.constant 3 : i32
      %shift_right_arithmetic3A_545 = vector.broadcast %shift_right_arithmetic3A_544 : i32 to vector<16xi32>
      %shift_right_arithmetic3A_546 = arith.shrsi %convert_element_type3A_543, %shift_right_arithmetic3A_545 : vector<16xi32>
      %mul3A_547 = arith.constant 3072 : i32
      %mul3A_548 = vector.broadcast %mul3A_547 : i32 to vector<16xi32>
      %mul3A_549 = arith.muli %shift_right_arithmetic3A_546, %mul3A_548 : vector<16xi32>
      %add3A_550 = vector.broadcast %mul3A_20 : i32 to vector<16xi32>
      %add3A_551 = arith.addi %add3A_550, %mul3A_549 : vector<16xi32>
      %shift_left3A_552 = arith.constant 7 : i32
      %shift_left3A_553 = vector.broadcast %shift_left3A_552 : i32 to vector<16xi32>
      %shift_left3A_554 = arith.shli %convert_element_type3A_543, %shift_left3A_553 : vector<16xi32>
      %add3A_555 = arith.addi %add3A_551, %shift_left3A_554 : vector<16xi32>
      %shift_right_arithmetic3A_556 = arith.constant 7 : i32
      %shift_right_arithmetic3A_557 = vector.broadcast %shift_right_arithmetic3A_556 : i32 to vector<16xi32>
      %shift_right_arithmetic3A_558 = arith.shrsi %convert_element_type3A_539, %shift_right_arithmetic3A_557 : vector<16xi32>
      %mul3A_559 = arith.constant 896 : i32
      %mul3A_560 = vector.broadcast %mul3A_559 : i32 to vector<16xi32>
      %mul3A_561 = arith.muli %shift_right_arithmetic3A_558, %mul3A_560 : vector<16xi32>
      %add3A_562 = arith.addi %add3A_555, %mul3A_561 : vector<16xi32>
      %add3A_563 = arith.addi %add3A_562, %convert_element_type3A_539 : vector<16xi32>
      %mul3A_564 = arith.constant 128 : i32
      %mul3A_565 = arith.muli %scan3A_266, %mul3A_564 : i32
      %add3A_566 = arith.constant 96 : i32
      %add3A_567 = arith.addi %mul3A_565, %add3A_566 : i32
      %swap3A_568 = arith.index_cast %add3A_567 : i32 to index
      %swap3A_569 = tpu.vector_load %arg9[%swap3A_568] {strides = array<i32>} : memref<4096xi32, #tpu.memory_space<vmem>>, vector<16xi32>,
      tpu.vector_store %arg9[%swap3A_568], %add3A_563 {strides = array<i32>} : memref<4096xi32, #tpu.memory_space<vmem>>, vector<16xi32>,
      %mul3A_570 = arith.constant 512 : i32
      %mul3A_571 = arith.muli %scan3A_266, %mul3A_570 : i32
      %add3A_572 = arith.constant 112 : i32
      %add3A_573 = arith.addi %mul3A_571, %add3A_572 : i32
      %get3A_574 = arith.index_cast %add3A_573 : i32 to index
      %get3A_575 = tpu.vector_load %arg5[%get3A_574] {strides = array<i32>} : memref<16384xf32, #tpu.memory_space<vmem>>, vector<16xf32>,
      %add3A_576 = arith.constant 128 : i32
      %add3A_577 = arith.addi %add3A_573, %add3A_576 : i32
      %get3A_578 = arith.index_cast %add3A_577 : i32 to index
      %get3A_579 = tpu.vector_load %arg5[%get3A_578] {strides = array<i32>} : memref<16384xf32, #tpu.memory_space<vmem>>, vector<16xf32>,
      %mul3A_580 = arith.constant 5.110000e+02 : f32
      %mul3A_581 = vector.broadcast %mul3A_580 : f32 to vector<16xf32>
      %mul3A_582 = arith.mulf %get3A_575, %mul3A_581 : vector<16xf32>
      %convert_element_type3A_583 = arith.fptosi %mul3A_582 : vector<16xf32> to vector<16xi32>
      %mul3A_584 = arith.constant 5.110000e+02 : f32
      %mul3A_585 = vector.broadcast %mul3A_584 : f32 to vector<16xf32>
      %mul3A_586 = arith.mulf %get3A_579, %mul3A_585 : vector<16xf32>
      %convert_element_type3A_587 = arith.fptosi %mul3A_586 : vector<16xf32> to vector<16xi32>
      %shift_right_arithmetic3A_588 = arith.constant 3 : i32
      %shift_right_arithmetic3A_589 = vector.broadcast %shift_right_arithmetic3A_588 : i32 to vector<16xi32>
      %shift_right_arithmetic3A_590 = arith.shrsi %convert_element_type3A_587, %shift_right_arithmetic3A_589 : vector<16xi32>
      %mul3A_591 = arith.constant 3072 : i32
      %mul3A_592 = vector.broadcast %mul3A_591 : i32 to vector<16xi32>
      %mul3A_593 = arith.muli %shift_right_arithmetic3A_590, %mul3A_592 : vector<16xi32>
      %add3A_594 = vector.broadcast %mul3A_20 : i32 to vector<16xi32>
      %add3A_595 = arith.addi %add3A_594, %mul3A_593 : vector<16xi32>
      %shift_left3A_596 = arith.constant 7 : i32
      %shift_left3A_597 = vector.broadcast %shift_left3A_596 : i32 to vector<16xi32>
      %shift_left3A_598 = arith.shli %convert_element_type3A_587, %shift_left3A_597 : vector<16xi32>
      %add3A_599 = arith.addi %add3A_595, %shift_left3A_598 : vector<16xi32>
      %shift_right_arithmetic3A_600 = arith.constant 7 : i32
      %shift_right_arithmetic3A_601 = vector.broadcast %shift_right_arithmetic3A_600 : i32 to vector<16xi32>
      %shift_right_arithmetic3A_602 = arith.shrsi %convert_element_type3A_583, %shift_right_arithmetic3A_601 : vector<16xi32>
      %mul3A_603 = arith.constant 896 : i32
      %mul3A_604 = vector.broadcast %mul3A_603 : i32 to vector<16xi32>
      %mul3A_605 = arith.muli %shift_right_arithmetic3A_602, %mul3A_604 : vector<16xi32>
      %add3A_606 = arith.addi %add3A_599, %mul3A_605 : vector<16xi32>
      %add3A_607 = arith.addi %add3A_606, %convert_element_type3A_583 : vector<16xi32>
      %mul3A_608 = arith.constant 128 : i32
      %mul3A_609 = arith.muli %scan3A_266, %mul3A_608 : i32
      %add3A_610 = arith.constant 112 : i32
      %add3A_611 = arith.addi %mul3A_609, %add3A_610 : i32
      %swap3A_612 = arith.index_cast %add3A_611 : i32 to index
      %swap3A_613 = tpu.vector_load %arg9[%swap3A_612] {strides = array<i32>} : memref<4096xi32, #tpu.memory_space<vmem>>, vector<16xi32>,
      tpu.vector_store %arg9[%swap3A_612], %add3A_607 {strides = array<i32>} : memref<4096xi32, #tpu.memory_space<vmem>>, vector<16xi32>,
    }
    %scan3A_181 = arith.constant 32 : i32
    %dma_wait3A_182 = arith.constant 0 : i32
    %dma_wait3A_183 = tpu.memref_slice %arg10[%dma_wait3A_182] : memref<4096xf32, #tpu.memory_space<vmem>> -> memref<2048xf32, #tpu.memory_space<vmem>>
    %dma_wait3A_184 = arith.constant 0 : i32
    %dma_wait3A_185 = tpu.memref_slice %arg8[%dma_wait3A_184] : memref<4096xi32, #tpu.memory_space<vmem>> -> memref<2048xi32, #tpu.memory_space<vmem>>
    %dma_wait3A_186 = arith.constant 0 : i32
    %dma_wait3A_187 = tpu.memref_slice %arg3[%dma_wait3A_186] : memref<2097152xf32, #tpu.memory_space<hbm>> -> memref<2097152xf32, #tpu.memory_space<hbm>>
    tpu.wait_indirect_dma semaphore(%arg16 : memref<!tpu.dma_semaphore, #tpu.memory_space<semaphore_mem>>) src(%dma_wait3A_187 : memref<2097152xf32, #tpu.memory_space<hbm>>) dst(%dma_wait3A_183 : memref<2048xf32, #tpu.memory_space<vmem>>)
    %dma_start3A_188 = arith.constant 0 : i32
    %dma_start3A_189 = tpu.memref_slice %arg11[%dma_start3A_188] : memref<4096xf32, #tpu.memory_space<vmem>> -> memref<2048xf32, #tpu.memory_space<vmem>>
    %dma_start3A_190 = arith.constant 0 : i32
    %dma_start3A_191 = tpu.memref_slice %arg9[%dma_start3A_190] : memref<4096xi32, #tpu.memory_space<vmem>> -> memref<2048xi32, #tpu.memory_space<vmem>>
    %dma_start3A_192 = arith.constant 0 : i32
    %dma_start3A_193 = tpu.memref_slice %arg3[%dma_start3A_192] : memref<2097152xf32, #tpu.memory_space<hbm>> -> memref<2097152xf32, #tpu.memory_space<hbm>>
    tpu.enqueue_indirect_dma source(%dma_start3A_193 : memref<2097152xf32, #tpu.memory_space<hbm>>) target(%dma_start3A_189 : memref<2048xf32, #tpu.memory_space<vmem>>) offsets(%dma_start3A_191 : memref<2048xi32, #tpu.memory_space<vmem>>) semaphore(%arg16 : memref<!tpu.dma_semaphore, #tpu.memory_space<semaphore_mem>>)
    %dma_start3A_194 = arith.constant 2048 : i32
    %dma_start3A_195 = tpu.memref_slice %arg11[%dma_start3A_194] : memref<4096xf32, #tpu.memory_space<vmem>> -> memref<2048xf32, #tpu.memory_space<vmem>>
    %dma_start3A_196 = arith.constant 2048 : i32
    %dma_start3A_197 = tpu.memref_slice %arg9[%dma_start3A_196] : memref<4096xi32, #tpu.memory_space<vmem>> -> memref<2048xi32, #tpu.memory_space<vmem>>
    %dma_start3A_198 = arith.constant 0 : i32
    %dma_start3A_199 = tpu.memref_slice %arg3[%dma_start3A_198] : memref<2097152xf32, #tpu.memory_space<hbm>> -> memref<2097152xf32, #tpu.memory_space<hbm>>
    tpu.enqueue_indirect_dma source(%dma_start3A_199 : memref<2097152xf32, #tpu.memory_space<hbm>>) target(%dma_start3A_195 : memref<2048xf32, #tpu.memory_space<vmem>>) offsets(%dma_start3A_197 : memref<2048xi32, #tpu.memory_space<vmem>>) semaphore(%arg17 : memref<!tpu.dma_semaphore, #tpu.memory_space<semaphore_mem>>)
    %add3A_200 = arith.constant 0 : i32
    %add3A_201 = arith.addi %mul3A_2, %add3A_200 : i32
    %dma_wait3A_202 = tpu.memref_slice %arg4[%add3A_201] : memref<524288xf32, #tpu.memory_space<hbm>> -> memref<4096xf32, #tpu.memory_space<hbm>>
    %dma_wait3A_203 = tpu.memref_slice %arg4[%add3A_201] : memref<524288xf32, #tpu.memory_space<hbm>> -> memref<4096xf32, #tpu.memory_space<hbm>>
    tpu.wait_dma2 semaphore(%arg18 : memref<!tpu.dma_semaphore, #tpu.memory_space<semaphore_mem>>) src(%arg12 : memref<4096xf32, #tpu.memory_space<vmem>>) dst(%dma_wait3A_203 : memref<4096xf32, #tpu.memory_space<hbm>>)
    %scan3A_204 = arith.constant 0 : i32
    %scan3A_205 = arith.constant 0 : i32
    %scan3A_206 = arith.constant 16 : i32
    %scan3A_207 = arith.addi %scan3A_205, %scan3A_206 : i32
    %scan3A_208 = arith.constant 1 : i32
    scf.for %scan3A_266 = %scan3A_205 to %scan3A_207 step %scan3A_208  : i32 {
      %mul3A_267 = arith.constant 512 : i32
      %mul3A_268 = arith.muli %scan3A_266, %mul3A_267 : i32
      %add3A_269 = arith.constant 256 : i32
      %add3A_270 = arith.addi %mul3A_268, %add3A_269 : i32
      %add3A_271 = arith.constant 0 : i32
      %add3A_272 = arith.addi %add3A_270, %add3A_271 : i32
      %get3A = arith.index_cast %add3A_272 : i32 to index
      %get3A_273 = tpu.vector_load %arg7[%get3A] {strides = array<i32>} : memref<16384xf32, #tpu.memory_space<vmem>>, vector<16xf32>,
      %mul3A_274 = arith.constant 128 : i32
      %mul3A_275 = arith.muli %scan3A_266, %mul3A_274 : i32
      %add3A_276 = arith.constant 0 : i32
      %add3A_277 = arith.addi %mul3A_275, %add3A_276 : i32
      %get3A_278 = arith.index_cast %add3A_277 : i32 to index
      %get3A_279 = tpu.vector_load %arg10[%get3A_278] {strides = array<i32>} : memref<4096xf32, #tpu.memory_space<vmem>>, vector<16xf32>,
      %le3A = arith.cmpf ole, %get3A_273, %get3A_279 : vector<16xf32>
      %jit3A_280 = arith.constant 1.000000e+00 : f32
      %jit3A_281 = arith.constant 0.000000e+00 : f32
      %broadcast_in_dim3A = vector.broadcast %jit3A_280 : f32 to vector<16xf32>
      %broadcast_in_dim3A_282 = vector.broadcast %jit3A_281 : f32 to vector<16xf32>
      %select_n3A_283 = arith.select %le3A, %broadcast_in_dim3A, %broadcast_in_dim3A_282 : vector<16xi1>, vector<16xf32>
      %mul3A_284 = arith.constant 128 : i32
      %mul3A_285 = arith.muli %scan3A_266, %mul3A_284 : i32
      %add3A_286 = arith.constant 0 : i32
      %add3A_287 = arith.addi %mul3A_285, %add3A_286 : i32
      %swap3A = arith.index_cast %add3A_287 : i32 to index
      %swap3A_288 = tpu.vector_load %arg12[%swap3A] {strides = array<i32>} : memref<4096xf32, #tpu.memory_space<vmem>>, vector<16xf32>,
      tpu.vector_store %arg12[%swap3A], %select_n3A_283 {strides = array<i32>} : memref<4096xf32, #tpu.memory_space<vmem>>, vector<16xf32>,
      %mul3A_289 = arith.constant 512 : i32
      %mul3A_290 = arith.muli %scan3A_266, %mul3A_289 : i32
      %add3A_291 = arith.constant 256 : i32
      %add3A_292 = arith.addi %mul3A_290, %add3A_291 : i32
      %add3A_293 = arith.constant 16 : i32
      %add3A_294 = arith.addi %add3A_292, %add3A_293 : i32
      %get3A_295 = arith.index_cast %add3A_294 : i32 to index
      %get3A_296 = tpu.vector_load %arg7[%get3A_295] {strides = array<i32>} : memref<16384xf32, #tpu.memory_space<vmem>>, vector<16xf32>,
      %mul3A_297 = arith.constant 128 : i32
      %mul3A_298 = arith.muli %scan3A_266, %mul3A_297 : i32
      %add3A_299 = arith.constant 16 : i32
      %add3A_300 = arith.addi %mul3A_298, %add3A_299 : i32
      %get3A_301 = arith.index_cast %add3A_300 : i32 to index
      %get3A_302 = tpu.vector_load %arg10[%get3A_301] {strides = array<i32>} : memref<4096xf32, #tpu.memory_space<vmem>>, vector<16xf32>,
      %le3A_303 = arith.cmpf ole, %get3A_296, %get3A_302 : vector<16xf32>
      %jit3A_304 = arith.constant 1.000000e+00 : f32
      %jit3A_305 = arith.constant 0.000000e+00 : f32
      %broadcast_in_dim3A_306 = vector.broadcast %jit3A_304 : f32 to vector<16xf32>
      %broadcast_in_dim3A_307 = vector.broadcast %jit3A_305 : f32 to vector<16xf32>
      %select_n3A_308 = arith.select %le3A_303, %broadcast_in_dim3A_306, %broadcast_in_dim3A_307 : vector<16xi1>, vector<16xf32>
      %mul3A_309 = arith.constant 128 : i32
      %mul3A_310 = arith.muli %scan3A_266, %mul3A_309 : i32
      %add3A_311 = arith.constant 16 : i32
      %add3A_312 = arith.addi %mul3A_310, %add3A_311 : i32
      %swap3A_313 = arith.index_cast %add3A_312 : i32 to index
      %swap3A_314 = tpu.vector_load %arg12[%swap3A_313] {strides = array<i32>} : memref<4096xf32, #tpu.memory_space<vmem>>, vector<16xf32>,
      tpu.vector_store %arg12[%swap3A_313], %select_n3A_308 {strides = array<i32>} : memref<4096xf32, #tpu.memory_space<vmem>>, vector<16xf32>,
      %mul3A_315 = arith.constant 512 : i32
      %mul3A_316 = arith.muli %scan3A_266, %mul3A_315 : i32
      %add3A_317 = arith.constant 256 : i32
      %add3A_318 = arith.addi %mul3A_316, %add3A_317 : i32
      %add3A_319 = arith.constant 32 : i32
      %add3A_320 = arith.addi %add3A_318, %add3A_319 : i32
      %get3A_321 = arith.index_cast %add3A_320 : i32 to index
      %get3A_322 = tpu.vector_load %arg7[%get3A_321] {strides = array<i32>} : memref<16384xf32, #tpu.memory_space<vmem>>, vector<16xf32>,
      %mul3A_323 = arith.constant 128 : i32
      %mul3A_324 = arith.muli %scan3A_266, %mul3A_323 : i32
      %add3A_325 = arith.constant 32 : i32
      %add3A_326 = arith.addi %mul3A_324, %add3A_325 : i32
      %get3A_327 = arith.index_cast %add3A_326 : i32 to index
      %get3A_328 = tpu.vector_load %arg10[%get3A_327] {strides = array<i32>} : memref<4096xf32, #tpu.memory_space<vmem>>, vector<16xf32>,
      %le3A_329 = arith.cmpf ole, %get3A_322, %get3A_328 : vector<16xf32>
      %jit3A_330 = arith.constant 1.000000e+00 : f32
      %jit3A_331 = arith.constant 0.000000e+00 : f32
      %broadcast_in_dim3A_332 = vector.broadcast %jit3A_330 : f32 to vector<16xf32>
      %broadcast_in_dim3A_333 = vector.broadcast %jit3A_331 : f32 to vector<16xf32>
      %select_n3A_334 = arith.select %le3A_329, %broadcast_in_dim3A_332, %broadcast_in_dim3A_333 : vector<16xi1>, vector<16xf32>
      %mul3A_335 = arith.constant 128 : i32
      %mul3A_336 = arith.muli %scan3A_266, %mul3A_335 : i32
      %add3A_337 = arith.constant 32 : i32
      %add3A_338 = arith.addi %mul3A_336, %add3A_337 : i32
      %swap3A_339 = arith.index_cast %add3A_338 : i32 to index
      %swap3A_340 = tpu.vector_load %arg12[%swap3A_339] {strides = array<i32>} : memref<4096xf32, #tpu.memory_space<vmem>>, vector<16xf32>,
      tpu.vector_store %arg12[%swap3A_339], %select_n3A_334 {strides = array<i32>} : memref<4096xf32, #tpu.memory_space<vmem>>, vector<16xf32>,
      %mul3A_341 = arith.constant 512 : i32
      %mul3A_342 = arith.muli %scan3A_266, %mul3A_341 : i32
      %add3A_343 = arith.constant 256 : i32
      %add3A_344 = arith.addi %mul3A_342, %add3A_343 : i32
      %add3A_345 = arith.constant 48 : i32
      %add3A_346 = arith.addi %add3A_344, %add3A_345 : i32
      %get3A_347 = arith.index_cast %add3A_346 : i32 to index
      %get3A_348 = tpu.vector_load %arg7[%get3A_347] {strides = array<i32>} : memref<16384xf32, #tpu.memory_space<vmem>>, vector<16xf32>,
      %mul3A_349 = arith.constant 128 : i32
      %mul3A_350 = arith.muli %scan3A_266, %mul3A_349 : i32
      %add3A_351 = arith.constant 48 : i32
      %add3A_352 = arith.addi %mul3A_350, %add3A_351 : i32
      %get3A_353 = arith.index_cast %add3A_352 : i32 to index
      %get3A_354 = tpu.vector_load %arg10[%get3A_353] {strides = array<i32>} : memref<4096xf32, #tpu.memory_space<vmem>>, vector<16xf32>,
      %le3A_355 = arith.cmpf ole, %get3A_348, %get3A_354 : vector<16xf32>
      %jit3A_356 = arith.constant 1.000000e+00 : f32
      %jit3A_357 = arith.constant 0.000000e+00 : f32
      %broadcast_in_dim3A_358 = vector.broadcast %jit3A_356 : f32 to vector<16xf32>
      %broadcast_in_dim3A_359 = vector.broadcast %jit3A_357 : f32 to vector<16xf32>
      %select_n3A_360 = arith.select %le3A_355, %broadcast_in_dim3A_358, %broadcast_in_dim3A_359 : vector<16xi1>, vector<16xf32>
      %mul3A_361 = arith.constant 128 : i32
      %mul3A_362 = arith.muli %scan3A_266, %mul3A_361 : i32
      %add3A_363 = arith.constant 48 : i32
      %add3A_364 = arith.addi %mul3A_362, %add3A_363 : i32
      %swap3A_365 = arith.index_cast %add3A_364 : i32 to index
      %swap3A_366 = tpu.vector_load %arg12[%swap3A_365] {strides = array<i32>} : memref<4096xf32, #tpu.memory_space<vmem>>, vector<16xf32>,
      tpu.vector_store %arg12[%swap3A_365], %select_n3A_360 {strides = array<i32>} : memref<4096xf32, #tpu.memory_space<vmem>>, vector<16xf32>,
      %mul3A_367 = arith.constant 512 : i32
      %mul3A_368 = arith.muli %scan3A_266, %mul3A_367 : i32
      %add3A_369 = arith.constant 256 : i32
      %add3A_370 = arith.addi %mul3A_368, %add3A_369 : i32
      %add3A_371 = arith.constant 64 : i32
      %add3A_372 = arith.addi %add3A_370, %add3A_371 : i32
      %get3A_373 = arith.index_cast %add3A_372 : i32 to index
      %get3A_374 = tpu.vector_load %arg7[%get3A_373] {strides = array<i32>} : memref<16384xf32, #tpu.memory_space<vmem>>, vector<16xf32>,
      %mul3A_375 = arith.constant 128 : i32
      %mul3A_376 = arith.muli %scan3A_266, %mul3A_375 : i32
      %add3A_377 = arith.constant 64 : i32
      %add3A_378 = arith.addi %mul3A_376, %add3A_377 : i32
      %get3A_379 = arith.index_cast %add3A_378 : i32 to index
      %get3A_380 = tpu.vector_load %arg10[%get3A_379] {strides = array<i32>} : memref<4096xf32, #tpu.memory_space<vmem>>, vector<16xf32>,
      %le3A_381 = arith.cmpf ole, %get3A_374, %get3A_380 : vector<16xf32>
      %jit3A_382 = arith.constant 1.000000e+00 : f32
      %jit3A_383 = arith.constant 0.000000e+00 : f32
      %broadcast_in_dim3A_384 = vector.broadcast %jit3A_382 : f32 to vector<16xf32>
      %broadcast_in_dim3A_385 = vector.broadcast %jit3A_383 : f32 to vector<16xf32>
      %select_n3A_386 = arith.select %le3A_381, %broadcast_in_dim3A_384, %broadcast_in_dim3A_385 : vector<16xi1>, vector<16xf32>
      %mul3A_387 = arith.constant 128 : i32
      %mul3A_388 = arith.muli %scan3A_266, %mul3A_387 : i32
      %add3A_389 = arith.constant 64 : i32
      %add3A_390 = arith.addi %mul3A_388, %add3A_389 : i32
      %swap3A_391 = arith.index_cast %add3A_390 : i32 to index
      %swap3A_392 = tpu.vector_load %arg12[%swap3A_391] {strides = array<i32>} : memref<4096xf32, #tpu.memory_space<vmem>>, vector<16xf32>,
      tpu.vector_store %arg12[%swap3A_391], %select_n3A_386 {strides = array<i32>} : memref<4096xf32, #tpu.memory_space<vmem>>, vector<16xf32>,
      %mul3A_393 = arith.constant 512 : i32
      %mul3A_394 = arith.muli %scan3A_266, %mul3A_393 : i32
      %add3A_395 = arith.constant 256 : i32
      %add3A_396 = arith.addi %mul3A_394, %add3A_395 : i32
      %add3A_397 = arith.constant 80 : i32
      %add3A_398 = arith.addi %add3A_396, %add3A_397 : i32
      %get3A_399 = arith.index_cast %add3A_398 : i32 to index
      %get3A_400 = tpu.vector_load %arg7[%get3A_399] {strides = array<i32>} : memref<16384xf32, #tpu.memory_space<vmem>>, vector<16xf32>,
      %mul3A_401 = arith.constant 128 : i32
      %mul3A_402 = arith.muli %scan3A_266, %mul3A_401 : i32
      %add3A_403 = arith.constant 80 : i32
      %add3A_404 = arith.addi %mul3A_402, %add3A_403 : i32
      %get3A_405 = arith.index_cast %add3A_404 : i32 to index
      %get3A_406 = tpu.vector_load %arg10[%get3A_405] {strides = array<i32>} : memref<4096xf32, #tpu.memory_space<vmem>>, vector<16xf32>,
      %le3A_407 = arith.cmpf ole, %get3A_400, %get3A_406 : vector<16xf32>
      %jit3A_408 = arith.constant 1.000000e+00 : f32
      %jit3A_409 = arith.constant 0.000000e+00 : f32
      %broadcast_in_dim3A_410 = vector.broadcast %jit3A_408 : f32 to vector<16xf32>
      %broadcast_in_dim3A_411 = vector.broadcast %jit3A_409 : f32 to vector<16xf32>
      %select_n3A_412 = arith.select %le3A_407, %broadcast_in_dim3A_410, %broadcast_in_dim3A_411 : vector<16xi1>, vector<16xf32>
      %mul3A_413 = arith.constant 128 : i32
      %mul3A_414 = arith.muli %scan3A_266, %mul3A_413 : i32
      %add3A_415 = arith.constant 80 : i32
      %add3A_416 = arith.addi %mul3A_414, %add3A_415 : i32
      %swap3A_417 = arith.index_cast %add3A_416 : i32 to index
      %swap3A_418 = tpu.vector_load %arg12[%swap3A_417] {strides = array<i32>} : memref<4096xf32, #tpu.memory_space<vmem>>, vector<16xf32>,
      tpu.vector_store %arg12[%swap3A_417], %select_n3A_412 {strides = array<i32>} : memref<4096xf32, #tpu.memory_space<vmem>>, vector<16xf32>,
      %mul3A_419 = arith.constant 512 : i32
      %mul3A_420 = arith.muli %scan3A_266, %mul3A_419 : i32
      %add3A_421 = arith.constant 256 : i32
      %add3A_422 = arith.addi %mul3A_420, %add3A_421 : i32
      %add3A_423 = arith.constant 96 : i32
      %add3A_424 = arith.addi %add3A_422, %add3A_423 : i32
      %get3A_425 = arith.index_cast %add3A_424 : i32 to index
      %get3A_426 = tpu.vector_load %arg7[%get3A_425] {strides = array<i32>} : memref<16384xf32, #tpu.memory_space<vmem>>, vector<16xf32>,
      %mul3A_427 = arith.constant 128 : i32
      %mul3A_428 = arith.muli %scan3A_266, %mul3A_427 : i32
      %add3A_429 = arith.constant 96 : i32
      %add3A_430 = arith.addi %mul3A_428, %add3A_429 : i32
      %get3A_431 = arith.index_cast %add3A_430 : i32 to index
      %get3A_432 = tpu.vector_load %arg10[%get3A_431] {strides = array<i32>} : memref<4096xf32, #tpu.memory_space<vmem>>, vector<16xf32>,
      %le3A_433 = arith.cmpf ole, %get3A_426, %get3A_432 : vector<16xf32>
      %jit3A_434 = arith.constant 1.000000e+00 : f32
      %jit3A_435 = arith.constant 0.000000e+00 : f32
      %broadcast_in_dim3A_436 = vector.broadcast %jit3A_434 : f32 to vector<16xf32>
      %broadcast_in_dim3A_437 = vector.broadcast %jit3A_435 : f32 to vector<16xf32>
      %select_n3A_438 = arith.select %le3A_433, %broadcast_in_dim3A_436, %broadcast_in_dim3A_437 : vector<16xi1>, vector<16xf32>
      %mul3A_439 = arith.constant 128 : i32
      %mul3A_440 = arith.muli %scan3A_266, %mul3A_439 : i32
      %add3A_441 = arith.constant 96 : i32
      %add3A_442 = arith.addi %mul3A_440, %add3A_441 : i32
      %swap3A_443 = arith.index_cast %add3A_442 : i32 to index
      %swap3A_444 = tpu.vector_load %arg12[%swap3A_443] {strides = array<i32>} : memref<4096xf32, #tpu.memory_space<vmem>>, vector<16xf32>,
      tpu.vector_store %arg12[%swap3A_443], %select_n3A_438 {strides = array<i32>} : memref<4096xf32, #tpu.memory_space<vmem>>, vector<16xf32>,
      %mul3A_445 = arith.constant 512 : i32
      %mul3A_446 = arith.muli %scan3A_266, %mul3A_445 : i32
      %add3A_447 = arith.constant 256 : i32
      %add3A_448 = arith.addi %mul3A_446, %add3A_447 : i32
      %add3A_449 = arith.constant 112 : i32
      %add3A_450 = arith.addi %add3A_448, %add3A_449 : i32
      %get3A_451 = arith.index_cast %add3A_450 : i32 to index
      %get3A_452 = tpu.vector_load %arg7[%get3A_451] {strides = array<i32>} : memref<16384xf32, #tpu.memory_space<vmem>>, vector<16xf32>,
      %mul3A_453 = arith.constant 128 : i32
      %mul3A_454 = arith.muli %scan3A_266, %mul3A_453 : i32
      %add3A_455 = arith.constant 112 : i32
      %add3A_456 = arith.addi %mul3A_454, %add3A_455 : i32
      %get3A_457 = arith.index_cast %add3A_456 : i32 to index
      %get3A_458 = tpu.vector_load %arg10[%get3A_457] {strides = array<i32>} : memref<4096xf32, #tpu.memory_space<vmem>>, vector<16xf32>,
      %le3A_459 = arith.cmpf ole, %get3A_452, %get3A_458 : vector<16xf32>
      %jit3A_460 = arith.constant 1.000000e+00 : f32
      %jit3A_461 = arith.constant 0.000000e+00 : f32
      %broadcast_in_dim3A_462 = vector.broadcast %jit3A_460 : f32 to vector<16xf32>
      %broadcast_in_dim3A_463 = vector.broadcast %jit3A_461 : f32 to vector<16xf32>
      %select_n3A_464 = arith.select %le3A_459, %broadcast_in_dim3A_462, %broadcast_in_dim3A_463 : vector<16xi1>, vector<16xf32>
      %mul3A_465 = arith.constant 128 : i32
      %mul3A_466 = arith.muli %scan3A_266, %mul3A_465 : i32
      %add3A_467 = arith.constant 112 : i32
      %add3A_468 = arith.addi %mul3A_466, %add3A_467 : i32
      %swap3A_469 = arith.index_cast %add3A_468 : i32 to index
      %swap3A_470 = tpu.vector_load %arg12[%swap3A_469] {strides = array<i32>} : memref<4096xf32, #tpu.memory_space<vmem>>, vector<16xf32>,
      tpu.vector_store %arg12[%swap3A_469], %select_n3A_464 {strides = array<i32>} : memref<4096xf32, #tpu.memory_space<vmem>>, vector<16xf32>,
    }
    %scan3A_209 = arith.constant 16 : i32
    %dma_wait3A_210 = arith.constant 2048 : i32
    %dma_wait3A_211 = tpu.memref_slice %arg10[%dma_wait3A_210] : memref<4096xf32, #tpu.memory_space<vmem>> -> memref<2048xf32, #tpu.memory_space<vmem>>
    %dma_wait3A_212 = arith.constant 2048 : i32
    %dma_wait3A_213 = tpu.memref_slice %arg8[%dma_wait3A_212] : memref<4096xi32, #tpu.memory_space<vmem>> -> memref<2048xi32, #tpu.memory_space<vmem>>
    %dma_wait3A_214 = arith.constant 0 : i32
    %dma_wait3A_215 = tpu.memref_slice %arg3[%dma_wait3A_214] : memref<2097152xf32, #tpu.memory_space<hbm>> -> memref<2097152xf32, #tpu.memory_space<hbm>>
    tpu.wait_indirect_dma semaphore(%arg17 : memref<!tpu.dma_semaphore, #tpu.memory_space<semaphore_mem>>) src(%dma_wait3A_215 : memref<2097152xf32, #tpu.memory_space<hbm>>) dst(%dma_wait3A_211 : memref<2048xf32, #tpu.memory_space<vmem>>)
    %scan3A_216 = arith.constant 0 : i32
    %scan3A_217 = arith.constant 16 : i32
    %scan3A_218 = arith.constant 16 : i32
    %scan3A_219 = arith.addi %scan3A_217, %scan3A_218 : i32
    %scan3A_220 = arith.constant 1 : i32
    scf.for %scan3A_266 = %scan3A_217 to %scan3A_219 step %scan3A_220  : i32 {
      %mul3A_267 = arith.constant 512 : i32
      %mul3A_268 = arith.muli %scan3A_266, %mul3A_267 : i32
      %add3A_269 = arith.constant 256 : i32
      %add3A_270 = arith.addi %mul3A_268, %add3A_269 : i32
      %add3A_271 = arith.constant 0 : i32
      %add3A_272 = arith.addi %add3A_270, %add3A_271 : i32
      %get3A = arith.index_cast %add3A_272 : i32 to index
      %get3A_273 = tpu.vector_load %arg7[%get3A] {strides = array<i32>} : memref<16384xf32, #tpu.memory_space<vmem>>, vector<16xf32>,
      %mul3A_274 = arith.constant 128 : i32
      %mul3A_275 = arith.muli %scan3A_266, %mul3A_274 : i32
      %add3A_276 = arith.constant 0 : i32
      %add3A_277 = arith.addi %mul3A_275, %add3A_276 : i32
      %get3A_278 = arith.index_cast %add3A_277 : i32 to index
      %get3A_279 = tpu.vector_load %arg10[%get3A_278] {strides = array<i32>} : memref<4096xf32, #tpu.memory_space<vmem>>, vector<16xf32>,
      %le3A = arith.cmpf ole, %get3A_273, %get3A_279 : vector<16xf32>
      %jit3A_280 = arith.constant 1.000000e+00 : f32
      %jit3A_281 = arith.constant 0.000000e+00 : f32
      %broadcast_in_dim3A = vector.broadcast %jit3A_280 : f32 to vector<16xf32>
      %broadcast_in_dim3A_282 = vector.broadcast %jit3A_281 : f32 to vector<16xf32>
      %select_n3A_283 = arith.select %le3A, %broadcast_in_dim3A, %broadcast_in_dim3A_282 : vector<16xi1>, vector<16xf32>
      %mul3A_284 = arith.constant 128 : i32
      %mul3A_285 = arith.muli %scan3A_266, %mul3A_284 : i32
      %add3A_286 = arith.constant 0 : i32
      %add3A_287 = arith.addi %mul3A_285, %add3A_286 : i32
      %swap3A = arith.index_cast %add3A_287 : i32 to index
      %swap3A_288 = tpu.vector_load %arg12[%swap3A] {strides = array<i32>} : memref<4096xf32, #tpu.memory_space<vmem>>, vector<16xf32>,
      tpu.vector_store %arg12[%swap3A], %select_n3A_283 {strides = array<i32>} : memref<4096xf32, #tpu.memory_space<vmem>>, vector<16xf32>,
      %mul3A_289 = arith.constant 512 : i32
      %mul3A_290 = arith.muli %scan3A_266, %mul3A_289 : i32
      %add3A_291 = arith.constant 256 : i32
      %add3A_292 = arith.addi %mul3A_290, %add3A_291 : i32
      %add3A_293 = arith.constant 16 : i32
      %add3A_294 = arith.addi %add3A_292, %add3A_293 : i32
      %get3A_295 = arith.index_cast %add3A_294 : i32 to index
      %get3A_296 = tpu.vector_load %arg7[%get3A_295] {strides = array<i32>} : memref<16384xf32, #tpu.memory_space<vmem>>, vector<16xf32>,
      %mul3A_297 = arith.constant 128 : i32
      %mul3A_298 = arith.muli %scan3A_266, %mul3A_297 : i32
      %add3A_299 = arith.constant 16 : i32
      %add3A_300 = arith.addi %mul3A_298, %add3A_299 : i32
      %get3A_301 = arith.index_cast %add3A_300 : i32 to index
      %get3A_302 = tpu.vector_load %arg10[%get3A_301] {strides = array<i32>} : memref<4096xf32, #tpu.memory_space<vmem>>, vector<16xf32>,
      %le3A_303 = arith.cmpf ole, %get3A_296, %get3A_302 : vector<16xf32>
      %jit3A_304 = arith.constant 1.000000e+00 : f32
      %jit3A_305 = arith.constant 0.000000e+00 : f32
      %broadcast_in_dim3A_306 = vector.broadcast %jit3A_304 : f32 to vector<16xf32>
      %broadcast_in_dim3A_307 = vector.broadcast %jit3A_305 : f32 to vector<16xf32>
      %select_n3A_308 = arith.select %le3A_303, %broadcast_in_dim3A_306, %broadcast_in_dim3A_307 : vector<16xi1>, vector<16xf32>
      %mul3A_309 = arith.constant 128 : i32
      %mul3A_310 = arith.muli %scan3A_266, %mul3A_309 : i32
      %add3A_311 = arith.constant 16 : i32
      %add3A_312 = arith.addi %mul3A_310, %add3A_311 : i32
      %swap3A_313 = arith.index_cast %add3A_312 : i32 to index
      %swap3A_314 = tpu.vector_load %arg12[%swap3A_313] {strides = array<i32>} : memref<4096xf32, #tpu.memory_space<vmem>>, vector<16xf32>,
      tpu.vector_store %arg12[%swap3A_313], %select_n3A_308 {strides = array<i32>} : memref<4096xf32, #tpu.memory_space<vmem>>, vector<16xf32>,
      %mul3A_315 = arith.constant 512 : i32
      %mul3A_316 = arith.muli %scan3A_266, %mul3A_315 : i32
      %add3A_317 = arith.constant 256 : i32
      %add3A_318 = arith.addi %mul3A_316, %add3A_317 : i32
      %add3A_319 = arith.constant 32 : i32
      %add3A_320 = arith.addi %add3A_318, %add3A_319 : i32
      %get3A_321 = arith.index_cast %add3A_320 : i32 to index
      %get3A_322 = tpu.vector_load %arg7[%get3A_321] {strides = array<i32>} : memref<16384xf32, #tpu.memory_space<vmem>>, vector<16xf32>,
      %mul3A_323 = arith.constant 128 : i32
      %mul3A_324 = arith.muli %scan3A_266, %mul3A_323 : i32
      %add3A_325 = arith.constant 32 : i32
      %add3A_326 = arith.addi %mul3A_324, %add3A_325 : i32
      %get3A_327 = arith.index_cast %add3A_326 : i32 to index
      %get3A_328 = tpu.vector_load %arg10[%get3A_327] {strides = array<i32>} : memref<4096xf32, #tpu.memory_space<vmem>>, vector<16xf32>,
      %le3A_329 = arith.cmpf ole, %get3A_322, %get3A_328 : vector<16xf32>
      %jit3A_330 = arith.constant 1.000000e+00 : f32
      %jit3A_331 = arith.constant 0.000000e+00 : f32
      %broadcast_in_dim3A_332 = vector.broadcast %jit3A_330 : f32 to vector<16xf32>
      %broadcast_in_dim3A_333 = vector.broadcast %jit3A_331 : f32 to vector<16xf32>
      %select_n3A_334 = arith.select %le3A_329, %broadcast_in_dim3A_332, %broadcast_in_dim3A_333 : vector<16xi1>, vector<16xf32>
      %mul3A_335 = arith.constant 128 : i32
      %mul3A_336 = arith.muli %scan3A_266, %mul3A_335 : i32
      %add3A_337 = arith.constant 32 : i32
      %add3A_338 = arith.addi %mul3A_336, %add3A_337 : i32
      %swap3A_339 = arith.index_cast %add3A_338 : i32 to index
      %swap3A_340 = tpu.vector_load %arg12[%swap3A_339] {strides = array<i32>} : memref<4096xf32, #tpu.memory_space<vmem>>, vector<16xf32>,
      tpu.vector_store %arg12[%swap3A_339], %select_n3A_334 {strides = array<i32>} : memref<4096xf32, #tpu.memory_space<vmem>>, vector<16xf32>,
      %mul3A_341 = arith.constant 512 : i32
      %mul3A_342 = arith.muli %scan3A_266, %mul3A_341 : i32
      %add3A_343 = arith.constant 256 : i32
      %add3A_344 = arith.addi %mul3A_342, %add3A_343 : i32
      %add3A_345 = arith.constant 48 : i32
      %add3A_346 = arith.addi %add3A_344, %add3A_345 : i32
      %get3A_347 = arith.index_cast %add3A_346 : i32 to index
      %get3A_348 = tpu.vector_load %arg7[%get3A_347] {strides = array<i32>} : memref<16384xf32, #tpu.memory_space<vmem>>, vector<16xf32>,
      %mul3A_349 = arith.constant 128 : i32
      %mul3A_350 = arith.muli %scan3A_266, %mul3A_349 : i32
      %add3A_351 = arith.constant 48 : i32
      %add3A_352 = arith.addi %mul3A_350, %add3A_351 : i32
      %get3A_353 = arith.index_cast %add3A_352 : i32 to index
      %get3A_354 = tpu.vector_load %arg10[%get3A_353] {strides = array<i32>} : memref<4096xf32, #tpu.memory_space<vmem>>, vector<16xf32>,
      %le3A_355 = arith.cmpf ole, %get3A_348, %get3A_354 : vector<16xf32>
      %jit3A_356 = arith.constant 1.000000e+00 : f32
      %jit3A_357 = arith.constant 0.000000e+00 : f32
      %broadcast_in_dim3A_358 = vector.broadcast %jit3A_356 : f32 to vector<16xf32>
      %broadcast_in_dim3A_359 = vector.broadcast %jit3A_357 : f32 to vector<16xf32>
      %select_n3A_360 = arith.select %le3A_355, %broadcast_in_dim3A_358, %broadcast_in_dim3A_359 : vector<16xi1>, vector<16xf32>
      %mul3A_361 = arith.constant 128 : i32
      %mul3A_362 = arith.muli %scan3A_266, %mul3A_361 : i32
      %add3A_363 = arith.constant 48 : i32
      %add3A_364 = arith.addi %mul3A_362, %add3A_363 : i32
      %swap3A_365 = arith.index_cast %add3A_364 : i32 to index
      %swap3A_366 = tpu.vector_load %arg12[%swap3A_365] {strides = array<i32>} : memref<4096xf32, #tpu.memory_space<vmem>>, vector<16xf32>,
      tpu.vector_store %arg12[%swap3A_365], %select_n3A_360 {strides = array<i32>} : memref<4096xf32, #tpu.memory_space<vmem>>, vector<16xf32>,
      %mul3A_367 = arith.constant 512 : i32
      %mul3A_368 = arith.muli %scan3A_266, %mul3A_367 : i32
      %add3A_369 = arith.constant 256 : i32
      %add3A_370 = arith.addi %mul3A_368, %add3A_369 : i32
      %add3A_371 = arith.constant 64 : i32
      %add3A_372 = arith.addi %add3A_370, %add3A_371 : i32
      %get3A_373 = arith.index_cast %add3A_372 : i32 to index
      %get3A_374 = tpu.vector_load %arg7[%get3A_373] {strides = array<i32>} : memref<16384xf32, #tpu.memory_space<vmem>>, vector<16xf32>,
      %mul3A_375 = arith.constant 128 : i32
      %mul3A_376 = arith.muli %scan3A_266, %mul3A_375 : i32
      %add3A_377 = arith.constant 64 : i32
      %add3A_378 = arith.addi %mul3A_376, %add3A_377 : i32
      %get3A_379 = arith.index_cast %add3A_378 : i32 to index
      %get3A_380 = tpu.vector_load %arg10[%get3A_379] {strides = array<i32>} : memref<4096xf32, #tpu.memory_space<vmem>>, vector<16xf32>,
      %le3A_381 = arith.cmpf ole, %get3A_374, %get3A_380 : vector<16xf32>
      %jit3A_382 = arith.constant 1.000000e+00 : f32
      %jit3A_383 = arith.constant 0.000000e+00 : f32
      %broadcast_in_dim3A_384 = vector.broadcast %jit3A_382 : f32 to vector<16xf32>
      %broadcast_in_dim3A_385 = vector.broadcast %jit3A_383 : f32 to vector<16xf32>
      %select_n3A_386 = arith.select %le3A_381, %broadcast_in_dim3A_384, %broadcast_in_dim3A_385 : vector<16xi1>, vector<16xf32>
      %mul3A_387 = arith.constant 128 : i32
      %mul3A_388 = arith.muli %scan3A_266, %mul3A_387 : i32
      %add3A_389 = arith.constant 64 : i32
      %add3A_390 = arith.addi %mul3A_388, %add3A_389 : i32
      %swap3A_391 = arith.index_cast %add3A_390 : i32 to index
      %swap3A_392 = tpu.vector_load %arg12[%swap3A_391] {strides = array<i32>} : memref<4096xf32, #tpu.memory_space<vmem>>, vector<16xf32>,
      tpu.vector_store %arg12[%swap3A_391], %select_n3A_386 {strides = array<i32>} : memref<4096xf32, #tpu.memory_space<vmem>>, vector<16xf32>,
      %mul3A_393 = arith.constant 512 : i32
      %mul3A_394 = arith.muli %scan3A_266, %mul3A_393 : i32
      %add3A_395 = arith.constant 256 : i32
      %add3A_396 = arith.addi %mul3A_394, %add3A_395 : i32
      %add3A_397 = arith.constant 80 : i32
      %add3A_398 = arith.addi %add3A_396, %add3A_397 : i32
      %get3A_399 = arith.index_cast %add3A_398 : i32 to index
      %get3A_400 = tpu.vector_load %arg7[%get3A_399] {strides = array<i32>} : memref<16384xf32, #tpu.memory_space<vmem>>, vector<16xf32>,
      %mul3A_401 = arith.constant 128 : i32
      %mul3A_402 = arith.muli %scan3A_266, %mul3A_401 : i32
      %add3A_403 = arith.constant 80 : i32
      %add3A_404 = arith.addi %mul3A_402, %add3A_403 : i32
      %get3A_405 = arith.index_cast %add3A_404 : i32 to index
      %get3A_406 = tpu.vector_load %arg10[%get3A_405] {strides = array<i32>} : memref<4096xf32, #tpu.memory_space<vmem>>, vector<16xf32>,
      %le3A_407 = arith.cmpf ole, %get3A_400, %get3A_406 : vector<16xf32>
      %jit3A_408 = arith.constant 1.000000e+00 : f32
      %jit3A_409 = arith.constant 0.000000e+00 : f32
      %broadcast_in_dim3A_410 = vector.broadcast %jit3A_408 : f32 to vector<16xf32>
      %broadcast_in_dim3A_411 = vector.broadcast %jit3A_409 : f32 to vector<16xf32>
      %select_n3A_412 = arith.select %le3A_407, %broadcast_in_dim3A_410, %broadcast_in_dim3A_411 : vector<16xi1>, vector<16xf32>
      %mul3A_413 = arith.constant 128 : i32
      %mul3A_414 = arith.muli %scan3A_266, %mul3A_413 : i32
      %add3A_415 = arith.constant 80 : i32
      %add3A_416 = arith.addi %mul3A_414, %add3A_415 : i32
      %swap3A_417 = arith.index_cast %add3A_416 : i32 to index
      %swap3A_418 = tpu.vector_load %arg12[%swap3A_417] {strides = array<i32>} : memref<4096xf32, #tpu.memory_space<vmem>>, vector<16xf32>,
      tpu.vector_store %arg12[%swap3A_417], %select_n3A_412 {strides = array<i32>} : memref<4096xf32, #tpu.memory_space<vmem>>, vector<16xf32>,
      %mul3A_419 = arith.constant 512 : i32
      %mul3A_420 = arith.muli %scan3A_266, %mul3A_419 : i32
      %add3A_421 = arith.constant 256 : i32
      %add3A_422 = arith.addi %mul3A_420, %add3A_421 : i32
      %add3A_423 = arith.constant 96 : i32
      %add3A_424 = arith.addi %add3A_422, %add3A_423 : i32
      %get3A_425 = arith.index_cast %add3A_424 : i32 to index
      %get3A_426 = tpu.vector_load %arg7[%get3A_425] {strides = array<i32>} : memref<16384xf32, #tpu.memory_space<vmem>>, vector<16xf32>,
      %mul3A_427 = arith.constant 128 : i32
      %mul3A_428 = arith.muli %scan3A_266, %mul3A_427 : i32
      %add3A_429 = arith.constant 96 : i32
      %add3A_430 = arith.addi %mul3A_428, %add3A_429 : i32
      %get3A_431 = arith.index_cast %add3A_430 : i32 to index
      %get3A_432 = tpu.vector_load %arg10[%get3A_431] {strides = array<i32>} : memref<4096xf32, #tpu.memory_space<vmem>>, vector<16xf32>,
      %le3A_433 = arith.cmpf ole, %get3A_426, %get3A_432 : vector<16xf32>
      %jit3A_434 = arith.constant 1.000000e+00 : f32
      %jit3A_435 = arith.constant 0.000000e+00 : f32
      %broadcast_in_dim3A_436 = vector.broadcast %jit3A_434 : f32 to vector<16xf32>
      %broadcast_in_dim3A_437 = vector.broadcast %jit3A_435 : f32 to vector<16xf32>
      %select_n3A_438 = arith.select %le3A_433, %broadcast_in_dim3A_436, %broadcast_in_dim3A_437 : vector<16xi1>, vector<16xf32>
      %mul3A_439 = arith.constant 128 : i32
      %mul3A_440 = arith.muli %scan3A_266, %mul3A_439 : i32
      %add3A_441 = arith.constant 96 : i32
      %add3A_442 = arith.addi %mul3A_440, %add3A_441 : i32
      %swap3A_443 = arith.index_cast %add3A_442 : i32 to index
      %swap3A_444 = tpu.vector_load %arg12[%swap3A_443] {strides = array<i32>} : memref<4096xf32, #tpu.memory_space<vmem>>, vector<16xf32>,
      tpu.vector_store %arg12[%swap3A_443], %select_n3A_438 {strides = array<i32>} : memref<4096xf32, #tpu.memory_space<vmem>>, vector<16xf32>,
      %mul3A_445 = arith.constant 512 : i32
      %mul3A_446 = arith.muli %scan3A_266, %mul3A_445 : i32
      %add3A_447 = arith.constant 256 : i32
      %add3A_448 = arith.addi %mul3A_446, %add3A_447 : i32
      %add3A_449 = arith.constant 112 : i32
      %add3A_450 = arith.addi %add3A_448, %add3A_449 : i32
      %get3A_451 = arith.index_cast %add3A_450 : i32 to index
      %get3A_452 = tpu.vector_load %arg7[%get3A_451] {strides = array<i32>} : memref<16384xf32, #tpu.memory_space<vmem>>, vector<16xf32>,
      %mul3A_453 = arith.constant 128 : i32
      %mul3A_454 = arith.muli %scan3A_266, %mul3A_453 : i32
      %add3A_455 = arith.constant 112 : i32
      %add3A_456 = arith.addi %mul3A_454, %add3A_455 : i32
      %get3A_457 = arith.index_cast %add3A_456 : i32 to index
      %get3A_458 = tpu.vector_load %arg10[%get3A_457] {strides = array<i32>} : memref<4096xf32, #tpu.memory_space<vmem>>, vector<16xf32>,
      %le3A_459 = arith.cmpf ole, %get3A_452, %get3A_458 : vector<16xf32>
      %jit3A_460 = arith.constant 1.000000e+00 : f32
      %jit3A_461 = arith.constant 0.000000e+00 : f32
      %broadcast_in_dim3A_462 = vector.broadcast %jit3A_460 : f32 to vector<16xf32>
      %broadcast_in_dim3A_463 = vector.broadcast %jit3A_461 : f32 to vector<16xf32>
      %select_n3A_464 = arith.select %le3A_459, %broadcast_in_dim3A_462, %broadcast_in_dim3A_463 : vector<16xi1>, vector<16xf32>
      %mul3A_465 = arith.constant 128 : i32
      %mul3A_466 = arith.muli %scan3A_266, %mul3A_465 : i32
      %add3A_467 = arith.constant 112 : i32
      %add3A_468 = arith.addi %mul3A_466, %add3A_467 : i32
      %swap3A_469 = arith.index_cast %add3A_468 : i32 to index
      %swap3A_470 = tpu.vector_load %arg12[%swap3A_469] {strides = array<i32>} : memref<4096xf32, #tpu.memory_space<vmem>>, vector<16xf32>,
      tpu.vector_store %arg12[%swap3A_469], %select_n3A_464 {strides = array<i32>} : memref<4096xf32, #tpu.memory_space<vmem>>, vector<16xf32>,
    }
    %scan3A_221 = arith.constant 16 : i32
    %add3A_222 = arith.constant 8192 : i32
    %add3A_223 = arith.addi %mul3A_2, %add3A_222 : i32
    %dma_start3A_224 = tpu.memref_slice %arg4[%add3A_223] : memref<524288xf32, #tpu.memory_space<hbm>> -> memref<4096xf32, #tpu.memory_space<hbm>>
    %dma_start3A_225 = tpu.memref_slice %arg4[%add3A_223] : memref<524288xf32, #tpu.memory_space<hbm>> -> memref<4096xf32, #tpu.memory_space<hbm>>
    tpu.enqueue_dma source(%arg12 : memref<4096xf32, #tpu.memory_space<vmem>>) target(%dma_start3A_225 : memref<4096xf32, #tpu.memory_space<hbm>>) target_semaphore(%arg18 : memref<!tpu.dma_semaphore, #tpu.memory_space<semaphore_mem>>)
    %dma_wait3A_226 = arith.constant 0 : i32
    %dma_wait3A_227 = tpu.memref_slice %arg11[%dma_wait3A_226] : memref<4096xf32, #tpu.memory_space<vmem>> -> memref<2048xf32, #tpu.memory_space<vmem>>
    %dma_wait3A_228 = arith.constant 0 : i32
    %dma_wait3A_229 = tpu.memref_slice %arg9[%dma_wait3A_228] : memref<4096xi32, #tpu.memory_space<vmem>> -> memref<2048xi32, #tpu.memory_space<vmem>>
    %dma_wait3A_230 = arith.constant 0 : i32
    %dma_wait3A_231 = tpu.memref_slice %arg3[%dma_wait3A_230] : memref<2097152xf32, #tpu.memory_space<hbm>> -> memref<2097152xf32, #tpu.memory_space<hbm>>
    tpu.wait_indirect_dma semaphore(%arg16 : memref<!tpu.dma_semaphore, #tpu.memory_space<semaphore_mem>>) src(%dma_wait3A_231 : memref<2097152xf32, #tpu.memory_space<hbm>>) dst(%dma_wait3A_227 : memref<2048xf32, #tpu.memory_space<vmem>>)
    %add3A_232 = arith.constant 4096 : i32
    %add3A_233 = arith.addi %mul3A_2, %add3A_232 : i32
    %dma_wait3A_234 = tpu.memref_slice %arg4[%add3A_233] : memref<524288xf32, #tpu.memory_space<hbm>> -> memref<4096xf32, #tpu.memory_space<hbm>>
    %dma_wait3A_235 = tpu.memref_slice %arg4[%add3A_233] : memref<524288xf32, #tpu.memory_space<hbm>> -> memref<4096xf32, #tpu.memory_space<hbm>>
    tpu.wait_dma2 semaphore(%arg19 : memref<!tpu.dma_semaphore, #tpu.memory_space<semaphore_mem>>) src(%arg13 : memref<4096xf32, #tpu.memory_space<vmem>>) dst(%dma_wait3A_235 : memref<4096xf32, #tpu.memory_space<hbm>>)
    %scan3A_236 = arith.constant 0 : i32
    %scan3A_237 = arith.constant 0 : i32
    %scan3A_238 = arith.constant 16 : i32
    %scan3A_239 = arith.addi %scan3A_237, %scan3A_238 : i32
    %scan3A_240 = arith.constant 1 : i32
    scf.for %scan3A_266 = %scan3A_237 to %scan3A_239 step %scan3A_240  : i32 {
      %mul3A_267 = arith.constant 512 : i32
      %mul3A_268 = arith.muli %scan3A_266, %mul3A_267 : i32
      %add3A_269 = arith.constant 256 : i32
      %add3A_270 = arith.addi %mul3A_268, %add3A_269 : i32
      %add3A_271 = arith.constant 0 : i32
      %add3A_272 = arith.addi %add3A_270, %add3A_271 : i32
      %get3A = arith.index_cast %add3A_272 : i32 to index
      %get3A_273 = tpu.vector_load %arg5[%get3A] {strides = array<i32>} : memref<16384xf32, #tpu.memory_space<vmem>>, vector<16xf32>,
      %mul3A_274 = arith.constant 128 : i32
      %mul3A_275 = arith.muli %scan3A_266, %mul3A_274 : i32
      %add3A_276 = arith.constant 0 : i32
      %add3A_277 = arith.addi %mul3A_275, %add3A_276 : i32
      %get3A_278 = arith.index_cast %add3A_277 : i32 to index
      %get3A_279 = tpu.vector_load %arg11[%get3A_278] {strides = array<i32>} : memref<4096xf32, #tpu.memory_space<vmem>>, vector<16xf32>,
      %le3A = arith.cmpf ole, %get3A_273, %get3A_279 : vector<16xf32>
      %jit3A_280 = arith.constant 1.000000e+00 : f32
      %jit3A_281 = arith.constant 0.000000e+00 : f32
      %broadcast_in_dim3A = vector.broadcast %jit3A_280 : f32 to vector<16xf32>
      %broadcast_in_dim3A_282 = vector.broadcast %jit3A_281 : f32 to vector<16xf32>
      %select_n3A_283 = arith.select %le3A, %broadcast_in_dim3A, %broadcast_in_dim3A_282 : vector<16xi1>, vector<16xf32>
      %mul3A_284 = arith.constant 128 : i32
      %mul3A_285 = arith.muli %scan3A_266, %mul3A_284 : i32
      %add3A_286 = arith.constant 0 : i32
      %add3A_287 = arith.addi %mul3A_285, %add3A_286 : i32
      %swap3A = arith.index_cast %add3A_287 : i32 to index
      %swap3A_288 = tpu.vector_load %arg13[%swap3A] {strides = array<i32>} : memref<4096xf32, #tpu.memory_space<vmem>>, vector<16xf32>,
      tpu.vector_store %arg13[%swap3A], %select_n3A_283 {strides = array<i32>} : memref<4096xf32, #tpu.memory_space<vmem>>, vector<16xf32>,
      %mul3A_289 = arith.constant 512 : i32
      %mul3A_290 = arith.muli %scan3A_266, %mul3A_289 : i32
      %add3A_291 = arith.constant 256 : i32
      %add3A_292 = arith.addi %mul3A_290, %add3A_291 : i32
      %add3A_293 = arith.constant 16 : i32
      %add3A_294 = arith.addi %add3A_292, %add3A_293 : i32
      %get3A_295 = arith.index_cast %add3A_294 : i32 to index
      %get3A_296 = tpu.vector_load %arg5[%get3A_295] {strides = array<i32>} : memref<16384xf32, #tpu.memory_space<vmem>>, vector<16xf32>,
      %mul3A_297 = arith.constant 128 : i32
      %mul3A_298 = arith.muli %scan3A_266, %mul3A_297 : i32
      %add3A_299 = arith.constant 16 : i32
      %add3A_300 = arith.addi %mul3A_298, %add3A_299 : i32
      %get3A_301 = arith.index_cast %add3A_300 : i32 to index
      %get3A_302 = tpu.vector_load %arg11[%get3A_301] {strides = array<i32>} : memref<4096xf32, #tpu.memory_space<vmem>>, vector<16xf32>,
      %le3A_303 = arith.cmpf ole, %get3A_296, %get3A_302 : vector<16xf32>
      %jit3A_304 = arith.constant 1.000000e+00 : f32
      %jit3A_305 = arith.constant 0.000000e+00 : f32
      %broadcast_in_dim3A_306 = vector.broadcast %jit3A_304 : f32 to vector<16xf32>
      %broadcast_in_dim3A_307 = vector.broadcast %jit3A_305 : f32 to vector<16xf32>
      %select_n3A_308 = arith.select %le3A_303, %broadcast_in_dim3A_306, %broadcast_in_dim3A_307 : vector<16xi1>, vector<16xf32>
      %mul3A_309 = arith.constant 128 : i32
      %mul3A_310 = arith.muli %scan3A_266, %mul3A_309 : i32
      %add3A_311 = arith.constant 16 : i32
      %add3A_312 = arith.addi %mul3A_310, %add3A_311 : i32
      %swap3A_313 = arith.index_cast %add3A_312 : i32 to index
      %swap3A_314 = tpu.vector_load %arg13[%swap3A_313] {strides = array<i32>} : memref<4096xf32, #tpu.memory_space<vmem>>, vector<16xf32>,
      tpu.vector_store %arg13[%swap3A_313], %select_n3A_308 {strides = array<i32>} : memref<4096xf32, #tpu.memory_space<vmem>>, vector<16xf32>,
      %mul3A_315 = arith.constant 512 : i32
      %mul3A_316 = arith.muli %scan3A_266, %mul3A_315 : i32
      %add3A_317 = arith.constant 256 : i32
      %add3A_318 = arith.addi %mul3A_316, %add3A_317 : i32
      %add3A_319 = arith.constant 32 : i32
      %add3A_320 = arith.addi %add3A_318, %add3A_319 : i32
      %get3A_321 = arith.index_cast %add3A_320 : i32 to index
      %get3A_322 = tpu.vector_load %arg5[%get3A_321] {strides = array<i32>} : memref<16384xf32, #tpu.memory_space<vmem>>, vector<16xf32>,
      %mul3A_323 = arith.constant 128 : i32
      %mul3A_324 = arith.muli %scan3A_266, %mul3A_323 : i32
      %add3A_325 = arith.constant 32 : i32
      %add3A_326 = arith.addi %mul3A_324, %add3A_325 : i32
      %get3A_327 = arith.index_cast %add3A_326 : i32 to index
      %get3A_328 = tpu.vector_load %arg11[%get3A_327] {strides = array<i32>} : memref<4096xf32, #tpu.memory_space<vmem>>, vector<16xf32>,
      %le3A_329 = arith.cmpf ole, %get3A_322, %get3A_328 : vector<16xf32>
      %jit3A_330 = arith.constant 1.000000e+00 : f32
      %jit3A_331 = arith.constant 0.000000e+00 : f32
      %broadcast_in_dim3A_332 = vector.broadcast %jit3A_330 : f32 to vector<16xf32>
      %broadcast_in_dim3A_333 = vector.broadcast %jit3A_331 : f32 to vector<16xf32>
      %select_n3A_334 = arith.select %le3A_329, %broadcast_in_dim3A_332, %broadcast_in_dim3A_333 : vector<16xi1>, vector<16xf32>
      %mul3A_335 = arith.constant 128 : i32
      %mul3A_336 = arith.muli %scan3A_266, %mul3A_335 : i32
      %add3A_337 = arith.constant 32 : i32
      %add3A_338 = arith.addi %mul3A_336, %add3A_337 : i32
      %swap3A_339 = arith.index_cast %add3A_338 : i32 to index
      %swap3A_340 = tpu.vector_load %arg13[%swap3A_339] {strides = array<i32>} : memref<4096xf32, #tpu.memory_space<vmem>>, vector<16xf32>,
      tpu.vector_store %arg13[%swap3A_339], %select_n3A_334 {strides = array<i32>} : memref<4096xf32, #tpu.memory_space<vmem>>, vector<16xf32>,
      %mul3A_341 = arith.constant 512 : i32
      %mul3A_342 = arith.muli %scan3A_266, %mul3A_341 : i32
      %add3A_343 = arith.constant 256 : i32
      %add3A_344 = arith.addi %mul3A_342, %add3A_343 : i32
      %add3A_345 = arith.constant 48 : i32
      %add3A_346 = arith.addi %add3A_344, %add3A_345 : i32
      %get3A_347 = arith.index_cast %add3A_346 : i32 to index
      %get3A_348 = tpu.vector_load %arg5[%get3A_347] {strides = array<i32>} : memref<16384xf32, #tpu.memory_space<vmem>>, vector<16xf32>,
      %mul3A_349 = arith.constant 128 : i32
      %mul3A_350 = arith.muli %scan3A_266, %mul3A_349 : i32
      %add3A_351 = arith.constant 48 : i32
      %add3A_352 = arith.addi %mul3A_350, %add3A_351 : i32
      %get3A_353 = arith.index_cast %add3A_352 : i32 to index
      %get3A_354 = tpu.vector_load %arg11[%get3A_353] {strides = array<i32>} : memref<4096xf32, #tpu.memory_space<vmem>>, vector<16xf32>,
      %le3A_355 = arith.cmpf ole, %get3A_348, %get3A_354 : vector<16xf32>
      %jit3A_356 = arith.constant 1.000000e+00 : f32
      %jit3A_357 = arith.constant 0.000000e+00 : f32
      %broadcast_in_dim3A_358 = vector.broadcast %jit3A_356 : f32 to vector<16xf32>
      %broadcast_in_dim3A_359 = vector.broadcast %jit3A_357 : f32 to vector<16xf32>
      %select_n3A_360 = arith.select %le3A_355, %broadcast_in_dim3A_358, %broadcast_in_dim3A_359 : vector<16xi1>, vector<16xf32>
      %mul3A_361 = arith.constant 128 : i32
      %mul3A_362 = arith.muli %scan3A_266, %mul3A_361 : i32
      %add3A_363 = arith.constant 48 : i32
      %add3A_364 = arith.addi %mul3A_362, %add3A_363 : i32
      %swap3A_365 = arith.index_cast %add3A_364 : i32 to index
      %swap3A_366 = tpu.vector_load %arg13[%swap3A_365] {strides = array<i32>} : memref<4096xf32, #tpu.memory_space<vmem>>, vector<16xf32>,
      tpu.vector_store %arg13[%swap3A_365], %select_n3A_360 {strides = array<i32>} : memref<4096xf32, #tpu.memory_space<vmem>>, vector<16xf32>,
      %mul3A_367 = arith.constant 512 : i32
      %mul3A_368 = arith.muli %scan3A_266, %mul3A_367 : i32
      %add3A_369 = arith.constant 256 : i32
      %add3A_370 = arith.addi %mul3A_368, %add3A_369 : i32
      %add3A_371 = arith.constant 64 : i32
      %add3A_372 = arith.addi %add3A_370, %add3A_371 : i32
      %get3A_373 = arith.index_cast %add3A_372 : i32 to index
      %get3A_374 = tpu.vector_load %arg5[%get3A_373] {strides = array<i32>} : memref<16384xf32, #tpu.memory_space<vmem>>, vector<16xf32>,
      %mul3A_375 = arith.constant 128 : i32
      %mul3A_376 = arith.muli %scan3A_266, %mul3A_375 : i32
      %add3A_377 = arith.constant 64 : i32
      %add3A_378 = arith.addi %mul3A_376, %add3A_377 : i32
      %get3A_379 = arith.index_cast %add3A_378 : i32 to index
      %get3A_380 = tpu.vector_load %arg11[%get3A_379] {strides = array<i32>} : memref<4096xf32, #tpu.memory_space<vmem>>, vector<16xf32>,
      %le3A_381 = arith.cmpf ole, %get3A_374, %get3A_380 : vector<16xf32>
      %jit3A_382 = arith.constant 1.000000e+00 : f32
      %jit3A_383 = arith.constant 0.000000e+00 : f32
      %broadcast_in_dim3A_384 = vector.broadcast %jit3A_382 : f32 to vector<16xf32>
      %broadcast_in_dim3A_385 = vector.broadcast %jit3A_383 : f32 to vector<16xf32>
      %select_n3A_386 = arith.select %le3A_381, %broadcast_in_dim3A_384, %broadcast_in_dim3A_385 : vector<16xi1>, vector<16xf32>
      %mul3A_387 = arith.constant 128 : i32
      %mul3A_388 = arith.muli %scan3A_266, %mul3A_387 : i32
      %add3A_389 = arith.constant 64 : i32
      %add3A_390 = arith.addi %mul3A_388, %add3A_389 : i32
      %swap3A_391 = arith.index_cast %add3A_390 : i32 to index
      %swap3A_392 = tpu.vector_load %arg13[%swap3A_391] {strides = array<i32>} : memref<4096xf32, #tpu.memory_space<vmem>>, vector<16xf32>,
      tpu.vector_store %arg13[%swap3A_391], %select_n3A_386 {strides = array<i32>} : memref<4096xf32, #tpu.memory_space<vmem>>, vector<16xf32>,
      %mul3A_393 = arith.constant 512 : i32
      %mul3A_394 = arith.muli %scan3A_266, %mul3A_393 : i32
      %add3A_395 = arith.constant 256 : i32
      %add3A_396 = arith.addi %mul3A_394, %add3A_395 : i32
      %add3A_397 = arith.constant 80 : i32
      %add3A_398 = arith.addi %add3A_396, %add3A_397 : i32
      %get3A_399 = arith.index_cast %add3A_398 : i32 to index
      %get3A_400 = tpu.vector_load %arg5[%get3A_399] {strides = array<i32>} : memref<16384xf32, #tpu.memory_space<vmem>>, vector<16xf32>,
      %mul3A_401 = arith.constant 128 : i32
      %mul3A_402 = arith.muli %scan3A_266, %mul3A_401 : i32
      %add3A_403 = arith.constant 80 : i32
      %add3A_404 = arith.addi %mul3A_402, %add3A_403 : i32
      %get3A_405 = arith.index_cast %add3A_404 : i32 to index
      %get3A_406 = tpu.vector_load %arg11[%get3A_405] {strides = array<i32>} : memref<4096xf32, #tpu.memory_space<vmem>>, vector<16xf32>,
      %le3A_407 = arith.cmpf ole, %get3A_400, %get3A_406 : vector<16xf32>
      %jit3A_408 = arith.constant 1.000000e+00 : f32
      %jit3A_409 = arith.constant 0.000000e+00 : f32
      %broadcast_in_dim3A_410 = vector.broadcast %jit3A_408 : f32 to vector<16xf32>
      %broadcast_in_dim3A_411 = vector.broadcast %jit3A_409 : f32 to vector<16xf32>
      %select_n3A_412 = arith.select %le3A_407, %broadcast_in_dim3A_410, %broadcast_in_dim3A_411 : vector<16xi1>, vector<16xf32>
      %mul3A_413 = arith.constant 128 : i32
      %mul3A_414 = arith.muli %scan3A_266, %mul3A_413 : i32
      %add3A_415 = arith.constant 80 : i32
      %add3A_416 = arith.addi %mul3A_414, %add3A_415 : i32
      %swap3A_417 = arith.index_cast %add3A_416 : i32 to index
      %swap3A_418 = tpu.vector_load %arg13[%swap3A_417] {strides = array<i32>} : memref<4096xf32, #tpu.memory_space<vmem>>, vector<16xf32>,
      tpu.vector_store %arg13[%swap3A_417], %select_n3A_412 {strides = array<i32>} : memref<4096xf32, #tpu.memory_space<vmem>>, vector<16xf32>,
      %mul3A_419 = arith.constant 512 : i32
      %mul3A_420 = arith.muli %scan3A_266, %mul3A_419 : i32
      %add3A_421 = arith.constant 256 : i32
      %add3A_422 = arith.addi %mul3A_420, %add3A_421 : i32
      %add3A_423 = arith.constant 96 : i32
      %add3A_424 = arith.addi %add3A_422, %add3A_423 : i32
      %get3A_425 = arith.index_cast %add3A_424 : i32 to index
      %get3A_426 = tpu.vector_load %arg5[%get3A_425] {strides = array<i32>} : memref<16384xf32, #tpu.memory_space<vmem>>, vector<16xf32>,
      %mul3A_427 = arith.constant 128 : i32
      %mul3A_428 = arith.muli %scan3A_266, %mul3A_427 : i32
      %add3A_429 = arith.constant 96 : i32
      %add3A_430 = arith.addi %mul3A_428, %add3A_429 : i32
      %get3A_431 = arith.index_cast %add3A_430 : i32 to index
      %get3A_432 = tpu.vector_load %arg11[%get3A_431] {strides = array<i32>} : memref<4096xf32, #tpu.memory_space<vmem>>, vector<16xf32>,
      %le3A_433 = arith.cmpf ole, %get3A_426, %get3A_432 : vector<16xf32>
      %jit3A_434 = arith.constant 1.000000e+00 : f32
      %jit3A_435 = arith.constant 0.000000e+00 : f32
      %broadcast_in_dim3A_436 = vector.broadcast %jit3A_434 : f32 to vector<16xf32>
      %broadcast_in_dim3A_437 = vector.broadcast %jit3A_435 : f32 to vector<16xf32>
      %select_n3A_438 = arith.select %le3A_433, %broadcast_in_dim3A_436, %broadcast_in_dim3A_437 : vector<16xi1>, vector<16xf32>
      %mul3A_439 = arith.constant 128 : i32
      %mul3A_440 = arith.muli %scan3A_266, %mul3A_439 : i32
      %add3A_441 = arith.constant 96 : i32
      %add3A_442 = arith.addi %mul3A_440, %add3A_441 : i32
      %swap3A_443 = arith.index_cast %add3A_442 : i32 to index
      %swap3A_444 = tpu.vector_load %arg13[%swap3A_443] {strides = array<i32>} : memref<4096xf32, #tpu.memory_space<vmem>>, vector<16xf32>,
      tpu.vector_store %arg13[%swap3A_443], %select_n3A_438 {strides = array<i32>} : memref<4096xf32, #tpu.memory_space<vmem>>, vector<16xf32>,
      %mul3A_445 = arith.constant 512 : i32
      %mul3A_446 = arith.muli %scan3A_266, %mul3A_445 : i32
      %add3A_447 = arith.constant 256 : i32
      %add3A_448 = arith.addi %mul3A_446, %add3A_447 : i32
      %add3A_449 = arith.constant 112 : i32
      %add3A_450 = arith.addi %add3A_448, %add3A_449 : i32
      %get3A_451 = arith.index_cast %add3A_450 : i32 to index
      %get3A_452 = tpu.vector_load %arg5[%get3A_451] {strides = array<i32>} : memref<16384xf32, #tpu.memory_space<vmem>>, vector<16xf32>,
      %mul3A_453 = arith.constant 128 : i32
      %mul3A_454 = arith.muli %scan3A_266, %mul3A_453 : i32
      %add3A_455 = arith.constant 112 : i32
      %add3A_456 = arith.addi %mul3A_454, %add3A_455 : i32
      %get3A_457 = arith.index_cast %add3A_456 : i32 to index
      %get3A_458 = tpu.vector_load %arg11[%get3A_457] {strides = array<i32>} : memref<4096xf32, #tpu.memory_space<vmem>>, vector<16xf32>,
      %le3A_459 = arith.cmpf ole, %get3A_452, %get3A_458 : vector<16xf32>
      %jit3A_460 = arith.constant 1.000000e+00 : f32
      %jit3A_461 = arith.constant 0.000000e+00 : f32
      %broadcast_in_dim3A_462 = vector.broadcast %jit3A_460 : f32 to vector<16xf32>
      %broadcast_in_dim3A_463 = vector.broadcast %jit3A_461 : f32 to vector<16xf32>
      %select_n3A_464 = arith.select %le3A_459, %broadcast_in_dim3A_462, %broadcast_in_dim3A_463 : vector<16xi1>, vector<16xf32>
      %mul3A_465 = arith.constant 128 : i32
      %mul3A_466 = arith.muli %scan3A_266, %mul3A_465 : i32
      %add3A_467 = arith.constant 112 : i32
      %add3A_468 = arith.addi %mul3A_466, %add3A_467 : i32
      %swap3A_469 = arith.index_cast %add3A_468 : i32 to index
      %swap3A_470 = tpu.vector_load %arg13[%swap3A_469] {strides = array<i32>} : memref<4096xf32, #tpu.memory_space<vmem>>, vector<16xf32>,
      tpu.vector_store %arg13[%swap3A_469], %select_n3A_464 {strides = array<i32>} : memref<4096xf32, #tpu.memory_space<vmem>>, vector<16xf32>,
    }
    %scan3A_241 = arith.constant 16 : i32
    %dma_wait3A_242 = arith.constant 2048 : i32
    %dma_wait3A_243 = tpu.memref_slice %arg11[%dma_wait3A_242] : memref<4096xf32, #tpu.memory_space<vmem>> -> memref<2048xf32, #tpu.memory_space<vmem>>
    %dma_wait3A_244 = arith.constant 2048 : i32
    %dma_wait3A_245 = tpu.memref_slice %arg9[%dma_wait3A_244] : memref<4096xi32, #tpu.memory_space<vmem>> -> memref<2048xi32, #tpu.memory_space<vmem>>
    %dma_wait3A_246 = arith.constant 0 : i32
    %dma_wait3A_247 = tpu.memref_slice %arg3[%dma_wait3A_246] : memref<2097152xf32, #tpu.memory_space<hbm>> -> memref<2097152xf32, #tpu.memory_space<hbm>>
    tpu.wait_indirect_dma semaphore(%arg17 : memref<!tpu.dma_semaphore, #tpu.memory_space<semaphore_mem>>) src(%dma_wait3A_247 : memref<2097152xf32, #tpu.memory_space<hbm>>) dst(%dma_wait3A_243 : memref<2048xf32, #tpu.memory_space<vmem>>)
    %scan3A_248 = arith.constant 0 : i32
    %scan3A_249 = arith.constant 16 : i32
    %scan3A_250 = arith.constant 16 : i32
    %scan3A_251 = arith.addi %scan3A_249, %scan3A_250 : i32
    %scan3A_252 = arith.constant 1 : i32
    scf.for %scan3A_266 = %scan3A_249 to %scan3A_251 step %scan3A_252  : i32 {
      %mul3A_267 = arith.constant 512 : i32
      %mul3A_268 = arith.muli %scan3A_266, %mul3A_267 : i32
      %add3A_269 = arith.constant 256 : i32
      %add3A_270 = arith.addi %mul3A_268, %add3A_269 : i32
      %add3A_271 = arith.constant 0 : i32
      %add3A_272 = arith.addi %add3A_270, %add3A_271 : i32
      %get3A = arith.index_cast %add3A_272 : i32 to index
      %get3A_273 = tpu.vector_load %arg5[%get3A] {strides = array<i32>} : memref<16384xf32, #tpu.memory_space<vmem>>, vector<16xf32>,
      %mul3A_274 = arith.constant 128 : i32
      %mul3A_275 = arith.muli %scan3A_266, %mul3A_274 : i32
      %add3A_276 = arith.constant 0 : i32
      %add3A_277 = arith.addi %mul3A_275, %add3A_276 : i32
      %get3A_278 = arith.index_cast %add3A_277 : i32 to index
      %get3A_279 = tpu.vector_load %arg11[%get3A_278] {strides = array<i32>} : memref<4096xf32, #tpu.memory_space<vmem>>, vector<16xf32>,
      %le3A = arith.cmpf ole, %get3A_273, %get3A_279 : vector<16xf32>
      %jit3A_280 = arith.constant 1.000000e+00 : f32
      %jit3A_281 = arith.constant 0.000000e+00 : f32
      %broadcast_in_dim3A = vector.broadcast %jit3A_280 : f32 to vector<16xf32>
      %broadcast_in_dim3A_282 = vector.broadcast %jit3A_281 : f32 to vector<16xf32>
      %select_n3A_283 = arith.select %le3A, %broadcast_in_dim3A, %broadcast_in_dim3A_282 : vector<16xi1>, vector<16xf32>
      %mul3A_284 = arith.constant 128 : i32
      %mul3A_285 = arith.muli %scan3A_266, %mul3A_284 : i32
      %add3A_286 = arith.constant 0 : i32
      %add3A_287 = arith.addi %mul3A_285, %add3A_286 : i32
      %swap3A = arith.index_cast %add3A_287 : i32 to index
      %swap3A_288 = tpu.vector_load %arg13[%swap3A] {strides = array<i32>} : memref<4096xf32, #tpu.memory_space<vmem>>, vector<16xf32>,
      tpu.vector_store %arg13[%swap3A], %select_n3A_283 {strides = array<i32>} : memref<4096xf32, #tpu.memory_space<vmem>>, vector<16xf32>,
      %mul3A_289 = arith.constant 512 : i32
      %mul3A_290 = arith.muli %scan3A_266, %mul3A_289 : i32
      %add3A_291 = arith.constant 256 : i32
      %add3A_292 = arith.addi %mul3A_290, %add3A_291 : i32
      %add3A_293 = arith.constant 16 : i32
      %add3A_294 = arith.addi %add3A_292, %add3A_293 : i32
      %get3A_295 = arith.index_cast %add3A_294 : i32 to index
      %get3A_296 = tpu.vector_load %arg5[%get3A_295] {strides = array<i32>} : memref<16384xf32, #tpu.memory_space<vmem>>, vector<16xf32>,
      %mul3A_297 = arith.constant 128 : i32
      %mul3A_298 = arith.muli %scan3A_266, %mul3A_297 : i32
      %add3A_299 = arith.constant 16 : i32
      %add3A_300 = arith.addi %mul3A_298, %add3A_299 : i32
      %get3A_301 = arith.index_cast %add3A_300 : i32 to index
      %get3A_302 = tpu.vector_load %arg11[%get3A_301] {strides = array<i32>} : memref<4096xf32, #tpu.memory_space<vmem>>, vector<16xf32>,
      %le3A_303 = arith.cmpf ole, %get3A_296, %get3A_302 : vector<16xf32>
      %jit3A_304 = arith.constant 1.000000e+00 : f32
      %jit3A_305 = arith.constant 0.000000e+00 : f32
      %broadcast_in_dim3A_306 = vector.broadcast %jit3A_304 : f32 to vector<16xf32>
      %broadcast_in_dim3A_307 = vector.broadcast %jit3A_305 : f32 to vector<16xf32>
      %select_n3A_308 = arith.select %le3A_303, %broadcast_in_dim3A_306, %broadcast_in_dim3A_307 : vector<16xi1>, vector<16xf32>
      %mul3A_309 = arith.constant 128 : i32
      %mul3A_310 = arith.muli %scan3A_266, %mul3A_309 : i32
      %add3A_311 = arith.constant 16 : i32
      %add3A_312 = arith.addi %mul3A_310, %add3A_311 : i32
      %swap3A_313 = arith.index_cast %add3A_312 : i32 to index
      %swap3A_314 = tpu.vector_load %arg13[%swap3A_313] {strides = array<i32>} : memref<4096xf32, #tpu.memory_space<vmem>>, vector<16xf32>,
      tpu.vector_store %arg13[%swap3A_313], %select_n3A_308 {strides = array<i32>} : memref<4096xf32, #tpu.memory_space<vmem>>, vector<16xf32>,
      %mul3A_315 = arith.constant 512 : i32
      %mul3A_316 = arith.muli %scan3A_266, %mul3A_315 : i32
      %add3A_317 = arith.constant 256 : i32
      %add3A_318 = arith.addi %mul3A_316, %add3A_317 : i32
      %add3A_319 = arith.constant 32 : i32
      %add3A_320 = arith.addi %add3A_318, %add3A_319 : i32
      %get3A_321 = arith.index_cast %add3A_320 : i32 to index
      %get3A_322 = tpu.vector_load %arg5[%get3A_321] {strides = array<i32>} : memref<16384xf32, #tpu.memory_space<vmem>>, vector<16xf32>,
      %mul3A_323 = arith.constant 128 : i32
      %mul3A_324 = arith.muli %scan3A_266, %mul3A_323 : i32
      %add3A_325 = arith.constant 32 : i32
      %add3A_326 = arith.addi %mul3A_324, %add3A_325 : i32
      %get3A_327 = arith.index_cast %add3A_326 : i32 to index
      %get3A_328 = tpu.vector_load %arg11[%get3A_327] {strides = array<i32>} : memref<4096xf32, #tpu.memory_space<vmem>>, vector<16xf32>,
      %le3A_329 = arith.cmpf ole, %get3A_322, %get3A_328 : vector<16xf32>
      %jit3A_330 = arith.constant 1.000000e+00 : f32
      %jit3A_331 = arith.constant 0.000000e+00 : f32
      %broadcast_in_dim3A_332 = vector.broadcast %jit3A_330 : f32 to vector<16xf32>
      %broadcast_in_dim3A_333 = vector.broadcast %jit3A_331 : f32 to vector<16xf32>
      %select_n3A_334 = arith.select %le3A_329, %broadcast_in_dim3A_332, %broadcast_in_dim3A_333 : vector<16xi1>, vector<16xf32>
      %mul3A_335 = arith.constant 128 : i32
      %mul3A_336 = arith.muli %scan3A_266, %mul3A_335 : i32
      %add3A_337 = arith.constant 32 : i32
      %add3A_338 = arith.addi %mul3A_336, %add3A_337 : i32
      %swap3A_339 = arith.index_cast %add3A_338 : i32 to index
      %swap3A_340 = tpu.vector_load %arg13[%swap3A_339] {strides = array<i32>} : memref<4096xf32, #tpu.memory_space<vmem>>, vector<16xf32>,
      tpu.vector_store %arg13[%swap3A_339], %select_n3A_334 {strides = array<i32>} : memref<4096xf32, #tpu.memory_space<vmem>>, vector<16xf32>,
      %mul3A_341 = arith.constant 512 : i32
      %mul3A_342 = arith.muli %scan3A_266, %mul3A_341 : i32
      %add3A_343 = arith.constant 256 : i32
      %add3A_344 = arith.addi %mul3A_342, %add3A_343 : i32
      %add3A_345 = arith.constant 48 : i32
      %add3A_346 = arith.addi %add3A_344, %add3A_345 : i32
      %get3A_347 = arith.index_cast %add3A_346 : i32 to index
      %get3A_348 = tpu.vector_load %arg5[%get3A_347] {strides = array<i32>} : memref<16384xf32, #tpu.memory_space<vmem>>, vector<16xf32>,
      %mul3A_349 = arith.constant 128 : i32
      %mul3A_350 = arith.muli %scan3A_266, %mul3A_349 : i32
      %add3A_351 = arith.constant 48 : i32
      %add3A_352 = arith.addi %mul3A_350, %add3A_351 : i32
      %get3A_353 = arith.index_cast %add3A_352 : i32 to index
      %get3A_354 = tpu.vector_load %arg11[%get3A_353] {strides = array<i32>} : memref<4096xf32, #tpu.memory_space<vmem>>, vector<16xf32>,
      %le3A_355 = arith.cmpf ole, %get3A_348, %get3A_354 : vector<16xf32>
      %jit3A_356 = arith.constant 1.000000e+00 : f32
      %jit3A_357 = arith.constant 0.000000e+00 : f32
      %broadcast_in_dim3A_358 = vector.broadcast %jit3A_356 : f32 to vector<16xf32>
      %broadcast_in_dim3A_359 = vector.broadcast %jit3A_357 : f32 to vector<16xf32>
      %select_n3A_360 = arith.select %le3A_355, %broadcast_in_dim3A_358, %broadcast_in_dim3A_359 : vector<16xi1>, vector<16xf32>
      %mul3A_361 = arith.constant 128 : i32
      %mul3A_362 = arith.muli %scan3A_266, %mul3A_361 : i32
      %add3A_363 = arith.constant 48 : i32
      %add3A_364 = arith.addi %mul3A_362, %add3A_363 : i32
      %swap3A_365 = arith.index_cast %add3A_364 : i32 to index
      %swap3A_366 = tpu.vector_load %arg13[%swap3A_365] {strides = array<i32>} : memref<4096xf32, #tpu.memory_space<vmem>>, vector<16xf32>,
      tpu.vector_store %arg13[%swap3A_365], %select_n3A_360 {strides = array<i32>} : memref<4096xf32, #tpu.memory_space<vmem>>, vector<16xf32>,
      %mul3A_367 = arith.constant 512 : i32
      %mul3A_368 = arith.muli %scan3A_266, %mul3A_367 : i32
      %add3A_369 = arith.constant 256 : i32
      %add3A_370 = arith.addi %mul3A_368, %add3A_369 : i32
      %add3A_371 = arith.constant 64 : i32
      %add3A_372 = arith.addi %add3A_370, %add3A_371 : i32
      %get3A_373 = arith.index_cast %add3A_372 : i32 to index
      %get3A_374 = tpu.vector_load %arg5[%get3A_373] {strides = array<i32>} : memref<16384xf32, #tpu.memory_space<vmem>>, vector<16xf32>,
      %mul3A_375 = arith.constant 128 : i32
      %mul3A_376 = arith.muli %scan3A_266, %mul3A_375 : i32
      %add3A_377 = arith.constant 64 : i32
      %add3A_378 = arith.addi %mul3A_376, %add3A_377 : i32
      %get3A_379 = arith.index_cast %add3A_378 : i32 to index
      %get3A_380 = tpu.vector_load %arg11[%get3A_379] {strides = array<i32>} : memref<4096xf32, #tpu.memory_space<vmem>>, vector<16xf32>,
      %le3A_381 = arith.cmpf ole, %get3A_374, %get3A_380 : vector<16xf32>
      %jit3A_382 = arith.constant 1.000000e+00 : f32
      %jit3A_383 = arith.constant 0.000000e+00 : f32
      %broadcast_in_dim3A_384 = vector.broadcast %jit3A_382 : f32 to vector<16xf32>
      %broadcast_in_dim3A_385 = vector.broadcast %jit3A_383 : f32 to vector<16xf32>
      %select_n3A_386 = arith.select %le3A_381, %broadcast_in_dim3A_384, %broadcast_in_dim3A_385 : vector<16xi1>, vector<16xf32>
      %mul3A_387 = arith.constant 128 : i32
      %mul3A_388 = arith.muli %scan3A_266, %mul3A_387 : i32
      %add3A_389 = arith.constant 64 : i32
      %add3A_390 = arith.addi %mul3A_388, %add3A_389 : i32
      %swap3A_391 = arith.index_cast %add3A_390 : i32 to index
      %swap3A_392 = tpu.vector_load %arg13[%swap3A_391] {strides = array<i32>} : memref<4096xf32, #tpu.memory_space<vmem>>, vector<16xf32>,
      tpu.vector_store %arg13[%swap3A_391], %select_n3A_386 {strides = array<i32>} : memref<4096xf32, #tpu.memory_space<vmem>>, vector<16xf32>,
      %mul3A_393 = arith.constant 512 : i32
      %mul3A_394 = arith.muli %scan3A_266, %mul3A_393 : i32
      %add3A_395 = arith.constant 256 : i32
      %add3A_396 = arith.addi %mul3A_394, %add3A_395 : i32
      %add3A_397 = arith.constant 80 : i32
      %add3A_398 = arith.addi %add3A_396, %add3A_397 : i32
      %get3A_399 = arith.index_cast %add3A_398 : i32 to index
      %get3A_400 = tpu.vector_load %arg5[%get3A_399] {strides = array<i32>} : memref<16384xf32, #tpu.memory_space<vmem>>, vector<16xf32>,
      %mul3A_401 = arith.constant 128 : i32
      %mul3A_402 = arith.muli %scan3A_266, %mul3A_401 : i32
      %add3A_403 = arith.constant 80 : i32
      %add3A_404 = arith.addi %mul3A_402, %add3A_403 : i32
      %get3A_405 = arith.index_cast %add3A_404 : i32 to index
      %get3A_406 = tpu.vector_load %arg11[%get3A_405] {strides = array<i32>} : memref<4096xf32, #tpu.memory_space<vmem>>, vector<16xf32>,
      %le3A_407 = arith.cmpf ole, %get3A_400, %get3A_406 : vector<16xf32>
      %jit3A_408 = arith.constant 1.000000e+00 : f32
      %jit3A_409 = arith.constant 0.000000e+00 : f32
      %broadcast_in_dim3A_410 = vector.broadcast %jit3A_408 : f32 to vector<16xf32>
      %broadcast_in_dim3A_411 = vector.broadcast %jit3A_409 : f32 to vector<16xf32>
      %select_n3A_412 = arith.select %le3A_407, %broadcast_in_dim3A_410, %broadcast_in_dim3A_411 : vector<16xi1>, vector<16xf32>
      %mul3A_413 = arith.constant 128 : i32
      %mul3A_414 = arith.muli %scan3A_266, %mul3A_413 : i32
      %add3A_415 = arith.constant 80 : i32
      %add3A_416 = arith.addi %mul3A_414, %add3A_415 : i32
      %swap3A_417 = arith.index_cast %add3A_416 : i32 to index
      %swap3A_418 = tpu.vector_load %arg13[%swap3A_417] {strides = array<i32>} : memref<4096xf32, #tpu.memory_space<vmem>>, vector<16xf32>,
      tpu.vector_store %arg13[%swap3A_417], %select_n3A_412 {strides = array<i32>} : memref<4096xf32, #tpu.memory_space<vmem>>, vector<16xf32>,
      %mul3A_419 = arith.constant 512 : i32
      %mul3A_420 = arith.muli %scan3A_266, %mul3A_419 : i32
      %add3A_421 = arith.constant 256 : i32
      %add3A_422 = arith.addi %mul3A_420, %add3A_421 : i32
      %add3A_423 = arith.constant 96 : i32
      %add3A_424 = arith.addi %add3A_422, %add3A_423 : i32
      %get3A_425 = arith.index_cast %add3A_424 : i32 to index
      %get3A_426 = tpu.vector_load %arg5[%get3A_425] {strides = array<i32>} : memref<16384xf32, #tpu.memory_space<vmem>>, vector<16xf32>,
      %mul3A_427 = arith.constant 128 : i32
      %mul3A_428 = arith.muli %scan3A_266, %mul3A_427 : i32
      %add3A_429 = arith.constant 96 : i32
      %add3A_430 = arith.addi %mul3A_428, %add3A_429 : i32
      %get3A_431 = arith.index_cast %add3A_430 : i32 to index
      %get3A_432 = tpu.vector_load %arg11[%get3A_431] {strides = array<i32>} : memref<4096xf32, #tpu.memory_space<vmem>>, vector<16xf32>,
      %le3A_433 = arith.cmpf ole, %get3A_426, %get3A_432 : vector<16xf32>
      %jit3A_434 = arith.constant 1.000000e+00 : f32
      %jit3A_435 = arith.constant 0.000000e+00 : f32
      %broadcast_in_dim3A_436 = vector.broadcast %jit3A_434 : f32 to vector<16xf32>
      %broadcast_in_dim3A_437 = vector.broadcast %jit3A_435 : f32 to vector<16xf32>
      %select_n3A_438 = arith.select %le3A_433, %broadcast_in_dim3A_436, %broadcast_in_dim3A_437 : vector<16xi1>, vector<16xf32>
      %mul3A_439 = arith.constant 128 : i32
      %mul3A_440 = arith.muli %scan3A_266, %mul3A_439 : i32
      %add3A_441 = arith.constant 96 : i32
      %add3A_442 = arith.addi %mul3A_440, %add3A_441 : i32
      %swap3A_443 = arith.index_cast %add3A_442 : i32 to index
      %swap3A_444 = tpu.vector_load %arg13[%swap3A_443] {strides = array<i32>} : memref<4096xf32, #tpu.memory_space<vmem>>, vector<16xf32>,
      tpu.vector_store %arg13[%swap3A_443], %select_n3A_438 {strides = array<i32>} : memref<4096xf32, #tpu.memory_space<vmem>>, vector<16xf32>,
      %mul3A_445 = arith.constant 512 : i32
      %mul3A_446 = arith.muli %scan3A_266, %mul3A_445 : i32
      %add3A_447 = arith.constant 256 : i32
      %add3A_448 = arith.addi %mul3A_446, %add3A_447 : i32
      %add3A_449 = arith.constant 112 : i32
      %add3A_450 = arith.addi %add3A_448, %add3A_449 : i32
      %get3A_451 = arith.index_cast %add3A_450 : i32 to index
      %get3A_452 = tpu.vector_load %arg5[%get3A_451] {strides = array<i32>} : memref<16384xf32, #tpu.memory_space<vmem>>, vector<16xf32>,
      %mul3A_453 = arith.constant 128 : i32
      %mul3A_454 = arith.muli %scan3A_266, %mul3A_453 : i32
      %add3A_455 = arith.constant 112 : i32
      %add3A_456 = arith.addi %mul3A_454, %add3A_455 : i32
      %get3A_457 = arith.index_cast %add3A_456 : i32 to index
      %get3A_458 = tpu.vector_load %arg11[%get3A_457] {strides = array<i32>} : memref<4096xf32, #tpu.memory_space<vmem>>, vector<16xf32>,
      %le3A_459 = arith.cmpf ole, %get3A_452, %get3A_458 : vector<16xf32>
      %jit3A_460 = arith.constant 1.000000e+00 : f32
      %jit3A_461 = arith.constant 0.000000e+00 : f32
      %broadcast_in_dim3A_462 = vector.broadcast %jit3A_460 : f32 to vector<16xf32>
      %broadcast_in_dim3A_463 = vector.broadcast %jit3A_461 : f32 to vector<16xf32>
      %select_n3A_464 = arith.select %le3A_459, %broadcast_in_dim3A_462, %broadcast_in_dim3A_463 : vector<16xi1>, vector<16xf32>
      %mul3A_465 = arith.constant 128 : i32
      %mul3A_466 = arith.muli %scan3A_266, %mul3A_465 : i32
      %add3A_467 = arith.constant 112 : i32
      %add3A_468 = arith.addi %mul3A_466, %add3A_467 : i32
      %swap3A_469 = arith.index_cast %add3A_468 : i32 to index
      %swap3A_470 = tpu.vector_load %arg13[%swap3A_469] {strides = array<i32>} : memref<4096xf32, #tpu.memory_space<vmem>>, vector<16xf32>,
      tpu.vector_store %arg13[%swap3A_469], %select_n3A_464 {strides = array<i32>} : memref<4096xf32, #tpu.memory_space<vmem>>, vector<16xf32>,
    }
    %scan3A_253 = arith.constant 16 : i32
    %add3A_254 = arith.constant 12288 : i32
    %add3A_255 = arith.addi %mul3A_2, %add3A_254 : i32
    %dma_start3A_256 = tpu.memref_slice %arg4[%add3A_255] : memref<524288xf32, #tpu.memory_space<hbm>> -> memref<4096xf32, #tpu.memory_space<hbm>>
    %dma_start3A_257 = tpu.memref_slice %arg4[%add3A_255] : memref<524288xf32, #tpu.memory_space<hbm>> -> memref<4096xf32, #tpu.memory_space<hbm>>
    tpu.enqueue_dma source(%arg13 : memref<4096xf32, #tpu.memory_space<vmem>>) target(%dma_start3A_257 : memref<4096xf32, #tpu.memory_space<hbm>>) target_semaphore(%arg19 : memref<!tpu.dma_semaphore, #tpu.memory_space<semaphore_mem>>)
    %add3A_258 = arith.constant 8192 : i32
    %add3A_259 = arith.addi %mul3A_2, %add3A_258 : i32
    %dma_wait3A_260 = tpu.memref_slice %arg4[%add3A_259] : memref<524288xf32, #tpu.memory_space<hbm>> -> memref<4096xf32, #tpu.memory_space<hbm>>
    %dma_wait3A_261 = tpu.memref_slice %arg4[%add3A_259] : memref<524288xf32, #tpu.memory_space<hbm>> -> memref<4096xf32, #tpu.memory_space<hbm>>
    tpu.wait_dma2 semaphore(%arg18 : memref<!tpu.dma_semaphore, #tpu.memory_space<semaphore_mem>>) src(%arg12 : memref<4096xf32, #tpu.memory_space<vmem>>) dst(%dma_wait3A_261 : memref<4096xf32, #tpu.memory_space<hbm>>)
    %add3A_262 = arith.constant 12288 : i32
    %add3A_263 = arith.addi %mul3A_2, %add3A_262 : i32
    %dma_wait3A_264 = tpu.memref_slice %arg4[%add3A_263] : memref<524288xf32, #tpu.memory_space<hbm>> -> memref<4096xf32, #tpu.memory_space<hbm>>
    %dma_wait3A_265 = tpu.memref_slice %arg4[%add3A_263] : memref<524288xf32, #tpu.memory_space<hbm>> -> memref<4096xf32, #tpu.memory_space<hbm>>
    tpu.wait_dma2 semaphore(%arg19 : memref<!tpu.dma_semaphore, #tpu.memory_space<semaphore_mem>>) src(%arg13 : memref<4096xf32, #tpu.memory_space<vmem>>) dst(%dma_wait3A_265 : memref<4096xf32, #tpu.memory_space<hbm>>)
    return
  }
}

</mosaic_0001>

<sc_bundles>
// kernel: _launch.3.cloned.1.call-start
scs
__scs_entry_jumppad:
0x0: {  	(pc) =	sbr.rel $0x88, $3  }
0x1: {  	(tag) =	ssettag $0x0;
	lr =	simm.s32 $0x1  }
0x2: {  	[smem:$0x3F9F] =	sst lr;
	_ =	strace $0xD0000000  }
0x3: {  	_ = 	snop  }
0x4: {  	_ = 	snop  }
0x5: {  	_ = 	snop  }
0x6: {  	_ = 	snop  }
0x7: {  	_ = 	snop  }
__scs_overlays_trampoline_lowered:
0x8: {  	[smem:$0x3FAE] =	sst s0  }
0x9: {  	[smem:$0x3FAF] =	sst s1  }
0xa: {  	[smem:$0x3FB0] =	sst s2  }
0xb: {  	[smem:$0x3FB1] =	sst s3  }
0xc: {  	[smem:$0x3FB2] =	sst s4  }
0xd: {  	[smem:$0x3FB3] =	sst s5  }
0xe: {  	[smem:$0x3FB4] =	sst s6  }
0xf: {  	[smem:$0x3FB5] =	sst s7  }
0x10: {  	[smem:$0x3FB6] =	sst s8  }
0x11: {  	[smem:$0x3FB7] =	sst s9;
	s0 =	simm.s32 @!p0 $0x0  }
0x12: {  	s1 =	sld [smem:$0x3F9D];
	s0 =	simm.s32 @p0 $0x1  }
0x13: {  	[smem:$0x3FB8] =	sst s0;
	s0 =	simm.s32 @!p1 $0x0  }
0x14: {  	s2 =	sld [smem:$0x3F9C];
	s0 =	simm.s32 @p1 $0x1  }
0x15: {  	[smem:$0x3FB9] =	sst s0;
	s0 =	simm.s32 @!p2 $0x0  }
0x16: {  	s3 =	sld [smem:$0x3FDB];
	s0 =	simm.s32 @p2 $0x1  }
0x17: {  	s4 =	simm.s32 $0x1BF5;
	[smem:$0x3FBB] =	sst s0  }
0x18: {  	s0 =	sld [smem:$0x3F9E];
	_ =	swait.ge [sflag:s4], $0x0  }
0x19: {  	s7 =	sld [smem:$0x3F9F]  }
0x1a: {  	s8 =	sadd.s32 $0xFFFFE003, lr  }
0x1b: {  	s9 =	sadd.s32 $0xFFFFFEF7, lr;
	s5 =	simm.s32 $0xFFFFFFFF;
	p2 =	slt.u32 s8, $0xFFFFF086  }
0x1c: {  	p1 =	slt.u32 s9, $0xF7A;
	s5 =	simm.s32 @!p2 $0x0  }
0x1d: {  	s5 =	simm.s32 @p1 $0x1;
	p0 =	seq.s32 s7, s2  }
0x1e: {  	s7 =	smul.u32 @!p0 $0xF7A, s2;
	p2 =	seq.s32 @!p0 s5, $0x0  }
0x1f: {  	s9 =	smul.u32 $0xF7A, s1;
	s8 =	simm.s32 @!p0 $0x1BF5;
	p2 =	por !p2, p0  }
0x20: {  	[sflag:s8] =	ssyncset.s32 @!p0 $0xFFFFF086;
	s6 =	sadd.s32 @!p0 s3, s7;
	s7 =	simm.s32 @!p0 $0x108  }
0x21: {  	s3 =	sadd.s32 s3, s9;
	s6 =	sadd.s32 @!p0 $0x88, s6;
	s7 =	simm.s32 @p2 $0x1082  }
0x22: {  	[simem:s7], [sflag:s8] =	dma.local @!p0 [hbm:s6], $0xF7A  }
0x23: {  	s9 =	sor.u32 $0xD0000000, s2;
	s6 =	simm.s32 $0x108;
	_ =	swait.ge @!p0 [sflag:s8], $0x0  }
0x24: {  	s3 =	sadd.s32 $0x88, s3;
	s6 =	simm.s32 @!p1 $0x1082;
	[sflag:s4] =	ssyncset.s32 $0xFFFFF086  }
0x25: {  	[simem:s6], [sflag:s4] =	dma.local [hbm:s3], $0xF7A  }
0x26: {  	[smem:$0x3F9F] =	sst s1;
	(tag) =	ssettag s2;
	_ =	strace s9  }
0x27: {  	s1 =	sld [smem:$0x3FAF]  }
0x28: {  	s2 =	sld [smem:$0x3FB0]  }
0x29: {  	s4 =	sld [smem:$0x3FB2]  }
0x2a: {  	p0 =	seq.s32 s5, $0x0;
	s5 =	sld [smem:$0x3FB3]  }
0x2b: {  	s6 =	sld [smem:$0x3FB4]  }
0x2c: {  	s7 =	sld [smem:$0x3FB5]  }
0x2d: {  	s3 =	simm.s32 $0x108;
	s8 =	sld [smem:$0x3FB6]  }
0x2e: {  	s3 =	simm.s32 @!p0 $0x1082;
	s9 =	sld [smem:$0x3FB7]  }
0x2f: {  	lr =	sadd.s32 s0, s3;
	s0 =	sld [smem:$0x3FAE]  }
0x30: {  	s3 =	sld [smem:$0x3FB1]  }
0x31: {  	[smem:$0x3FBA] =	sst s10  }
0x32: {  	s10 =	sld [smem:$0x3FB8];
	_ =	sdelay $0x3  }
0x33: {  	p0 =	seq.s32 s10, $0x1;
	s10 =	sld [smem:$0x3FBA];
	_ =	sdelay $0x3  }
0x34: {  	[smem:$0x3FBA] =	sst s10  }
0x35: {  	s10 =	sld [smem:$0x3FB9];
	_ =	sdelay $0x3  }
0x36: {  	p1 =	seq.s32 s10, $0x1;
	s10 =	sld [smem:$0x3FBA];
	_ =	sdelay $0x3  }
0x37: {  	[smem:$0x3FBA] =	sst s10  }
0x38: {  	s10 =	sld [smem:$0x3FBB]  }
0x39: {  	_ = 	snop;
	(pc) =	sbr.ind lr, $3  }
0x3a: {  	_ = 	snop  }
0x3b: {  	_ = 	snop  }
0x3c: {  	p2 =	seq.s32 s10, $0x1;
	s10 =	sld [smem:$0x3FBA]  }
0x3d: {  	_ =	shalt  }
0x3e: {  	_ =	shalt  }
0x3f: {  	_ =	shalt  }
0x40: {  	_ =	shalt  }
0x41: {  	_ =	shalt  }
0x42: {  	_ =	shalt  }
0x43: {  	_ =	shalt  }
0x44: {  	_ =	shalt  }
0x45: {  	_ =	shalt  }
0x46: {  	_ =	shalt  }
0x47: {  	_ =	shalt  }
0x48: {  	_ =	shalt  }
0x49: {  	_ =	shalt  }
0x4a: {  	_ =	shalt  }
0x4b: {  	_ =	shalt  }
0x4c: {  	_ =	shalt  }
0x4d: {  	_ =	shalt  }
0x4e: {  	_ =	shalt  }
0x4f: {  	_ =	shalt  }
0x50: {  	_ =	shalt  }
0x51: {  	_ =	shalt  }
0x52: {  	_ =	shalt  }
0x53: {  	_ =	shalt  }
0x54: {  	_ =	shalt  }
0x55: {  	_ =	shalt  }
0x56: {  	_ =	shalt  }
0x57: {  	_ =	shalt  }
0x58: {  	_ =	shalt  }
0x59: {  	_ =	shalt  }
0x5a: {  	_ =	shalt  }
0x5b: {  	_ =	shalt  }
0x5c: {  	_ =	shalt  }
0x5d: {  	_ =	shalt  }
0x5e: {  	_ =	shalt  }
0x5f: {  	_ =	shalt  }
0x60: {  	_ =	shalt  }
0x61: {  	_ =	shalt  }
0x62: {  	_ =	shalt  }
0x63: {  	_ =	shalt  }
0x64: {  	_ =	shalt  }
0x65: {  	_ =	shalt  }
0x66: {  	_ =	shalt  }
0x67: {  	_ =	shalt  }
0x68: {  	_ =	shalt  }
0x69: {  	_ =	shalt  }
0x6a: {  	_ =	shalt  }
0x6b: {  	_ =	shalt  }
0x6c: {  	_ =	shalt  }
0x6d: {  	_ =	shalt  }
0x6e: {  	_ =	shalt  }
0x6f: {  	_ =	shalt  }
0x70: {  	_ =	shalt  }
0x71: {  	_ =	shalt  }
0x72: {  	_ =	shalt  }
0x73: {  	_ =	shalt  }
0x74: {  	_ =	shalt  }
0x75: {  	_ =	shalt  }
0x76: {  	_ =	shalt  }
0x77: {  	_ =	shalt  }
0x78: {  	_ =	shalt  }
0x79: {  	_ =	shalt  }
0x7a: {  	_ =	shalt  }
0x7b: {  	_ =	shalt  }
0x7c: {  	_ =	shalt  }
0x7d: {  	_ =	shalt  }
0x7e: {  	_ =	shalt  }
0x7f: {  	_ =	shalt  }
0x80: {  	_ =	shalt  }
0x81: {  	_ =	shalt  }
0x82: {  	_ =	shalt  }
0x83: {  	_ =	shalt  }
0x84: {  	_ =	shalt  }
0x85: {  	_ =	shalt  }
0x86: {  	_ =	shalt  }
0x87: {  	_ =	shalt  }
.Lfunc_end0:
.L_simem_size_0:
called_computation_lowered:
.L_overlay_start_0:
0x88: {  	s2 =	sld [smem:$0x3FD9]  }
0x89: {  	s3 =	sld [smem:$0x3FFE];
	_ =	sdelay $0x1  }
0x8a: {  	s1 =	srdreg.scid  }
0x8b: {  	s0 =	sand.u32 $0x1, s1  }
0x8c: {  	s18 =	sshll.u32 s0, $0xA;
	s2 =	sadd.s32 s3, s2  }
0x8d: {  	s2 =	sadd.s32 s2, s18  }
0x8e: {  	[smem:$0x3FC6] =	sst s2  }
0x8f: {  	_ = 	snop  }
0x90: {  	s2 =	sld [smem:$0x3FC9]  }
0x91: {  	s19 =	sld [smem:$0x3FC8]  }
0x92: {  	s4 =	sld [smem:$0x3FD0];
	(tm) =	ssettm $0x1  }
0x93: {  	s5 =	sld [smem:$0x3FFB];
	_ =	sdelay $0x3  }
0x94: {  	_ =	strace s5  }
0x95: {  	s5 =	sld [smem:$0x3FFC];
	_ =	sdelay $0x3  }
0x96: {  	_ =	strace s5  }
0x97: {  	s5 =	sld [smem:$0x3FFD];
	_ =	sdelay $0x3  }
0x98: {  	_ =	strace s5  }
0x99: {  	_ =	strace $0x8FFFFFFF  }
0x9a: {  	s20 =	sld [smem:$0x3FDB];
	_ =	sdelay $0x1  }
0x9b: {  	s6 =	simm.s32 $_scs_section_size  }
0x9c: {  	s7 =	simm.s32 $_size__tile_overlayer_lowered;
	s8 =	simm.s32 $_tile_overlayer_lowered  }
0x9d: {  	s23 =	simm.s32 $0x1BFF;
	s22 =	sshll.u32 s8, $0x1;
	s5 =	sadd.s32 s6, s20  }
0x9e: {  	s9 =	simm.s32 $0x0;
	s21 =	sshll.u32 s7, $0x1;
	s7 =	sadd.s32 s22, s5  }
0x9f: {  	[timem:s9], [sflag:s23] =	dma.local [hbm:s7], s21  }
0xa0: {  	_ =	swait.ge [sflag:s23], s21  }
0xa1: {  	s6 =	ssub.s32 $0x0, s21;
	[sflag:s23] =	ssyncset.done $0x0  }
0xa2: {  	[sflag:s23] =	ssyncadd.s32 s6;
	_ =	sdelay $0x1  }
0xa3: {  	s24 =	simm.s32 $0x1B8B  }
0xa4: {  	_ =	swait.ge [sflag:s24], $0x1  }
0xa5: {  	[sflag:s24] =	ssyncset.done $0x0  }
0xa6: {  	s25 =	simm.s32 $0x1B8E;
	[sflag:s24] =	ssyncadd.s32 $0xFFFFFFFF  }
0xa7: {  	s26 =	simm.s32 $execute0_lowered;
	[smem:$0x3FD2] =	sst s25  }
0xa8: {  	s6 =	sshll.u32 s26, $0x1;
	_ =	strace $0x80000046;
	[dreg:$0x1] =	wrdreg $0xFFFFFFFF  }
0xa9: {  	s28 =	simm.s32 $_size_execute0_lowered;
	s5 =	sadd.s32 s5, s6;
	[dreg:$0x0] =	wrdreg $0x0  }
0xaa: {  	s6 =	sshll.u32 s28, $0x1;
	[dreg:$0x2] =	wrdreg s5  }
0xab: {  	[dreg:$0x3] =	wrdreg s6  }
0xac: {  	[dreg:$0x4] =	wrdreg $0xC0  }
0xad: {  	_ =	task [dreg:s9], $0x5FFFF  }
0xae: {  	[dreg:$0x1] =	wrdreg $0xFFFFFFFF  }
0xaf: {  	[dreg:$0x0] =	wrdreg $0x60  }
0xb0: {  	[dreg:$0x2] =	wrdreg s2  }
0xb1: {  	[dreg:$0x3] =	wrdreg s19  }
0xb2: {  	[dreg:$0x4] =	wrdreg s4  }
0xb3: {  	[dreg:$0x5] =	wrdreg $0x9  }
0xb4: {  	_ =	task.clear_ibuf [dreg:s9], $0x6FFFF;
	_ =	strace $0x90000046  }
0xb5: {  	s29 =	simm.s32 $0x9;
	_ =	strace $0x80000048  }
0xb6: {  	_ =	swait.ge [sflag:s29], $0x1  }
0xb7: {  	[sflag:s29] =	ssyncadd.s32 $0xFFFFFFFF  }
0xb8: {  	_ =	strace $0x90000048  }
0xb9: {  	_ =	sfence  }
0xba: {  	s30 =	sld [smem:$0x0];
	_ =	sdelay $0x2  }
0xbb: {  	s31 =	sshll.u32 s1, $0xD;
	s1 =	sshrl.u32 s1, $0x2  }
0xbc: {  	s3 =	sand.u32 $0x4000, s31;
	s1 =	sadd.s32 s1, s30  }
0xbd: {  	s0 =	sor.u32 s3, s0;
	s1 =	sshll.u32 s1, $0x11  }
0xbe: {  	s0 =	sor.u32 s1, s0  }
0xbf: {  	s0 =	sadd.s32 $0x8F2B, s0  }
0xc0: {  	[sflag:s0] =	ssyncadd.remote.s32 $0x1  }
0xc1: {  	_ =	sfence.sel $0xFFFF  }
0xc2: {  	[dreg:$0x0] =	wrdreg $0xFFFFFFFF;
	(pc) =	sbr.abs _section_cstart, $3  }
0xc3: {  	[dreg:$0x1] =	wrdreg $0xFFFFFFFF  }
0xc4: {  	_ =	task.clear_ibuf [dreg:s9], $0x2FFFF;
	_ =	strace $0x9FFFFFFF  }
0xc5: {  	(tm) =	ssettm $0x7FFFFFFF  }
tec
execute0_lowered:
.L_overlay_start_1:
0x0: {  	(tag) =	ssettag $0x1  }
0x1: {  	s0 =	rddreg [dreg:$0x0]  }
0x2: {  	s2 =	rddreg [dreg:$0x1]  }
0x3: {  	s1 =	rddreg [dreg:$0x2]  }
0x4: {  	s3 =	srdreg.scid;
	s8 =	stileid.u32  }
0x5: {  	s15 =	simm.s32 $0x800;
	s18 =	simm.s32 $0xC800;
	s19 =	simm.s32 $0xE800  }
0x6: {  	s28 =	simm.s32 $0x4;
	s29 =	simm.s32 $0x10000;
	s30 =	simm.s32 $0x11000  }
0x7: {  	s31 =	simm.s32 $0x5;
	s4 =	sand.u32 $0x1, s3;
	s3 =	simm.s32 $0x0  }
0x8: {  	s6 =	sshll.u32 s8, $0x1;
	s21 =	sshll.u32 s8, $0x11;
	s5 =	ssub.s32 $0x2, s4  }
0x9: {  	[smem:$0x7FF] =	sst s3;
	s6 =	sor.u32 s4, s6;
	s14 =	sand.u32 $0x1C0000, s21  }
0xa: {  	s7 =	sshrl.u32 s5, $0x1;
	_ =	strace $0x80000047;
	s20 =	sshll.u32 s6, $0xE  }
0xb: {  	s22 =	sshll.u32 s6, $0xD;
	s25 =	sshll.u32 s6, $0xB;
	s12 =	ssub.s32 s5, s7  }
0xc: {  	s9 =	sor.u32 $0x1000, s20;
	s4 =	sadd.s32 s0, s22;
	s10 =	sor.u32 $0x2000, s20  }
0xd: {  	s11 =	sor.u32 $0x3000, s20;
	s7 =	sadd.s32 s1, s25;
	s20 =	simm.s32 $0x2  }
0xe: {  	s22 =	simm.s32 $0x3;
	s25 =	simm.s32 $0xD800;
	s23 =	sshrl.u32 s9, $0x1  }
0xf: {  	s24 =	sshrl.u32 s10, $0x1;
	s13 =	sshrl.u32 s11, $0x1;
	s26 =	sshrl.u32 s9, $0x3  }
0x10: {  	s10 =	sshrl.u32 s10, $0x3;
	s11 =	sshrl.u32 s11, $0x3;
	s12 =	smax.u32 s12, $0x1  }
0x11: {  	s5 =	sadd.s32 s0, s23;
	s6 =	sadd.s32 s0, s24;
	s8 =	sadd.s32 s0, s13  }
0x12: {  	s9 =	sadd.s32 s1, s26;
	s10 =	sadd.s32 s1, s10;
	s11 =	sadd.s32 s1, s11  }
0x13: {  	s13 =	simm.s32 $0x1;
	s23 =	simm.s32 $0xD000;
	s24 =	simm.s32 $0xF000  }
0x14: {  	v1 =	vimm.f32 $0.0e+00;
	v0 =	vmov s14;
	s26 =	simm.s32 $0xF800;
	s0 =	simm.s32 $0x6;
	s1 =	simm.s32 $0x0  }
.LBB2_1:
0x15: {  	[tilespmem:s3], [sflag:$0x1] =	stream.linear.gather [hbm4b:s4+s3], $0x4000, $0x38;
	[tilespmem:$0x12000] =	vst v63  }
0x16: {  	_ =	swait.ge [sflag:s13], $0x4000  }
0x17: {  	[sflag:s13] =	ssyncset.done $0x0  }
0x18: {  	s14 =	simm.s32 $0x4000;
	[sflag:s13] =	ssyncadd.s32 $0xFFFFC000  }
0x19: {  	[tilespmem:s14], [sflag:$0x2] =	stream.linear.gather [hbm4b:s5+s3], $0x4000, $0x38;
	[tilespmem:$0x12000] =	vst v63  }
0x1a: {  	s14 =	simm.s32 $0x80  }
0x1b: {  	v2 =	vld [tilespmem:s14+$0xFFFFFF80]  }
0x1c: {  	v3 =	vld [tilespmem:s14+$0x0];
	_ =	sdelay $0x3  }
0x1d: {  	v2 =	vmul.f32 $5.110000000e+02, v2  }
0x1e: {  	v3 =	vmul.f32 $5.110000000e+02, v3  }
0x1f: {  	v2 =	vtrunc.f32 v2  }
0x20: {  	v3 =	vtrunc.f32 v3;
	v2 =	vcvt.f32.s32 v2  }
0x21: {  	v3 =	vcvt.f32.s32 v3  }
0x22: {  	v4 =	vshrl.u32 v2, $0x7;
	v2 =	vadd.s32 v2, v0  }
0x23: {  	v5 =	vshrl.u32 v3, $0x3;
	v3 =	vshll.u32 v3, $0x7;
	v4 =	vmul.u32 $0x380, v4  }
0x24: {  	v5 =	vmul.u32 $0xC00, v5;
	v2 =	vadd.s32 v3, v2  }
0x25: {  	v2 =	vadd.s32 v4, v2  }
0x26: {  	s21 =	simm.s32 $0x0;
	v2 =	vadd.s32 v5, v2  }
0x27: {  	[tilespmem:s21+$0xC000] =	vst v2  }
0x28: {  	v2 =	vld [tilespmem:s14+$0xFFFFFF90]  }
0x29: {  	v3 =	vld [tilespmem:s14+$0x10];
	_ =	sdelay $0x3  }
0x2a: {  	v2 =	vmul.f32 $5.110000000e+02, v2  }
0x2b: {  	v3 =	vmul.f32 $5.110000000e+02, v3  }
0x2c: {  	v2 =	vtrunc.f32 v2  }
0x2d: {  	v3 =	vtrunc.f32 v3;
	v2 =	vcvt.f32.s32 v2  }
0x2e: {  	v3 =	vcvt.f32.s32 v3  }
0x2f: {  	v50 =	vshrl.u32 v2, $0x7;
	v2 =	vadd.s32 v2, v0  }
0x30: {  	v51 =	vshrl.u32 v3, $0x3;
	v3 =	vshll.u32 v3, $0x7;
	v4 =	vmul.u32 $0x380, v50  }
0x31: {  	v5 =	vmul.u32 $0xC00, v51;
	v2 =	vadd.s32 v3, v2  }
0x32: {  	v2 =	vadd.s32 v4, v2  }
0x33: {  	v2 =	vadd.s32 v5, v2  }
0x34: {  	[tilespmem:s21+$0xC010] =	vst v2  }
0x35: {  	v2 =	vld [tilespmem:s14+$0xFFFFFFA0]  }
0x36: {  	v3 =	vld [tilespmem:s14+$0x20];
	_ =	sdelay $0x3  }
0x37: {  	v2 =	vmul.f32 $5.110000000e+02, v2  }
0x38: {  	v3 =	vmul.f32 $5.110000000e+02, v3  }
0x39: {  	v2 =	vtrunc.f32 v2  }
0x3a: {  	v3 =	vtrunc.f32 v3;
	v2 =	vcvt.f32.s32 v2  }
0x3b: {  	v3 =	vcvt.f32.s32 v3  }
0x3c: {  	v52 =	vshrl.u32 v2, $0x7;
	v2 =	vadd.s32 v2, v0  }
0x3d: {  	v53 =	vshrl.u32 v3, $0x3;
	v3 =	vshll.u32 v3, $0x7;
	v4 =	vmul.u32 $0x380, v52  }
0x3e: {  	v5 =	vmul.u32 $0xC00, v53;
	v2 =	vadd.s32 v3, v2  }
0x3f: {  	v2 =	vadd.s32 v4, v2  }
0x40: {  	v2 =	vadd.s32 v5, v2  }
0x41: {  	[tilespmem:s21+$0xC020] =	vst v2  }
0x42: {  	v2 =	vld [tilespmem:s14+$0xFFFFFFB0]  }
0x43: {  	v3 =	vld [tilespmem:s14+$0x30];
	_ =	sdelay $0x3  }
0x44: {  	v2 =	vmul.f32 $5.110000000e+02, v2  }
0x45: {  	v3 =	vmul.f32 $5.110000000e+02, v3  }
0x46: {  	v2 =	vtrunc.f32 v2  }
0x47: {  	v3 =	vtrunc.f32 v3;
	v2 =	vcvt.f32.s32 v2  }
0x48: {  	v3 =	vcvt.f32.s32 v3  }
0x49: {  	v54 =	vshrl.u32 v2, $0x7;
	v2 =	vadd.s32 v2, v0  }
0x4a: {  	v55 =	vshrl.u32 v3, $0x3;
	v3 =	vshll.u32 v3, $0x7;
	v4 =	vmul.u32 $0x380, v54  }
0x4b: {  	v5 =	vmul.u32 $0xC00, v55;
	v2 =	vadd.s32 v3, v2  }
0x4c: {  	v2 =	vadd.s32 v4, v2  }
0x4d: {  	v2 =	vadd.s32 v5, v2  }
0x4e: {  	[tilespmem:s21+$0xC030] =	vst v2  }
0x4f: {  	v2 =	vld [tilespmem:s14+$0xFFFFFFC0]  }
0x50: {  	v3 =	vld [tilespmem:s14+$0x40];
	_ =	sdelay $0x3  }
0x51: {  	v2 =	vmul.f32 $5.110000000e+02, v2  }
0x52: {  	v3 =	vmul.f32 $5.110000000e+02, v3  }
0x53: {  	v2 =	vtrunc.f32 v2  }
0x54: {  	v3 =	vtrunc.f32 v3;
	v2 =	vcvt.f32.s32 v2  }
0x55: {  	v3 =	vcvt.f32.s32 v3  }
0x56: {  	v56 =	vshrl.u32 v2, $0x7;
	v2 =	vadd.s32 v2, v0  }
0x57: {  	v57 =	vshrl.u32 v3, $0x3;
	v3 =	vshll.u32 v3, $0x7;
	v4 =	vmul.u32 $0x380, v56  }
0x58: {  	v5 =	vmul.u32 $0xC00, v57;
	v2 =	vadd.s32 v3, v2  }
0x59: {  	v2 =	vadd.s32 v4, v2  }
0x5a: {  	v2 =	vadd.s32 v5, v2  }
0x5b: {  	[tilespmem:s21+$0xC040] =	vst v2  }
0x5c: {  	v2 =	vld [tilespmem:s14+$0xFFFFFFD0]  }
0x5d: {  	v3 =	vld [tilespmem:s14+$0x50];
	_ =	sdelay $0x3  }
0x5e: {  	v2 =	vmul.f32 $5.110000000e+02, v2  }
0x5f: {  	v3 =	vmul.f32 $5.110000000e+02, v3  }
0x60: {  	v2 =	vtrunc.f32 v2  }
0x61: {  	v3 =	vtrunc.f32 v3;
	v2 =	vcvt.f32.s32 v2  }
0x62: {  	v3 =	vcvt.f32.s32 v3  }
0x63: {  	v58 =	vshrl.u32 v2, $0x7;
	v2 =	vadd.s32 v2, v0  }
0x64: {  	v59 =	vshrl.u32 v3, $0x3;
	v3 =	vshll.u32 v3, $0x7;
	v4 =	vmul.u32 $0x380, v58  }
0x65: {  	v5 =	vmul.u32 $0xC00, v59;
	v2 =	vadd.s32 v3, v2  }
0x66: {  	v2 =	vadd.s32 v4, v2  }
0x67: {  	v2 =	vadd.s32 v5, v2  }
0x68: {  	[tilespmem:s21+$0xC050] =	vst v2  }
0x69: {  	v2 =	vld [tilespmem:s14+$0xFFFFFFE0]  }
0x6a: {  	v3 =	vld [tilespmem:s14+$0x60];
	_ =	sdelay $0x3  }
0x6b: {  	v2 =	vmul.f32 $5.110000000e+02, v2  }
0x6c: {  	v3 =	vmul.f32 $5.110000000e+02, v3  }
0x6d: {  	v2 =	vtrunc.f32 v2  }
0x6e: {  	v3 =	vtrunc.f32 v3;
	v2 =	vcvt.f32.s32 v2  }
0x6f: {  	v3 =	vcvt.f32.s32 v3  }
0x70: {  	v60 =	vshrl.u32 v2, $0x7;
	v2 =	vadd.s32 v2, v0  }
0x71: {  	v61 =	vshrl.u32 v3, $0x3;
	v3 =	vshll.u32 v3, $0x7;
	v4 =	vmul.u32 $0x380, v60  }
0x72: {  	v5 =	vmul.u32 $0xC00, v61;
	v2 =	vadd.s32 v3, v2  }
0x73: {  	v2 =	vadd.s32 v4, v2  }
0x74: {  	v2 =	vadd.s32 v5, v2  }
0x75: {  	[tilespmem:s21+$0xC060] =	vst v2  }
0x76: {  	v2 =	vld [tilespmem:s14+$0xFFFFFFF0]  }
0x77: {  	v3 =	vld [tilespmem:s14+$0x70];
	_ =	sdelay $0x3  }
0x78: {  	v2 =	vmul.f32 $5.110000000e+02, v2  }
0x79: {  	v3 =	vmul.f32 $5.110000000e+02, v3  }
0x7a: {  	v2 =	vtrunc.f32 v2  }
0x7b: {  	v3 =	vtrunc.f32 v3;
	v2 =	vcvt.f32.s32 v2  }
0x7c: {  	v3 =	vcvt.f32.s32 v3  }
0x7d: {  	v62 =	vshrl.u32 v2, $0x7;
	v2 =	vadd.s32 v2, v0  }
0x7e: {  	v63 =	vshrl.u32 v3, $0x3;
	v3 =	vshll.u32 v3, $0x7;
	v4 =	vmul.u32 $0x380, v62  }
0x7f: {  	v5 =	vmul.u32 $0xC00, v63;
	v2 =	vadd.s32 v3, v2  }
0x80: {  	v2 =	vadd.s32 v4, v2  }
0x81: {  	s16 =	simm.s32 $0x200;
	v2 =	vadd.s32 v5, v2  }
.LBB2_2:
0x82: {  	p0 =	sne.s32 s16, $0x3E00  }
0x83: {  	[tilespmem:s21+$0xC070] =	vst v2;
	s14 =	sadd.s32 $0x200, s14;
	s21 =	smov.u32 s16;
	s16 =	sadd.s32 $0x200, s16  }
0x84: {  	v2 =	vld [tilespmem:s14+$0xFFFFFF80]  }
0x85: {  	v3 =	vld [tilespmem:s14+$0x0];
	_ =	sdelay $0x3  }
0x86: {  	v2 =	vmul.f32 $5.110000000e+02, v2  }
0x87: {  	v3 =	vmul.f32 $5.110000000e+02, v3  }
0x88: {  	v2 =	vtrunc.f32 v2  }
0x89: {  	v2 =	vcvt.f32.s32 v2;
	v3 =	vtrunc.f32 v3  }
0x8a: {  	v3 =	vcvt.f32.s32 v3  }
0x8b: {  	v4 =	vshrl.u32 v2, $0x7;
	v2 =	vadd.s32 v2, v0  }
0x8c: {  	v5 =	vshrl.u32 v3, $0x3;
	v3 =	vshll.u32 v3, $0x7;
	v4 =	vmul.u32 $0x380, v4  }
0x8d: {  	v5 =	vmul.u32 $0xC00, v5;
	v2 =	vadd.s32 v3, v2  }
0x8e: {  	v2 =	vadd.s32 v4, v2  }
0x8f: {  	s21 =	sshra.s32 s21, $0x2;
	v2 =	vadd.s32 v5, v2  }
0x90: {  	[tilespmem:s21+$0xC000] =	vst v2  }
0x91: {  	v2 =	vld [tilespmem:s14+$0xFFFFFF90]  }
0x92: {  	v3 =	vld [tilespmem:s14+$0x10];
	_ =	sdelay $0x3  }
0x93: {  	v2 =	vmul.f32 $5.110000000e+02, v2  }
0x94: {  	v3 =	vmul.f32 $5.110000000e+02, v3  }
0x95: {  	v2 =	vtrunc.f32 v2  }
0x96: {  	v2 =	vcvt.f32.s32 v2;
	v3 =	vtrunc.f32 v3  }
0x97: {  	v3 =	vcvt.f32.s32 v3  }
0x98: {  	v4 =	vshrl.u32 v2, $0x7;
	v2 =	vadd.s32 v2, v0  }
0x99: {  	v5 =	vshrl.u32 v3, $0x3;
	v3 =	vshll.u32 v3, $0x7;
	v4 =	vmul.u32 $0x380, v4  }
0x9a: {  	v5 =	vmul.u32 $0xC00, v5;
	v2 =	vadd.s32 v3, v2  }
0x9b: {  	v2 =	vadd.s32 v4, v2  }
0x9c: {  	v2 =	vadd.s32 v5, v2  }
0x9d: {  	[tilespmem:s21+$0xC010] =	vst v2  }
0x9e: {  	v2 =	vld [tilespmem:s14+$0xFFFFFFA0]  }
0x9f: {  	v3 =	vld [tilespmem:s14+$0x20];
	_ =	sdelay $0x3  }
0xa0: {  	v2 =	vmul.f32 $5.110000000e+02, v2  }
0xa1: {  	v3 =	vmul.f32 $5.110000000e+02, v3  }
0xa2: {  	v2 =	vtrunc.f32 v2  }
0xa3: {  	v2 =	vcvt.f32.s32 v2;
	v3 =	vtrunc.f32 v3  }
0xa4: {  	v3 =	vcvt.f32.s32 v3  }
0xa5: {  	v4 =	vshrl.u32 v2, $0x7;
	v2 =	vadd.s32 v2, v0  }
0xa6: {  	v5 =	vshrl.u32 v3, $0x3;
	v3 =	vshll.u32 v3, $0x7;
	v4 =	vmul.u32 $0x380, v4  }
0xa7: {  	v5 =	vmul.u32 $0xC00, v5;
	v2 =	vadd.s32 v3, v2  }
0xa8: {  	v2 =	vadd.s32 v4, v2  }
0xa9: {  	v2 =	vadd.s32 v5, v2  }
0xaa: {  	[tilespmem:s21+$0xC020] =	vst v2  }
0xab: {  	v2 =	vld [tilespmem:s14+$0xFFFFFFB0]  }
0xac: {  	v3 =	vld [tilespmem:s14+$0x30];
	_ =	sdelay $0x3  }
0xad: {  	v2 =	vmul.f32 $5.110000000e+02, v2  }
0xae: {  	v3 =	vmul.f32 $5.110000000e+02, v3  }
0xaf: {  	v2 =	vtrunc.f32 v2  }
0xb0: {  	v2 =	vcvt.f32.s32 v2;
	v3 =	vtrunc.f32 v3  }
0xb1: {  	v3 =	vcvt.f32.s32 v3  }
0xb2: {  	v4 =	vshrl.u32 v2, $0x7;
	v2 =	vadd.s32 v2, v0  }
0xb3: {  	v5 =	vshrl.u32 v3, $0x3;
	v3 =	vshll.u32 v3, $0x7;
	v4 =	vmul.u32 $0x380, v4  }
0xb4: {  	v5 =	vmul.u32 $0xC00, v5;
	v2 =	vadd.s32 v3, v2  }
0xb5: {  	v2 =	vadd.s32 v4, v2  }
0xb6: {  	v2 =	vadd.s32 v5, v2  }
0xb7: {  	[tilespmem:s21+$0xC030] =	vst v2  }
0xb8: {  	v2 =	vld [tilespmem:s14+$0xFFFFFFC0]  }
0xb9: {  	v3 =	vld [tilespmem:s14+$0x40];
	_ =	sdelay $0x3  }
0xba: {  	v2 =	vmul.f32 $5.110000000e+02, v2  }
0xbb: {  	v3 =	vmul.f32 $5.110000000e+02, v3  }
0xbc: {  	v2 =	vtrunc.f32 v2  }
0xbd: {  	v2 =	vcvt.f32.s32 v2;
	v3 =	vtrunc.f32 v3  }
0xbe: {  	v3 =	vcvt.f32.s32 v3  }
0xbf: {  	v4 =	vshrl.u32 v2, $0x7;
	v2 =	vadd.s32 v2, v0  }
0xc0: {  	v5 =	vshrl.u32 v3, $0x3;
	v3 =	vshll.u32 v3, $0x7;
	v4 =	vmul.u32 $0x380, v4  }
0xc1: {  	v5 =	vmul.u32 $0xC00, v5;
	v2 =	vadd.s32 v3, v2  }
0xc2: {  	v2 =	vadd.s32 v4, v2  }
0xc3: {  	v2 =	vadd.s32 v5, v2  }
0xc4: {  	[tilespmem:s21+$0xC040] =	vst v2  }
0xc5: {  	v2 =	vld [tilespmem:s14+$0xFFFFFFD0]  }
0xc6: {  	v3 =	vld [tilespmem:s14+$0x50];
	_ =	sdelay $0x3  }
0xc7: {  	v2 =	vmul.f32 $5.110000000e+02, v2  }
0xc8: {  	v3 =	vmul.f32 $5.110000000e+02, v3  }
0xc9: {  	v2 =	vtrunc.f32 v2  }
0xca: {  	v2 =	vcvt.f32.s32 v2;
	v3 =	vtrunc.f32 v3  }
0xcb: {  	v3 =	vcvt.f32.s32 v3  }
0xcc: {  	v4 =	vshrl.u32 v2, $0x7;
	v2 =	vadd.s32 v2, v0  }
0xcd: {  	v5 =	vshrl.u32 v3, $0x3;
	v3 =	vshll.u32 v3, $0x7;
	v4 =	vmul.u32 $0x380, v4  }
0xce: {  	v5 =	vmul.u32 $0xC00, v5;
	v2 =	vadd.s32 v3, v2  }
0xcf: {  	v2 =	vadd.s32 v4, v2  }
0xd0: {  	v2 =	vadd.s32 v5, v2  }
0xd1: {  	[tilespmem:s21+$0xC050] =	vst v2  }
0xd2: {  	v2 =	vld [tilespmem:s14+$0xFFFFFFE0]  }
0xd3: {  	v3 =	vld [tilespmem:s14+$0x60];
	_ =	sdelay $0x3  }
0xd4: {  	v2 =	vmul.f32 $5.110000000e+02, v2  }
0xd5: {  	v3 =	vmul.f32 $5.110000000e+02, v3  }
0xd6: {  	v2 =	vtrunc.f32 v2  }
0xd7: {  	v2 =	vcvt.f32.s32 v2;
	v3 =	vtrunc.f32 v3  }
0xd8: {  	v3 =	vcvt.f32.s32 v3  }
0xd9: {  	v4 =	vshrl.u32 v2, $0x7;
	v2 =	vadd.s32 v2, v0  }
0xda: {  	v5 =	vshrl.u32 v3, $0x3;
	v3 =	vshll.u32 v3, $0x7;
	v4 =	vmul.u32 $0x380, v4  }
0xdb: {  	v5 =	vmul.u32 $0xC00, v5;
	v2 =	vadd.s32 v3, v2  }
0xdc: {  	v2 =	vadd.s32 v4, v2  }
0xdd: {  	v2 =	vadd.s32 v5, v2  }
0xde: {  	[tilespmem:s21+$0xC060] =	vst v2  }
0xdf: {  	v2 =	vld [tilespmem:s14+$0xFFFFFFF0]  }
0xe0: {  	v3 =	vld [tilespmem:s14+$0x70];
	_ =	sdelay $0x3  }
0xe1: {  	v2 =	vmul.f32 $5.110000000e+02, v2  }
0xe2: {  	v3 =	vmul.f32 $5.110000000e+02, v3  }
0xe3: {  	v2 =	vtrunc.f32 v2  }
0xe4: {  	v2 =	vcvt.f32.s32 v2;
	v3 =	vtrunc.f32 v3  }
0xe5: {  	v3 =	vcvt.f32.s32 v3  }
.Ltmp0:
0xe6: {  	v4 =	vshrl.u32 v2, $0x7;
	v2 =	vadd.s32 v2, v0;
	(pc) =	sbr.rel @p0 .LBB2_2-.Ltmp0, $4  }
0xe7: {  	v5 =	vshrl.u32 v3, $0x3;
	v3 =	vshll.u32 v3, $0x7;
	v4 =	vmul.u32 $0x380, v4  }
0xe8: {  	v5 =	vmul.u32 $0xC00, v5;
	v2 =	vadd.s32 v3, v2  }
0xe9: {  	v2 =	vadd.s32 v4, v2  }
0xea: {  	v2 =	vadd.s32 v5, v2  }
0xeb: {  	[tilespmem:s21+$0xC070] =	vst v2;
	s14 =	simm.s32 $0xC000;
	s16 =	simm.s32 $0xE000  }
0xec: {  	[tilespmem:s16], [sflag:$0x3] =	stream.indirect.gather [hbm4b:s2+s15], $0x1, s14, s15, $0xb8;
	[tilespmem:$0x12000] =	vst v63  }
0xed: {  	_ = 	snop  }
0xee: {  	[tilespmem:s19], [sflag:$0x4] =	stream.indirect.gather [hbm4b:s2+s15], $0x1, s18, s15, $0xb8;
	[tilespmem:$0x12000] =	vst v63  }
0xef: {  	_ =	swait.ge [sflag:s20], $0x4000  }
0xf0: {  	s17 =	simm.s32 $0x0;
	[sflag:s20] =	ssyncset.done $0x0  }
0xf1: {  	s21 =	simm.s32 $0x8000;
	s14 =	simm.s32 $0x4080;
	[sflag:s20] =	ssyncadd.s32 $0xFFFFC000  }
0xf2: {  	[tilespmem:s21], [sflag:$0x1] =	stream.linear.gather [hbm4b:s6+s17], $0x4000, $0x38;
	[tilespmem:$0x12000] =	vst v63  }
0xf3: {  	v2 =	vld [tilespmem:s14+$0xFFFFFF80]  }
0xf4: {  	v3 =	vld [tilespmem:s14+$0x0];
	_ =	sdelay $0x3  }
0xf5: {  	v2 =	vmul.f32 $5.110000000e+02, v2  }
0xf6: {  	v3 =	vmul.f32 $5.110000000e+02, v3  }
0xf7: {  	v2 =	vtrunc.f32 v2  }
0xf8: {  	v3 =	vtrunc.f32 v3;
	v2 =	vcvt.f32.s32 v2  }
0xf9: {  	v3 =	vcvt.f32.s32 v3  }
0xfa: {  	v4 =	vshrl.u32 v2, $0x7;
	v2 =	vadd.s32 v2, v0  }
0xfb: {  	v5 =	vshrl.u32 v3, $0x3;
	v3 =	vshll.u32 v3, $0x7;
	v4 =	vmul.u32 $0x380, v4  }
0xfc: {  	v5 =	vmul.u32 $0xC00, v5;
	v2 =	vadd.s32 v3, v2  }
0xfd: {  	v2 =	vadd.s32 v4, v2  }
0xfe: {  	s21 =	simm.s32 $0x0;
	v2 =	vadd.s32 v5, v2  }
0xff: {  	[tilespmem:s21+$0xD000] =	vst v2  }
0x100: {  	v2 =	vld [tilespmem:s14+$0xFFFFFF90]  }
0x101: {  	v3 =	vld [tilespmem:s14+$0x10];
	_ =	sdelay $0x3  }
0x102: {  	v2 =	vmul.f32 $5.110000000e+02, v2  }
0x103: {  	v3 =	vmul.f32 $5.110000000e+02, v3  }
0x104: {  	v2 =	vtrunc.f32 v2  }
0x105: {  	v3 =	vtrunc.f32 v3;
	v2 =	vcvt.f32.s32 v2  }
0x106: {  	v3 =	vcvt.f32.s32 v3  }
0x107: {  	v50 =	vshrl.u32 v2, $0x7;
	v2 =	vadd.s32 v2, v0  }
0x108: {  	v51 =	vshrl.u32 v3, $0x3;
	v3 =	vshll.u32 v3, $0x7;
	v4 =	vmul.u32 $0x380, v50  }
0x109: {  	v5 =	vmul.u32 $0xC00, v51;
	v2 =	vadd.s32 v3, v2  }
0x10a: {  	v2 =	vadd.s32 v4, v2  }
0x10b: {  	v2 =	vadd.s32 v5, v2  }
0x10c: {  	[tilespmem:s21+$0xD010] =	vst v2  }
0x10d: {  	v2 =	vld [tilespmem:s14+$0xFFFFFFA0]  }
0x10e: {  	v3 =	vld [tilespmem:s14+$0x20];
	_ =	sdelay $0x3  }
0x10f: {  	v2 =	vmul.f32 $5.110000000e+02, v2  }
0x110: {  	v3 =	vmul.f32 $5.110000000e+02, v3  }
0x111: {  	v2 =	vtrunc.f32 v2  }
0x112: {  	v3 =	vtrunc.f32 v3;
	v2 =	vcvt.f32.s32 v2  }
0x113: {  	v3 =	vcvt.f32.s32 v3  }
0x114: {  	v52 =	vshrl.u32 v2, $0x7;
	v2 =	vadd.s32 v2, v0  }
0x115: {  	v53 =	vshrl.u32 v3, $0x3;
	v3 =	vshll.u32 v3, $0x7;
	v4 =	vmul.u32 $0x380, v52  }
0x116: {  	v5 =	vmul.u32 $0xC00, v53;
	v2 =	vadd.s32 v3, v2  }
0x117: {  	v2 =	vadd.s32 v4, v2  }
0x118: {  	v2 =	vadd.s32 v5, v2  }
0x119: {  	[tilespmem:s21+$0xD020] =	vst v2  }
0x11a: {  	v2 =	vld [tilespmem:s14+$0xFFFFFFB0]  }
0x11b: {  	v3 =	vld [tilespmem:s14+$0x30];
	_ =	sdelay $0x3  }
0x11c: {  	v2 =	vmul.f32 $5.110000000e+02, v2  }
0x11d: {  	v3 =	vmul.f32 $5.110000000e+02, v3  }
0x11e: {  	v2 =	vtrunc.f32 v2  }
0x11f: {  	v3 =	vtrunc.f32 v3;
	v2 =	vcvt.f32.s32 v2  }
0x120: {  	v3 =	vcvt.f32.s32 v3  }
0x121: {  	v54 =	vshrl.u32 v2, $0x7;
	v2 =	vadd.s32 v2, v0  }
0x122: {  	v55 =	vshrl.u32 v3, $0x3;
	v3 =	vshll.u32 v3, $0x7;
	v4 =	vmul.u32 $0x380, v54  }
0x123: {  	v5 =	vmul.u32 $0xC00, v55;
	v2 =	vadd.s32 v3, v2  }
0x124: {  	v2 =	vadd.s32 v4, v2  }
0x125: {  	v2 =	vadd.s32 v5, v2  }
0x126: {  	[tilespmem:s21+$0xD030] =	vst v2  }
0x127: {  	v2 =	vld [tilespmem:s14+$0xFFFFFFC0]  }
0x128: {  	v3 =	vld [tilespmem:s14+$0x40];
	_ =	sdelay $0x3  }
0x129: {  	v2 =	vmul.f32 $5.110000000e+02, v2  }
0x12a: {  	v3 =	vmul.f32 $5.110000000e+02, v3  }
0x12b: {  	v2 =	vtrunc.f32 v2  }
0x12c: {  	v3 =	vtrunc.f32 v3;
	v2 =	vcvt.f32.s32 v2  }
0x12d: {  	v3 =	vcvt.f32.s32 v3  }
0x12e: {  	v56 =	vshrl.u32 v2, $0x7;
	v2 =	vadd.s32 v2, v0  }
0x12f: {  	v57 =	vshrl.u32 v3, $0x3;
	v3 =	vshll.u32 v3, $0x7;
	v4 =	vmul.u32 $0x380, v56  }
0x130: {  	v5 =	vmul.u32 $0xC00, v57;
	v2 =	vadd.s32 v3, v2  }
0x131: {  	v2 =	vadd.s32 v4, v2  }
0x132: {  	v2 =	vadd.s32 v5, v2  }
0x133: {  	[tilespmem:s21+$0xD040] =	vst v2  }
0x134: {  	v2 =	vld [tilespmem:s14+$0xFFFFFFD0]  }
0x135: {  	v3 =	vld [tilespmem:s14+$0x50];
	_ =	sdelay $0x3  }
0x136: {  	v2 =	vmul.f32 $5.110000000e+02, v2  }
0x137: {  	v3 =	vmul.f32 $5.110000000e+02, v3  }
0x138: {  	v2 =	vtrunc.f32 v2  }
0x139: {  	v3 =	vtrunc.f32 v3;
	v2 =	vcvt.f32.s32 v2  }
0x13a: {  	v3 =	vcvt.f32.s32 v3  }
0x13b: {  	v58 =	vshrl.u32 v2, $0x7;
	v2 =	vadd.s32 v2, v0  }
0x13c: {  	v59 =	vshrl.u32 v3, $0x3;
	v3 =	vshll.u32 v3, $0x7;
	v4 =	vmul.u32 $0x380, v58  }
0x13d: {  	v5 =	vmul.u32 $0xC00, v59;
	v2 =	vadd.s32 v3, v2  }
0x13e: {  	v2 =	vadd.s32 v4, v2  }
0x13f: {  	v2 =	vadd.s32 v5, v2  }
0x140: {  	[tilespmem:s21+$0xD050] =	vst v2  }
0x141: {  	v2 =	vld [tilespmem:s14+$0xFFFFFFE0]  }
0x142: {  	v3 =	vld [tilespmem:s14+$0x60];
	_ =	sdelay $0x3  }
0x143: {  	v2 =	vmul.f32 $5.110000000e+02, v2  }
0x144: {  	v3 =	vmul.f32 $5.110000000e+02, v3  }
0x145: {  	v2 =	vtrunc.f32 v2  }
0x146: {  	v3 =	vtrunc.f32 v3;
	v2 =	vcvt.f32.s32 v2  }
0x147: {  	v3 =	vcvt.f32.s32 v3  }
0x148: {  	v60 =	vshrl.u32 v2, $0x7;
	v2 =	vadd.s32 v2, v0  }
0x149: {  	v61 =	vshrl.u32 v3, $0x3;
	v3 =	vshll.u32 v3, $0x7;
	v4 =	vmul.u32 $0x380, v60  }
0x14a: {  	v5 =	vmul.u32 $0xC00, v61;
	v2 =	vadd.s32 v3, v2  }
0x14b: {  	v2 =	vadd.s32 v4, v2  }
0x14c: {  	v2 =	vadd.s32 v5, v2  }
0x14d: {  	[tilespmem:s21+$0xD060] =	vst v2  }
0x14e: {  	v2 =	vld [tilespmem:s14+$0xFFFFFFF0]  }
0x14f: {  	v3 =	vld [tilespmem:s14+$0x70];
	_ =	sdelay $0x3  }
0x150: {  	v2 =	vmul.f32 $5.110000000e+02, v2  }
0x151: {  	v3 =	vmul.f32 $5.110000000e+02, v3  }
0x152: {  	v2 =	vtrunc.f32 v2  }
0x153: {  	v3 =	vtrunc.f32 v3;
	v2 =	vcvt.f32.s32 v2  }
0x154: {  	v3 =	vcvt.f32.s32 v3  }
0x155: {  	v62 =	vshrl.u32 v2, $0x7;
	v2 =	vadd.s32 v2, v0  }
0x156: {  	v63 =	vshrl.u32 v3, $0x3;
	v3 =	vshll.u32 v3, $0x7;
	v4 =	vmul.u32 $0x380, v62  }
0x157: {  	v5 =	vmul.u32 $0xC00, v63;
	v2 =	vadd.s32 v3, v2  }
0x158: {  	v2 =	vadd.s32 v4, v2  }
0x159: {  	s16 =	simm.s32 $0x200;
	v2 =	vadd.s32 v5, v2  }
.LBB2_4:
0x15a: {  	p0 =	sne.s32 s16, $0x3E00  }
0x15b: {  	[tilespmem:s21+$0xD070] =	vst v2;
	s14 =	sadd.s32 $0x200, s14;
	s21 =	smov.u32 s16;
	s16 =	sadd.s32 $0x200, s16  }
0x15c: {  	v2 =	vld [tilespmem:s14+$0xFFFFFF80]  }
0x15d: {  	v3 =	vld [tilespmem:s14+$0x0];
	_ =	sdelay $0x3  }
0x15e: {  	v2 =	vmul.f32 $5.110000000e+02, v2  }
0x15f: {  	v3 =	vmul.f32 $5.110000000e+02, v3  }
0x160: {  	v2 =	vtrunc.f32 v2  }
0x161: {  	v2 =	vcvt.f32.s32 v2;
	v3 =	vtrunc.f32 v3  }
0x162: {  	v3 =	vcvt.f32.s32 v3  }
0x163: {  	v4 =	vshrl.u32 v2, $0x7;
	v2 =	vadd.s32 v2, v0  }
0x164: {  	v5 =	vshrl.u32 v3, $0x3;
	v3 =	vshll.u32 v3, $0x7;
	v4 =	vmul.u32 $0x380, v4  }
0x165: {  	v5 =	vmul.u32 $0xC00, v5;
	v2 =	vadd.s32 v3, v2  }
0x166: {  	v2 =	vadd.s32 v4, v2  }
0x167: {  	s21 =	sshra.s32 s21, $0x2;
	v2 =	vadd.s32 v5, v2  }
0x168: {  	[tilespmem:s21+$0xD000] =	vst v2  }
0x169: {  	v2 =	vld [tilespmem:s14+$0xFFFFFF90]  }
0x16a: {  	v3 =	vld [tilespmem:s14+$0x10];
	_ =	sdelay $0x3  }
0x16b: {  	v2 =	vmul.f32 $5.110000000e+02, v2  }
0x16c: {  	v3 =	vmul.f32 $5.110000000e+02, v3  }
0x16d: {  	v2 =	vtrunc.f32 v2  }
0x16e: {  	v2 =	vcvt.f32.s32 v2;
	v3 =	vtrunc.f32 v3  }
0x16f: {  	v3 =	vcvt.f32.s32 v3  }
0x170: {  	v4 =	vshrl.u32 v2, $0x7;
	v2 =	vadd.s32 v2, v0  }
0x171: {  	v5 =	vshrl.u32 v3, $0x3;
	v3 =	vshll.u32 v3, $0x7;
	v4 =	vmul.u32 $0x380, v4  }
0x172: {  	v5 =	vmul.u32 $0xC00, v5;
	v2 =	vadd.s32 v3, v2  }
0x173: {  	v2 =	vadd.s32 v4, v2  }
0x174: {  	v2 =	vadd.s32 v5, v2  }
0x175: {  	[tilespmem:s21+$0xD010] =	vst v2  }
0x176: {  	v2 =	vld [tilespmem:s14+$0xFFFFFFA0]  }
0x177: {  	v3 =	vld [tilespmem:s14+$0x20];
	_ =	sdelay $0x3  }
0x178: {  	v2 =	vmul.f32 $5.110000000e+02, v2  }
0x179: {  	v3 =	vmul.f32 $5.110000000e+02, v3  }
0x17a: {  	v2 =	vtrunc.f32 v2  }
0x17b: {  	v2 =	vcvt.f32.s32 v2;
	v3 =	vtrunc.f32 v3  }
0x17c: {  	v3 =	vcvt.f32.s32 v3  }
0x17d: {  	v4 =	vshrl.u32 v2, $0x7;
	v2 =	vadd.s32 v2, v0  }
0x17e: {  	v5 =	vshrl.u32 v3, $0x3;
	v3 =	vshll.u32 v3, $0x7;
	v4 =	vmul.u32 $0x380, v4  }
0x17f: {  	v5 =	vmul.u32 $0xC00, v5;
	v2 =	vadd.s32 v3, v2  }
0x180: {  	v2 =	vadd.s32 v4, v2  }
0x181: {  	v2 =	vadd.s32 v5, v2  }
0x182: {  	[tilespmem:s21+$0xD020] =	vst v2  }
0x183: {  	v2 =	vld [tilespmem:s14+$0xFFFFFFB0]  }
0x184: {  	v3 =	vld [tilespmem:s14+$0x30];
	_ =	sdelay $0x3  }
0x185: {  	v2 =	vmul.f32 $5.110000000e+02, v2  }
0x186: {  	v3 =	vmul.f32 $5.110000000e+02, v3  }
0x187: {  	v2 =	vtrunc.f32 v2  }
0x188: {  	v2 =	vcvt.f32.s32 v2;
	v3 =	vtrunc.f32 v3  }
0x189: {  	v3 =	vcvt.f32.s32 v3  }
0x18a: {  	v4 =	vshrl.u32 v2, $0x7;
	v2 =	vadd.s32 v2, v0  }
0x18b: {  	v5 =	vshrl.u32 v3, $0x3;
	v3 =	vshll.u32 v3, $0x7;
	v4 =	vmul.u32 $0x380, v4  }
0x18c: {  	v5 =	vmul.u32 $0xC00, v5;
	v2 =	vadd.s32 v3, v2  }
0x18d: {  	v2 =	vadd.s32 v4, v2  }
0x18e: {  	v2 =	vadd.s32 v5, v2  }
0x18f: {  	[tilespmem:s21+$0xD030] =	vst v2  }
0x190: {  	v2 =	vld [tilespmem:s14+$0xFFFFFFC0]  }
0x191: {  	v3 =	vld [tilespmem:s14+$0x40];
	_ =	sdelay $0x3  }
0x192: {  	v2 =	vmul.f32 $5.110000000e+02, v2  }
0x193: {  	v3 =	vmul.f32 $5.110000000e+02, v3  }
0x194: {  	v2 =	vtrunc.f32 v2  }
0x195: {  	v2 =	vcvt.f32.s32 v2;
	v3 =	vtrunc.f32 v3  }
0x196: {  	v3 =	vcvt.f32.s32 v3  }
0x197: {  	v4 =	vshrl.u32 v2, $0x7;
	v2 =	vadd.s32 v2, v0  }
0x198: {  	v5 =	vshrl.u32 v3, $0x3;
	v3 =	vshll.u32 v3, $0x7;
	v4 =	vmul.u32 $0x380, v4  }
0x199: {  	v5 =	vmul.u32 $0xC00, v5;
	v2 =	vadd.s32 v3, v2  }
0x19a: {  	v2 =	vadd.s32 v4, v2  }
0x19b: {  	v2 =	vadd.s32 v5, v2  }
0x19c: {  	[tilespmem:s21+$0xD040] =	vst v2  }
0x19d: {  	v2 =	vld [tilespmem:s14+$0xFFFFFFD0]  }
0x19e: {  	v3 =	vld [tilespmem:s14+$0x50];
	_ =	sdelay $0x3  }
0x19f: {  	v2 =	vmul.f32 $5.110000000e+02, v2  }
0x1a0: {  	v3 =	vmul.f32 $5.110000000e+02, v3  }
0x1a1: {  	v2 =	vtrunc.f32 v2  }
0x1a2: {  	v2 =	vcvt.f32.s32 v2;
	v3 =	vtrunc.f32 v3  }
0x1a3: {  	v3 =	vcvt.f32.s32 v3  }
0x1a4: {  	v4 =	vshrl.u32 v2, $0x7;
	v2 =	vadd.s32 v2, v0  }
0x1a5: {  	v5 =	vshrl.u32 v3, $0x3;
	v3 =	vshll.u32 v3, $0x7;
	v4 =	vmul.u32 $0x380, v4  }
0x1a6: {  	v5 =	vmul.u32 $0xC00, v5;
	v2 =	vadd.s32 v3, v2  }
0x1a7: {  	v2 =	vadd.s32 v4, v2  }
0x1a8: {  	v2 =	vadd.s32 v5, v2  }
0x1a9: {  	[tilespmem:s21+$0xD050] =	vst v2  }
0x1aa: {  	v2 =	vld [tilespmem:s14+$0xFFFFFFE0]  }
0x1ab: {  	v3 =	vld [tilespmem:s14+$0x60];
	_ =	sdelay $0x3  }
0x1ac: {  	v2 =	vmul.f32 $5.110000000e+02, v2  }
0x1ad: {  	v3 =	vmul.f32 $5.110000000e+02, v3  }
0x1ae: {  	v2 =	vtrunc.f32 v2  }
0x1af: {  	v2 =	vcvt.f32.s32 v2;
	v3 =	vtrunc.f32 v3  }
0x1b0: {  	v3 =	vcvt.f32.s32 v3  }
0x1b1: {  	v4 =	vshrl.u32 v2, $0x7;
	v2 =	vadd.s32 v2, v0  }
0x1b2: {  	v5 =	vshrl.u32 v3, $0x3;
	v3 =	vshll.u32 v3, $0x7;
	v4 =	vmul.u32 $0x380, v4  }
0x1b3: {  	v5 =	vmul.u32 $0xC00, v5;
	v2 =	vadd.s32 v3, v2  }
0x1b4: {  	v2 =	vadd.s32 v4, v2  }
0x1b5: {  	v2 =	vadd.s32 v5, v2  }
0x1b6: {  	[tilespmem:s21+$0xD060] =	vst v2  }
0x1b7: {  	v2 =	vld [tilespmem:s14+$0xFFFFFFF0]  }
0x1b8: {  	v3 =	vld [tilespmem:s14+$0x70];
	_ =	sdelay $0x3  }
0x1b9: {  	v2 =	vmul.f32 $5.110000000e+02, v2  }
0x1ba: {  	v3 =	vmul.f32 $5.110000000e+02, v3  }
0x1bb: {  	v2 =	vtrunc.f32 v2  }
0x1bc: {  	v2 =	vcvt.f32.s32 v2;
	v3 =	vtrunc.f32 v3  }
0x1bd: {  	v3 =	vcvt.f32.s32 v3  }
.Ltmp1:
0x1be: {  	v4 =	vshrl.u32 v2, $0x7;
	v2 =	vadd.s32 v2, v0;
	(pc) =	sbr.rel @p0 .LBB2_4-.Ltmp1, $4  }
0x1bf: {  	v5 =	vshrl.u32 v3, $0x3;
	v3 =	vshll.u32 v3, $0x7;
	v4 =	vmul.u32 $0x380, v4  }
0x1c0: {  	v5 =	vmul.u32 $0xC00, v5;
	v2 =	vadd.s32 v3, v2  }
0x1c1: {  	v2 =	vadd.s32 v4, v2  }
0x1c2: {  	v2 =	vadd.s32 v5, v2  }
0x1c3: {  	[tilespmem:s21+$0xD070] =	vst v2  }
0x1c4: {  	_ =	swait.ge [sflag:s22], $0x800  }
0x1c5: {  	[sflag:s22] =	ssyncset.done $0x0  }
0x1c6: {  	[sflag:s22] =	ssyncadd.s32 $0xFFFFF800  }
0x1c7: {  	[tilespmem:s24], [sflag:$0x3] =	stream.indirect.gather [hbm4b:s2+s15], $0x1, s23, s15, $0xb8;
	[tilespmem:$0x12000] =	vst v63  }
0x1c8: {  	s14 =	simm.s32 $0x0  }
0x1c9: {  	[tilespmem:s26], [sflag:$0x4] =	stream.indirect.gather [hbm4b:s2+s15], $0x1, s25, s15, $0xb8;
	[tilespmem:$0x12000] =	vst v63  }
0x1ca: {  	s16 =	simm.s32 $0x170;
	s21 =	simm.s32 $0x200;
	v2 =	vld [tilespmem:s14+$0xE000]  }
.LBB2_6:
0x1cb: {  	p0 =	sne.s32 s21, $0x1E00;
	v3 =	vld [tilespmem:s16+$0xFFFFFF90];
	_ =	sdelay $0x4  }
0x1cc: {  	vm0 =	vle.f32 v3, v2  }
0x1cd: {  	v2 =	vsel vm0, $0x3F800000, v1  }
0x1ce: {  	[tilespmem:s14+$0x10000] =	vst v2;
	v2 =	vld [tilespmem:s14+$0xE010]  }
0x1cf: {  	v3 =	vld [tilespmem:s16+$0xFFFFFFA0];
	_ =	sdelay $0x4  }
0x1d0: {  	vm0 =	vle.f32 v3, v2  }
0x1d1: {  	v2 =	vsel vm0, $0x3F800000, v1  }
0x1d2: {  	[tilespmem:s14+$0x10010] =	vst v2;
	v2 =	vld [tilespmem:s14+$0xE020]  }
0x1d3: {  	v3 =	vld [tilespmem:s16+$0xFFFFFFB0];
	_ =	sdelay $0x4  }
0x1d4: {  	vm0 =	vle.f32 v3, v2  }
0x1d5: {  	v2 =	vsel vm0, $0x3F800000, v1  }
0x1d6: {  	[tilespmem:s14+$0x10020] =	vst v2;
	v2 =	vld [tilespmem:s14+$0xE030]  }
0x1d7: {  	v3 =	vld [tilespmem:s16+$0xFFFFFFC0];
	_ =	sdelay $0x4  }
0x1d8: {  	vm0 =	vle.f32 v3, v2  }
0x1d9: {  	v2 =	vsel vm0, $0x3F800000, v1  }
0x1da: {  	[tilespmem:s14+$0x10030] =	vst v2;
	v2 =	vld [tilespmem:s14+$0xE040]  }
0x1db: {  	v3 =	vld [tilespmem:s16+$0xFFFFFFD0];
	_ =	sdelay $0x4  }
0x1dc: {  	vm0 =	vle.f32 v3, v2  }
0x1dd: {  	v2 =	vsel vm0, $0x3F800000, v1  }
0x1de: {  	[tilespmem:s14+$0x10040] =	vst v2;
	v2 =	vld [tilespmem:s14+$0xE050]  }
0x1df: {  	v3 =	vld [tilespmem:s16+$0xFFFFFFE0];
	_ =	sdelay $0x4  }
0x1e0: {  	vm0 =	vle.f32 v3, v2  }
0x1e1: {  	v2 =	vsel vm0, $0x3F800000, v1  }
0x1e2: {  	[tilespmem:s14+$0x10050] =	vst v2;
	v2 =	vld [tilespmem:s14+$0xE060]  }
0x1e3: {  	v3 =	vld [tilespmem:s16+$0xFFFFFFF0];
	_ =	sdelay $0x4  }
0x1e4: {  	vm0 =	vle.f32 v3, v2  }
0x1e5: {  	v2 =	vsel vm0, $0x3F800000, v1  }
0x1e6: {  	[tilespmem:s14+$0x10060] =	vst v2;
	v2 =	vld [tilespmem:s14+$0xE070]  }
0x1e7: {  	v3 =	vld [tilespmem:s16+$0x0];
	_ =	sdelay $0x2  }
.Ltmp2:
0x1e8: {  	(pc) =	sbr.rel @p0 .LBB2_6-.Ltmp2, $4  }
0x1e9: {  	_ = 	snop  }
0x1ea: {  	vm0 =	vle.f32 v3, v2  }
0x1eb: {  	s17 =	sshra.s32 s21, $0x2;
	v3 =	vsel vm0, $0x3F800000, v1  }
0x1ec: {  	s21 =	sadd.s32 $0x200, s21;
	s16 =	sadd.s32 $0x200, s16;
	v2 =	vld [tilespmem:s17+$0xE000];
	[tilespmem:s14+$0x10070] =	vst v3;
	s14 =	smov.u32 s17  }
0x1ed: {  	v3 =	vld [tilespmem:s16+$0xFFFFFF90];
	_ =	sdelay $0x4  }
0x1ee: {  	vm0 =	vle.f32 v3, v2  }
0x1ef: {  	v2 =	vsel vm0, $0x3F800000, v1  }
0x1f0: {  	[tilespmem:s14+$0x10000] =	vst v2;
	v2 =	vld [tilespmem:s14+$0xE010]  }
0x1f1: {  	v3 =	vld [tilespmem:s16+$0xFFFFFFA0];
	_ =	sdelay $0x4  }
0x1f2: {  	vm9 =	vle.f32 v3, v2  }
0x1f3: {  	v2 =	vsel vm9, $0x3F800000, v1  }
0x1f4: {  	[tilespmem:s14+$0x10010] =	vst v2;
	v2 =	vld [tilespmem:s14+$0xE020]  }
0x1f5: {  	v3 =	vld [tilespmem:s16+$0xFFFFFFB0];
	_ =	sdelay $0x4  }
0x1f6: {  	vm10 =	vle.f32 v3, v2  }
0x1f7: {  	v2 =	vsel vm10, $0x3F800000, v1  }
0x1f8: {  	[tilespmem:s14+$0x10020] =	vst v2;
	v2 =	vld [tilespmem:s14+$0xE030]  }
0x1f9: {  	v3 =	vld [tilespmem:s16+$0xFFFFFFC0];
	_ =	sdelay $0x4  }
0x1fa: {  	vm11 =	vle.f32 v3, v2  }
0x1fb: {  	v2 =	vsel vm11, $0x3F800000, v1  }
0x1fc: {  	[tilespmem:s14+$0x10030] =	vst v2;
	v2 =	vld [tilespmem:s14+$0xE040]  }
0x1fd: {  	v3 =	vld [tilespmem:s16+$0xFFFFFFD0];
	_ =	sdelay $0x4  }
0x1fe: {  	vm12 =	vle.f32 v3, v2  }
0x1ff: {  	v2 =	vsel vm12, $0x3F800000, v1  }
0x200: {  	[tilespmem:s14+$0x10040] =	vst v2;
	v2 =	vld [tilespmem:s14+$0xE050]  }
0x201: {  	v3 =	vld [tilespmem:s16+$0xFFFFFFE0];
	_ =	sdelay $0x4  }
0x202: {  	vm13 =	vle.f32 v3, v2  }
0x203: {  	v2 =	vsel vm13, $0x3F800000, v1  }
0x204: {  	[tilespmem:s14+$0x10050] =	vst v2;
	v2 =	vld [tilespmem:s14+$0xE060]  }
0x205: {  	v3 =	vld [tilespmem:s16+$0xFFFFFFF0];
	_ =	sdelay $0x4  }
0x206: {  	vm14 =	vle.f32 v3, v2  }
0x207: {  	v2 =	vsel vm14, $0x3F800000, v1  }
0x208: {  	[tilespmem:s14+$0x10060] =	vst v2;
	v2 =	vld [tilespmem:s14+$0xE070]  }
0x209: {  	v3 =	vld [tilespmem:s16+$0x0];
	_ =	sdelay $0x4  }
0x20a: {  	vm15 =	vle.f32 v3, v2  }
0x20b: {  	v2 =	vsel vm15, $0x3F800000, v1  }
0x20c: {  	[tilespmem:s14+$0x10070] =	vst v2  }
0x20d: {  	_ =	swait.ge [sflag:s28], $0x800  }
0x20e: {  	[sflag:s28] =	ssyncset.done $0x0  }
0x20f: {  	s14 =	simm.s32 $0x0;
	[sflag:s28] =	ssyncadd.s32 $0xFFFFF800  }
0x210: {  	s21 =	simm.s32 $0x200;
	s16 =	simm.s32 $0x2170;
	v2 =	vld [tilespmem:s14+$0xE800]  }
.LBB2_8:
0x211: {  	p0 =	sne.s32 s21, $0x1E00;
	v3 =	vld [tilespmem:s16+$0xFFFFFF90];
	_ =	sdelay $0x4  }
0x212: {  	vm0 =	vle.f32 v3, v2  }
0x213: {  	v2 =	vsel vm0, $0x3F800000, v1  }
0x214: {  	[tilespmem:s14+$0x10800] =	vst v2;
	v2 =	vld [tilespmem:s14+$0xE810]  }
0x215: {  	v3 =	vld [tilespmem:s16+$0xFFFFFFA0];
	_ =	sdelay $0x4  }
0x216: {  	vm0 =	vle.f32 v3, v2  }
0x217: {  	v2 =	vsel vm0, $0x3F800000, v1  }
0x218: {  	[tilespmem:s14+$0x10810] =	vst v2;
	v2 =	vld [tilespmem:s14+$0xE820]  }
0x219: {  	v3 =	vld [tilespmem:s16+$0xFFFFFFB0];
	_ =	sdelay $0x4  }
0x21a: {  	vm0 =	vle.f32 v3, v2  }
0x21b: {  	v2 =	vsel vm0, $0x3F800000, v1  }
0x21c: {  	[tilespmem:s14+$0x10820] =	vst v2;
	v2 =	vld [tilespmem:s14+$0xE830]  }
0x21d: {  	v3 =	vld [tilespmem:s16+$0xFFFFFFC0];
	_ =	sdelay $0x4  }
0x21e: {  	vm0 =	vle.f32 v3, v2  }
0x21f: {  	v2 =	vsel vm0, $0x3F800000, v1  }
0x220: {  	[tilespmem:s14+$0x10830] =	vst v2;
	v2 =	vld [tilespmem:s14+$0xE840]  }
0x221: {  	v3 =	vld [tilespmem:s16+$0xFFFFFFD0];
	_ =	sdelay $0x4  }
0x222: {  	vm0 =	vle.f32 v3, v2  }
0x223: {  	v2 =	vsel vm0, $0x3F800000, v1  }
0x224: {  	[tilespmem:s14+$0x10840] =	vst v2;
	v2 =	vld [tilespmem:s14+$0xE850]  }
0x225: {  	v3 =	vld [tilespmem:s16+$0xFFFFFFE0];
	_ =	sdelay $0x4  }
0x226: {  	vm0 =	vle.f32 v3, v2  }
0x227: {  	v2 =	vsel vm0, $0x3F800000, v1  }
0x228: {  	[tilespmem:s14+$0x10850] =	vst v2;
	v2 =	vld [tilespmem:s14+$0xE860]  }
0x229: {  	v3 =	vld [tilespmem:s16+$0xFFFFFFF0];
	_ =	sdelay $0x4  }
0x22a: {  	vm0 =	vle.f32 v3, v2  }
0x22b: {  	v2 =	vsel vm0, $0x3F800000, v1  }
0x22c: {  	[tilespmem:s14+$0x10860] =	vst v2;
	v2 =	vld [tilespmem:s14+$0xE870]  }
0x22d: {  	v3 =	vld [tilespmem:s16+$0x0];
	_ =	sdelay $0x2  }
.Ltmp3:
0x22e: {  	(pc) =	sbr.rel @p0 .LBB2_8-.Ltmp3, $4  }
0x22f: {  	_ = 	snop  }
0x230: {  	vm0 =	vle.f32 v3, v2  }
0x231: {  	s17 =	sshra.s32 s21, $0x2;
	v3 =	vsel vm0, $0x3F800000, v1  }
0x232: {  	s21 =	sadd.s32 $0x200, s21;
	s16 =	sadd.s32 $0x200, s16;
	v2 =	vld [tilespmem:s17+$0xE800];
	[tilespmem:s14+$0x10870] =	vst v3;
	s14 =	smov.u32 s17  }
0x233: {  	v3 =	vld [tilespmem:s16+$0xFFFFFF90];
	_ =	sdelay $0x4  }
0x234: {  	vm0 =	vle.f32 v3, v2  }
0x235: {  	v2 =	vsel vm0, $0x3F800000, v1  }
0x236: {  	[tilespmem:s14+$0x10800] =	vst v2;
	v2 =	vld [tilespmem:s14+$0xE810]  }
0x237: {  	v3 =	vld [tilespmem:s16+$0xFFFFFFA0];
	_ =	sdelay $0x4  }
0x238: {  	vm9 =	vle.f32 v3, v2  }
0x239: {  	v2 =	vsel vm9, $0x3F800000, v1  }
0x23a: {  	[tilespmem:s14+$0x10810] =	vst v2;
	v2 =	vld [tilespmem:s14+$0xE820]  }
0x23b: {  	v3 =	vld [tilespmem:s16+$0xFFFFFFB0];
	_ =	sdelay $0x4  }
0x23c: {  	vm10 =	vle.f32 v3, v2  }
0x23d: {  	v2 =	vsel vm10, $0x3F800000, v1  }
0x23e: {  	[tilespmem:s14+$0x10820] =	vst v2;
	v2 =	vld [tilespmem:s14+$0xE830]  }
0x23f: {  	v3 =	vld [tilespmem:s16+$0xFFFFFFC0];
	_ =	sdelay $0x4  }
0x240: {  	vm11 =	vle.f32 v3, v2  }
0x241: {  	v2 =	vsel vm11, $0x3F800000, v1  }
0x242: {  	[tilespmem:s14+$0x10830] =	vst v2;
	v2 =	vld [tilespmem:s14+$0xE840]  }
0x243: {  	v3 =	vld [tilespmem:s16+$0xFFFFFFD0];
	_ =	sdelay $0x4  }
0x244: {  	vm12 =	vle.f32 v3, v2  }
0x245: {  	v2 =	vsel vm12, $0x3F800000, v1  }
0x246: {  	[tilespmem:s14+$0x10840] =	vst v2;
	v2 =	vld [tilespmem:s14+$0xE850]  }
0x247: {  	v3 =	vld [tilespmem:s16+$0xFFFFFFE0];
	_ =	sdelay $0x4  }
0x248: {  	vm13 =	vle.f32 v3, v2  }
0x249: {  	v2 =	vsel vm13, $0x3F800000, v1  }
0x24a: {  	[tilespmem:s14+$0x10850] =	vst v2;
	v2 =	vld [tilespmem:s14+$0xE860]  }
0x24b: {  	v3 =	vld [tilespmem:s16+$0xFFFFFFF0];
	_ =	sdelay $0x4  }
0x24c: {  	vm14 =	vle.f32 v3, v2  }
0x24d: {  	v2 =	vsel vm14, $0x3F800000, v1  }
0x24e: {  	[tilespmem:s14+$0x10860] =	vst v2;
	v2 =	vld [tilespmem:s14+$0xE870]  }
0x24f: {  	v3 =	vld [tilespmem:s16+$0x0];
	_ =	sdelay $0x4  }
0x250: {  	vm15 =	vle.f32 v3, v2  }
0x251: {  	v2 =	vsel vm15, $0x3F800000, v1  }
0x252: {  	s21 =	simm.s32 $0x0;
	[tilespmem:s14+$0x10870] =	vst v2  }
0x253: {  	[hbm4b:s7+s21] =	stream.linear.scatter [tilespmem:s29], [sflag:$0x5], $0x1000, $0x38;
	[tilespmem:$0x12000] =	vst v63  }
0x254: {  	_ =	swait.ge [sflag:s13], $0x4000  }
0x255: {  	[sflag:s13] =	ssyncset.done $0x0  }
0x256: {  	s14 =	simm.s32 $0x8080;
	[sflag:s13] =	ssyncadd.s32 $0xFFFFC000  }
0x257: {  	[tilespmem:s21], [sflag:$0x2] =	stream.linear.gather [hbm4b:s8+s21], $0x4000, $0x38;
	[tilespmem:$0x12000] =	vst v63  }
0x258: {  	v2 =	vld [tilespmem:s14+$0xFFFFFF80]  }
0x259: {  	v3 =	vld [tilespmem:s14+$0x0];
	_ =	sdelay $0x3  }
0x25a: {  	v2 =	vmul.f32 $5.110000000e+02, v2  }
0x25b: {  	v3 =	vmul.f32 $5.110000000e+02, v3  }
0x25c: {  	v2 =	vtrunc.f32 v2  }
0x25d: {  	v3 =	vtrunc.f32 v3;
	v2 =	vcvt.f32.s32 v2  }
0x25e: {  	v3 =	vcvt.f32.s32 v3  }
0x25f: {  	v4 =	vshrl.u32 v2, $0x7;
	v2 =	vadd.s32 v2, v0  }
0x260: {  	v5 =	vshrl.u32 v3, $0x3;
	v3 =	vshll.u32 v3, $0x7;
	v4 =	vmul.u32 $0x380, v4  }
0x261: {  	v5 =	vmul.u32 $0xC00, v5;
	v2 =	vadd.s32 v3, v2  }
0x262: {  	v2 =	vadd.s32 v4, v2  }
0x263: {  	s21 =	simm.s32 $0x0;
	v2 =	vadd.s32 v5, v2  }
0x264: {  	[tilespmem:s21+$0xC000] =	vst v2  }
0x265: {  	v2 =	vld [tilespmem:s14+$0xFFFFFF90]  }
0x266: {  	v3 =	vld [tilespmem:s14+$0x10];
	_ =	sdelay $0x3  }
0x267: {  	v2 =	vmul.f32 $5.110000000e+02, v2  }
0x268: {  	v3 =	vmul.f32 $5.110000000e+02, v3  }
0x269: {  	v2 =	vtrunc.f32 v2  }
0x26a: {  	v3 =	vtrunc.f32 v3;
	v2 =	vcvt.f32.s32 v2  }
0x26b: {  	v3 =	vcvt.f32.s32 v3  }
0x26c: {  	v50 =	vshrl.u32 v2, $0x7;
	v2 =	vadd.s32 v2, v0  }
0x26d: {  	v51 =	vshrl.u32 v3, $0x3;
	v3 =	vshll.u32 v3, $0x7;
	v4 =	vmul.u32 $0x380, v50  }
0x26e: {  	v5 =	vmul.u32 $0xC00, v51;
	v2 =	vadd.s32 v3, v2  }
0x26f: {  	v2 =	vadd.s32 v4, v2  }
0x270: {  	v2 =	vadd.s32 v5, v2  }
0x271: {  	[tilespmem:s21+$0xC010] =	vst v2  }
0x272: {  	v2 =	vld [tilespmem:s14+$0xFFFFFFA0]  }
0x273: {  	v3 =	vld [tilespmem:s14+$0x20];
	_ =	sdelay $0x3  }
0x274: {  	v2 =	vmul.f32 $5.110000000e+02, v2  }
0x275: {  	v3 =	vmul.f32 $5.110000000e+02, v3  }
0x276: {  	v2 =	vtrunc.f32 v2  }
0x277: {  	v3 =	vtrunc.f32 v3;
	v2 =	vcvt.f32.s32 v2  }
0x278: {  	v3 =	vcvt.f32.s32 v3  }
0x279: {  	v52 =	vshrl.u32 v2, $0x7;
	v2 =	vadd.s32 v2, v0  }
0x27a: {  	v53 =	vshrl.u32 v3, $0x3;
	v3 =	vshll.u32 v3, $0x7;
	v4 =	vmul.u32 $0x380, v52  }
0x27b: {  	v5 =	vmul.u32 $0xC00, v53;
	v2 =	vadd.s32 v3, v2  }
0x27c: {  	v2 =	vadd.s32 v4, v2  }
0x27d: {  	v2 =	vadd.s32 v5, v2  }
0x27e: {  	[tilespmem:s21+$0xC020] =	vst v2  }
0x27f: {  	v2 =	vld [tilespmem:s14+$0xFFFFFFB0]  }
0x280: {  	v3 =	vld [tilespmem:s14+$0x30];
	_ =	sdelay $0x3  }
0x281: {  	v2 =	vmul.f32 $5.110000000e+02, v2  }
0x282: {  	v3 =	vmul.f32 $5.110000000e+02, v3  }
0x283: {  	v2 =	vtrunc.f32 v2  }
0x284: {  	v3 =	vtrunc.f32 v3;
	v2 =	vcvt.f32.s32 v2  }
0x285: {  	v3 =	vcvt.f32.s32 v3  }
0x286: {  	v54 =	vshrl.u32 v2, $0x7;
	v2 =	vadd.s32 v2, v0  }
0x287: {  	v55 =	vshrl.u32 v3, $0x3;
	v3 =	vshll.u32 v3, $0x7;
	v4 =	vmul.u32 $0x380, v54  }
0x288: {  	v5 =	vmul.u32 $0xC00, v55;
	v2 =	vadd.s32 v3, v2  }
0x289: {  	v2 =	vadd.s32 v4, v2  }
0x28a: {  	v2 =	vadd.s32 v5, v2  }
0x28b: {  	[tilespmem:s21+$0xC030] =	vst v2  }
0x28c: {  	v2 =	vld [tilespmem:s14+$0xFFFFFFC0]  }
0x28d: {  	v3 =	vld [tilespmem:s14+$0x40];
	_ =	sdelay $0x3  }
0x28e: {  	v2 =	vmul.f32 $5.110000000e+02, v2  }
0x28f: {  	v3 =	vmul.f32 $5.110000000e+02, v3  }
0x290: {  	v2 =	vtrunc.f32 v2  }
0x291: {  	v3 =	vtrunc.f32 v3;
	v2 =	vcvt.f32.s32 v2  }
0x292: {  	v3 =	vcvt.f32.s32 v3  }
0x293: {  	v56 =	vshrl.u32 v2, $0x7;
	v2 =	vadd.s32 v2, v0  }
0x294: {  	v57 =	vshrl.u32 v3, $0x3;
	v3 =	vshll.u32 v3, $0x7;
	v4 =	vmul.u32 $0x380, v56  }
0x295: {  	v5 =	vmul.u32 $0xC00, v57;
	v2 =	vadd.s32 v3, v2  }
0x296: {  	v2 =	vadd.s32 v4, v2  }
0x297: {  	v2 =	vadd.s32 v5, v2  }
0x298: {  	[tilespmem:s21+$0xC040] =	vst v2  }
0x299: {  	v2 =	vld [tilespmem:s14+$0xFFFFFFD0]  }
0x29a: {  	v3 =	vld [tilespmem:s14+$0x50];
	_ =	sdelay $0x3  }
0x29b: {  	v2 =	vmul.f32 $5.110000000e+02, v2  }
0x29c: {  	v3 =	vmul.f32 $5.110000000e+02, v3  }
0x29d: {  	v2 =	vtrunc.f32 v2  }
0x29e: {  	v3 =	vtrunc.f32 v3;
	v2 =	vcvt.f32.s32 v2  }
0x29f: {  	v3 =	vcvt.f32.s32 v3  }
0x2a0: {  	v58 =	vshrl.u32 v2, $0x7;
	v2 =	vadd.s32 v2, v0  }
0x2a1: {  	v59 =	vshrl.u32 v3, $0x3;
	v3 =	vshll.u32 v3, $0x7;
	v4 =	vmul.u32 $0x380, v58  }
0x2a2: {  	v5 =	vmul.u32 $0xC00, v59;
	v2 =	vadd.s32 v3, v2  }
0x2a3: {  	v2 =	vadd.s32 v4, v2  }
0x2a4: {  	v2 =	vadd.s32 v5, v2  }
0x2a5: {  	[tilespmem:s21+$0xC050] =	vst v2  }
0x2a6: {  	v2 =	vld [tilespmem:s14+$0xFFFFFFE0]  }
0x2a7: {  	v3 =	vld [tilespmem:s14+$0x60];
	_ =	sdelay $0x3  }
0x2a8: {  	v2 =	vmul.f32 $5.110000000e+02, v2  }
0x2a9: {  	v3 =	vmul.f32 $5.110000000e+02, v3  }
0x2aa: {  	v2 =	vtrunc.f32 v2  }
0x2ab: {  	v3 =	vtrunc.f32 v3;
	v2 =	vcvt.f32.s32 v2  }
0x2ac: {  	v3 =	vcvt.f32.s32 v3  }
0x2ad: {  	v60 =	vshrl.u32 v2, $0x7;
	v2 =	vadd.s32 v2, v0  }
0x2ae: {  	v61 =	vshrl.u32 v3, $0x3;
	v3 =	vshll.u32 v3, $0x7;
	v4 =	vmul.u32 $0x380, v60  }
0x2af: {  	v5 =	vmul.u32 $0xC00, v61;
	v2 =	vadd.s32 v3, v2  }
0x2b0: {  	v2 =	vadd.s32 v4, v2  }
0x2b1: {  	v2 =	vadd.s32 v5, v2  }
0x2b2: {  	[tilespmem:s21+$0xC060] =	vst v2  }
0x2b3: {  	v2 =	vld [tilespmem:s14+$0xFFFFFFF0]  }
0x2b4: {  	v3 =	vld [tilespmem:s14+$0x70];
	_ =	sdelay $0x3  }
0x2b5: {  	v2 =	vmul.f32 $5.110000000e+02, v2  }
0x2b6: {  	v3 =	vmul.f32 $5.110000000e+02, v3  }
0x2b7: {  	v2 =	vtrunc.f32 v2  }
0x2b8: {  	v3 =	vtrunc.f32 v3;
	v2 =	vcvt.f32.s32 v2  }
0x2b9: {  	v3 =	vcvt.f32.s32 v3  }
0x2ba: {  	v62 =	vshrl.u32 v2, $0x7;
	v2 =	vadd.s32 v2, v0  }
0x2bb: {  	v63 =	vshrl.u32 v3, $0x3;
	v3 =	vshll.u32 v3, $0x7;
	v4 =	vmul.u32 $0x380, v62  }
0x2bc: {  	v5 =	vmul.u32 $0xC00, v63;
	v2 =	vadd.s32 v3, v2  }
0x2bd: {  	v2 =	vadd.s32 v4, v2  }
0x2be: {  	s16 =	simm.s32 $0x200;
	v2 =	vadd.s32 v5, v2  }
.LBB2_10:
0x2bf: {  	p0 =	sne.s32 s16, $0x3E00  }
0x2c0: {  	[tilespmem:s21+$0xC070] =	vst v2;
	s14 =	sadd.s32 $0x200, s14;
	s17 =	smov.u32 s16;
	s16 =	sadd.s32 $0x200, s16  }
0x2c1: {  	v2 =	vld [tilespmem:s14+$0xFFFFFF80]  }
0x2c2: {  	v3 =	vld [tilespmem:s14+$0x0];
	_ =	sdelay $0x3  }
0x2c3: {  	v2 =	vmul.f32 $5.110000000e+02, v2  }
0x2c4: {  	v3 =	vmul.f32 $5.110000000e+02, v3  }
0x2c5: {  	v2 =	vtrunc.f32 v2  }
0x2c6: {  	v2 =	vcvt.f32.s32 v2;
	v3 =	vtrunc.f32 v3  }
0x2c7: {  	v3 =	vcvt.f32.s32 v3  }
0x2c8: {  	v4 =	vshrl.u32 v2, $0x7;
	v2 =	vadd.s32 v2, v0  }
0x2c9: {  	v5 =	vshrl.u32 v3, $0x3;
	v3 =	vshll.u32 v3, $0x7;
	v4 =	vmul.u32 $0x380, v4  }
0x2ca: {  	v5 =	vmul.u32 $0xC00, v5;
	v2 =	vadd.s32 v3, v2  }
0x2cb: {  	v2 =	vadd.s32 v4, v2  }
0x2cc: {  	s21 =	sshra.s32 s17, $0x2;
	v2 =	vadd.s32 v5, v2  }
0x2cd: {  	[tilespmem:s21+$0xC000] =	vst v2  }
0x2ce: {  	v2 =	vld [tilespmem:s14+$0xFFFFFF90]  }
0x2cf: {  	v3 =	vld [tilespmem:s14+$0x10];
	_ =	sdelay $0x3  }
0x2d0: {  	v2 =	vmul.f32 $5.110000000e+02, v2  }
0x2d1: {  	v3 =	vmul.f32 $5.110000000e+02, v3  }
0x2d2: {  	v2 =	vtrunc.f32 v2  }
0x2d3: {  	v2 =	vcvt.f32.s32 v2;
	v3 =	vtrunc.f32 v3  }
0x2d4: {  	v3 =	vcvt.f32.s32 v3  }
0x2d5: {  	v4 =	vshrl.u32 v2, $0x7;
	v2 =	vadd.s32 v2, v0  }
0x2d6: {  	v5 =	vshrl.u32 v3, $0x3;
	v3 =	vshll.u32 v3, $0x7;
	v4 =	vmul.u32 $0x380, v4  }
0x2d7: {  	v5 =	vmul.u32 $0xC00, v5;
	v2 =	vadd.s32 v3, v2  }
0x2d8: {  	v2 =	vadd.s32 v4, v2  }
0x2d9: {  	v2 =	vadd.s32 v5, v2  }
0x2da: {  	[tilespmem:s21+$0xC010] =	vst v2  }
0x2db: {  	v2 =	vld [tilespmem:s14+$0xFFFFFFA0]  }
0x2dc: {  	v3 =	vld [tilespmem:s14+$0x20];
	_ =	sdelay $0x3  }
0x2dd: {  	v2 =	vmul.f32 $5.110000000e+02, v2  }
0x2de: {  	v3 =	vmul.f32 $5.110000000e+02, v3  }
0x2df: {  	v2 =	vtrunc.f32 v2  }
0x2e0: {  	v2 =	vcvt.f32.s32 v2;
	v3 =	vtrunc.f32 v3  }
0x2e1: {  	v3 =	vcvt.f32.s32 v3  }
0x2e2: {  	v4 =	vshrl.u32 v2, $0x7;
	v2 =	vadd.s32 v2, v0  }
0x2e3: {  	v5 =	vshrl.u32 v3, $0x3;
	v3 =	vshll.u32 v3, $0x7;
	v4 =	vmul.u32 $0x380, v4  }
0x2e4: {  	v5 =	vmul.u32 $0xC00, v5;
	v2 =	vadd.s32 v3, v2  }
0x2e5: {  	v2 =	vadd.s32 v4, v2  }
0x2e6: {  	v2 =	vadd.s32 v5, v2  }
0x2e7: {  	[tilespmem:s21+$0xC020] =	vst v2  }
0x2e8: {  	v2 =	vld [tilespmem:s14+$0xFFFFFFB0]  }
0x2e9: {  	v3 =	vld [tilespmem:s14+$0x30];
	_ =	sdelay $0x3  }
0x2ea: {  	v2 =	vmul.f32 $5.110000000e+02, v2  }
0x2eb: {  	v3 =	vmul.f32 $5.110000000e+02, v3  }
0x2ec: {  	v2 =	vtrunc.f32 v2  }
0x2ed: {  	v2 =	vcvt.f32.s32 v2;
	v3 =	vtrunc.f32 v3  }
0x2ee: {  	v3 =	vcvt.f32.s32 v3  }
0x2ef: {  	v4 =	vshrl.u32 v2, $0x7;
	v2 =	vadd.s32 v2, v0  }
0x2f0: {  	v5 =	vshrl.u32 v3, $0x3;
	v3 =	vshll.u32 v3, $0x7;
	v4 =	vmul.u32 $0x380, v4  }
0x2f1: {  	v5 =	vmul.u32 $0xC00, v5;
	v2 =	vadd.s32 v3, v2  }
0x2f2: {  	v2 =	vadd.s32 v4, v2  }
0x2f3: {  	v2 =	vadd.s32 v5, v2  }
0x2f4: {  	[tilespmem:s21+$0xC030] =	vst v2  }
0x2f5: {  	v2 =	vld [tilespmem:s14+$0xFFFFFFC0]  }
0x2f6: {  	v3 =	vld [tilespmem:s14+$0x40];
	_ =	sdelay $0x3  }
0x2f7: {  	v2 =	vmul.f32 $5.110000000e+02, v2  }
0x2f8: {  	v3 =	vmul.f32 $5.110000000e+02, v3  }
0x2f9: {  	v2 =	vtrunc.f32 v2  }
0x2fa: {  	v2 =	vcvt.f32.s32 v2;
	v3 =	vtrunc.f32 v3  }
0x2fb: {  	v3 =	vcvt.f32.s32 v3  }
0x2fc: {  	v4 =	vshrl.u32 v2, $0x7;
	v2 =	vadd.s32 v2, v0  }
0x2fd: {  	v5 =	vshrl.u32 v3, $0x3;
	v3 =	vshll.u32 v3, $0x7;
	v4 =	vmul.u32 $0x380, v4  }
0x2fe: {  	v5 =	vmul.u32 $0xC00, v5;
	v2 =	vadd.s32 v3, v2  }
0x2ff: {  	v2 =	vadd.s32 v4, v2  }
0x300: {  	v2 =	vadd.s32 v5, v2  }
0x301: {  	[tilespmem:s21+$0xC040] =	vst v2  }
0x302: {  	v2 =	vld [tilespmem:s14+$0xFFFFFFD0]  }
0x303: {  	v3 =	vld [tilespmem:s14+$0x50];
	_ =	sdelay $0x3  }
0x304: {  	v2 =	vmul.f32 $5.110000000e+02, v2  }
0x305: {  	v3 =	vmul.f32 $5.110000000e+02, v3  }
0x306: {  	v2 =	vtrunc.f32 v2  }
0x307: {  	v2 =	vcvt.f32.s32 v2;
	v3 =	vtrunc.f32 v3  }
0x308: {  	v3 =	vcvt.f32.s32 v3  }
0x309: {  	v4 =	vshrl.u32 v2, $0x7;
	v2 =	vadd.s32 v2, v0  }
0x30a: {  	v5 =	vshrl.u32 v3, $0x3;
	v3 =	vshll.u32 v3, $0x7;
	v4 =	vmul.u32 $0x380, v4  }
0x30b: {  	v5 =	vmul.u32 $0xC00, v5;
	v2 =	vadd.s32 v3, v2  }
0x30c: {  	v2 =	vadd.s32 v4, v2  }
0x30d: {  	v2 =	vadd.s32 v5, v2  }
0x30e: {  	[tilespmem:s21+$0xC050] =	vst v2  }
0x30f: {  	v2 =	vld [tilespmem:s14+$0xFFFFFFE0]  }
0x310: {  	v3 =	vld [tilespmem:s14+$0x60];
	_ =	sdelay $0x3  }
0x311: {  	v2 =	vmul.f32 $5.110000000e+02, v2  }
0x312: {  	v3 =	vmul.f32 $5.110000000e+02, v3  }
0x313: {  	v2 =	vtrunc.f32 v2  }
0x314: {  	v2 =	vcvt.f32.s32 v2;
	v3 =	vtrunc.f32 v3  }
0x315: {  	v3 =	vcvt.f32.s32 v3  }
0x316: {  	v4 =	vshrl.u32 v2, $0x7;
	v2 =	vadd.s32 v2, v0  }
0x317: {  	v5 =	vshrl.u32 v3, $0x3;
	v3 =	vshll.u32 v3, $0x7;
	v4 =	vmul.u32 $0x380, v4  }
0x318: {  	v5 =	vmul.u32 $0xC00, v5;
	v2 =	vadd.s32 v3, v2  }
0x319: {  	v2 =	vadd.s32 v4, v2  }
0x31a: {  	v2 =	vadd.s32 v5, v2  }
0x31b: {  	[tilespmem:s21+$0xC060] =	vst v2  }
0x31c: {  	v2 =	vld [tilespmem:s14+$0xFFFFFFF0]  }
0x31d: {  	v3 =	vld [tilespmem:s14+$0x70];
	_ =	sdelay $0x3  }
0x31e: {  	v2 =	vmul.f32 $5.110000000e+02, v2  }
0x31f: {  	v3 =	vmul.f32 $5.110000000e+02, v3  }
0x320: {  	v2 =	vtrunc.f32 v2  }
0x321: {  	v2 =	vcvt.f32.s32 v2;
	v3 =	vtrunc.f32 v3  }
0x322: {  	v3 =	vcvt.f32.s32 v3  }
.Ltmp4:
0x323: {  	v4 =	vshrl.u32 v2, $0x7;
	v2 =	vadd.s32 v2, v0;
	(pc) =	sbr.rel @p0 .LBB2_10-.Ltmp4, $4  }
0x324: {  	v5 =	vshrl.u32 v3, $0x3;
	v3 =	vshll.u32 v3, $0x7;
	v4 =	vmul.u32 $0x380, v4  }
0x325: {  	v5 =	vmul.u32 $0xC00, v5;
	v2 =	vadd.s32 v3, v2  }
0x326: {  	v2 =	vadd.s32 v4, v2  }
0x327: {  	v2 =	vadd.s32 v5, v2  }
0x328: {  	[tilespmem:s21+$0xC070] =	vst v2  }
0x329: {  	_ =	swait.ge [sflag:s22], $0x800  }
0x32a: {  	[sflag:s22] =	ssyncset.done $0x0  }
0x32b: {  	s14 =	simm.s32 $0xC000;
	s16 =	simm.s32 $0xE000;
	[sflag:s22] =	ssyncadd.s32 $0xFFFFF800  }
0x32c: {  	[tilespmem:s16], [sflag:$0x3] =	stream.indirect.gather [hbm4b:s2+s15], $0x1, s14, s15, $0xb8;
	[tilespmem:$0x12000] =	vst v63  }
0x32d: {  	s14 =	simm.s32 $0x0  }
0x32e: {  	[tilespmem:s19], [sflag:$0x4] =	stream.indirect.gather [hbm4b:s2+s15], $0x1, s18, s15, $0xb8;
	[tilespmem:$0x12000] =	vst v63  }
0x32f: {  	s21 =	simm.s32 $0x200;
	s16 =	simm.s32 $0x4170;
	v2 =	vld [tilespmem:s14+$0xF000]  }
.LBB2_12:
0x330: {  	p0 =	sne.s32 s21, $0x1E00;
	v3 =	vld [tilespmem:s16+$0xFFFFFF90];
	_ =	sdelay $0x4  }
0x331: {  	vm0 =	vle.f32 v3, v2  }
0x332: {  	v2 =	vsel vm0, $0x3F800000, v1  }
0x333: {  	[tilespmem:s14+$0x11000] =	vst v2;
	v2 =	vld [tilespmem:s14+$0xF010]  }
0x334: {  	v3 =	vld [tilespmem:s16+$0xFFFFFFA0];
	_ =	sdelay $0x4  }
0x335: {  	vm0 =	vle.f32 v3, v2  }
0x336: {  	v2 =	vsel vm0, $0x3F800000, v1  }
0x337: {  	[tilespmem:s14+$0x11010] =	vst v2;
	v2 =	vld [tilespmem:s14+$0xF020]  }
0x338: {  	v3 =	vld [tilespmem:s16+$0xFFFFFFB0];
	_ =	sdelay $0x4  }
0x339: {  	vm0 =	vle.f32 v3, v2  }
0x33a: {  	v2 =	vsel vm0, $0x3F800000, v1  }
0x33b: {  	[tilespmem:s14+$0x11020] =	vst v2;
	v2 =	vld [tilespmem:s14+$0xF030]  }
0x33c: {  	v3 =	vld [tilespmem:s16+$0xFFFFFFC0];
	_ =	sdelay $0x4  }
0x33d: {  	vm0 =	vle.f32 v3, v2  }
0x33e: {  	v2 =	vsel vm0, $0x3F800000, v1  }
0x33f: {  	[tilespmem:s14+$0x11030] =	vst v2;
	v2 =	vld [tilespmem:s14+$0xF040]  }
0x340: {  	v3 =	vld [tilespmem:s16+$0xFFFFFFD0];
	_ =	sdelay $0x4  }
0x341: {  	vm0 =	vle.f32 v3, v2  }
0x342: {  	v2 =	vsel vm0, $0x3F800000, v1  }
0x343: {  	[tilespmem:s14+$0x11040] =	vst v2;
	v2 =	vld [tilespmem:s14+$0xF050]  }
0x344: {  	v3 =	vld [tilespmem:s16+$0xFFFFFFE0];
	_ =	sdelay $0x4  }
0x345: {  	vm0 =	vle.f32 v3, v2  }
0x346: {  	v2 =	vsel vm0, $0x3F800000, v1  }
0x347: {  	[tilespmem:s14+$0x11050] =	vst v2;
	v2 =	vld [tilespmem:s14+$0xF060]  }
0x348: {  	v3 =	vld [tilespmem:s16+$0xFFFFFFF0];
	_ =	sdelay $0x4  }
0x349: {  	vm0 =	vle.f32 v3, v2  }
0x34a: {  	v2 =	vsel vm0, $0x3F800000, v1  }
0x34b: {  	[tilespmem:s14+$0x11060] =	vst v2;
	v2 =	vld [tilespmem:s14+$0xF070]  }
0x34c: {  	v3 =	vld [tilespmem:s16+$0x0];
	_ =	sdelay $0x2  }
.Ltmp5:
0x34d: {  	(pc) =	sbr.rel @p0 .LBB2_12-.Ltmp5, $4  }
0x34e: {  	_ = 	snop  }
0x34f: {  	vm0 =	vle.f32 v3, v2  }
0x350: {  	s17 =	sshra.s32 s21, $0x2;
	v3 =	vsel vm0, $0x3F800000, v1  }
0x351: {  	s21 =	sadd.s32 $0x200, s21;
	s16 =	sadd.s32 $0x200, s16;
	v2 =	vld [tilespmem:s17+$0xF000];
	[tilespmem:s14+$0x11070] =	vst v3;
	s14 =	smov.u32 s17  }
0x352: {  	v3 =	vld [tilespmem:s16+$0xFFFFFF90];
	_ =	sdelay $0x4  }
0x353: {  	vm0 =	vle.f32 v3, v2  }
0x354: {  	v2 =	vsel vm0, $0x3F800000, v1  }
0x355: {  	[tilespmem:s14+$0x11000] =	vst v2;
	v2 =	vld [tilespmem:s14+$0xF010]  }
0x356: {  	v3 =	vld [tilespmem:s16+$0xFFFFFFA0];
	_ =	sdelay $0x4  }
0x357: {  	vm9 =	vle.f32 v3, v2  }
0x358: {  	v2 =	vsel vm9, $0x3F800000, v1  }
0x359: {  	[tilespmem:s14+$0x11010] =	vst v2;
	v2 =	vld [tilespmem:s14+$0xF020]  }
0x35a: {  	v3 =	vld [tilespmem:s16+$0xFFFFFFB0];
	_ =	sdelay $0x4  }
0x35b: {  	vm10 =	vle.f32 v3, v2  }
0x35c: {  	v2 =	vsel vm10, $0x3F800000, v1  }
0x35d: {  	[tilespmem:s14+$0x11020] =	vst v2;
	v2 =	vld [tilespmem:s14+$0xF030]  }
0x35e: {  	v3 =	vld [tilespmem:s16+$0xFFFFFFC0];
	_ =	sdelay $0x4  }
0x35f: {  	vm11 =	vle.f32 v3, v2  }
0x360: {  	v2 =	vsel vm11, $0x3F800000, v1  }
0x361: {  	[tilespmem:s14+$0x11030] =	vst v2;
	v2 =	vld [tilespmem:s14+$0xF040]  }
0x362: {  	v3 =	vld [tilespmem:s16+$0xFFFFFFD0];
	_ =	sdelay $0x4  }
0x363: {  	vm12 =	vle.f32 v3, v2  }
0x364: {  	v2 =	vsel vm12, $0x3F800000, v1  }
0x365: {  	[tilespmem:s14+$0x11040] =	vst v2;
	v2 =	vld [tilespmem:s14+$0xF050]  }
0x366: {  	v3 =	vld [tilespmem:s16+$0xFFFFFFE0];
	_ =	sdelay $0x4  }
0x367: {  	vm13 =	vle.f32 v3, v2  }
0x368: {  	v2 =	vsel vm13, $0x3F800000, v1  }
0x369: {  	[tilespmem:s14+$0x11050] =	vst v2;
	v2 =	vld [tilespmem:s14+$0xF060]  }
0x36a: {  	v3 =	vld [tilespmem:s16+$0xFFFFFFF0];
	_ =	sdelay $0x4  }
0x36b: {  	vm14 =	vle.f32 v3, v2  }
0x36c: {  	v2 =	vsel vm14, $0x3F800000, v1  }
0x36d: {  	[tilespmem:s14+$0x11060] =	vst v2;
	v2 =	vld [tilespmem:s14+$0xF070]  }
0x36e: {  	v3 =	vld [tilespmem:s16+$0x0];
	_ =	sdelay $0x4  }
0x36f: {  	vm15 =	vle.f32 v3, v2  }
0x370: {  	v2 =	vsel vm15, $0x3F800000, v1  }
0x371: {  	[tilespmem:s14+$0x11070] =	vst v2  }
0x372: {  	_ =	swait.ge [sflag:s28], $0x800  }
0x373: {  	[sflag:s28] =	ssyncset.done $0x0  }
0x374: {  	s14 =	simm.s32 $0x0;
	[sflag:s28] =	ssyncadd.s32 $0xFFFFF800  }
0x375: {  	s21 =	simm.s32 $0x200;
	s16 =	simm.s32 $0x6170;
	v2 =	vld [tilespmem:s14+$0xF800]  }
.LBB2_14:
0x376: {  	p0 =	sne.s32 s21, $0x1E00;
	v3 =	vld [tilespmem:s16+$0xFFFFFF90];
	_ =	sdelay $0x4  }
0x377: {  	vm0 =	vle.f32 v3, v2  }
0x378: {  	v2 =	vsel vm0, $0x3F800000, v1  }
0x379: {  	[tilespmem:s14+$0x11800] =	vst v2;
	v2 =	vld [tilespmem:s14+$0xF810]  }
0x37a: {  	v3 =	vld [tilespmem:s16+$0xFFFFFFA0];
	_ =	sdelay $0x4  }
0x37b: {  	vm0 =	vle.f32 v3, v2  }
0x37c: {  	v2 =	vsel vm0, $0x3F800000, v1  }
0x37d: {  	[tilespmem:s14+$0x11810] =	vst v2;
	v2 =	vld [tilespmem:s14+$0xF820]  }
0x37e: {  	v3 =	vld [tilespmem:s16+$0xFFFFFFB0];
	_ =	sdelay $0x4  }
0x37f: {  	vm0 =	vle.f32 v3, v2  }
0x380: {  	v2 =	vsel vm0, $0x3F800000, v1  }
0x381: {  	[tilespmem:s14+$0x11820] =	vst v2;
	v2 =	vld [tilespmem:s14+$0xF830]  }
0x382: {  	v3 =	vld [tilespmem:s16+$0xFFFFFFC0];
	_ =	sdelay $0x4  }
0x383: {  	vm0 =	vle.f32 v3, v2  }
0x384: {  	v2 =	vsel vm0, $0x3F800000, v1  }
0x385: {  	[tilespmem:s14+$0x11830] =	vst v2;
	v2 =	vld [tilespmem:s14+$0xF840]  }
0x386: {  	v3 =	vld [tilespmem:s16+$0xFFFFFFD0];
	_ =	sdelay $0x4  }
0x387: {  	vm0 =	vle.f32 v3, v2  }
0x388: {  	v2 =	vsel vm0, $0x3F800000, v1  }
0x389: {  	[tilespmem:s14+$0x11840] =	vst v2;
	v2 =	vld [tilespmem:s14+$0xF850]  }
0x38a: {  	v3 =	vld [tilespmem:s16+$0xFFFFFFE0];
	_ =	sdelay $0x4  }
0x38b: {  	vm0 =	vle.f32 v3, v2  }
0x38c: {  	v2 =	vsel vm0, $0x3F800000, v1  }
0x38d: {  	[tilespmem:s14+$0x11850] =	vst v2;
	v2 =	vld [tilespmem:s14+$0xF860]  }
0x38e: {  	v3 =	vld [tilespmem:s16+$0xFFFFFFF0];
	_ =	sdelay $0x4  }
0x38f: {  	vm0 =	vle.f32 v3, v2  }
0x390: {  	v2 =	vsel vm0, $0x3F800000, v1  }
0x391: {  	[tilespmem:s14+$0x11860] =	vst v2;
	v2 =	vld [tilespmem:s14+$0xF870]  }
0x392: {  	v3 =	vld [tilespmem:s16+$0x0];
	_ =	sdelay $0x2  }
.Ltmp6:
0x393: {  	(pc) =	sbr.rel @p0 .LBB2_14-.Ltmp6, $4  }
0x394: {  	_ = 	snop  }
0x395: {  	vm0 =	vle.f32 v3, v2  }
0x396: {  	s17 =	sshra.s32 s21, $0x2;
	v3 =	vsel vm0, $0x3F800000, v1  }
0x397: {  	s21 =	sadd.s32 $0x200, s21;
	s16 =	sadd.s32 $0x200, s16;
	v2 =	vld [tilespmem:s17+$0xF800];
	[tilespmem:s14+$0x11870] =	vst v3;
	s14 =	smov.u32 s17  }
0x398: {  	v3 =	vld [tilespmem:s16+$0xFFFFFF90];
	_ =	sdelay $0x4  }
0x399: {  	vm0 =	vle.f32 v3, v2  }
0x39a: {  	v2 =	vsel vm0, $0x3F800000, v1  }
0x39b: {  	[tilespmem:s14+$0x11800] =	vst v2;
	v2 =	vld [tilespmem:s14+$0xF810]  }
0x39c: {  	v3 =	vld [tilespmem:s16+$0xFFFFFFA0];
	_ =	sdelay $0x4  }
0x39d: {  	vm9 =	vle.f32 v3, v2  }
0x39e: {  	v2 =	vsel vm9, $0x3F800000, v1  }
0x39f: {  	[tilespmem:s14+$0x11810] =	vst v2;
	v2 =	vld [tilespmem:s14+$0xF820]  }
0x3a0: {  	v3 =	vld [tilespmem:s16+$0xFFFFFFB0];
	_ =	sdelay $0x4  }
0x3a1: {  	vm10 =	vle.f32 v3, v2  }
0x3a2: {  	v2 =	vsel vm10, $0x3F800000, v1  }
0x3a3: {  	[tilespmem:s14+$0x11820] =	vst v2;
	v2 =	vld [tilespmem:s14+$0xF830]  }
0x3a4: {  	v3 =	vld [tilespmem:s16+$0xFFFFFFC0];
	_ =	sdelay $0x4  }
0x3a5: {  	vm11 =	vle.f32 v3, v2  }
0x3a6: {  	v2 =	vsel vm11, $0x3F800000, v1  }
0x3a7: {  	[tilespmem:s14+$0x11830] =	vst v2;
	v2 =	vld [tilespmem:s14+$0xF840]  }
0x3a8: {  	v3 =	vld [tilespmem:s16+$0xFFFFFFD0];
	_ =	sdelay $0x4  }
0x3a9: {  	vm12 =	vle.f32 v3, v2  }
0x3aa: {  	v2 =	vsel vm12, $0x3F800000, v1  }
0x3ab: {  	[tilespmem:s14+$0x11840] =	vst v2;
	v2 =	vld [tilespmem:s14+$0xF850]  }
0x3ac: {  	v3 =	vld [tilespmem:s16+$0xFFFFFFE0];
	_ =	sdelay $0x4  }
0x3ad: {  	vm13 =	vle.f32 v3, v2  }
0x3ae: {  	v2 =	vsel vm13, $0x3F800000, v1  }
0x3af: {  	[tilespmem:s14+$0x11850] =	vst v2;
	v2 =	vld [tilespmem:s14+$0xF860]  }
0x3b0: {  	v3 =	vld [tilespmem:s16+$0xFFFFFFF0];
	_ =	sdelay $0x4  }
0x3b1: {  	vm14 =	vle.f32 v3, v2  }
0x3b2: {  	v2 =	vsel vm14, $0x3F800000, v1  }
0x3b3: {  	[tilespmem:s14+$0x11860] =	vst v2;
	v2 =	vld [tilespmem:s14+$0xF870]  }
0x3b4: {  	v3 =	vld [tilespmem:s16+$0x0];
	_ =	sdelay $0x4  }
0x3b5: {  	vm15 =	vle.f32 v3, v2  }
0x3b6: {  	v2 =	vsel vm15, $0x3F800000, v1  }
0x3b7: {  	s21 =	simm.s32 $0x0;
	[tilespmem:s14+$0x11870] =	vst v2  }
0x3b8: {  	[hbm4b:s9+s21] =	stream.linear.scatter [tilespmem:s30], [sflag:$0x6], $0x1000, $0x38;
	[tilespmem:$0x12000] =	vst v63  }
0x3b9: {  	_ =	swait.ge [sflag:s20], $0x4000  }
0x3ba: {  	[sflag:s20] =	ssyncset.done $0x0  }
0x3bb: {  	s14 =	simm.s32 $0x80;
	[sflag:s20] =	ssyncadd.s32 $0xFFFFC000  }
0x3bc: {  	v2 =	vld [tilespmem:s14+$0xFFFFFF80]  }
0x3bd: {  	v3 =	vld [tilespmem:s14+$0x0];
	_ =	sdelay $0x3  }
0x3be: {  	v2 =	vmul.f32 $5.110000000e+02, v2  }
0x3bf: {  	v3 =	vmul.f32 $5.110000000e+02, v3  }
0x3c0: {  	v2 =	vtrunc.f32 v2  }
0x3c1: {  	v3 =	vtrunc.f32 v3;
	v2 =	vcvt.f32.s32 v2  }
0x3c2: {  	v3 =	vcvt.f32.s32 v3  }
0x3c3: {  	v4 =	vshrl.u32 v2, $0x7;
	v2 =	vadd.s32 v2, v0  }
0x3c4: {  	v5 =	vshrl.u32 v3, $0x3;
	v3 =	vshll.u32 v3, $0x7;
	v4 =	vmul.u32 $0x380, v4  }
0x3c5: {  	v5 =	vmul.u32 $0xC00, v5;
	v2 =	vadd.s32 v3, v2  }
0x3c6: {  	v2 =	vadd.s32 v4, v2  }
0x3c7: {  	s21 =	simm.s32 $0x0;
	v2 =	vadd.s32 v5, v2  }
0x3c8: {  	[tilespmem:s21+$0xD000] =	vst v2  }
0x3c9: {  	v2 =	vld [tilespmem:s14+$0xFFFFFF90]  }
0x3ca: {  	v3 =	vld [tilespmem:s14+$0x10];
	_ =	sdelay $0x3  }
0x3cb: {  	v2 =	vmul.f32 $5.110000000e+02, v2  }
0x3cc: {  	v3 =	vmul.f32 $5.110000000e+02, v3  }
0x3cd: {  	v2 =	vtrunc.f32 v2  }
0x3ce: {  	v3 =	vtrunc.f32 v3;
	v2 =	vcvt.f32.s32 v2  }
0x3cf: {  	v3 =	vcvt.f32.s32 v3  }
0x3d0: {  	v50 =	vshrl.u32 v2, $0x7;
	v2 =	vadd.s32 v2, v0  }
0x3d1: {  	v51 =	vshrl.u32 v3, $0x3;
	v3 =	vshll.u32 v3, $0x7;
	v4 =	vmul.u32 $0x380, v50  }
0x3d2: {  	v5 =	vmul.u32 $0xC00, v51;
	v2 =	vadd.s32 v3, v2  }
0x3d3: {  	v2 =	vadd.s32 v4, v2  }
0x3d4: {  	v2 =	vadd.s32 v5, v2  }
0x3d5: {  	[tilespmem:s21+$0xD010] =	vst v2  }
0x3d6: {  	v2 =	vld [tilespmem:s14+$0xFFFFFFA0]  }
0x3d7: {  	v3 =	vld [tilespmem:s14+$0x20];
	_ =	sdelay $0x3  }
0x3d8: {  	v2 =	vmul.f32 $5.110000000e+02, v2  }
0x3d9: {  	v3 =	vmul.f32 $5.110000000e+02, v3  }
0x3da: {  	v2 =	vtrunc.f32 v2  }
0x3db: {  	v3 =	vtrunc.f32 v3;
	v2 =	vcvt.f32.s32 v2  }
0x3dc: {  	v3 =	vcvt.f32.s32 v3  }
0x3dd: {  	v52 =	vshrl.u32 v2, $0x7;
	v2 =	vadd.s32 v2, v0  }
0x3de: {  	v53 =	vshrl.u32 v3, $0x3;
	v3 =	vshll.u32 v3, $0x7;
	v4 =	vmul.u32 $0x380, v52  }
0x3df: {  	v5 =	vmul.u32 $0xC00, v53;
	v2 =	vadd.s32 v3, v2  }
0x3e0: {  	v2 =	vadd.s32 v4, v2  }
0x3e1: {  	v2 =	vadd.s32 v5, v2  }
0x3e2: {  	[tilespmem:s21+$0xD020] =	vst v2  }
0x3e3: {  	v2 =	vld [tilespmem:s14+$0xFFFFFFB0]  }
0x3e4: {  	v3 =	vld [tilespmem:s14+$0x30];
	_ =	sdelay $0x3  }
0x3e5: {  	v2 =	vmul.f32 $5.110000000e+02, v2  }
0x3e6: {  	v3 =	vmul.f32 $5.110000000e+02, v3  }
0x3e7: {  	v2 =	vtrunc.f32 v2  }
0x3e8: {  	v3 =	vtrunc.f32 v3;
	v2 =	vcvt.f32.s32 v2  }
0x3e9: {  	v3 =	vcvt.f32.s32 v3  }
0x3ea: {  	v54 =	vshrl.u32 v2, $0x7;
	v2 =	vadd.s32 v2, v0  }
0x3eb: {  	v55 =	vshrl.u32 v3, $0x3;
	v3 =	vshll.u32 v3, $0x7;
	v4 =	vmul.u32 $0x380, v54  }
0x3ec: {  	v5 =	vmul.u32 $0xC00, v55;
	v2 =	vadd.s32 v3, v2  }
0x3ed: {  	v2 =	vadd.s32 v4, v2  }
0x3ee: {  	v2 =	vadd.s32 v5, v2  }
0x3ef: {  	[tilespmem:s21+$0xD030] =	vst v2  }
0x3f0: {  	v2 =	vld [tilespmem:s14+$0xFFFFFFC0]  }
0x3f1: {  	v3 =	vld [tilespmem:s14+$0x40];
	_ =	sdelay $0x3  }
0x3f2: {  	v2 =	vmul.f32 $5.110000000e+02, v2  }
0x3f3: {  	v3 =	vmul.f32 $5.110000000e+02, v3  }
0x3f4: {  	v2 =	vtrunc.f32 v2  }
0x3f5: {  	v3 =	vtrunc.f32 v3;
	v2 =	vcvt.f32.s32 v2  }
0x3f6: {  	v3 =	vcvt.f32.s32 v3  }
0x3f7: {  	v56 =	vshrl.u32 v2, $0x7;
	v2 =	vadd.s32 v2, v0  }
0x3f8: {  	v57 =	vshrl.u32 v3, $0x3;
	v3 =	vshll.u32 v3, $0x7;
	v4 =	vmul.u32 $0x380, v56  }
0x3f9: {  	v5 =	vmul.u32 $0xC00, v57;
	v2 =	vadd.s32 v3, v2  }
0x3fa: {  	v2 =	vadd.s32 v4, v2  }
0x3fb: {  	v2 =	vadd.s32 v5, v2  }
0x3fc: {  	[tilespmem:s21+$0xD040] =	vst v2  }
0x3fd: {  	v2 =	vld [tilespmem:s14+$0xFFFFFFD0]  }
0x3fe: {  	v3 =	vld [tilespmem:s14+$0x50];
	_ =	sdelay $0x3  }
0x3ff: {  	v2 =	vmul.f32 $5.110000000e+02, v2  }
0x400: {  	v3 =	vmul.f32 $5.110000000e+02, v3  }
0x401: {  	v2 =	vtrunc.f32 v2  }
0x402: {  	v3 =	vtrunc.f32 v3;
	v2 =	vcvt.f32.s32 v2  }
0x403: {  	v3 =	vcvt.f32.s32 v3  }
0x404: {  	v58 =	vshrl.u32 v2, $0x7;
	v2 =	vadd.s32 v2, v0  }
0x405: {  	v59 =	vshrl.u32 v3, $0x3;
	v3 =	vshll.u32 v3, $0x7;
	v4 =	vmul.u32 $0x380, v58  }
0x406: {  	v5 =	vmul.u32 $0xC00, v59;
	v2 =	vadd.s32 v3, v2  }
0x407: {  	v2 =	vadd.s32 v4, v2  }
0x408: {  	v2 =	vadd.s32 v5, v2  }
0x409: {  	[tilespmem:s21+$0xD050] =	vst v2  }
0x40a: {  	v2 =	vld [tilespmem:s14+$0xFFFFFFE0]  }
0x40b: {  	v3 =	vld [tilespmem:s14+$0x60];
	_ =	sdelay $0x3  }
0x40c: {  	v2 =	vmul.f32 $5.110000000e+02, v2  }
0x40d: {  	v3 =	vmul.f32 $5.110000000e+02, v3  }
0x40e: {  	v2 =	vtrunc.f32 v2  }
0x40f: {  	v3 =	vtrunc.f32 v3;
	v2 =	vcvt.f32.s32 v2  }
0x410: {  	v3 =	vcvt.f32.s32 v3  }
0x411: {  	v60 =	vshrl.u32 v2, $0x7;
	v2 =	vadd.s32 v2, v0  }
0x412: {  	v61 =	vshrl.u32 v3, $0x3;
	v3 =	vshll.u32 v3, $0x7;
	v4 =	vmul.u32 $0x380, v60  }
0x413: {  	v5 =	vmul.u32 $0xC00, v61;
	v2 =	vadd.s32 v3, v2  }
0x414: {  	v2 =	vadd.s32 v4, v2  }
0x415: {  	v2 =	vadd.s32 v5, v2  }
0x416: {  	[tilespmem:s21+$0xD060] =	vst v2  }
0x417: {  	v2 =	vld [tilespmem:s14+$0xFFFFFFF0]  }
0x418: {  	v3 =	vld [tilespmem:s14+$0x70];
	_ =	sdelay $0x3  }
0x419: {  	v2 =	vmul.f32 $5.110000000e+02, v2  }
0x41a: {  	v3 =	vmul.f32 $5.110000000e+02, v3  }
0x41b: {  	v2 =	vtrunc.f32 v2  }
0x41c: {  	v3 =	vtrunc.f32 v3;
	v2 =	vcvt.f32.s32 v2  }
0x41d: {  	v3 =	vcvt.f32.s32 v3  }
0x41e: {  	v62 =	vshrl.u32 v2, $0x7;
	v2 =	vadd.s32 v2, v0  }
0x41f: {  	v63 =	vshrl.u32 v3, $0x3;
	v3 =	vshll.u32 v3, $0x7;
	v4 =	vmul.u32 $0x380, v62  }
0x420: {  	v5 =	vmul.u32 $0xC00, v63;
	v2 =	vadd.s32 v3, v2  }
0x421: {  	v2 =	vadd.s32 v4, v2  }
0x422: {  	s16 =	simm.s32 $0x200;
	v2 =	vadd.s32 v5, v2  }
.LBB2_16:
0x423: {  	p0 =	sne.s32 s16, $0x3E00  }
0x424: {  	[tilespmem:s21+$0xD070] =	vst v2;
	s14 =	sadd.s32 $0x200, s14;
	s17 =	smov.u32 s16;
	s16 =	sadd.s32 $0x200, s16  }
0x425: {  	v2 =	vld [tilespmem:s14+$0xFFFFFF80]  }
0x426: {  	v3 =	vld [tilespmem:s14+$0x0];
	_ =	sdelay $0x3  }
0x427: {  	v2 =	vmul.f32 $5.110000000e+02, v2  }
0x428: {  	v3 =	vmul.f32 $5.110000000e+02, v3  }
0x429: {  	v2 =	vtrunc.f32 v2  }
0x42a: {  	v2 =	vcvt.f32.s32 v2;
	v3 =	vtrunc.f32 v3  }
0x42b: {  	v3 =	vcvt.f32.s32 v3  }
0x42c: {  	v4 =	vshrl.u32 v2, $0x7;
	v2 =	vadd.s32 v2, v0  }
0x42d: {  	v5 =	vshrl.u32 v3, $0x3;
	v3 =	vshll.u32 v3, $0x7;
	v4 =	vmul.u32 $0x380, v4  }
0x42e: {  	v5 =	vmul.u32 $0xC00, v5;
	v2 =	vadd.s32 v3, v2  }
0x42f: {  	v2 =	vadd.s32 v4, v2  }
0x430: {  	s21 =	sshra.s32 s17, $0x2;
	v2 =	vadd.s32 v5, v2  }
0x431: {  	[tilespmem:s21+$0xD000] =	vst v2  }
0x432: {  	v2 =	vld [tilespmem:s14+$0xFFFFFF90]  }
0x433: {  	v3 =	vld [tilespmem:s14+$0x10];
	_ =	sdelay $0x3  }
0x434: {  	v2 =	vmul.f32 $5.110000000e+02, v2  }
0x435: {  	v3 =	vmul.f32 $5.110000000e+02, v3  }
0x436: {  	v2 =	vtrunc.f32 v2  }
0x437: {  	v2 =	vcvt.f32.s32 v2;
	v3 =	vtrunc.f32 v3  }
0x438: {  	v3 =	vcvt.f32.s32 v3  }
0x439: {  	v4 =	vshrl.u32 v2, $0x7;
	v2 =	vadd.s32 v2, v0  }
0x43a: {  	v5 =	vshrl.u32 v3, $0x3;
	v3 =	vshll.u32 v3, $0x7;
	v4 =	vmul.u32 $0x380, v4  }
0x43b: {  	v5 =	vmul.u32 $0xC00, v5;
	v2 =	vadd.s32 v3, v2  }
0x43c: {  	v2 =	vadd.s32 v4, v2  }
0x43d: {  	v2 =	vadd.s32 v5, v2  }
0x43e: {  	[tilespmem:s21+$0xD010] =	vst v2  }
0x43f: {  	v2 =	vld [tilespmem:s14+$0xFFFFFFA0]  }
0x440: {  	v3 =	vld [tilespmem:s14+$0x20];
	_ =	sdelay $0x3  }
0x441: {  	v2 =	vmul.f32 $5.110000000e+02, v2  }
0x442: {  	v3 =	vmul.f32 $5.110000000e+02, v3  }
0x443: {  	v2 =	vtrunc.f32 v2  }
0x444: {  	v2 =	vcvt.f32.s32 v2;
	v3 =	vtrunc.f32 v3  }
0x445: {  	v3 =	vcvt.f32.s32 v3  }
0x446: {  	v4 =	vshrl.u32 v2, $0x7;
	v2 =	vadd.s32 v2, v0  }
0x447: {  	v5 =	vshrl.u32 v3, $0x3;
	v3 =	vshll.u32 v3, $0x7;
	v4 =	vmul.u32 $0x380, v4  }
0x448: {  	v5 =	vmul.u32 $0xC00, v5;
	v2 =	vadd.s32 v3, v2  }
0x449: {  	v2 =	vadd.s32 v4, v2  }
0x44a: {  	v2 =	vadd.s32 v5, v2  }
0x44b: {  	[tilespmem:s21+$0xD020] =	vst v2  }
0x44c: {  	v2 =	vld [tilespmem:s14+$0xFFFFFFB0]  }
0x44d: {  	v3 =	vld [tilespmem:s14+$0x30];
	_ =	sdelay $0x3  }
0x44e: {  	v2 =	vmul.f32 $5.110000000e+02, v2  }
0x44f: {  	v3 =	vmul.f32 $5.110000000e+02, v3  }
0x450: {  	v2 =	vtrunc.f32 v2  }
0x451: {  	v2 =	vcvt.f32.s32 v2;
	v3 =	vtrunc.f32 v3  }
0x452: {  	v3 =	vcvt.f32.s32 v3  }
0x453: {  	v4 =	vshrl.u32 v2, $0x7;
	v2 =	vadd.s32 v2, v0  }
0x454: {  	v5 =	vshrl.u32 v3, $0x3;
	v3 =	vshll.u32 v3, $0x7;
	v4 =	vmul.u32 $0x380, v4  }
0x455: {  	v5 =	vmul.u32 $0xC00, v5;
	v2 =	vadd.s32 v3, v2  }
0x456: {  	v2 =	vadd.s32 v4, v2  }
0x457: {  	v2 =	vadd.s32 v5, v2  }
0x458: {  	[tilespmem:s21+$0xD030] =	vst v2  }
0x459: {  	v2 =	vld [tilespmem:s14+$0xFFFFFFC0]  }
0x45a: {  	v3 =	vld [tilespmem:s14+$0x40];
	_ =	sdelay $0x3  }
0x45b: {  	v2 =	vmul.f32 $5.110000000e+02, v2  }
0x45c: {  	v3 =	vmul.f32 $5.110000000e+02, v3  }
0x45d: {  	v2 =	vtrunc.f32 v2  }
0x45e: {  	v2 =	vcvt.f32.s32 v2;
	v3 =	vtrunc.f32 v3  }
0x45f: {  	v3 =	vcvt.f32.s32 v3  }
0x460: {  	v4 =	vshrl.u32 v2, $0x7;
	v2 =	vadd.s32 v2, v0  }
0x461: {  	v5 =	vshrl.u32 v3, $0x3;
	v3 =	vshll.u32 v3, $0x7;
	v4 =	vmul.u32 $0x380, v4  }
0x462: {  	v5 =	vmul.u32 $0xC00, v5;
	v2 =	vadd.s32 v3, v2  }
0x463: {  	v2 =	vadd.s32 v4, v2  }
0x464: {  	v2 =	vadd.s32 v5, v2  }
0x465: {  	[tilespmem:s21+$0xD040] =	vst v2  }
0x466: {  	v2 =	vld [tilespmem:s14+$0xFFFFFFD0]  }
0x467: {  	v3 =	vld [tilespmem:s14+$0x50];
	_ =	sdelay $0x3  }
0x468: {  	v2 =	vmul.f32 $5.110000000e+02, v2  }
0x469: {  	v3 =	vmul.f32 $5.110000000e+02, v3  }
0x46a: {  	v2 =	vtrunc.f32 v2  }
0x46b: {  	v2 =	vcvt.f32.s32 v2;
	v3 =	vtrunc.f32 v3  }
0x46c: {  	v3 =	vcvt.f32.s32 v3  }
0x46d: {  	v4 =	vshrl.u32 v2, $0x7;
	v2 =	vadd.s32 v2, v0  }
0x46e: {  	v5 =	vshrl.u32 v3, $0x3;
	v3 =	vshll.u32 v3, $0x7;
	v4 =	vmul.u32 $0x380, v4  }
0x46f: {  	v5 =	vmul.u32 $0xC00, v5;
	v2 =	vadd.s32 v3, v2  }
0x470: {  	v2 =	vadd.s32 v4, v2  }
0x471: {  	v2 =	vadd.s32 v5, v2  }
0x472: {  	[tilespmem:s21+$0xD050] =	vst v2  }
0x473: {  	v2 =	vld [tilespmem:s14+$0xFFFFFFE0]  }
0x474: {  	v3 =	vld [tilespmem:s14+$0x60];
	_ =	sdelay $0x3  }
0x475: {  	v2 =	vmul.f32 $5.110000000e+02, v2  }
0x476: {  	v3 =	vmul.f32 $5.110000000e+02, v3  }
0x477: {  	v2 =	vtrunc.f32 v2  }
0x478: {  	v2 =	vcvt.f32.s32 v2;
	v3 =	vtrunc.f32 v3  }
0x479: {  	v3 =	vcvt.f32.s32 v3  }
0x47a: {  	v4 =	vshrl.u32 v2, $0x7;
	v2 =	vadd.s32 v2, v0  }
0x47b: {  	v5 =	vshrl.u32 v3, $0x3;
	v3 =	vshll.u32 v3, $0x7;
	v4 =	vmul.u32 $0x380, v4  }
0x47c: {  	v5 =	vmul.u32 $0xC00, v5;
	v2 =	vadd.s32 v3, v2  }
0x47d: {  	v2 =	vadd.s32 v4, v2  }
0x47e: {  	v2 =	vadd.s32 v5, v2  }
0x47f: {  	[tilespmem:s21+$0xD060] =	vst v2  }
0x480: {  	v2 =	vld [tilespmem:s14+$0xFFFFFFF0]  }
0x481: {  	v3 =	vld [tilespmem:s14+$0x70];
	_ =	sdelay $0x3  }
0x482: {  	v2 =	vmul.f32 $5.110000000e+02, v2  }
0x483: {  	v3 =	vmul.f32 $5.110000000e+02, v3  }
0x484: {  	v2 =	vtrunc.f32 v2  }
0x485: {  	v2 =	vcvt.f32.s32 v2;
	v3 =	vtrunc.f32 v3  }
0x486: {  	v3 =	vcvt.f32.s32 v3  }
.Ltmp7:
0x487: {  	v4 =	vshrl.u32 v2, $0x7;
	v2 =	vadd.s32 v2, v0;
	(pc) =	sbr.rel @p0 .LBB2_16-.Ltmp7, $4  }
0x488: {  	v5 =	vshrl.u32 v3, $0x3;
	v3 =	vshll.u32 v3, $0x7;
	v4 =	vmul.u32 $0x380, v4  }
0x489: {  	v5 =	vmul.u32 $0xC00, v5;
	v2 =	vadd.s32 v3, v2  }
0x48a: {  	v2 =	vadd.s32 v4, v2  }
0x48b: {  	v2 =	vadd.s32 v5, v2  }
0x48c: {  	[tilespmem:s21+$0xD070] =	vst v2  }
0x48d: {  	_ =	swait.ge [sflag:s22], $0x800  }
0x48e: {  	[sflag:s22] =	ssyncset.done $0x0  }
0x48f: {  	[sflag:s22] =	ssyncadd.s32 $0xFFFFF800  }
0x490: {  	[tilespmem:s24], [sflag:$0x3] =	stream.indirect.gather [hbm4b:s2+s15], $0x1, s23, s15, $0xb8;
	[tilespmem:$0x12000] =	vst v63  }
0x491: {  	_ = 	snop  }
0x492: {  	[tilespmem:s26], [sflag:$0x4] =	stream.indirect.gather [hbm4b:s2+s15], $0x1, s25, s15, $0xb8;
	[tilespmem:$0x12000] =	vst v63  }
0x493: {  	_ =	swait.ge [sflag:s31], $0x1000  }
0x494: {  	[sflag:s31] =	ssyncset.done $0x0  }
0x495: {  	s14 =	simm.s32 $0x0;
	[sflag:s31] =	ssyncadd.s32 $0xFFFFF000  }
0x496: {  	s16 =	simm.s32 $0x8170;
	s21 =	simm.s32 $0x200;
	v2 =	vld [tilespmem:s14+$0xE000]  }
.LBB2_18:
0x497: {  	p0 =	sne.s32 s21, $0x1E00;
	v3 =	vld [tilespmem:s16+$0xFFFFFF90];
	_ =	sdelay $0x4  }
0x498: {  	vm0 =	vle.f32 v3, v2  }
0x499: {  	v2 =	vsel vm0, $0x3F800000, v1  }
0x49a: {  	[tilespmem:s14+$0x10000] =	vst v2;
	v2 =	vld [tilespmem:s14+$0xE010]  }
0x49b: {  	v3 =	vld [tilespmem:s16+$0xFFFFFFA0];
	_ =	sdelay $0x4  }
0x49c: {  	vm0 =	vle.f32 v3, v2  }
0x49d: {  	v2 =	vsel vm0, $0x3F800000, v1  }
0x49e: {  	[tilespmem:s14+$0x10010] =	vst v2;
	v2 =	vld [tilespmem:s14+$0xE020]  }
0x49f: {  	v3 =	vld [tilespmem:s16+$0xFFFFFFB0];
	_ =	sdelay $0x4  }
0x4a0: {  	vm0 =	vle.f32 v3, v2  }
0x4a1: {  	v2 =	vsel vm0, $0x3F800000, v1  }
0x4a2: {  	[tilespmem:s14+$0x10020] =	vst v2;
	v2 =	vld [tilespmem:s14+$0xE030]  }
0x4a3: {  	v3 =	vld [tilespmem:s16+$0xFFFFFFC0];
	_ =	sdelay $0x4  }
0x4a4: {  	vm0 =	vle.f32 v3, v2  }
0x4a5: {  	v2 =	vsel vm0, $0x3F800000, v1  }
0x4a6: {  	[tilespmem:s14+$0x10030] =	vst v2;
	v2 =	vld [tilespmem:s14+$0xE040]  }
0x4a7: {  	v3 =	vld [tilespmem:s16+$0xFFFFFFD0];
	_ =	sdelay $0x4  }
0x4a8: {  	vm0 =	vle.f32 v3, v2  }
0x4a9: {  	v2 =	vsel vm0, $0x3F800000, v1  }
0x4aa: {  	[tilespmem:s14+$0x10040] =	vst v2;
	v2 =	vld [tilespmem:s14+$0xE050]  }
0x4ab: {  	v3 =	vld [tilespmem:s16+$0xFFFFFFE0];
	_ =	sdelay $0x4  }
0x4ac: {  	vm0 =	vle.f32 v3, v2  }
0x4ad: {  	v2 =	vsel vm0, $0x3F800000, v1  }
0x4ae: {  	[tilespmem:s14+$0x10050] =	vst v2;
	v2 =	vld [tilespmem:s14+$0xE060]  }
0x4af: {  	v3 =	vld [tilespmem:s16+$0xFFFFFFF0];
	_ =	sdelay $0x4  }
0x4b0: {  	vm0 =	vle.f32 v3, v2  }
0x4b1: {  	v2 =	vsel vm0, $0x3F800000, v1  }
0x4b2: {  	[tilespmem:s14+$0x10060] =	vst v2;
	v2 =	vld [tilespmem:s14+$0xE070]  }
0x4b3: {  	v3 =	vld [tilespmem:s16+$0x0];
	_ =	sdelay $0x2  }
.Ltmp8:
0x4b4: {  	(pc) =	sbr.rel @p0 .LBB2_18-.Ltmp8, $4  }
0x4b5: {  	_ = 	snop  }
0x4b6: {  	vm0 =	vle.f32 v3, v2  }
0x4b7: {  	s17 =	sshra.s32 s21, $0x2;
	v3 =	vsel vm0, $0x3F800000, v1  }
0x4b8: {  	s21 =	sadd.s32 $0x200, s21;
	s16 =	sadd.s32 $0x200, s16;
	v2 =	vld [tilespmem:s17+$0xE000];
	[tilespmem:s14+$0x10070] =	vst v3;
	s14 =	smov.u32 s17  }
0x4b9: {  	v3 =	vld [tilespmem:s16+$0xFFFFFF90];
	_ =	sdelay $0x4  }
0x4ba: {  	vm0 =	vle.f32 v3, v2  }
0x4bb: {  	v2 =	vsel vm0, $0x3F800000, v1  }
0x4bc: {  	[tilespmem:s14+$0x10000] =	vst v2;
	v2 =	vld [tilespmem:s14+$0xE010]  }
0x4bd: {  	v3 =	vld [tilespmem:s16+$0xFFFFFFA0];
	_ =	sdelay $0x4  }
0x4be: {  	vm9 =	vle.f32 v3, v2  }
0x4bf: {  	v2 =	vsel vm9, $0x3F800000, v1  }
0x4c0: {  	[tilespmem:s14+$0x10010] =	vst v2;
	v2 =	vld [tilespmem:s14+$0xE020]  }
0x4c1: {  	v3 =	vld [tilespmem:s16+$0xFFFFFFB0];
	_ =	sdelay $0x4  }
0x4c2: {  	vm10 =	vle.f32 v3, v2  }
0x4c3: {  	v2 =	vsel vm10, $0x3F800000, v1  }
0x4c4: {  	[tilespmem:s14+$0x10020] =	vst v2;
	v2 =	vld [tilespmem:s14+$0xE030]  }
0x4c5: {  	v3 =	vld [tilespmem:s16+$0xFFFFFFC0];
	_ =	sdelay $0x4  }
0x4c6: {  	vm11 =	vle.f32 v3, v2  }
0x4c7: {  	v2 =	vsel vm11, $0x3F800000, v1  }
0x4c8: {  	[tilespmem:s14+$0x10030] =	vst v2;
	v2 =	vld [tilespmem:s14+$0xE040]  }
0x4c9: {  	v3 =	vld [tilespmem:s16+$0xFFFFFFD0];
	_ =	sdelay $0x4  }
0x4ca: {  	vm12 =	vle.f32 v3, v2  }
0x4cb: {  	v2 =	vsel vm12, $0x3F800000, v1  }
0x4cc: {  	[tilespmem:s14+$0x10040] =	vst v2;
	v2 =	vld [tilespmem:s14+$0xE050]  }
0x4cd: {  	v3 =	vld [tilespmem:s16+$0xFFFFFFE0];
	_ =	sdelay $0x4  }
0x4ce: {  	vm13 =	vle.f32 v3, v2  }
0x4cf: {  	v2 =	vsel vm13, $0x3F800000, v1  }
0x4d0: {  	[tilespmem:s14+$0x10050] =	vst v2;
	v2 =	vld [tilespmem:s14+$0xE060]  }
0x4d1: {  	v3 =	vld [tilespmem:s16+$0xFFFFFFF0];
	_ =	sdelay $0x4  }
0x4d2: {  	vm14 =	vle.f32 v3, v2  }
0x4d3: {  	v2 =	vsel vm14, $0x3F800000, v1  }
0x4d4: {  	[tilespmem:s14+$0x10060] =	vst v2;
	v2 =	vld [tilespmem:s14+$0xE070]  }
0x4d5: {  	v3 =	vld [tilespmem:s16+$0x0];
	_ =	sdelay $0x4  }
0x4d6: {  	vm15 =	vle.f32 v3, v2  }
0x4d7: {  	v2 =	vsel vm15, $0x3F800000, v1  }
0x4d8: {  	[tilespmem:s14+$0x10070] =	vst v2  }
0x4d9: {  	_ =	swait.ge [sflag:s28], $0x800  }
0x4da: {  	[sflag:s28] =	ssyncset.done $0x0  }
0x4db: {  	s14 =	simm.s32 $0x0;
	[sflag:s28] =	ssyncadd.s32 $0xFFFFF800  }
0x4dc: {  	s21 =	simm.s32 $0x200;
	s16 =	simm.s32 $0xA170;
	v2 =	vld [tilespmem:s14+$0xE800]  }
.LBB2_20:
0x4dd: {  	p0 =	sne.s32 s21, $0x1E00;
	v3 =	vld [tilespmem:s16+$0xFFFFFF90];
	_ =	sdelay $0x4  }
0x4de: {  	vm0 =	vle.f32 v3, v2  }
0x4df: {  	v2 =	vsel vm0, $0x3F800000, v1  }
0x4e0: {  	[tilespmem:s14+$0x10800] =	vst v2;
	v2 =	vld [tilespmem:s14+$0xE810]  }
0x4e1: {  	v3 =	vld [tilespmem:s16+$0xFFFFFFA0];
	_ =	sdelay $0x4  }
0x4e2: {  	vm0 =	vle.f32 v3, v2  }
0x4e3: {  	v2 =	vsel vm0, $0x3F800000, v1  }
0x4e4: {  	[tilespmem:s14+$0x10810] =	vst v2;
	v2 =	vld [tilespmem:s14+$0xE820]  }
0x4e5: {  	v3 =	vld [tilespmem:s16+$0xFFFFFFB0];
	_ =	sdelay $0x4  }
0x4e6: {  	vm0 =	vle.f32 v3, v2  }
0x4e7: {  	v2 =	vsel vm0, $0x3F800000, v1  }
0x4e8: {  	[tilespmem:s14+$0x10820] =	vst v2;
	v2 =	vld [tilespmem:s14+$0xE830]  }
0x4e9: {  	v3 =	vld [tilespmem:s16+$0xFFFFFFC0];
	_ =	sdelay $0x4  }
0x4ea: {  	vm0 =	vle.f32 v3, v2  }
0x4eb: {  	v2 =	vsel vm0, $0x3F800000, v1  }
0x4ec: {  	[tilespmem:s14+$0x10830] =	vst v2;
	v2 =	vld [tilespmem:s14+$0xE840]  }
0x4ed: {  	v3 =	vld [tilespmem:s16+$0xFFFFFFD0];
	_ =	sdelay $0x4  }
0x4ee: {  	vm0 =	vle.f32 v3, v2  }
0x4ef: {  	v2 =	vsel vm0, $0x3F800000, v1  }
0x4f0: {  	[tilespmem:s14+$0x10840] =	vst v2;
	v2 =	vld [tilespmem:s14+$0xE850]  }
0x4f1: {  	v3 =	vld [tilespmem:s16+$0xFFFFFFE0];
	_ =	sdelay $0x4  }
0x4f2: {  	vm0 =	vle.f32 v3, v2  }
0x4f3: {  	v2 =	vsel vm0, $0x3F800000, v1  }
0x4f4: {  	[tilespmem:s14+$0x10850] =	vst v2;
	v2 =	vld [tilespmem:s14+$0xE860]  }
0x4f5: {  	v3 =	vld [tilespmem:s16+$0xFFFFFFF0];
	_ =	sdelay $0x4  }
0x4f6: {  	vm0 =	vle.f32 v3, v2  }
0x4f7: {  	v2 =	vsel vm0, $0x3F800000, v1  }
0x4f8: {  	[tilespmem:s14+$0x10860] =	vst v2;
	v2 =	vld [tilespmem:s14+$0xE870]  }
0x4f9: {  	v3 =	vld [tilespmem:s16+$0x0];
	_ =	sdelay $0x2  }
.Ltmp9:
0x4fa: {  	(pc) =	sbr.rel @p0 .LBB2_20-.Ltmp9, $4  }
0x4fb: {  	_ = 	snop  }
0x4fc: {  	vm0 =	vle.f32 v3, v2  }
0x4fd: {  	s17 =	sshra.s32 s21, $0x2;
	v3 =	vsel vm0, $0x3F800000, v1  }
0x4fe: {  	s21 =	sadd.s32 $0x200, s21;
	s16 =	sadd.s32 $0x200, s16;
	v2 =	vld [tilespmem:s17+$0xE800];
	[tilespmem:s14+$0x10870] =	vst v3;
	s14 =	smov.u32 s17  }
0x4ff: {  	v3 =	vld [tilespmem:s16+$0xFFFFFF90];
	_ =	sdelay $0x4  }
0x500: {  	vm0 =	vle.f32 v3, v2  }
0x501: {  	v2 =	vsel vm0, $0x3F800000, v1  }
0x502: {  	[tilespmem:s14+$0x10800] =	vst v2;
	v2 =	vld [tilespmem:s14+$0xE810]  }
0x503: {  	v3 =	vld [tilespmem:s16+$0xFFFFFFA0];
	_ =	sdelay $0x4  }
0x504: {  	vm9 =	vle.f32 v3, v2  }
0x505: {  	v2 =	vsel vm9, $0x3F800000, v1  }
0x506: {  	[tilespmem:s14+$0x10810] =	vst v2;
	v2 =	vld [tilespmem:s14+$0xE820]  }
0x507: {  	v3 =	vld [tilespmem:s16+$0xFFFFFFB0];
	_ =	sdelay $0x4  }
0x508: {  	vm10 =	vle.f32 v3, v2  }
0x509: {  	v2 =	vsel vm10, $0x3F800000, v1  }
0x50a: {  	[tilespmem:s14+$0x10820] =	vst v2;
	v2 =	vld [tilespmem:s14+$0xE830]  }
0x50b: {  	v3 =	vld [tilespmem:s16+$0xFFFFFFC0];
	_ =	sdelay $0x4  }
0x50c: {  	vm11 =	vle.f32 v3, v2  }
0x50d: {  	v2 =	vsel vm11, $0x3F800000, v1  }
0x50e: {  	[tilespmem:s14+$0x10830] =	vst v2;
	v2 =	vld [tilespmem:s14+$0xE840]  }
0x50f: {  	v3 =	vld [tilespmem:s16+$0xFFFFFFD0];
	_ =	sdelay $0x4  }
0x510: {  	vm12 =	vle.f32 v3, v2  }
0x511: {  	v2 =	vsel vm12, $0x3F800000, v1  }
0x512: {  	[tilespmem:s14+$0x10840] =	vst v2;
	v2 =	vld [tilespmem:s14+$0xE850]  }
0x513: {  	v3 =	vld [tilespmem:s16+$0xFFFFFFE0];
	_ =	sdelay $0x4  }
0x514: {  	vm13 =	vle.f32 v3, v2  }
0x515: {  	v2 =	vsel vm13, $0x3F800000, v1  }
0x516: {  	[tilespmem:s14+$0x10850] =	vst v2;
	v2 =	vld [tilespmem:s14+$0xE860]  }
0x517: {  	v3 =	vld [tilespmem:s16+$0xFFFFFFF0];
	_ =	sdelay $0x4  }
0x518: {  	vm14 =	vle.f32 v3, v2  }
0x519: {  	v2 =	vsel vm14, $0x3F800000, v1  }
0x51a: {  	[tilespmem:s14+$0x10860] =	vst v2;
	v2 =	vld [tilespmem:s14+$0xE870]  }
0x51b: {  	v3 =	vld [tilespmem:s16+$0x0];
	_ =	sdelay $0x4  }
0x51c: {  	vm15 =	vle.f32 v3, v2  }
0x51d: {  	v2 =	vsel vm15, $0x3F800000, v1  }
0x51e: {  	s21 =	simm.s32 $0x0;
	[tilespmem:s14+$0x10870] =	vst v2  }
0x51f: {  	[hbm4b:s10+s21] =	stream.linear.scatter [tilespmem:s29], [sflag:$0x5], $0x1000, $0x38;
	[tilespmem:$0x12000] =	vst v63  }
0x520: {  	_ =	swait.ge [sflag:s22], $0x800  }
0x521: {  	[sflag:s22] =	ssyncset.done $0x0  }
0x522: {  	[sflag:s22] =	ssyncadd.s32 $0xFFFFF800  }
0x523: {  	_ =	swait.ge [sflag:s0], $0x1000  }
0x524: {  	[sflag:s0] =	ssyncset.done $0x0  }
0x525: {  	s14 =	simm.s32 $0x0;
	[sflag:s0] =	ssyncadd.s32 $0xFFFFF000  }
0x526: {  	s16 =	simm.s32 $0x170;
	s21 =	simm.s32 $0x200;
	v2 =	vld [tilespmem:s14+$0xF000]  }
.LBB2_22:
0x527: {  	p0 =	sne.s32 s21, $0x1E00;
	v3 =	vld [tilespmem:s16+$0xFFFFFF90];
	_ =	sdelay $0x4  }
0x528: {  	vm0 =	vle.f32 v3, v2  }
0x529: {  	v2 =	vsel vm0, $0x3F800000, v1  }
0x52a: {  	[tilespmem:s14+$0x11000] =	vst v2;
	v2 =	vld [tilespmem:s14+$0xF010]  }
0x52b: {  	v3 =	vld [tilespmem:s16+$0xFFFFFFA0];
	_ =	sdelay $0x4  }
0x52c: {  	vm0 =	vle.f32 v3, v2  }
0x52d: {  	v2 =	vsel vm0, $0x3F800000, v1  }
0x52e: {  	[tilespmem:s14+$0x11010] =	vst v2;
	v2 =	vld [tilespmem:s14+$0xF020]  }
0x52f: {  	v3 =	vld [tilespmem:s16+$0xFFFFFFB0];
	_ =	sdelay $0x4  }
0x530: {  	vm0 =	vle.f32 v3, v2  }
0x531: {  	v2 =	vsel vm0, $0x3F800000, v1  }
0x532: {  	[tilespmem:s14+$0x11020] =	vst v2;
	v2 =	vld [tilespmem:s14+$0xF030]  }
0x533: {  	v3 =	vld [tilespmem:s16+$0xFFFFFFC0];
	_ =	sdelay $0x4  }
0x534: {  	vm0 =	vle.f32 v3, v2  }
0x535: {  	v2 =	vsel vm0, $0x3F800000, v1  }
0x536: {  	[tilespmem:s14+$0x11030] =	vst v2;
	v2 =	vld [tilespmem:s14+$0xF040]  }
0x537: {  	v3 =	vld [tilespmem:s16+$0xFFFFFFD0];
	_ =	sdelay $0x4  }
0x538: {  	vm0 =	vle.f32 v3, v2  }
0x539: {  	v2 =	vsel vm0, $0x3F800000, v1  }
0x53a: {  	[tilespmem:s14+$0x11040] =	vst v2;
	v2 =	vld [tilespmem:s14+$0xF050]  }
0x53b: {  	v3 =	vld [tilespmem:s16+$0xFFFFFFE0];
	_ =	sdelay $0x4  }
0x53c: {  	vm0 =	vle.f32 v3, v2  }
0x53d: {  	v2 =	vsel vm0, $0x3F800000, v1  }
0x53e: {  	[tilespmem:s14+$0x11050] =	vst v2;
	v2 =	vld [tilespmem:s14+$0xF060]  }
0x53f: {  	v3 =	vld [tilespmem:s16+$0xFFFFFFF0];
	_ =	sdelay $0x4  }
0x540: {  	vm0 =	vle.f32 v3, v2  }
0x541: {  	v2 =	vsel vm0, $0x3F800000, v1  }
0x542: {  	[tilespmem:s14+$0x11060] =	vst v2;
	v2 =	vld [tilespmem:s14+$0xF070]  }
0x543: {  	v3 =	vld [tilespmem:s16+$0x0];
	_ =	sdelay $0x2  }
.Ltmp10:
0x544: {  	(pc) =	sbr.rel @p0 .LBB2_22-.Ltmp10, $4  }
0x545: {  	_ = 	snop  }
0x546: {  	vm0 =	vle.f32 v3, v2  }
0x547: {  	s17 =	sshra.s32 s21, $0x2;
	v3 =	vsel vm0, $0x3F800000, v1  }
0x548: {  	s21 =	sadd.s32 $0x200, s21;
	s16 =	sadd.s32 $0x200, s16;
	v2 =	vld [tilespmem:s17+$0xF000];
	[tilespmem:s14+$0x11070] =	vst v3;
	s14 =	smov.u32 s17  }
0x549: {  	v3 =	vld [tilespmem:s16+$0xFFFFFF90];
	_ =	sdelay $0x4  }
0x54a: {  	vm0 =	vle.f32 v3, v2  }
0x54b: {  	v2 =	vsel vm0, $0x3F800000, v1  }
0x54c: {  	[tilespmem:s14+$0x11000] =	vst v2;
	v2 =	vld [tilespmem:s14+$0xF010]  }
0x54d: {  	v3 =	vld [tilespmem:s16+$0xFFFFFFA0];
	_ =	sdelay $0x4  }
0x54e: {  	vm9 =	vle.f32 v3, v2  }
0x54f: {  	v2 =	vsel vm9, $0x3F800000, v1  }
0x550: {  	[tilespmem:s14+$0x11010] =	vst v2;
	v2 =	vld [tilespmem:s14+$0xF020]  }
0x551: {  	v3 =	vld [tilespmem:s16+$0xFFFFFFB0];
	_ =	sdelay $0x4  }
0x552: {  	vm10 =	vle.f32 v3, v2  }
0x553: {  	v2 =	vsel vm10, $0x3F800000, v1  }
0x554: {  	[tilespmem:s14+$0x11020] =	vst v2;
	v2 =	vld [tilespmem:s14+$0xF030]  }
0x555: {  	v3 =	vld [tilespmem:s16+$0xFFFFFFC0];
	_ =	sdelay $0x4  }
0x556: {  	vm11 =	vle.f32 v3, v2  }
0x557: {  	v2 =	vsel vm11, $0x3F800000, v1  }
0x558: {  	[tilespmem:s14+$0x11030] =	vst v2;
	v2 =	vld [tilespmem:s14+$0xF040]  }
0x559: {  	v3 =	vld [tilespmem:s16+$0xFFFFFFD0];
	_ =	sdelay $0x4  }
0x55a: {  	vm12 =	vle.f32 v3, v2  }
0x55b: {  	v2 =	vsel vm12, $0x3F800000, v1  }
0x55c: {  	[tilespmem:s14+$0x11040] =	vst v2;
	v2 =	vld [tilespmem:s14+$0xF050]  }
0x55d: {  	v3 =	vld [tilespmem:s16+$0xFFFFFFE0];
	_ =	sdelay $0x4  }
0x55e: {  	vm13 =	vle.f32 v3, v2  }
0x55f: {  	v2 =	vsel vm13, $0x3F800000, v1  }
0x560: {  	[tilespmem:s14+$0x11050] =	vst v2;
	v2 =	vld [tilespmem:s14+$0xF060]  }
0x561: {  	v3 =	vld [tilespmem:s16+$0xFFFFFFF0];
	_ =	sdelay $0x4  }
0x562: {  	vm14 =	vle.f32 v3, v2  }
0x563: {  	v2 =	vsel vm14, $0x3F800000, v1  }
0x564: {  	[tilespmem:s14+$0x11060] =	vst v2;
	v2 =	vld [tilespmem:s14+$0xF070]  }
0x565: {  	v3 =	vld [tilespmem:s16+$0x0];
	_ =	sdelay $0x4  }
0x566: {  	vm15 =	vle.f32 v3, v2  }
0x567: {  	v2 =	vsel vm15, $0x3F800000, v1  }
0x568: {  	[tilespmem:s14+$0x11070] =	vst v2  }
0x569: {  	_ =	swait.ge [sflag:s28], $0x800  }
0x56a: {  	[sflag:s28] =	ssyncset.done $0x0  }
0x56b: {  	s14 =	simm.s32 $0x0;
	[sflag:s28] =	ssyncadd.s32 $0xFFFFF800  }
0x56c: {  	s21 =	simm.s32 $0x200;
	s16 =	simm.s32 $0x2170;
	v2 =	vld [tilespmem:s14+$0xF800]  }
.LBB2_24:
0x56d: {  	p0 =	sne.s32 s21, $0x1E00;
	v3 =	vld [tilespmem:s16+$0xFFFFFF90];
	_ =	sdelay $0x4  }
0x56e: {  	vm0 =	vle.f32 v3, v2  }
0x56f: {  	v2 =	vsel vm0, $0x3F800000, v1  }
0x570: {  	[tilespmem:s14+$0x11800] =	vst v2;
	v2 =	vld [tilespmem:s14+$0xF810]  }
0x571: {  	v3 =	vld [tilespmem:s16+$0xFFFFFFA0];
	_ =	sdelay $0x4  }
0x572: {  	vm0 =	vle.f32 v3, v2  }
0x573: {  	v2 =	vsel vm0, $0x3F800000, v1  }
0x574: {  	[tilespmem:s14+$0x11810] =	vst v2;
	v2 =	vld [tilespmem:s14+$0xF820]  }
0x575: {  	v3 =	vld [tilespmem:s16+$0xFFFFFFB0];
	_ =	sdelay $0x4  }
0x576: {  	vm0 =	vle.f32 v3, v2  }
0x577: {  	v2 =	vsel vm0, $0x3F800000, v1  }
0x578: {  	[tilespmem:s14+$0x11820] =	vst v2;
	v2 =	vld [tilespmem:s14+$0xF830]  }
0x579: {  	v3 =	vld [tilespmem:s16+$0xFFFFFFC0];
	_ =	sdelay $0x4  }
0x57a: {  	vm0 =	vle.f32 v3, v2  }
0x57b: {  	v2 =	vsel vm0, $0x3F800000, v1  }
0x57c: {  	[tilespmem:s14+$0x11830] =	vst v2;
	v2 =	vld [tilespmem:s14+$0xF840]  }
0x57d: {  	v3 =	vld [tilespmem:s16+$0xFFFFFFD0];
	_ =	sdelay $0x4  }
0x57e: {  	vm0 =	vle.f32 v3, v2  }
0x57f: {  	v2 =	vsel vm0, $0x3F800000, v1  }
0x580: {  	[tilespmem:s14+$0x11840] =	vst v2;
	v2 =	vld [tilespmem:s14+$0xF850]  }
0x581: {  	v3 =	vld [tilespmem:s16+$0xFFFFFFE0];
	_ =	sdelay $0x4  }
0x582: {  	vm0 =	vle.f32 v3, v2  }
0x583: {  	v2 =	vsel vm0, $0x3F800000, v1  }
0x584: {  	[tilespmem:s14+$0x11850] =	vst v2;
	v2 =	vld [tilespmem:s14+$0xF860]  }
0x585: {  	v3 =	vld [tilespmem:s16+$0xFFFFFFF0];
	_ =	sdelay $0x4  }
0x586: {  	vm0 =	vle.f32 v3, v2  }
0x587: {  	v2 =	vsel vm0, $0x3F800000, v1  }
0x588: {  	[tilespmem:s14+$0x11860] =	vst v2;
	v2 =	vld [tilespmem:s14+$0xF870]  }
0x589: {  	v3 =	vld [tilespmem:s16+$0x0];
	_ =	sdelay $0x2  }
.Ltmp11:
0x58a: {  	(pc) =	sbr.rel @p0 .LBB2_24-.Ltmp11, $4  }
0x58b: {  	_ = 	snop  }
0x58c: {  	vm0 =	vle.f32 v3, v2  }
0x58d: {  	s17 =	sshra.s32 s21, $0x2;
	v3 =	vsel vm0, $0x3F800000, v1  }
0x58e: {  	s21 =	sadd.s32 $0x200, s21;
	s16 =	sadd.s32 $0x200, s16;
	v2 =	vld [tilespmem:s17+$0xF800];
	[tilespmem:s14+$0x11870] =	vst v3;
	s14 =	smov.u32 s17  }
0x58f: {  	v3 =	vld [tilespmem:s16+$0xFFFFFF90];
	_ =	sdelay $0x4  }
0x590: {  	vm0 =	vle.f32 v3, v2  }
0x591: {  	v2 =	vsel vm0, $0x3F800000, v1  }
0x592: {  	[tilespmem:s14+$0x11800] =	vst v2;
	v2 =	vld [tilespmem:s14+$0xF810]  }
0x593: {  	v3 =	vld [tilespmem:s16+$0xFFFFFFA0];
	_ =	sdelay $0x4  }
0x594: {  	vm9 =	vle.f32 v3, v2  }
0x595: {  	v2 =	vsel vm9, $0x3F800000, v1  }
0x596: {  	[tilespmem:s14+$0x11810] =	vst v2;
	v2 =	vld [tilespmem:s14+$0xF820]  }
0x597: {  	v3 =	vld [tilespmem:s16+$0xFFFFFFB0];
	_ =	sdelay $0x4  }
0x598: {  	vm10 =	vle.f32 v3, v2  }
0x599: {  	v2 =	vsel vm10, $0x3F800000, v1  }
0x59a: {  	[tilespmem:s14+$0x11820] =	vst v2;
	v2 =	vld [tilespmem:s14+$0xF830]  }
0x59b: {  	v3 =	vld [tilespmem:s16+$0xFFFFFFC0];
	_ =	sdelay $0x4  }
0x59c: {  	vm11 =	vle.f32 v3, v2  }
0x59d: {  	v2 =	vsel vm11, $0x3F800000, v1  }
0x59e: {  	[tilespmem:s14+$0x11830] =	vst v2;
	v2 =	vld [tilespmem:s14+$0xF840]  }
0x59f: {  	v3 =	vld [tilespmem:s16+$0xFFFFFFD0];
	_ =	sdelay $0x4  }
0x5a0: {  	vm12 =	vle.f32 v3, v2  }
0x5a1: {  	v2 =	vsel vm12, $0x3F800000, v1  }
0x5a2: {  	[tilespmem:s14+$0x11840] =	vst v2;
	v2 =	vld [tilespmem:s14+$0xF850]  }
0x5a3: {  	v3 =	vld [tilespmem:s16+$0xFFFFFFE0];
	_ =	sdelay $0x4  }
0x5a4: {  	vm13 =	vle.f32 v3, v2  }
0x5a5: {  	v2 =	vsel vm13, $0x3F800000, v1  }
0x5a6: {  	[tilespmem:s14+$0x11850] =	vst v2;
	v2 =	vld [tilespmem:s14+$0xF860]  }
0x5a7: {  	v3 =	vld [tilespmem:s16+$0xFFFFFFF0];
	_ =	sdelay $0x4  }
0x5a8: {  	vm14 =	vle.f32 v3, v2  }
0x5a9: {  	v2 =	vsel vm14, $0x3F800000, v1  }
0x5aa: {  	[tilespmem:s14+$0x11860] =	vst v2;
	v2 =	vld [tilespmem:s14+$0xF870]  }
0x5ab: {  	v3 =	vld [tilespmem:s16+$0x0];
	_ =	sdelay $0x4  }
0x5ac: {  	vm15 =	vle.f32 v3, v2  }
0x5ad: {  	v2 =	vsel vm15, $0x3F800000, v1  }
0x5ae: {  	s1 =	sadd.s32 $0x1, s1;
	[tilespmem:s14+$0x11870] =	vst v2  }
0x5af: {  	[hbm4b:s11+s3] =	stream.linear.scatter [tilespmem:s30], [sflag:$0x6], $0x1000, $0x38;
	[tilespmem:$0x12000] =	vst v63  }
0x5b0: {  	p0 =	sne.s32 s1, s12;
	_ =	swait.ge [sflag:s31], $0x1000  }
.Ltmp12:
0x5b1: {  	[sflag:s31] =	ssyncset.done $0x0;
	(pc) =	sbr.rel @p0 .LBB2_1-.Ltmp12, $4  }
0x5b2: {  	[sflag:s31] =	ssyncadd.s32 $0xFFFFF000  }
0x5b3: {  	_ =	swait.ge [sflag:s0], $0x1000  }
0x5b4: {  	[sflag:s0] =	ssyncset.done $0x0  }
0x5b5: {  	[sflag:s0] =	ssyncadd.s32 $0xFFFFF000  }
0x5b6: {  	_ =	sfence.sel $0x180000  }
0x5b7: {  	[bflag:$0x0] =	sbarrier.arrive $0xFFFF  }
0x5b8: {  	_ =	strace $0x90000047  }
0x5b9: {  	s0 =	stileid.u32;
	[bflag:$0x2] =	sbarrier.arrive $0xFFFF  }
0x5ba: {  	p0 =	sne.s32 s0, $0x0;
	s0 =	rddreg [dreg:$0x3]  }
0x5bb: {  	s0 =	sadd.s32 @!p0 $0x100000, s0  }
0x5bc: {  	[sflag:s0] =	ssyncadd.tile.s32 @!p0 $0x1;
	_ =	shalt  }
.Lfunc_end2:
_tile_overlayer_lowered:
.L_overlay_start_2:
0x5bd: {  	(tag) =	ssettag $0x2  }
0x5be: {  	s0 =	rddreg [dreg:$0x0];
	s2 =	stileid.u32  }
0x5bf: {  	s1 =	rddreg [dreg:$0x1];
	p0 =	sne.s32 s2, $0x0  }
0x5c0: {  	s3 =	rddreg [dreg:$0x2];
	[bflag:$0x3] =	sbarrier.arrive $0xFFFF;
	s2 =	simm.s32 @!p0 $0x1C07  }
0x5c1: {  	[timem:s3], [sflag:s2] =	dma.local @!p0 [hbm:s0], s1  }
0x5c2: {  	s0 =	simm.s32 @!p0 $0x7  }
0x5c3: {  	_ =	swait.ge @!p0 [sflag:s0], s1  }
0x5c4: {  	s1 =	ssub.s32 @!p0 $0x0, s1;
	[sflag:s0] =	ssyncset.done @!p0 $0x0  }
0x5c5: {  	[sflag:s0] =	ssyncadd.s32 @!p0 s1  }
0x5c6: {  	[bflag:$0x3] =	sbarrier.arrive $0xFFFF  }
0x5c7: {  	_ =	shalt  }

</sc_bundles>
